<compile_context>
chip_gen: v7x
topology: tpu7x:2x2x1
jax: 0.10.2.dev20260603
libtpu: 0.0.44.dev20260713+nightly
codegen_flags: <defaults>
</compile_context>

<pallas_src>
import functools

import jax
import jax.numpy as jnp
from jax import lax
from jax.experimental import pallas as pl
from jax.experimental.pallas import tpu as pltpu
from jax.experimental.pallas import tpu_sc as plsc

_N = 10000
_NPAD = 10240
_E = 320000
_D = 128
_NC = 2
_NS = 16
_L = 16


@functools.cache
def _sc_mesh():
    return plsc.VectorSubcoreMesh(
        core_axis_name="c", subcore_axis_name="s", num_cores=_NC, num_subcores=_NS
    )


_DH = _D // _NC
_CH = 80
_NB = 4
_EW1 = _E // _NS
_CPW1 = _EW1 // _CH
_RPS = _NPAD // _NS


def _agg_rows_body(x2_hbm, src_hbm, dst_hbm, out_hbm,
                   srcall, dstall, srcc, dstc, rows, acc, gs, ss):
    c = lax.axis_index("c")
    s = lax.axis_index("s")
    pltpu.sync_copy(src_hbm.at[pl.ds(s * _EW1, _EW1)], srcall)
    pltpu.sync_copy(dst_hbm.at[pl.ds(s * _EW1, _EW1)], dstall)
    def zero_step(i, carry):
        rows[0, i // (_DH // _L), pl.ds((i % (_DH // _L)) * _L, _L)] = (
            jnp.zeros((_L,), jnp.float32))
        return carry
    lax.fori_loop(0, _CH * _DH // _L, zero_step, 0)
    for t in range(_RPS // _CH):
        pltpu.sync_copy(rows.at[0], acc.at[pl.ds(s * _RPS + t * _CH, _CH)])
    plsc.subcore_barrier()

    def start_gather(j, b, first):
        if not first:
            pltpu.make_async_copy(rows.at[b], acc.at[dstc.at[b]], ss.at[b]).wait()
        for k in range(_CH // _L):
            srcc[b, pl.ds(k * _L, _L)] = (
                srcall[pl.ds(j * _CH + k * _L, _L)] * 2 + c)
            dstc[b, pl.ds(k * _L, _L)] = dstall[pl.ds(j * _CH + k * _L, _L)]
        pltpu.async_copy(x2_hbm.at[srcc.at[b]], rows.at[b], gs.at[b])

    def start_scatter(b):
        pltpu.make_async_copy(x2_hbm.at[srcc.at[b]], rows.at[b], gs.at[b]).wait()
        pltpu.async_copy(rows.at[b], acc.at[dstc.at[b]], ss.at[b], add=True)

    start_gather(0, 0, True)
    start_gather(1, 1, True)
    start_scatter(0)
    start_gather(2, 2, True)
    start_scatter(1)
    start_gather(3, 3, True)
    start_scatter(2)

    def quad(q, carry):
        j = 4 * q
        start_gather(j, 0, False)
        start_scatter(3)
        start_gather(j + 1, 1, False)
        start_scatter(0)
        start_gather(j + 2, 2, False)
        start_scatter(1)
        start_gather(j + 3, 3, False)
        start_scatter(2)
        return carry

    lax.fori_loop(1, _CPW1 // 4 - 1, quad, 0)
    for j, b in ((244, 0), (245, 1), (246, 2), (247, 3), (248, 0), (249, 1)):
        start_gather(j, b, False)
        start_scatter((b - 1) % _NB)
    start_scatter(1)
    for b in range(_NB):
        pltpu.make_async_copy(rows.at[b], acc.at[dstc.at[b]], ss.at[b]).wait()

    plsc.subcore_barrier()
    pltpu.sync_copy(acc.at[pl.ds(s * _RPS, _RPS)], out_hbm.at[c, pl.ds(s * _RPS, _RPS)])


@functools.cache
def _agg_rows():
    return pl.kernel(
        _agg_rows_body,
        out_type=jax.ShapeDtypeStruct((_NC, _NPAD, _DH), jnp.float32),
        mesh=_sc_mesh(),
        compiler_params=pltpu.CompilerParams(use_tc_tiling_on_sc=False),
        scratch_types=[
            pltpu.VMEM((_EW1,), jnp.int32),
            pltpu.VMEM((_EW1,), jnp.int32),
            pltpu.VMEM((_NB, _CH), jnp.int32),
            pltpu.VMEM((_NB, _CH), jnp.int32),
            pltpu.VMEM((_NB, _CH, _DH), jnp.float32),
            pltpu.VMEM_SHARED((_NPAD, _DH), jnp.float32),
            pltpu.SemaphoreType.DMA((_NB,)),
            pltpu.SemaphoreType.DMA((_NB,)),
        ],
    )


_RB = 2048


def _mlp_body(p_ref, w1_ref, w2_ref, g_ref):
    a = jnp.concatenate([p_ref[0], p_ref[1]], axis=-1)
    h1 = jnp.maximum(
        jnp.dot(a, w1_ref[...], preferred_element_type=jnp.float32), 0.0
    )
    g_ref[...] = jnp.dot(h1, w2_ref[...], preferred_element_type=jnp.float32)[:, 0]


def _mlp(p, W1, W2):
    return pl.pallas_call(
        _mlp_body,
        grid=(_NPAD // _RB,),
        in_specs=[
            pl.BlockSpec((2, _RB, _DH), lambda i: (0, i, 0)),
            pl.BlockSpec((_D, _D), lambda i: (0, 0)),
            pl.BlockSpec((_D, 1), lambda i: (0, 0)),
        ],
        out_specs=pl.BlockSpec((_RB,), lambda i: (i,)),
        out_shape=jax.ShapeDtypeStruct((_NPAD,), jnp.float32),
    )(p, W1, W2)


_CPW2 = _E // (_NS * _CH)
_PPS = _NPAD // _NS


def _agg_scalar_body(g_hbm, src_hbm, dst_hbm, out_hbm,
                     gtab, srcv, dstv, msgv, vbuf, acc2, ss0, ss1):
    c = lax.axis_index("c")
    s = lax.axis_index("s")

    @pl.when(c == 0)
    def _():
        def zero_step(i, carry):
            vbuf[pl.ds(i * _L, _L)] = jnp.zeros((_L,), jnp.float32)
            return carry
        lax.fori_loop(0, _PPS // _L, zero_step, 0)
        pltpu.sync_copy(vbuf, acc2.at[pl.ds(s * _PPS, _PPS)])
        pltpu.sync_copy(g_hbm, gtab)
        pltpu.sync_copy(src_hbm.at[s], srcv)
        pltpu.sync_copy(dst_hbm.at[s], dstv)
        plsc.subcore_barrier()

        def chunk(j, b, ssem, first):
            if not first:
                pltpu.make_async_copy(msgv.at[b], acc2.at[dstv.at[j]], ssem).wait()
            for k in range(_CH // _L):
                idx = srcv[j, pl.ds(k * _L, _L)]
                msgv[b, pl.ds(k * _L, _L)] = plsc.load_gather(gtab, [idx])
            pltpu.async_copy(msgv.at[b], acc2.at[dstv.at[j]], ssem, add=True)

        def pair(g, carry):
            chunk(2 * g, 0, ss0, False)
            chunk(2 * g + 1, 1, ss1, False)
            return carry

        chunk(0, 0, ss0, True)
        chunk(1, 1, ss1, True)
        lax.fori_loop(1, _CPW2 // 2, pair, 0)
        pltpu.make_async_copy(msgv.at[0], acc2.at[dstv.at[_CPW2 - 2]], ss0).wait()
        pltpu.make_async_copy(msgv.at[1], acc2.at[dstv.at[_CPW2 - 1]], ss1).wait()

        plsc.subcore_barrier()
        pltpu.sync_copy(acc2.at[pl.ds(s * _PPS, _PPS)], vbuf)

        def relu_step(j, carry):
            vbuf[pl.ds(j * _L, _L)] = jnp.maximum(vbuf[pl.ds(j * _L, _L)], 0.0)
            return carry

        lax.fori_loop(0, _PPS // _L, relu_step, 0)
        pltpu.sync_copy(vbuf, out_hbm.at[pl.ds(s * _PPS, _PPS)])


@functools.cache
def _agg_scalar():
    return pl.kernel(
        _agg_scalar_body,
        out_type=jax.ShapeDtypeStruct((_NPAD,), jnp.float32),
        mesh=_sc_mesh(),
        compiler_params=pltpu.CompilerParams(needs_layout_passes=False),
        scratch_types=[
            pltpu.VMEM((_NPAD,), jnp.float32),
            pltpu.VMEM((_CPW2, _CH), jnp.int32),
            pltpu.VMEM((_CPW2, _CH), jnp.int32),
            pltpu.VMEM((2, _CH), jnp.float32),
            pltpu.VMEM((_PPS,), jnp.float32),
            pltpu.VMEM_SHARED((_NPAD,), jnp.float32),
            pltpu.SemaphoreType.DMA,
            pltpu.SemaphoreType.DMA,
        ],
    )


@jax.jit
def kernel(x, edge_index, batch, W1, W2):
    del batch
    src = edge_index[0]
    dst = edge_index[1]
    x2 = x.reshape(2 * _N, _DH)
    p = _agg_rows()(x2, src, dst)
    g = _mlp(p, W1, W2)
    src2 = src.reshape(_NS, _CPW2, _CH)
    dst2 = dst.reshape(_NS, _CPW2, _CH)
    o = _agg_scalar()(g, src2, dst2)
    return o[:_N].reshape(_N, 1)

# --- scband reference (transcript-rebuilt; emitter-appended) ---
"""Pipeline reference for scband-neura-logic-12180527252063 (READ-ONLY COPY).

The authoritative reference and input builder live on the scoring server;
editing this copy changes nothing except your own understanding.
"""

import jax, jax.numpy as jnp
import numpy as np

N = 10000
E = 320000
D = 128

def setup_inputs(seed: int = 0) -> dict:
    key = jax.random.key(seed)
    k1, k2, k3, k4 = jax.random.split(key, 4)
    x = jax.random.normal(k1, (N, D), dtype=jnp.float32)
    edge_index = jax.random.randint(k2, (2, E), 0, N, dtype=jnp.int32)
    batch = jnp.zeros((N,), dtype=jnp.int32)
    # GCNConv weights (normalize=False, bias=False). Layer 0: 128->128, layer 1 (last): 128->1.
    W1 = jax.random.normal(k3, (D, D), dtype=jnp.float32) * (1.0 / np.sqrt(D))
    W2 = jax.random.normal(k4, (D, 1), dtype=jnp.float32) * (1.0 / np.sqrt(D))
    return {"x": x, "edge_index": edge_index, "batch": batch, "W1": W1, "W2": W2}

def _gcn_conv(x, edge_index, W):
    # PyG GCNConv with normalize=False, bias=False, no self-loops added:
    # out[dst] = sum over edges (x @ W)[src]
    src = edge_index[0]
    dst = edge_index[1]
    h = x @ W
    msg = jnp.take(h, src, axis=0)
    return jax.ops.segment_sum(msg, dst, num_segments=x.shape[0])

def reference(x, edge_index, batch, W1, W2):
    # NeuraLogic forward: stack of GCNConv layers, each followed by RELU activation.
    h = jax.nn.relu(_gcn_conv(x, edge_index, W1))
    out = jax.nn.relu(_gcn_conv(h, edge_index, W2))
    return out

if __name__ == "__main__":
    import jax
    _d = setup_inputs()
    print(jax.jit(kernel)(*tuple(_d.values())))

</pallas_src>

<mosaic_0001>
#map = affine_map<(d0, d1) -> (0)>
#map1 = affine_map<(d0, d1) -> (0, 0, 0)>
module attributes {stable_mosaic.version = 14 : i64} {
  func.func @_agg_scalar_body(%arg0: i32, %arg1: i32, %arg2: memref<10240xf32, #tpu.memory_space<hbm>>, %arg3: memref<16x250x80xi32, #tpu.memory_space<hbm>>, %arg4: memref<16x250x80xi32, #tpu.memory_space<hbm>>, %arg5: memref<10240xf32, #tpu.memory_space<hbm>>, %arg6: memref<10240xf32, #tpu.memory_space<vmem>>, %arg7: memref<250x80xi32, #tpu.memory_space<vmem>>, %arg8: memref<250x80xi32, #tpu.memory_space<vmem>>, %arg9: memref<2x80xf32, #tpu.memory_space<vmem>>, %arg10: memref<640xf32, #tpu.memory_space<vmem>>, %arg11: memref<10240xf32, #tpu.memory_space<vmem_shared>>, %arg12: memref<!tpu.dma_semaphore, #tpu.memory_space<semaphore_mem>>, %arg13: memref<!tpu.dma_semaphore, #tpu.memory_space<semaphore_mem>>) attributes {dimension_semantics = [#tpu.dimension_semantics<core_parallel>, #tpu.dimension_semantics<subcore_parallel>], iteration_bounds = array<i64: 2, 16>, scalar_prefetch = 0 : i64, scratch_operands = 8 : i64, tpu.core_type = #tpu.core_type<sc_vector_subcore>, window_params = [{transform_indices = #map}, {transform_indices = #map1}, {transform_indices = #map1}, {transform_indices = #map}]} {
    %eq3A = arith.constant 0 : i32
    %eq3A_0 = arith.cmpi eq, %arg0, %eq3A : i32
    %convert_element_type3A = arith.extui %eq3A_0 : i1 to i32
    %cond3A = arith.constant 0 : i32
    %cond3A_1 = arith.cmpi ne, %convert_element_type3A, %cond3A : i32
    scf.if %cond3A_1 {
      %scan3A = arith.constant 0 : i32
      %scan3A_2 = arith.constant 0 : i32
      %scan3A_3 = arith.constant 40 : i32
      %scan3A_4 = arith.addi %scan3A_2, %scan3A_3 : i32
      %scan3A_5 = arith.constant 1 : i32
      scf.for %scan3A_150 = %scan3A_2 to %scan3A_4 step %scan3A_5  : i32 {
        %broadcast_in_dim3A = arith.constant 0.000000e+00 : f32
        %broadcast_in_dim3A_151 = vector.broadcast %broadcast_in_dim3A : f32 to vector<16xf32>
        %mul3A_152 = arith.constant 16 : i32
        %mul3A_153 = arith.muli %scan3A_150, %mul3A_152 : i32
        %swap3A_154 = arith.index_cast %mul3A_153 : i32 to index
        %swap3A_155 = tpu.vector_load %arg10[%swap3A_154] {strides = array<i32>} : memref<640xf32, #tpu.memory_space<vmem>>, vector<16xf32>,
        tpu.vector_store %arg10[%swap3A_154], %broadcast_in_dim3A_151 {strides = array<i32>} : memref<640xf32, #tpu.memory_space<vmem>>, vector<16xf32>,
      }
      %scan3A_6 = arith.constant 40 : i32
      %mul3A = arith.constant 640 : i32
      %mul3A_7 = arith.muli %arg1, %mul3A : i32
      "tpu.region"() ({
        %run_scoped3A = tpu.sem_alloc : memref<!tpu.dma_semaphore, #tpu.memory_space<semaphore_mem>>
        %dma_start3A_150 = tpu.memref_slice %arg11[%mul3A_7] : memref<10240xf32, #tpu.memory_space<vmem_shared>> -> memref<640xf32, #tpu.memory_space<vmem_shared>>
        %dma_start3A_151 = tpu.memref_slice %arg11[%mul3A_7] : memref<10240xf32, #tpu.memory_space<vmem_shared>> -> memref<640xf32, #tpu.memory_space<vmem_shared>>
        tpu.enqueue_dma source(%arg10 : memref<640xf32, #tpu.memory_space<vmem>>) target(%dma_start3A_151 : memref<640xf32, #tpu.memory_space<vmem_shared>>) target_semaphore(%run_scoped3A : memref<!tpu.dma_semaphore, #tpu.memory_space<semaphore_mem>>)
        %dma_wait3A_152 = tpu.memref_slice %arg11[%mul3A_7] : memref<10240xf32, #tpu.memory_space<vmem_shared>> -> memref<640xf32, #tpu.memory_space<vmem_shared>>
        %dma_wait3A_153 = tpu.memref_slice %arg11[%mul3A_7] : memref<10240xf32, #tpu.memory_space<vmem_shared>> -> memref<640xf32, #tpu.memory_space<vmem_shared>>
        tpu.wait_dma2 semaphore(%run_scoped3A : memref<!tpu.dma_semaphore, #tpu.memory_space<semaphore_mem>>) src(%arg10 : memref<640xf32, #tpu.memory_space<vmem>>) dst(%dma_wait3A_153 : memref<640xf32, #tpu.memory_space<vmem_shared>>)
        tpu.yield
      }) : () -> ()
      "tpu.region"() ({
        %run_scoped3A = tpu.sem_alloc : memref<!tpu.dma_semaphore, #tpu.memory_space<semaphore_mem>>
        tpu.enqueue_dma source(%arg2 : memref<10240xf32, #tpu.memory_space<hbm>>) target(%arg6 : memref<10240xf32, #tpu.memory_space<vmem>>) target_semaphore(%run_scoped3A : memref<!tpu.dma_semaphore, #tpu.memory_space<semaphore_mem>>)
        tpu.wait_dma2 semaphore(%run_scoped3A : memref<!tpu.dma_semaphore, #tpu.memory_space<semaphore_mem>>) src(%arg2 : memref<10240xf32, #tpu.memory_space<hbm>>) dst(%arg6 : memref<10240xf32, #tpu.memory_space<vmem>>)
        tpu.yield
      }) : () -> ()
      "tpu.region"() ({
        %run_scoped3A = tpu.sem_alloc : memref<!tpu.dma_semaphore, #tpu.memory_space<semaphore_mem>>
        %dma_start3A_150 = arith.constant 0 : i32
        %dma_start3A_151 = arith.constant 0 : i32
        %dma_start3A_152 = tpu.memref_slice %arg3[%arg1, %dma_start3A_150, %dma_start3A_151] : memref<16x250x80xi32, #tpu.memory_space<hbm>> -> memref<1x250x80xi32, #tpu.memory_space<hbm>>
        %dma_start3A_153 = tpu.memref_squeeze %dma_start3A_152 : memref<1x250x80xi32, #tpu.memory_space<hbm>> -> memref<250x80xi32, #tpu.memory_space<hbm>>
        %dma_start3A_154 = arith.constant 0 : i32
        %dma_start3A_155 = arith.constant 0 : i32
        %dma_start3A_156 = tpu.memref_slice %arg3[%arg1, %dma_start3A_154, %dma_start3A_155] : memref<16x250x80xi32, #tpu.memory_space<hbm>> -> memref<1x250x80xi32, #tpu.memory_space<hbm>>
        %dma_start3A_157 = tpu.memref_squeeze %dma_start3A_156 : memref<1x250x80xi32, #tpu.memory_space<hbm>> -> memref<250x80xi32, #tpu.memory_space<hbm>>
        tpu.enqueue_dma source(%dma_start3A_157 : memref<250x80xi32, #tpu.memory_space<hbm>>) target(%arg7 : memref<250x80xi32, #tpu.memory_space<vmem>>) target_semaphore(%run_scoped3A : memref<!tpu.dma_semaphore, #tpu.memory_space<semaphore_mem>>)
        %dma_wait3A_158 = arith.constant 0 : i32
        %dma_wait3A_159 = arith.constant 0 : i32
        %dma_wait3A_160 = tpu.memref_slice %arg3[%arg1, %dma_wait3A_158, %dma_wait3A_159] : memref<16x250x80xi32, #tpu.memory_space<hbm>> -> memref<1x250x80xi32, #tpu.memory_space<hbm>>
        %dma_wait3A_161 = tpu.memref_squeeze %dma_wait3A_160 : memref<1x250x80xi32, #tpu.memory_space<hbm>> -> memref<250x80xi32, #tpu.memory_space<hbm>>
        %dma_wait3A_162 = arith.constant 0 : i32
        %dma_wait3A_163 = arith.constant 0 : i32
        %dma_wait3A_164 = tpu.memref_slice %arg3[%arg1, %dma_wait3A_162, %dma_wait3A_163] : memref<16x250x80xi32, #tpu.memory_space<hbm>> -> memref<1x250x80xi32, #tpu.memory_space<hbm>>
        %dma_wait3A_165 = tpu.memref_squeeze %dma_wait3A_164 : memref<1x250x80xi32, #tpu.memory_space<hbm>> -> memref<250x80xi32, #tpu.memory_space<hbm>>
        tpu.wait_dma2 semaphore(%run_scoped3A : memref<!tpu.dma_semaphore, #tpu.memory_space<semaphore_mem>>) src(%dma_wait3A_165 : memref<250x80xi32, #tpu.memory_space<hbm>>) dst(%arg7 : memref<250x80xi32, #tpu.memory_space<vmem>>)
        tpu.yield
      }) : () -> ()
      "tpu.region"() ({
        %run_scoped3A = tpu.sem_alloc : memref<!tpu.dma_semaphore, #tpu.memory_space<semaphore_mem>>
        %dma_start3A_150 = arith.constant 0 : i32
        %dma_start3A_151 = arith.constant 0 : i32
        %dma_start3A_152 = tpu.memref_slice %arg4[%arg1, %dma_start3A_150, %dma_start3A_151] : memref<16x250x80xi32, #tpu.memory_space<hbm>> -> memref<1x250x80xi32, #tpu.memory_space<hbm>>
        %dma_start3A_153 = tpu.memref_squeeze %dma_start3A_152 : memref<1x250x80xi32, #tpu.memory_space<hbm>> -> memref<250x80xi32, #tpu.memory_space<hbm>>
        %dma_start3A_154 = arith.constant 0 : i32
        %dma_start3A_155 = arith.constant 0 : i32
        %dma_start3A_156 = tpu.memref_slice %arg4[%arg1, %dma_start3A_154, %dma_start3A_155] : memref<16x250x80xi32, #tpu.memory_space<hbm>> -> memref<1x250x80xi32, #tpu.memory_space<hbm>>
        %dma_start3A_157 = tpu.memref_squeeze %dma_start3A_156 : memref<1x250x80xi32, #tpu.memory_space<hbm>> -> memref<250x80xi32, #tpu.memory_space<hbm>>
        tpu.enqueue_dma source(%dma_start3A_157 : memref<250x80xi32, #tpu.memory_space<hbm>>) target(%arg8 : memref<250x80xi32, #tpu.memory_space<vmem>>) target_semaphore(%run_scoped3A : memref<!tpu.dma_semaphore, #tpu.memory_space<semaphore_mem>>)
        %dma_wait3A_158 = arith.constant 0 : i32
        %dma_wait3A_159 = arith.constant 0 : i32
        %dma_wait3A_160 = tpu.memref_slice %arg4[%arg1, %dma_wait3A_158, %dma_wait3A_159] : memref<16x250x80xi32, #tpu.memory_space<hbm>> -> memref<1x250x80xi32, #tpu.memory_space<hbm>>
        %dma_wait3A_161 = tpu.memref_squeeze %dma_wait3A_160 : memref<1x250x80xi32, #tpu.memory_space<hbm>> -> memref<250x80xi32, #tpu.memory_space<hbm>>
        %dma_wait3A_162 = arith.constant 0 : i32
        %dma_wait3A_163 = arith.constant 0 : i32
        %dma_wait3A_164 = tpu.memref_slice %arg4[%arg1, %dma_wait3A_162, %dma_wait3A_163] : memref<16x250x80xi32, #tpu.memory_space<hbm>> -> memref<1x250x80xi32, #tpu.memory_space<hbm>>
        %dma_wait3A_165 = tpu.memref_squeeze %dma_wait3A_164 : memref<1x250x80xi32, #tpu.memory_space<hbm>> -> memref<250x80xi32, #tpu.memory_space<hbm>>
        tpu.wait_dma2 semaphore(%run_scoped3A : memref<!tpu.dma_semaphore, #tpu.memory_space<semaphore_mem>>) src(%dma_wait3A_165 : memref<250x80xi32, #tpu.memory_space<hbm>>) dst(%arg8 : memref<250x80xi32, #tpu.memory_space<vmem>>)
        tpu.yield
      }) : () -> ()
      %barrier3A = arith.constant 0 : index
      tpu.barrier barrier_id(%barrier3A)
      %get3A = arith.constant 0 : i32
      %get3A_8 = arith.index_cast %get3A : i32 to index
      %get3A_9 = arith.constant 0 : index
      %get3A_10 = tpu.vector_load %arg7[%get3A_8, %get3A_9] {strides = array<i32>} : memref<250x80xi32, #tpu.memory_space<vmem>>, vector<16xi32>,
      %gather3A = tpu.vector_load_idx %arg6[%get3A_10] : memref<10240xf32, #tpu.memory_space<vmem>>[vector<16xi32>], vector<16xf32>,
      %swap3A = arith.constant 0 : i32
      %swap3A_11 = arith.index_cast %swap3A : i32 to index
      %swap3A_12 = arith.constant 0 : index
      %swap3A_13 = tpu.vector_load %arg9[%swap3A_11, %swap3A_12] {strides = array<i32>} : memref<2x80xf32, #tpu.memory_space<vmem>>, vector<16xf32>,
      tpu.vector_store %arg9[%swap3A_11, %swap3A_12], %gather3A {strides = array<i32>} : memref<2x80xf32, #tpu.memory_space<vmem>>, vector<16xf32>,
      %get3A_14 = arith.constant 0 : i32
      %get3A_15 = arith.index_cast %get3A_14 : i32 to index
      %get3A_16 = arith.constant 16 : index
      %get3A_17 = tpu.vector_load %arg7[%get3A_15, %get3A_16] {strides = array<i32>} : memref<250x80xi32, #tpu.memory_space<vmem>>, vector<16xi32>,
      %gather3A_18 = tpu.vector_load_idx %arg6[%get3A_17] : memref<10240xf32, #tpu.memory_space<vmem>>[vector<16xi32>], vector<16xf32>,
      %swap3A_19 = arith.constant 0 : i32
      %swap3A_20 = arith.index_cast %swap3A_19 : i32 to index
      %swap3A_21 = arith.constant 16 : index
      %swap3A_22 = tpu.vector_load %arg9[%swap3A_20, %swap3A_21] {strides = array<i32>} : memref<2x80xf32, #tpu.memory_space<vmem>>, vector<16xf32>,
      tpu.vector_store %arg9[%swap3A_20, %swap3A_21], %gather3A_18 {strides = array<i32>} : memref<2x80xf32, #tpu.memory_space<vmem>>, vector<16xf32>,
      %get3A_23 = arith.constant 0 : i32
      %get3A_24 = arith.index_cast %get3A_23 : i32 to index
      %get3A_25 = arith.constant 32 : index
      %get3A_26 = tpu.vector_load %arg7[%get3A_24, %get3A_25] {strides = array<i32>} : memref<250x80xi32, #tpu.memory_space<vmem>>, vector<16xi32>,
      %gather3A_27 = tpu.vector_load_idx %arg6[%get3A_26] : memref<10240xf32, #tpu.memory_space<vmem>>[vector<16xi32>], vector<16xf32>,
      %swap3A_28 = arith.constant 0 : i32
      %swap3A_29 = arith.index_cast %swap3A_28 : i32 to index
      %swap3A_30 = arith.constant 32 : index
      %swap3A_31 = tpu.vector_load %arg9[%swap3A_29, %swap3A_30] {strides = array<i32>} : memref<2x80xf32, #tpu.memory_space<vmem>>, vector<16xf32>,
      tpu.vector_store %arg9[%swap3A_29, %swap3A_30], %gather3A_27 {strides = array<i32>} : memref<2x80xf32, #tpu.memory_space<vmem>>, vector<16xf32>,
      %get3A_32 = arith.constant 0 : i32
      %get3A_33 = arith.index_cast %get3A_32 : i32 to index
      %get3A_34 = arith.constant 48 : index
      %get3A_35 = tpu.vector_load %arg7[%get3A_33, %get3A_34] {strides = array<i32>} : memref<250x80xi32, #tpu.memory_space<vmem>>, vector<16xi32>,
      %gather3A_36 = tpu.vector_load_idx %arg6[%get3A_35] : memref<10240xf32, #tpu.memory_space<vmem>>[vector<16xi32>], vector<16xf32>,
      %swap3A_37 = arith.constant 0 : i32
      %swap3A_38 = arith.index_cast %swap3A_37 : i32 to index
      %swap3A_39 = arith.constant 48 : index
      %swap3A_40 = tpu.vector_load %arg9[%swap3A_38, %swap3A_39] {strides = array<i32>} : memref<2x80xf32, #tpu.memory_space<vmem>>, vector<16xf32>,
      tpu.vector_store %arg9[%swap3A_38, %swap3A_39], %gather3A_36 {strides = array<i32>} : memref<2x80xf32, #tpu.memory_space<vmem>>, vector<16xf32>,
      %get3A_41 = arith.constant 0 : i32
      %get3A_42 = arith.index_cast %get3A_41 : i32 to index
      %get3A_43 = arith.constant 64 : index
      %get3A_44 = tpu.vector_load %arg7[%get3A_42, %get3A_43] {strides = array<i32>} : memref<250x80xi32, #tpu.memory_space<vmem>>, vector<16xi32>,
      %gather3A_45 = tpu.vector_load_idx %arg6[%get3A_44] : memref<10240xf32, #tpu.memory_space<vmem>>[vector<16xi32>], vector<16xf32>,
      %swap3A_46 = arith.constant 0 : i32
      %swap3A_47 = arith.index_cast %swap3A_46 : i32 to index
      %swap3A_48 = arith.constant 64 : index
      %swap3A_49 = tpu.vector_load %arg9[%swap3A_47, %swap3A_48] {strides = array<i32>} : memref<2x80xf32, #tpu.memory_space<vmem>>, vector<16xf32>,
      tpu.vector_store %arg9[%swap3A_47, %swap3A_48], %gather3A_45 {strides = array<i32>} : memref<2x80xf32, #tpu.memory_space<vmem>>, vector<16xf32>,
      %dma_start3A = arith.constant 0 : i32
      %dma_start3A_50 = arith.constant 0 : i32
      %dma_start3A_51 = arith.constant 0 : i32
      %dma_start3A_52 = tpu.memref_slice %arg9[%dma_start3A, %dma_start3A_51] : memref<2x80xf32, #tpu.memory_space<vmem>> -> memref<1x80xf32, #tpu.memory_space<vmem>>
      %dma_start3A_53 = tpu.memref_squeeze %dma_start3A_52 : memref<1x80xf32, #tpu.memory_space<vmem>> -> memref<80xf32, #tpu.memory_space<vmem>>
      %dma_start3A_54 = arith.constant 0 : i32
      %dma_start3A_55 = tpu.memref_slice %arg8[%dma_start3A_50, %dma_start3A_54] : memref<250x80xi32, #tpu.memory_space<vmem>> -> memref<1x80xi32, #tpu.memory_space<vmem>>
      %dma_start3A_56 = tpu.memref_squeeze %dma_start3A_55 : memref<1x80xi32, #tpu.memory_space<vmem>> -> memref<80xi32, #tpu.memory_space<vmem>>
      %dma_start3A_57 = arith.constant 0 : i32
      %dma_start3A_58 = tpu.memref_slice %arg11[%dma_start3A_57] : memref<10240xf32, #tpu.memory_space<vmem_shared>> -> memref<10240xf32, #tpu.memory_space<vmem_shared>>
      tpu.enqueue_indirect_dma source(%dma_start3A_53 : memref<80xf32, #tpu.memory_space<vmem>>) target(%dma_start3A_58 : memref<10240xf32, #tpu.memory_space<vmem_shared>>) offsets(%dma_start3A_56 : memref<80xi32, #tpu.memory_space<vmem>>) semaphore(%arg12 : memref<!tpu.dma_semaphore, #tpu.memory_space<semaphore_mem>>) {add = true}
      %get3A_59 = arith.constant 1 : i32
      %get3A_60 = arith.index_cast %get3A_59 : i32 to index
      %get3A_61 = arith.constant 0 : index
      %get3A_62 = tpu.vector_load %arg7[%get3A_60, %get3A_61] {strides = array<i32>} : memref<250x80xi32, #tpu.memory_space<vmem>>, vector<16xi32>,
      %gather3A_63 = tpu.vector_load_idx %arg6[%get3A_62] : memref<10240xf32, #tpu.memory_space<vmem>>[vector<16xi32>], vector<16xf32>,
      %swap3A_64 = arith.constant 1 : i32
      %swap3A_65 = arith.index_cast %swap3A_64 : i32 to index
      %swap3A_66 = arith.constant 0 : index
      %swap3A_67 = tpu.vector_load %arg9[%swap3A_65, %swap3A_66] {strides = array<i32>} : memref<2x80xf32, #tpu.memory_space<vmem>>, vector<16xf32>,
      tpu.vector_store %arg9[%swap3A_65, %swap3A_66], %gather3A_63 {strides = array<i32>} : memref<2x80xf32, #tpu.memory_space<vmem>>, vector<16xf32>,
      %get3A_68 = arith.constant 1 : i32
      %get3A_69 = arith.index_cast %get3A_68 : i32 to index
      %get3A_70 = arith.constant 16 : index
      %get3A_71 = tpu.vector_load %arg7[%get3A_69, %get3A_70] {strides = array<i32>} : memref<250x80xi32, #tpu.memory_space<vmem>>, vector<16xi32>,
      %gather3A_72 = tpu.vector_load_idx %arg6[%get3A_71] : memref<10240xf32, #tpu.memory_space<vmem>>[vector<16xi32>], vector<16xf32>,
      %swap3A_73 = arith.constant 1 : i32
      %swap3A_74 = arith.index_cast %swap3A_73 : i32 to index
      %swap3A_75 = arith.constant 16 : index
      %swap3A_76 = tpu.vector_load %arg9[%swap3A_74, %swap3A_75] {strides = array<i32>} : memref<2x80xf32, #tpu.memory_space<vmem>>, vector<16xf32>,
      tpu.vector_store %arg9[%swap3A_74, %swap3A_75], %gather3A_72 {strides = array<i32>} : memref<2x80xf32, #tpu.memory_space<vmem>>, vector<16xf32>,
      %get3A_77 = arith.constant 1 : i32
      %get3A_78 = arith.index_cast %get3A_77 : i32 to index
      %get3A_79 = arith.constant 32 : index
      %get3A_80 = tpu.vector_load %arg7[%get3A_78, %get3A_79] {strides = array<i32>} : memref<250x80xi32, #tpu.memory_space<vmem>>, vector<16xi32>,
      %gather3A_81 = tpu.vector_load_idx %arg6[%get3A_80] : memref<10240xf32, #tpu.memory_space<vmem>>[vector<16xi32>], vector<16xf32>,
      %swap3A_82 = arith.constant 1 : i32
      %swap3A_83 = arith.index_cast %swap3A_82 : i32 to index
      %swap3A_84 = arith.constant 32 : index
      %swap3A_85 = tpu.vector_load %arg9[%swap3A_83, %swap3A_84] {strides = array<i32>} : memref<2x80xf32, #tpu.memory_space<vmem>>, vector<16xf32>,
      tpu.vector_store %arg9[%swap3A_83, %swap3A_84], %gather3A_81 {strides = array<i32>} : memref<2x80xf32, #tpu.memory_space<vmem>>, vector<16xf32>,
      %get3A_86 = arith.constant 1 : i32
      %get3A_87 = arith.index_cast %get3A_86 : i32 to index
      %get3A_88 = arith.constant 48 : index
      %get3A_89 = tpu.vector_load %arg7[%get3A_87, %get3A_88] {strides = array<i32>} : memref<250x80xi32, #tpu.memory_space<vmem>>, vector<16xi32>,
      %gather3A_90 = tpu.vector_load_idx %arg6[%get3A_89] : memref<10240xf32, #tpu.memory_space<vmem>>[vector<16xi32>], vector<16xf32>,
      %swap3A_91 = arith.constant 1 : i32
      %swap3A_92 = arith.index_cast %swap3A_91 : i32 to index
      %swap3A_93 = arith.constant 48 : index
      %swap3A_94 = tpu.vector_load %arg9[%swap3A_92, %swap3A_93] {strides = array<i32>} : memref<2x80xf32, #tpu.memory_space<vmem>>, vector<16xf32>,
      tpu.vector_store %arg9[%swap3A_92, %swap3A_93], %gather3A_90 {strides = array<i32>} : memref<2x80xf32, #tpu.memory_space<vmem>>, vector<16xf32>,
      %get3A_95 = arith.constant 1 : i32
      %get3A_96 = arith.index_cast %get3A_95 : i32 to index
      %get3A_97 = arith.constant 64 : index
      %get3A_98 = tpu.vector_load %arg7[%get3A_96, %get3A_97] {strides = array<i32>} : memref<250x80xi32, #tpu.memory_space<vmem>>, vector<16xi32>,
      %gather3A_99 = tpu.vector_load_idx %arg6[%get3A_98] : memref<10240xf32, #tpu.memory_space<vmem>>[vector<16xi32>], vector<16xf32>,
      %swap3A_100 = arith.constant 1 : i32
      %swap3A_101 = arith.index_cast %swap3A_100 : i32 to index
      %swap3A_102 = arith.constant 64 : index
      %swap3A_103 = tpu.vector_load %arg9[%swap3A_101, %swap3A_102] {strides = array<i32>} : memref<2x80xf32, #tpu.memory_space<vmem>>, vector<16xf32>,
      tpu.vector_store %arg9[%swap3A_101, %swap3A_102], %gather3A_99 {strides = array<i32>} : memref<2x80xf32, #tpu.memory_space<vmem>>, vector<16xf32>,
      %dma_start3A_104 = arith.constant 1 : i32
      %dma_start3A_105 = arith.constant 1 : i32
      %dma_start3A_106 = arith.constant 0 : i32
      %dma_start3A_107 = tpu.memref_slice %arg9[%dma_start3A_104, %dma_start3A_106] : memref<2x80xf32, #tpu.memory_space<vmem>> -> memref<1x80xf32, #tpu.memory_space<vmem>>
      %dma_start3A_108 = tpu.memref_squeeze %dma_start3A_107 : memref<1x80xf32, #tpu.memory_space<vmem>> -> memref<80xf32, #tpu.memory_space<vmem>>
      %dma_start3A_109 = arith.constant 0 : i32
      %dma_start3A_110 = tpu.memref_slice %arg8[%dma_start3A_105, %dma_start3A_109] : memref<250x80xi32, #tpu.memory_space<vmem>> -> memref<1x80xi32, #tpu.memory_space<vmem>>
      %dma_start3A_111 = tpu.memref_squeeze %dma_start3A_110 : memref<1x80xi32, #tpu.memory_space<vmem>> -> memref<80xi32, #tpu.memory_space<vmem>>
      %dma_start3A_112 = arith.constant 0 : i32
      %dma_start3A_113 = tpu.memref_slice %arg11[%dma_start3A_112] : memref<10240xf32, #tpu.memory_space<vmem_shared>> -> memref<10240xf32, #tpu.memory_space<vmem_shared>>
      tpu.enqueue_indirect_dma source(%dma_start3A_108 : memref<80xf32, #tpu.memory_space<vmem>>) target(%dma_start3A_113 : memref<10240xf32, #tpu.memory_space<vmem_shared>>) offsets(%dma_start3A_111 : memref<80xi32, #tpu.memory_space<vmem>>) semaphore(%arg13 : memref<!tpu.dma_semaphore, #tpu.memory_space<semaphore_mem>>) {add = true}
      %scan3A_114 = arith.constant 0 : i32
      %scan3A_115 = arith.constant 1 : i32
      %scan3A_116 = arith.constant 124 : i32
      %scan3A_117 = arith.addi %scan3A_115, %scan3A_116 : i32
      %scan3A_118 = arith.constant 1 : i32
      scf.for %scan3A_150 = %scan3A_115 to %scan3A_117 step %scan3A_118  : i32 {
        %mul3A_151 = arith.constant 2 : i32
        %mul3A_152 = arith.muli %mul3A_151, %scan3A_150 : i32
        %dma_wait3A_153 = arith.constant 0 : i32
        %dma_wait3A_154 = arith.constant 0 : i32
        %dma_wait3A_155 = tpu.memref_slice %arg9[%dma_wait3A_153, %dma_wait3A_154] : memref<2x80xf32, #tpu.memory_space<vmem>> -> memref<1x80xf32, #tpu.memory_space<vmem>>
        %dma_wait3A_156 = tpu.memref_squeeze %dma_wait3A_155 : memref<1x80xf32, #tpu.memory_space<vmem>> -> memref<80xf32, #tpu.memory_space<vmem>>
        %dma_wait3A_157 = arith.constant 0 : i32
        %dma_wait3A_158 = tpu.memref_slice %arg8[%mul3A_152, %dma_wait3A_157] : memref<250x80xi32, #tpu.memory_space<vmem>> -> memref<1x80xi32, #tpu.memory_space<vmem>>
        %dma_wait3A_159 = tpu.memref_squeeze %dma_wait3A_158 : memref<1x80xi32, #tpu.memory_space<vmem>> -> memref<80xi32, #tpu.memory_space<vmem>>
        %dma_wait3A_160 = arith.constant 0 : i32
        %dma_wait3A_161 = tpu.memref_slice %arg11[%dma_wait3A_160] : memref<10240xf32, #tpu.memory_space<vmem_shared>> -> memref<10240xf32, #tpu.memory_space<vmem_shared>>
        tpu.wait_indirect_dma semaphore(%arg12 : memref<!tpu.dma_semaphore, #tpu.memory_space<semaphore_mem>>) src(%dma_wait3A_156 : memref<80xf32, #tpu.memory_space<vmem>>) dst(%dma_wait3A_161 : memref<10240xf32, #tpu.memory_space<vmem_shared>>)
        %get3A_162 = arith.index_cast %mul3A_152 : i32 to index
        %get3A_163 = arith.constant 0 : index
        %get3A_164 = tpu.vector_load %arg7[%get3A_162, %get3A_163] {strides = array<i32>} : memref<250x80xi32, #tpu.memory_space<vmem>>, vector<16xi32>,
        %gather3A_165 = tpu.vector_load_idx %arg6[%get3A_164] : memref<10240xf32, #tpu.memory_space<vmem>>[vector<16xi32>], vector<16xf32>,
        %swap3A_166 = arith.constant 0 : i32
        %swap3A_167 = arith.index_cast %swap3A_166 : i32 to index
        %swap3A_168 = arith.constant 0 : index
        %swap3A_169 = tpu.vector_load %arg9[%swap3A_167, %swap3A_168] {strides = array<i32>} : memref<2x80xf32, #tpu.memory_space<vmem>>, vector<16xf32>,
        tpu.vector_store %arg9[%swap3A_167, %swap3A_168], %gather3A_165 {strides = array<i32>} : memref<2x80xf32, #tpu.memory_space<vmem>>, vector<16xf32>,
        %get3A_170 = arith.index_cast %mul3A_152 : i32 to index
        %get3A_171 = arith.constant 16 : index
        %get3A_172 = tpu.vector_load %arg7[%get3A_170, %get3A_171] {strides = array<i32>} : memref<250x80xi32, #tpu.memory_space<vmem>>, vector<16xi32>,
        %gather3A_173 = tpu.vector_load_idx %arg6[%get3A_172] : memref<10240xf32, #tpu.memory_space<vmem>>[vector<16xi32>], vector<16xf32>,
        %swap3A_174 = arith.constant 0 : i32
        %swap3A_175 = arith.index_cast %swap3A_174 : i32 to index
        %swap3A_176 = arith.constant 16 : index
        %swap3A_177 = tpu.vector_load %arg9[%swap3A_175, %swap3A_176] {strides = array<i32>} : memref<2x80xf32, #tpu.memory_space<vmem>>, vector<16xf32>,
        tpu.vector_store %arg9[%swap3A_175, %swap3A_176], %gather3A_173 {strides = array<i32>} : memref<2x80xf32, #tpu.memory_space<vmem>>, vector<16xf32>,
        %get3A_178 = arith.index_cast %mul3A_152 : i32 to index
        %get3A_179 = arith.constant 32 : index
        %get3A_180 = tpu.vector_load %arg7[%get3A_178, %get3A_179] {strides = array<i32>} : memref<250x80xi32, #tpu.memory_space<vmem>>, vector<16xi32>,
        %gather3A_181 = tpu.vector_load_idx %arg6[%get3A_180] : memref<10240xf32, #tpu.memory_space<vmem>>[vector<16xi32>], vector<16xf32>,
        %swap3A_182 = arith.constant 0 : i32
        %swap3A_183 = arith.index_cast %swap3A_182 : i32 to index
        %swap3A_184 = arith.constant 32 : index
        %swap3A_185 = tpu.vector_load %arg9[%swap3A_183, %swap3A_184] {strides = array<i32>} : memref<2x80xf32, #tpu.memory_space<vmem>>, vector<16xf32>,
        tpu.vector_store %arg9[%swap3A_183, %swap3A_184], %gather3A_181 {strides = array<i32>} : memref<2x80xf32, #tpu.memory_space<vmem>>, vector<16xf32>,
        %get3A_186 = arith.index_cast %mul3A_152 : i32 to index
        %get3A_187 = arith.constant 48 : index
        %get3A_188 = tpu.vector_load %arg7[%get3A_186, %get3A_187] {strides = array<i32>} : memref<250x80xi32, #tpu.memory_space<vmem>>, vector<16xi32>,
        %gather3A_189 = tpu.vector_load_idx %arg6[%get3A_188] : memref<10240xf32, #tpu.memory_space<vmem>>[vector<16xi32>], vector<16xf32>,
        %swap3A_190 = arith.constant 0 : i32
        %swap3A_191 = arith.index_cast %swap3A_190 : i32 to index
        %swap3A_192 = arith.constant 48 : index
        %swap3A_193 = tpu.vector_load %arg9[%swap3A_191, %swap3A_192] {strides = array<i32>} : memref<2x80xf32, #tpu.memory_space<vmem>>, vector<16xf32>,
        tpu.vector_store %arg9[%swap3A_191, %swap3A_192], %gather3A_189 {strides = array<i32>} : memref<2x80xf32, #tpu.memory_space<vmem>>, vector<16xf32>,
        %get3A_194 = arith.index_cast %mul3A_152 : i32 to index
        %get3A_195 = arith.constant 64 : index
        %get3A_196 = tpu.vector_load %arg7[%get3A_194, %get3A_195] {strides = array<i32>} : memref<250x80xi32, #tpu.memory_space<vmem>>, vector<16xi32>,
        %gather3A_197 = tpu.vector_load_idx %arg6[%get3A_196] : memref<10240xf32, #tpu.memory_space<vmem>>[vector<16xi32>], vector<16xf32>,
        %swap3A_198 = arith.constant 0 : i32
        %swap3A_199 = arith.index_cast %swap3A_198 : i32 to index
        %swap3A_200 = arith.constant 64 : index
        %swap3A_201 = tpu.vector_load %arg9[%swap3A_199, %swap3A_200] {strides = array<i32>} : memref<2x80xf32, #tpu.memory_space<vmem>>, vector<16xf32>,
        tpu.vector_store %arg9[%swap3A_199, %swap3A_200], %gather3A_197 {strides = array<i32>} : memref<2x80xf32, #tpu.memory_space<vmem>>, vector<16xf32>,
        %dma_start3A_202 = arith.constant 0 : i32
        %dma_start3A_203 = arith.constant 0 : i32
        %dma_start3A_204 = tpu.memref_slice %arg9[%dma_start3A_202, %dma_start3A_203] : memref<2x80xf32, #tpu.memory_space<vmem>> -> memref<1x80xf32, #tpu.memory_space<vmem>>
        %dma_start3A_205 = tpu.memref_squeeze %dma_start3A_204 : memref<1x80xf32, #tpu.memory_space<vmem>> -> memref<80xf32, #tpu.memory_space<vmem>>
        %dma_start3A_206 = arith.constant 0 : i32
        %dma_start3A_207 = tpu.memref_slice %arg8[%mul3A_152, %dma_start3A_206] : memref<250x80xi32, #tpu.memory_space<vmem>> -> memref<1x80xi32, #tpu.memory_space<vmem>>
        %dma_start3A_208 = tpu.memref_squeeze %dma_start3A_207 : memref<1x80xi32, #tpu.memory_space<vmem>> -> memref<80xi32, #tpu.memory_space<vmem>>
        %dma_start3A_209 = arith.constant 0 : i32
        %dma_start3A_210 = tpu.memref_slice %arg11[%dma_start3A_209] : memref<10240xf32, #tpu.memory_space<vmem_shared>> -> memref<10240xf32, #tpu.memory_space<vmem_shared>>
        tpu.enqueue_indirect_dma source(%dma_start3A_205 : memref<80xf32, #tpu.memory_space<vmem>>) target(%dma_start3A_210 : memref<10240xf32, #tpu.memory_space<vmem_shared>>) offsets(%dma_start3A_208 : memref<80xi32, #tpu.memory_space<vmem>>) semaphore(%arg12 : memref<!tpu.dma_semaphore, #tpu.memory_space<semaphore_mem>>) {add = true}
        %mul3A_211 = arith.constant 2 : i32
        %mul3A_212 = arith.muli %mul3A_211, %scan3A_150 : i32
        %add3A = arith.constant 1 : i32
        %add3A_213 = arith.addi %mul3A_212, %add3A : i32
        %dma_wait3A_214 = arith.constant 1 : i32
        %dma_wait3A_215 = arith.constant 0 : i32
        %dma_wait3A_216 = tpu.memref_slice %arg9[%dma_wait3A_214, %dma_wait3A_215] : memref<2x80xf32, #tpu.memory_space<vmem>> -> memref<1x80xf32, #tpu.memory_space<vmem>>
        %dma_wait3A_217 = tpu.memref_squeeze %dma_wait3A_216 : memref<1x80xf32, #tpu.memory_space<vmem>> -> memref<80xf32, #tpu.memory_space<vmem>>
        %dma_wait3A_218 = arith.constant 0 : i32
        %dma_wait3A_219 = tpu.memref_slice %arg8[%add3A_213, %dma_wait3A_218] : memref<250x80xi32, #tpu.memory_space<vmem>> -> memref<1x80xi32, #tpu.memory_space<vmem>>
        %dma_wait3A_220 = tpu.memref_squeeze %dma_wait3A_219 : memref<1x80xi32, #tpu.memory_space<vmem>> -> memref<80xi32, #tpu.memory_space<vmem>>
        %dma_wait3A_221 = arith.constant 0 : i32
        %dma_wait3A_222 = tpu.memref_slice %arg11[%dma_wait3A_221] : memref<10240xf32, #tpu.memory_space<vmem_shared>> -> memref<10240xf32, #tpu.memory_space<vmem_shared>>
        tpu.wait_indirect_dma semaphore(%arg13 : memref<!tpu.dma_semaphore, #tpu.memory_space<semaphore_mem>>) src(%dma_wait3A_217 : memref<80xf32, #tpu.memory_space<vmem>>) dst(%dma_wait3A_222 : memref<10240xf32, #tpu.memory_space<vmem_shared>>)
        %get3A_223 = arith.index_cast %add3A_213 : i32 to index
        %get3A_224 = arith.constant 0 : index
        %get3A_225 = tpu.vector_load %arg7[%get3A_223, %get3A_224] {strides = array<i32>} : memref<250x80xi32, #tpu.memory_space<vmem>>, vector<16xi32>,
        %gather3A_226 = tpu.vector_load_idx %arg6[%get3A_225] : memref<10240xf32, #tpu.memory_space<vmem>>[vector<16xi32>], vector<16xf32>,
        %swap3A_227 = arith.constant 1 : i32
        %swap3A_228 = arith.index_cast %swap3A_227 : i32 to index
        %swap3A_229 = arith.constant 0 : index
        %swap3A_230 = tpu.vector_load %arg9[%swap3A_228, %swap3A_229] {strides = array<i32>} : memref<2x80xf32, #tpu.memory_space<vmem>>, vector<16xf32>,
        tpu.vector_store %arg9[%swap3A_228, %swap3A_229], %gather3A_226 {strides = array<i32>} : memref<2x80xf32, #tpu.memory_space<vmem>>, vector<16xf32>,
        %get3A_231 = arith.index_cast %add3A_213 : i32 to index
        %get3A_232 = arith.constant 16 : index
        %get3A_233 = tpu.vector_load %arg7[%get3A_231, %get3A_232] {strides = array<i32>} : memref<250x80xi32, #tpu.memory_space<vmem>>, vector<16xi32>,
        %gather3A_234 = tpu.vector_load_idx %arg6[%get3A_233] : memref<10240xf32, #tpu.memory_space<vmem>>[vector<16xi32>], vector<16xf32>,
        %swap3A_235 = arith.constant 1 : i32
        %swap3A_236 = arith.index_cast %swap3A_235 : i32 to index
        %swap3A_237 = arith.constant 16 : index
        %swap3A_238 = tpu.vector_load %arg9[%swap3A_236, %swap3A_237] {strides = array<i32>} : memref<2x80xf32, #tpu.memory_space<vmem>>, vector<16xf32>,
        tpu.vector_store %arg9[%swap3A_236, %swap3A_237], %gather3A_234 {strides = array<i32>} : memref<2x80xf32, #tpu.memory_space<vmem>>, vector<16xf32>,
        %get3A_239 = arith.index_cast %add3A_213 : i32 to index
        %get3A_240 = arith.constant 32 : index
        %get3A_241 = tpu.vector_load %arg7[%get3A_239, %get3A_240] {strides = array<i32>} : memref<250x80xi32, #tpu.memory_space<vmem>>, vector<16xi32>,
        %gather3A_242 = tpu.vector_load_idx %arg6[%get3A_241] : memref<10240xf32, #tpu.memory_space<vmem>>[vector<16xi32>], vector<16xf32>,
        %swap3A_243 = arith.constant 1 : i32
        %swap3A_244 = arith.index_cast %swap3A_243 : i32 to index
        %swap3A_245 = arith.constant 32 : index
        %swap3A_246 = tpu.vector_load %arg9[%swap3A_244, %swap3A_245] {strides = array<i32>} : memref<2x80xf32, #tpu.memory_space<vmem>>, vector<16xf32>,
        tpu.vector_store %arg9[%swap3A_244, %swap3A_245], %gather3A_242 {strides = array<i32>} : memref<2x80xf32, #tpu.memory_space<vmem>>, vector<16xf32>,
        %get3A_247 = arith.index_cast %add3A_213 : i32 to index
        %get3A_248 = arith.constant 48 : index
        %get3A_249 = tpu.vector_load %arg7[%get3A_247, %get3A_248] {strides = array<i32>} : memref<250x80xi32, #tpu.memory_space<vmem>>, vector<16xi32>,
        %gather3A_250 = tpu.vector_load_idx %arg6[%get3A_249] : memref<10240xf32, #tpu.memory_space<vmem>>[vector<16xi32>], vector<16xf32>,
        %swap3A_251 = arith.constant 1 : i32
        %swap3A_252 = arith.index_cast %swap3A_251 : i32 to index
        %swap3A_253 = arith.constant 48 : index
        %swap3A_254 = tpu.vector_load %arg9[%swap3A_252, %swap3A_253] {strides = array<i32>} : memref<2x80xf32, #tpu.memory_space<vmem>>, vector<16xf32>,
        tpu.vector_store %arg9[%swap3A_252, %swap3A_253], %gather3A_250 {strides = array<i32>} : memref<2x80xf32, #tpu.memory_space<vmem>>, vector<16xf32>,
        %get3A_255 = arith.index_cast %add3A_213 : i32 to index
        %get3A_256 = arith.constant 64 : index
        %get3A_257 = tpu.vector_load %arg7[%get3A_255, %get3A_256] {strides = array<i32>} : memref<250x80xi32, #tpu.memory_space<vmem>>, vector<16xi32>,
        %gather3A_258 = tpu.vector_load_idx %arg6[%get3A_257] : memref<10240xf32, #tpu.memory_space<vmem>>[vector<16xi32>], vector<16xf32>,
        %swap3A_259 = arith.constant 1 : i32
        %swap3A_260 = arith.index_cast %swap3A_259 : i32 to index
        %swap3A_261 = arith.constant 64 : index
        %swap3A_262 = tpu.vector_load %arg9[%swap3A_260, %swap3A_261] {strides = array<i32>} : memref<2x80xf32, #tpu.memory_space<vmem>>, vector<16xf32>,
        tpu.vector_store %arg9[%swap3A_260, %swap3A_261], %gather3A_258 {strides = array<i32>} : memref<2x80xf32, #tpu.memory_space<vmem>>, vector<16xf32>,
        %dma_start3A_263 = arith.constant 1 : i32
        %dma_start3A_264 = arith.constant 0 : i32
        %dma_start3A_265 = tpu.memref_slice %arg9[%dma_start3A_263, %dma_start3A_264] : memref<2x80xf32, #tpu.memory_space<vmem>> -> memref<1x80xf32, #tpu.memory_space<vmem>>
        %dma_start3A_266 = tpu.memref_squeeze %dma_start3A_265 : memref<1x80xf32, #tpu.memory_space<vmem>> -> memref<80xf32, #tpu.memory_space<vmem>>
        %dma_start3A_267 = arith.constant 0 : i32
        %dma_start3A_268 = tpu.memref_slice %arg8[%add3A_213, %dma_start3A_267] : memref<250x80xi32, #tpu.memory_space<vmem>> -> memref<1x80xi32, #tpu.memory_space<vmem>>
        %dma_start3A_269 = tpu.memref_squeeze %dma_start3A_268 : memref<1x80xi32, #tpu.memory_space<vmem>> -> memref<80xi32, #tpu.memory_space<vmem>>
        %dma_start3A_270 = arith.constant 0 : i32
        %dma_start3A_271 = tpu.memref_slice %arg11[%dma_start3A_270] : memref<10240xf32, #tpu.memory_space<vmem_shared>> -> memref<10240xf32, #tpu.memory_space<vmem_shared>>
        tpu.enqueue_indirect_dma source(%dma_start3A_266 : memref<80xf32, #tpu.memory_space<vmem>>) target(%dma_start3A_271 : memref<10240xf32, #tpu.memory_space<vmem_shared>>) offsets(%dma_start3A_269 : memref<80xi32, #tpu.memory_space<vmem>>) semaphore(%arg13 : memref<!tpu.dma_semaphore, #tpu.memory_space<semaphore_mem>>) {add = true}
      }
      %scan3A_119 = arith.constant 124 : i32
      %dma_wait3A = arith.constant 0 : i32
      %dma_wait3A_120 = arith.constant 248 : i32
      %dma_wait3A_121 = arith.constant 0 : i32
      %dma_wait3A_122 = tpu.memref_slice %arg9[%dma_wait3A, %dma_wait3A_121] : memref<2x80xf32, #tpu.memory_space<vmem>> -> memref<1x80xf32, #tpu.memory_space<vmem>>
      %dma_wait3A_123 = tpu.memref_squeeze %dma_wait3A_122 : memref<1x80xf32, #tpu.memory_space<vmem>> -> memref<80xf32, #tpu.memory_space<vmem>>
      %dma_wait3A_124 = arith.constant 0 : i32
      %dma_wait3A_125 = tpu.memref_slice %arg8[%dma_wait3A_120, %dma_wait3A_124] : memref<250x80xi32, #tpu.memory_space<vmem>> -> memref<1x80xi32, #tpu.memory_space<vmem>>
      %dma_wait3A_126 = tpu.memref_squeeze %dma_wait3A_125 : memref<1x80xi32, #tpu.memory_space<vmem>> -> memref<80xi32, #tpu.memory_space<vmem>>
      %dma_wait3A_127 = arith.constant 0 : i32
      %dma_wait3A_128 = tpu.memref_slice %arg11[%dma_wait3A_127] : memref<10240xf32, #tpu.memory_space<vmem_shared>> -> memref<10240xf32, #tpu.memory_space<vmem_shared>>
      tpu.wait_indirect_dma semaphore(%arg12 : memref<!tpu.dma_semaphore, #tpu.memory_space<semaphore_mem>>) src(%dma_wait3A_123 : memref<80xf32, #tpu.memory_space<vmem>>) dst(%dma_wait3A_128 : memref<10240xf32, #tpu.memory_space<vmem_shared>>)
      %dma_wait3A_129 = arith.constant 1 : i32
      %dma_wait3A_130 = arith.constant 249 : i32
      %dma_wait3A_131 = arith.constant 0 : i32
      %dma_wait3A_132 = tpu.memref_slice %arg9[%dma_wait3A_129, %dma_wait3A_131] : memref<2x80xf32, #tpu.memory_space<vmem>> -> memref<1x80xf32, #tpu.memory_space<vmem>>
      %dma_wait3A_133 = tpu.memref_squeeze %dma_wait3A_132 : memref<1x80xf32, #tpu.memory_space<vmem>> -> memref<80xf32, #tpu.memory_space<vmem>>
      %dma_wait3A_134 = arith.constant 0 : i32
      %dma_wait3A_135 = tpu.memref_slice %arg8[%dma_wait3A_130, %dma_wait3A_134] : memref<250x80xi32, #tpu.memory_space<vmem>> -> memref<1x80xi32, #tpu.memory_space<vmem>>
      %dma_wait3A_136 = tpu.memref_squeeze %dma_wait3A_135 : memref<1x80xi32, #tpu.memory_space<vmem>> -> memref<80xi32, #tpu.memory_space<vmem>>
      %dma_wait3A_137 = arith.constant 0 : i32
      %dma_wait3A_138 = tpu.memref_slice %arg11[%dma_wait3A_137] : memref<10240xf32, #tpu.memory_space<vmem_shared>> -> memref<10240xf32, #tpu.memory_space<vmem_shared>>
      tpu.wait_indirect_dma semaphore(%arg13 : memref<!tpu.dma_semaphore, #tpu.memory_space<semaphore_mem>>) src(%dma_wait3A_133 : memref<80xf32, #tpu.memory_space<vmem>>) dst(%dma_wait3A_138 : memref<10240xf32, #tpu.memory_space<vmem_shared>>)
      %barrier3A_139 = arith.constant 0 : index
      tpu.barrier barrier_id(%barrier3A_139)
      %mul3A_140 = arith.constant 640 : i32
      %mul3A_141 = arith.muli %arg1, %mul3A_140 : i32
      "tpu.region"() ({
        %run_scoped3A = tpu.sem_alloc : memref<!tpu.dma_semaphore, #tpu.memory_space<semaphore_mem>>
        %dma_start3A_150 = tpu.memref_slice %arg11[%mul3A_141] : memref<10240xf32, #tpu.memory_space<vmem_shared>> -> memref<640xf32, #tpu.memory_space<vmem_shared>>
        %dma_start3A_151 = tpu.memref_slice %arg11[%mul3A_141] : memref<10240xf32, #tpu.memory_space<vmem_shared>> -> memref<640xf32, #tpu.memory_space<vmem_shared>>
        tpu.enqueue_dma source(%dma_start3A_151 : memref<640xf32, #tpu.memory_space<vmem_shared>>) target(%arg10 : memref<640xf32, #tpu.memory_space<vmem>>) target_semaphore(%run_scoped3A : memref<!tpu.dma_semaphore, #tpu.memory_space<semaphore_mem>>)
        %dma_wait3A_152 = tpu.memref_slice %arg11[%mul3A_141] : memref<10240xf32, #tpu.memory_space<vmem_shared>> -> memref<640xf32, #tpu.memory_space<vmem_shared>>
        %dma_wait3A_153 = tpu.memref_slice %arg11[%mul3A_141] : memref<10240xf32, #tpu.memory_space<vmem_shared>> -> memref<640xf32, #tpu.memory_space<vmem_shared>>
        tpu.wait_dma2 semaphore(%run_scoped3A : memref<!tpu.dma_semaphore, #tpu.memory_space<semaphore_mem>>) src(%dma_wait3A_153 : memref<640xf32, #tpu.memory_space<vmem_shared>>) dst(%arg10 : memref<640xf32, #tpu.memory_space<vmem>>)
        tpu.yield
      }) : () -> ()
      %scan3A_142 = arith.constant 0 : i32
      %scan3A_143 = arith.constant 0 : i32
      %scan3A_144 = arith.constant 40 : i32
      %scan3A_145 = arith.addi %scan3A_143, %scan3A_144 : i32
      %scan3A_146 = arith.constant 1 : i32
      scf.for %scan3A_150 = %scan3A_143 to %scan3A_145 step %scan3A_146  : i32 {
        %mul3A_151 = arith.constant 16 : i32
        %mul3A_152 = arith.muli %scan3A_150, %mul3A_151 : i32
        %get3A_153 = arith.index_cast %mul3A_152 : i32 to index
        %get3A_154 = tpu.vector_load %arg10[%get3A_153] {strides = array<i32>} : memref<640xf32, #tpu.memory_space<vmem>>, vector<16xf32>,
        %max3A = arith.constant 0.000000e+00 : f32
        %max3A_155 = vector.broadcast %max3A : f32 to vector<16xf32>
        %max3A_156 = arith.maximumf %get3A_154, %max3A_155 : vector<16xf32>
        %mul3A_157 = arith.constant 16 : i32
        %mul3A_158 = arith.muli %scan3A_150, %mul3A_157 : i32
        %swap3A_159 = arith.index_cast %mul3A_158 : i32 to index
        %swap3A_160 = tpu.vector_load %arg10[%swap3A_159] {strides = array<i32>} : memref<640xf32, #tpu.memory_space<vmem>>, vector<16xf32>,
        tpu.vector_store %arg10[%swap3A_159], %max3A_156 {strides = array<i32>} : memref<640xf32, #tpu.memory_space<vmem>>, vector<16xf32>,
      }
      %scan3A_147 = arith.constant 40 : i32
      %mul3A_148 = arith.constant 640 : i32
      %mul3A_149 = arith.muli %arg1, %mul3A_148 : i32
      "tpu.region"() ({
        %run_scoped3A = tpu.sem_alloc : memref<!tpu.dma_semaphore, #tpu.memory_space<semaphore_mem>>
        %dma_start3A_150 = tpu.memref_slice %arg5[%mul3A_149] : memref<10240xf32, #tpu.memory_space<hbm>> -> memref<640xf32, #tpu.memory_space<hbm>>
        %dma_start3A_151 = tpu.memref_slice %arg5[%mul3A_149] : memref<10240xf32, #tpu.memory_space<hbm>> -> memref<640xf32, #tpu.memory_space<hbm>>
        tpu.enqueue_dma source(%arg10 : memref<640xf32, #tpu.memory_space<vmem>>) target(%dma_start3A_151 : memref<640xf32, #tpu.memory_space<hbm>>) target_semaphore(%run_scoped3A : memref<!tpu.dma_semaphore, #tpu.memory_space<semaphore_mem>>)
        %dma_wait3A_152 = tpu.memref_slice %arg5[%mul3A_149] : memref<10240xf32, #tpu.memory_space<hbm>> -> memref<640xf32, #tpu.memory_space<hbm>>
        %dma_wait3A_153 = tpu.memref_slice %arg5[%mul3A_149] : memref<10240xf32, #tpu.memory_space<hbm>> -> memref<640xf32, #tpu.memory_space<hbm>>
        tpu.wait_dma2 semaphore(%run_scoped3A : memref<!tpu.dma_semaphore, #tpu.memory_space<semaphore_mem>>) src(%arg10 : memref<640xf32, #tpu.memory_space<vmem>>) dst(%dma_wait3A_153 : memref<640xf32, #tpu.memory_space<hbm>>)
        tpu.yield
      }) : () -> ()
    } else {
    }
    return
  }
}

#map = affine_map<(d0, d1) -> (0, 0)>
#map1 = affine_map<(d0, d1) -> (0)>
#map2 = affine_map<(d0, d1) -> (0, 0, 0)>
module attributes {stable_mosaic.version = 14 : i64} {
  func.func @_agg_rows_body(%arg0: i32, %arg1: i32, %arg2: memref<20000x64xf32, #tpu.memory_space<hbm>>, %arg3: memref<320000xi32, #tpu.memory_space<hbm>>, %arg4: memref<320000xi32, #tpu.memory_space<hbm>>, %arg5: memref<2x10240x64xf32, #tpu.memory_space<hbm>>, %arg6: memref<20000xi32, #tpu.memory_space<vmem>>, %arg7: memref<20000xi32, #tpu.memory_space<vmem>>, %arg8: memref<4x80xi32, #tpu.memory_space<vmem>>, %arg9: memref<4x80xi32, #tpu.memory_space<vmem>>, %arg10: memref<4x80x64xf32, #tpu.memory_space<vmem>>, %arg11: memref<10240x64xf32, #tpu.memory_space<vmem_shared>>, %arg12: memref<4x!tpu.dma_semaphore, #tpu.memory_space<semaphore_mem>>, %arg13: memref<4x!tpu.dma_semaphore, #tpu.memory_space<semaphore_mem>>) attributes {dimension_semantics = [#tpu.dimension_semantics<core_parallel>, #tpu.dimension_semantics<subcore_parallel>], iteration_bounds = array<i64: 2, 16>, scalar_prefetch = 0 : i64, scratch_operands = 8 : i64, tpu.core_type = #tpu.core_type<sc_vector_subcore>, window_params = [{transform_indices = #map}, {transform_indices = #map1}, {transform_indices = #map1}, {transform_indices = #map2}]} {
    %mul3A = arith.constant 20000 : i32
    %mul3A_0 = arith.muli %arg1, %mul3A : i32
    "tpu.region"() ({
      %run_scoped3A_1803 = tpu.sem_alloc : memref<!tpu.dma_semaphore, #tpu.memory_space<semaphore_mem>>
      %dma_start3A_1804 = tpu.memref_slice %arg3[%mul3A_0] : memref<320000xi32, #tpu.memory_space<hbm>> -> memref<20000xi32, #tpu.memory_space<hbm>>
      %dma_start3A_1805 = tpu.memref_slice %arg3[%mul3A_0] : memref<320000xi32, #tpu.memory_space<hbm>> -> memref<20000xi32, #tpu.memory_space<hbm>>
      tpu.enqueue_dma source(%dma_start3A_1805 : memref<20000xi32, #tpu.memory_space<hbm>>) target(%arg6 : memref<20000xi32, #tpu.memory_space<vmem>>) target_semaphore(%run_scoped3A_1803 : memref<!tpu.dma_semaphore, #tpu.memory_space<semaphore_mem>>)
      %dma_wait3A_1806 = tpu.memref_slice %arg3[%mul3A_0] : memref<320000xi32, #tpu.memory_space<hbm>> -> memref<20000xi32, #tpu.memory_space<hbm>>
      %dma_wait3A_1807 = tpu.memref_slice %arg3[%mul3A_0] : memref<320000xi32, #tpu.memory_space<hbm>> -> memref<20000xi32, #tpu.memory_space<hbm>>
      tpu.wait_dma2 semaphore(%run_scoped3A_1803 : memref<!tpu.dma_semaphore, #tpu.memory_space<semaphore_mem>>) src(%dma_wait3A_1807 : memref<20000xi32, #tpu.memory_space<hbm>>) dst(%arg6 : memref<20000xi32, #tpu.memory_space<vmem>>)
      tpu.yield
    }) : () -> ()
    %mul3A_1 = arith.constant 20000 : i32
    %mul3A_2 = arith.muli %arg1, %mul3A_1 : i32
    "tpu.region"() ({
      %run_scoped3A_1803 = tpu.sem_alloc : memref<!tpu.dma_semaphore, #tpu.memory_space<semaphore_mem>>
      %dma_start3A_1804 = tpu.memref_slice %arg4[%mul3A_2] : memref<320000xi32, #tpu.memory_space<hbm>> -> memref<20000xi32, #tpu.memory_space<hbm>>
      %dma_start3A_1805 = tpu.memref_slice %arg4[%mul3A_2] : memref<320000xi32, #tpu.memory_space<hbm>> -> memref<20000xi32, #tpu.memory_space<hbm>>
      tpu.enqueue_dma source(%dma_start3A_1805 : memref<20000xi32, #tpu.memory_space<hbm>>) target(%arg7 : memref<20000xi32, #tpu.memory_space<vmem>>) target_semaphore(%run_scoped3A_1803 : memref<!tpu.dma_semaphore, #tpu.memory_space<semaphore_mem>>)
      %dma_wait3A_1806 = tpu.memref_slice %arg4[%mul3A_2] : memref<320000xi32, #tpu.memory_space<hbm>> -> memref<20000xi32, #tpu.memory_space<hbm>>
      %dma_wait3A_1807 = tpu.memref_slice %arg4[%mul3A_2] : memref<320000xi32, #tpu.memory_space<hbm>> -> memref<20000xi32, #tpu.memory_space<hbm>>
      tpu.wait_dma2 semaphore(%run_scoped3A_1803 : memref<!tpu.dma_semaphore, #tpu.memory_space<semaphore_mem>>) src(%dma_wait3A_1807 : memref<20000xi32, #tpu.memory_space<hbm>>) dst(%arg7 : memref<20000xi32, #tpu.memory_space<vmem>>)
      tpu.yield
    }) : () -> ()
    %scan3A = arith.constant 0 : i32
    %scan3A_3 = arith.constant 0 : i32
    %scan3A_4 = arith.constant 320 : i32
    %scan3A_5 = arith.addi %scan3A_3, %scan3A_4 : i32
    %scan3A_6 = arith.constant 1 : i32
    scf.for %scan3A_1803 = %scan3A_3 to %scan3A_5 step %scan3A_6  : i32 {
      %broadcast_in_dim3A = arith.constant 0.000000e+00 : f32
      %broadcast_in_dim3A_1804 = vector.broadcast %broadcast_in_dim3A : f32 to vector<16xf32>
      %jit3A = arith.constant 4 : i32
      %div3A = arith.divsi %scan3A_1803, %jit3A : i32
      %sign3A = arith.constant 0 : i32
      %sign3A_1805 = arith.cmpi sgt, %scan3A_1803, %sign3A : i32
      %sign3A_1806 = arith.extui %sign3A_1805 : i1 to i32
      %sign3A_1807 = arith.constant 0 : i32
      %sign3A_1808 = arith.cmpi slt, %scan3A_1803, %sign3A_1807 : i32
      %sign3A_1809 = arith.extui %sign3A_1808 : i1 to i32
      %sign3A_1810 = arith.subi %sign3A_1806, %sign3A_1809 : i32
      %sign3A_1811 = arith.constant 0 : i32
      %sign3A_1812 = arith.cmpi sgt, %jit3A, %sign3A_1811 : i32
      %sign3A_1813 = arith.extui %sign3A_1812 : i1 to i32
      %sign3A_1814 = arith.constant 0 : i32
      %sign3A_1815 = arith.cmpi slt, %jit3A, %sign3A_1814 : i32
      %sign3A_1816 = arith.extui %sign3A_1815 : i1 to i32
      %sign3A_1817 = arith.subi %sign3A_1813, %sign3A_1816 : i32
      %ne3A = arith.cmpi ne, %sign3A_1810, %sign3A_1817 : i32
      %rem3A = arith.remsi %scan3A_1803, %jit3A : i32
      %ne3A_1818 = arith.constant 0 : i32
      %ne3A_1819 = arith.cmpi ne, %rem3A, %ne3A_1818 : i32
      %and3A = arith.andi %ne3A, %ne3A_1819 : i1
      %sub3A = arith.constant 1 : i32
      %sub3A_1820 = arith.subi %div3A, %sub3A : i32
      %select_n3A = arith.select %and3A, %sub3A_1820, %div3A : i32
      %jit3A_1821 = arith.constant 4 : i32
      %eq3A = arith.constant 0 : i32
      %eq3A_1822 = arith.cmpi eq, %jit3A_1821, %eq3A : i32
      %jit3A_1823 = arith.constant 1 : i32
      %select_n3A_1824 = arith.select %eq3A_1822, %jit3A_1823, %jit3A_1821 : i32
      %rem3A_1825 = arith.remsi %scan3A_1803, %select_n3A_1824 : i32
      %ne3A_1826 = arith.constant 0 : i32
      %ne3A_1827 = arith.cmpi ne, %rem3A_1825, %ne3A_1826 : i32
      %lt3A = arith.constant 0 : i32
      %lt3A_1828 = arith.cmpi slt, %rem3A_1825, %lt3A : i32
      %lt3A_1829 = arith.constant 0 : i32
      %lt3A_1830 = arith.cmpi slt, %select_n3A_1824, %lt3A_1829 : i32
      %ne3A_1831 = arith.xori %lt3A_1828, %lt3A_1830 : i1
      %and3A_1832 = arith.andi %ne3A_1831, %ne3A_1827 : i1
      %add3A_1833 = arith.addi %rem3A_1825, %select_n3A_1824 : i32
      %select_n3A_1834 = arith.select %and3A_1832, %add3A_1833, %rem3A_1825 : i32
      %mul3A_1835 = arith.constant 16 : i32
      %mul3A_1836 = arith.muli %select_n3A_1834, %mul3A_1835 : i32
      %swap3A_1837 = arith.constant 0 : i32
      %swap3A_1838 = arith.index_cast %swap3A_1837 : i32 to index
      %swap3A_1839 = arith.index_cast %select_n3A : i32 to index
      %swap3A_1840 = arith.index_cast %mul3A_1836 : i32 to index
      %swap3A_1841 = tpu.vector_load %arg10[%swap3A_1838, %swap3A_1839, %swap3A_1840] {strides = array<i32>} : memref<4x80x64xf32, #tpu.memory_space<vmem>>, vector<1x1x16xf32>,
      %swap3A_1842 = vector.shape_cast %swap3A_1841 : vector<1x1x16xf32> to vector<16xf32>
      %swap3A_1843 = vector.shape_cast %broadcast_in_dim3A_1804 : vector<16xf32> to vector<1x1x16xf32>
      tpu.vector_store %arg10[%swap3A_1838, %swap3A_1839, %swap3A_1840], %swap3A_1843 {strides = array<i32>} : memref<4x80x64xf32, #tpu.memory_space<vmem>>, vector<1x1x16xf32>,
    }
    %scan3A_7 = arith.constant 320 : i32
    %mul3A_8 = arith.constant 640 : i32
    %mul3A_9 = arith.muli %arg1, %mul3A_8 : i32
    %add3A = arith.constant 0 : i32
    %add3A_10 = arith.addi %mul3A_9, %add3A : i32
    %run_scoped3A = arith.constant 0 : i32
    "tpu.region"() ({
      %run_scoped3A_1803 = tpu.sem_alloc : memref<!tpu.dma_semaphore, #tpu.memory_space<semaphore_mem>>
      %dma_start3A_1804 = arith.constant 0 : i32
      %dma_start3A_1805 = arith.constant 0 : i32
      %dma_start3A_1806 = tpu.memref_slice %arg10[%run_scoped3A, %dma_start3A_1804, %dma_start3A_1805] : memref<4x80x64xf32, #tpu.memory_space<vmem>> -> memref<1x80x64xf32, #tpu.memory_space<vmem>>
      %dma_start3A_1807 = tpu.memref_squeeze %dma_start3A_1806 : memref<1x80x64xf32, #tpu.memory_space<vmem>> -> memref<80x64xf32, #tpu.memory_space<vmem>>
      %dma_start3A_1808 = arith.constant 0 : i32
      %dma_start3A_1809 = tpu.memref_slice %arg11[%add3A_10, %dma_start3A_1808] : memref<10240x64xf32, #tpu.memory_space<vmem_shared>> -> memref<80x64xf32, #tpu.memory_space<vmem_shared>>
      %dma_start3A_1810 = arith.constant 0 : i32
      %dma_start3A_1811 = tpu.memref_slice %arg11[%add3A_10, %dma_start3A_1810] : memref<10240x64xf32, #tpu.memory_space<vmem_shared>> -> memref<80x64xf32, #tpu.memory_space<vmem_shared>>
      %dma_start3A_1812 = arith.constant 0 : i32
      %dma_start3A_1813 = arith.constant 0 : i32
      %dma_start3A_1814 = tpu.memref_slice %arg10[%run_scoped3A, %dma_start3A_1812, %dma_start3A_1813] : memref<4x80x64xf32, #tpu.memory_space<vmem>> -> memref<1x80x64xf32, #tpu.memory_space<vmem>>
      %dma_start3A_1815 = tpu.memref_squeeze %dma_start3A_1814 : memref<1x80x64xf32, #tpu.memory_space<vmem>> -> memref<80x64xf32, #tpu.memory_space<vmem>>
      tpu.enqueue_dma source(%dma_start3A_1815 : memref<80x64xf32, #tpu.memory_space<vmem>>) target(%dma_start3A_1811 : memref<80x64xf32, #tpu.memory_space<vmem_shared>>) target_semaphore(%run_scoped3A_1803 : memref<!tpu.dma_semaphore, #tpu.memory_space<semaphore_mem>>)
      %dma_wait3A_1816 = arith.constant 0 : i32
      %dma_wait3A_1817 = arith.constant 0 : i32
      %dma_wait3A_1818 = tpu.memref_slice %arg10[%run_scoped3A, %dma_wait3A_1816, %dma_wait3A_1817] : memref<4x80x64xf32, #tpu.memory_space<vmem>> -> memref<1x80x64xf32, #tpu.memory_space<vmem>>
      %dma_wait3A_1819 = tpu.memref_squeeze %dma_wait3A_1818 : memref<1x80x64xf32, #tpu.memory_space<vmem>> -> memref<80x64xf32, #tpu.memory_space<vmem>>
      %dma_wait3A_1820 = arith.constant 0 : i32
      %dma_wait3A_1821 = tpu.memref_slice %arg11[%add3A_10, %dma_wait3A_1820] : memref<10240x64xf32, #tpu.memory_space<vmem_shared>> -> memref<80x64xf32, #tpu.memory_space<vmem_shared>>
      %dma_wait3A_1822 = arith.constant 0 : i32
      %dma_wait3A_1823 = tpu.memref_slice %arg11[%add3A_10, %dma_wait3A_1822] : memref<10240x64xf32, #tpu.memory_space<vmem_shared>> -> memref<80x64xf32, #tpu.memory_space<vmem_shared>>
      %dma_wait3A_1824 = arith.constant 0 : i32
      %dma_wait3A_1825 = arith.constant 0 : i32
      %dma_wait3A_1826 = tpu.memref_slice %arg10[%run_scoped3A, %dma_wait3A_1824, %dma_wait3A_1825] : memref<4x80x64xf32, #tpu.memory_space<vmem>> -> memref<1x80x64xf32, #tpu.memory_space<vmem>>
      %dma_wait3A_1827 = tpu.memref_squeeze %dma_wait3A_1826 : memref<1x80x64xf32, #tpu.memory_space<vmem>> -> memref<80x64xf32, #tpu.memory_space<vmem>>
      tpu.wait_dma2 semaphore(%run_scoped3A_1803 : memref<!tpu.dma_semaphore, #tpu.memory_space<semaphore_mem>>) src(%dma_wait3A_1827 : memref<80x64xf32, #tpu.memory_space<vmem>>) dst(%dma_wait3A_1823 : memref<80x64xf32, #tpu.memory_space<vmem_shared>>)
      tpu.yield
    }) : () -> ()
    %mul3A_11 = arith.constant 640 : i32
    %mul3A_12 = arith.muli %arg1, %mul3A_11 : i32
    %add3A_13 = arith.constant 80 : i32
    %add3A_14 = arith.addi %mul3A_12, %add3A_13 : i32
    %run_scoped3A_15 = arith.constant 0 : i32
    "tpu.region"() ({
      %run_scoped3A_1803 = tpu.sem_alloc : memref<!tpu.dma_semaphore, #tpu.memory_space<semaphore_mem>>
      %dma_start3A_1804 = arith.constant 0 : i32
      %dma_start3A_1805 = arith.constant 0 : i32
      %dma_start3A_1806 = tpu.memref_slice %arg10[%run_scoped3A_15, %dma_start3A_1804, %dma_start3A_1805] : memref<4x80x64xf32, #tpu.memory_space<vmem>> -> memref<1x80x64xf32, #tpu.memory_space<vmem>>
      %dma_start3A_1807 = tpu.memref_squeeze %dma_start3A_1806 : memref<1x80x64xf32, #tpu.memory_space<vmem>> -> memref<80x64xf32, #tpu.memory_space<vmem>>
      %dma_start3A_1808 = arith.constant 0 : i32
      %dma_start3A_1809 = tpu.memref_slice %arg11[%add3A_14, %dma_start3A_1808] : memref<10240x64xf32, #tpu.memory_space<vmem_shared>> -> memref<80x64xf32, #tpu.memory_space<vmem_shared>>
      %dma_start3A_1810 = arith.constant 0 : i32
      %dma_start3A_1811 = tpu.memref_slice %arg11[%add3A_14, %dma_start3A_1810] : memref<10240x64xf32, #tpu.memory_space<vmem_shared>> -> memref<80x64xf32, #tpu.memory_space<vmem_shared>>
      %dma_start3A_1812 = arith.constant 0 : i32
      %dma_start3A_1813 = arith.constant 0 : i32
      %dma_start3A_1814 = tpu.memref_slice %arg10[%run_scoped3A_15, %dma_start3A_1812, %dma_start3A_1813] : memref<4x80x64xf32, #tpu.memory_space<vmem>> -> memref<1x80x64xf32, #tpu.memory_space<vmem>>
      %dma_start3A_1815 = tpu.memref_squeeze %dma_start3A_1814 : memref<1x80x64xf32, #tpu.memory_space<vmem>> -> memref<80x64xf32, #tpu.memory_space<vmem>>
      tpu.enqueue_dma source(%dma_start3A_1815 : memref<80x64xf32, #tpu.memory_space<vmem>>) target(%dma_start3A_1811 : memref<80x64xf32, #tpu.memory_space<vmem_shared>>) target_semaphore(%run_scoped3A_1803 : memref<!tpu.dma_semaphore, #tpu.memory_space<semaphore_mem>>)
      %dma_wait3A_1816 = arith.constant 0 : i32
      %dma_wait3A_1817 = arith.constant 0 : i32
      %dma_wait3A_1818 = tpu.memref_slice %arg10[%run_scoped3A_15, %dma_wait3A_1816, %dma_wait3A_1817] : memref<4x80x64xf32, #tpu.memory_space<vmem>> -> memref<1x80x64xf32, #tpu.memory_space<vmem>>
      %dma_wait3A_1819 = tpu.memref_squeeze %dma_wait3A_1818 : memref<1x80x64xf32, #tpu.memory_space<vmem>> -> memref<80x64xf32, #tpu.memory_space<vmem>>
      %dma_wait3A_1820 = arith.constant 0 : i32
      %dma_wait3A_1821 = tpu.memref_slice %arg11[%add3A_14, %dma_wait3A_1820] : memref<10240x64xf32, #tpu.memory_space<vmem_shared>> -> memref<80x64xf32, #tpu.memory_space<vmem_shared>>
      %dma_wait3A_1822 = arith.constant 0 : i32
      %dma_wait3A_1823 = tpu.memref_slice %arg11[%add3A_14, %dma_wait3A_1822] : memref<10240x64xf32, #tpu.memory_space<vmem_shared>> -> memref<80x64xf32, #tpu.memory_space<vmem_shared>>
      %dma_wait3A_1824 = arith.constant 0 : i32
      %dma_wait3A_1825 = arith.constant 0 : i32
      %dma_wait3A_1826 = tpu.memref_slice %arg10[%run_scoped3A_15, %dma_wait3A_1824, %dma_wait3A_1825] : memref<4x80x64xf32, #tpu.memory_space<vmem>> -> memref<1x80x64xf32, #tpu.memory_space<vmem>>
      %dma_wait3A_1827 = tpu.memref_squeeze %dma_wait3A_1826 : memref<1x80x64xf32, #tpu.memory_space<vmem>> -> memref<80x64xf32, #tpu.memory_space<vmem>>
      tpu.wait_dma2 semaphore(%run_scoped3A_1803 : memref<!tpu.dma_semaphore, #tpu.memory_space<semaphore_mem>>) src(%dma_wait3A_1827 : memref<80x64xf32, #tpu.memory_space<vmem>>) dst(%dma_wait3A_1823 : memref<80x64xf32, #tpu.memory_space<vmem_shared>>)
      tpu.yield
    }) : () -> ()
    %mul3A_16 = arith.constant 640 : i32
    %mul3A_17 = arith.muli %arg1, %mul3A_16 : i32
    %add3A_18 = arith.constant 160 : i32
    %add3A_19 = arith.addi %mul3A_17, %add3A_18 : i32
    %run_scoped3A_20 = arith.constant 0 : i32
    "tpu.region"() ({
      %run_scoped3A_1803 = tpu.sem_alloc : memref<!tpu.dma_semaphore, #tpu.memory_space<semaphore_mem>>
      %dma_start3A_1804 = arith.constant 0 : i32
      %dma_start3A_1805 = arith.constant 0 : i32
      %dma_start3A_1806 = tpu.memref_slice %arg10[%run_scoped3A_20, %dma_start3A_1804, %dma_start3A_1805] : memref<4x80x64xf32, #tpu.memory_space<vmem>> -> memref<1x80x64xf32, #tpu.memory_space<vmem>>
      %dma_start3A_1807 = tpu.memref_squeeze %dma_start3A_1806 : memref<1x80x64xf32, #tpu.memory_space<vmem>> -> memref<80x64xf32, #tpu.memory_space<vmem>>
      %dma_start3A_1808 = arith.constant 0 : i32
      %dma_start3A_1809 = tpu.memref_slice %arg11[%add3A_19, %dma_start3A_1808] : memref<10240x64xf32, #tpu.memory_space<vmem_shared>> -> memref<80x64xf32, #tpu.memory_space<vmem_shared>>
      %dma_start3A_1810 = arith.constant 0 : i32
      %dma_start3A_1811 = tpu.memref_slice %arg11[%add3A_19, %dma_start3A_1810] : memref<10240x64xf32, #tpu.memory_space<vmem_shared>> -> memref<80x64xf32, #tpu.memory_space<vmem_shared>>
      %dma_start3A_1812 = arith.constant 0 : i32
      %dma_start3A_1813 = arith.constant 0 : i32
      %dma_start3A_1814 = tpu.memref_slice %arg10[%run_scoped3A_20, %dma_start3A_1812, %dma_start3A_1813] : memref<4x80x64xf32, #tpu.memory_space<vmem>> -> memref<1x80x64xf32, #tpu.memory_space<vmem>>
      %dma_start3A_1815 = tpu.memref_squeeze %dma_start3A_1814 : memref<1x80x64xf32, #tpu.memory_space<vmem>> -> memref<80x64xf32, #tpu.memory_space<vmem>>
      tpu.enqueue_dma source(%dma_start3A_1815 : memref<80x64xf32, #tpu.memory_space<vmem>>) target(%dma_start3A_1811 : memref<80x64xf32, #tpu.memory_space<vmem_shared>>) target_semaphore(%run_scoped3A_1803 : memref<!tpu.dma_semaphore, #tpu.memory_space<semaphore_mem>>)
      %dma_wait3A_1816 = arith.constant 0 : i32
      %dma_wait3A_1817 = arith.constant 0 : i32
      %dma_wait3A_1818 = tpu.memref_slice %arg10[%run_scoped3A_20, %dma_wait3A_1816, %dma_wait3A_1817] : memref<4x80x64xf32, #tpu.memory_space<vmem>> -> memref<1x80x64xf32, #tpu.memory_space<vmem>>
      %dma_wait3A_1819 = tpu.memref_squeeze %dma_wait3A_1818 : memref<1x80x64xf32, #tpu.memory_space<vmem>> -> memref<80x64xf32, #tpu.memory_space<vmem>>
      %dma_wait3A_1820 = arith.constant 0 : i32
      %dma_wait3A_1821 = tpu.memref_slice %arg11[%add3A_19, %dma_wait3A_1820] : memref<10240x64xf32, #tpu.memory_space<vmem_shared>> -> memref<80x64xf32, #tpu.memory_space<vmem_shared>>
      %dma_wait3A_1822 = arith.constant 0 : i32
      %dma_wait3A_1823 = tpu.memref_slice %arg11[%add3A_19, %dma_wait3A_1822] : memref<10240x64xf32, #tpu.memory_space<vmem_shared>> -> memref<80x64xf32, #tpu.memory_space<vmem_shared>>
      %dma_wait3A_1824 = arith.constant 0 : i32
      %dma_wait3A_1825 = arith.constant 0 : i32
      %dma_wait3A_1826 = tpu.memref_slice %arg10[%run_scoped3A_20, %dma_wait3A_1824, %dma_wait3A_1825] : memref<4x80x64xf32, #tpu.memory_space<vmem>> -> memref<1x80x64xf32, #tpu.memory_space<vmem>>
      %dma_wait3A_1827 = tpu.memref_squeeze %dma_wait3A_1826 : memref<1x80x64xf32, #tpu.memory_space<vmem>> -> memref<80x64xf32, #tpu.memory_space<vmem>>
      tpu.wait_dma2 semaphore(%run_scoped3A_1803 : memref<!tpu.dma_semaphore, #tpu.memory_space<semaphore_mem>>) src(%dma_wait3A_1827 : memref<80x64xf32, #tpu.memory_space<vmem>>) dst(%dma_wait3A_1823 : memref<80x64xf32, #tpu.memory_space<vmem_shared>>)
      tpu.yield
    }) : () -> ()
    %mul3A_21 = arith.constant 640 : i32
    %mul3A_22 = arith.muli %arg1, %mul3A_21 : i32
    %add3A_23 = arith.constant 240 : i32
    %add3A_24 = arith.addi %mul3A_22, %add3A_23 : i32
    %run_scoped3A_25 = arith.constant 0 : i32
    "tpu.region"() ({
      %run_scoped3A_1803 = tpu.sem_alloc : memref<!tpu.dma_semaphore, #tpu.memory_space<semaphore_mem>>
      %dma_start3A_1804 = arith.constant 0 : i32
      %dma_start3A_1805 = arith.constant 0 : i32
      %dma_start3A_1806 = tpu.memref_slice %arg10[%run_scoped3A_25, %dma_start3A_1804, %dma_start3A_1805] : memref<4x80x64xf32, #tpu.memory_space<vmem>> -> memref<1x80x64xf32, #tpu.memory_space<vmem>>
      %dma_start3A_1807 = tpu.memref_squeeze %dma_start3A_1806 : memref<1x80x64xf32, #tpu.memory_space<vmem>> -> memref<80x64xf32, #tpu.memory_space<vmem>>
      %dma_start3A_1808 = arith.constant 0 : i32
      %dma_start3A_1809 = tpu.memref_slice %arg11[%add3A_24, %dma_start3A_1808] : memref<10240x64xf32, #tpu.memory_space<vmem_shared>> -> memref<80x64xf32, #tpu.memory_space<vmem_shared>>
      %dma_start3A_1810 = arith.constant 0 : i32
      %dma_start3A_1811 = tpu.memref_slice %arg11[%add3A_24, %dma_start3A_1810] : memref<10240x64xf32, #tpu.memory_space<vmem_shared>> -> memref<80x64xf32, #tpu.memory_space<vmem_shared>>
      %dma_start3A_1812 = arith.constant 0 : i32
      %dma_start3A_1813 = arith.constant 0 : i32
      %dma_start3A_1814 = tpu.memref_slice %arg10[%run_scoped3A_25, %dma_start3A_1812, %dma_start3A_1813] : memref<4x80x64xf32, #tpu.memory_space<vmem>> -> memref<1x80x64xf32, #tpu.memory_space<vmem>>
      %dma_start3A_1815 = tpu.memref_squeeze %dma_start3A_1814 : memref<1x80x64xf32, #tpu.memory_space<vmem>> -> memref<80x64xf32, #tpu.memory_space<vmem>>
      tpu.enqueue_dma source(%dma_start3A_1815 : memref<80x64xf32, #tpu.memory_space<vmem>>) target(%dma_start3A_1811 : memref<80x64xf32, #tpu.memory_space<vmem_shared>>) target_semaphore(%run_scoped3A_1803 : memref<!tpu.dma_semaphore, #tpu.memory_space<semaphore_mem>>)
      %dma_wait3A_1816 = arith.constant 0 : i32
      %dma_wait3A_1817 = arith.constant 0 : i32
      %dma_wait3A_1818 = tpu.memref_slice %arg10[%run_scoped3A_25, %dma_wait3A_1816, %dma_wait3A_1817] : memref<4x80x64xf32, #tpu.memory_space<vmem>> -> memref<1x80x64xf32, #tpu.memory_space<vmem>>
      %dma_wait3A_1819 = tpu.memref_squeeze %dma_wait3A_1818 : memref<1x80x64xf32, #tpu.memory_space<vmem>> -> memref<80x64xf32, #tpu.memory_space<vmem>>
      %dma_wait3A_1820 = arith.constant 0 : i32
      %dma_wait3A_1821 = tpu.memref_slice %arg11[%add3A_24, %dma_wait3A_1820] : memref<10240x64xf32, #tpu.memory_space<vmem_shared>> -> memref<80x64xf32, #tpu.memory_space<vmem_shared>>
      %dma_wait3A_1822 = arith.constant 0 : i32
      %dma_wait3A_1823 = tpu.memref_slice %arg11[%add3A_24, %dma_wait3A_1822] : memref<10240x64xf32, #tpu.memory_space<vmem_shared>> -> memref<80x64xf32, #tpu.memory_space<vmem_shared>>
      %dma_wait3A_1824 = arith.constant 0 : i32
      %dma_wait3A_1825 = arith.constant 0 : i32
      %dma_wait3A_1826 = tpu.memref_slice %arg10[%run_scoped3A_25, %dma_wait3A_1824, %dma_wait3A_1825] : memref<4x80x64xf32, #tpu.memory_space<vmem>> -> memref<1x80x64xf32, #tpu.memory_space<vmem>>
      %dma_wait3A_1827 = tpu.memref_squeeze %dma_wait3A_1826 : memref<1x80x64xf32, #tpu.memory_space<vmem>> -> memref<80x64xf32, #tpu.memory_space<vmem>>
      tpu.wait_dma2 semaphore(%run_scoped3A_1803 : memref<!tpu.dma_semaphore, #tpu.memory_space<semaphore_mem>>) src(%dma_wait3A_1827 : memref<80x64xf32, #tpu.memory_space<vmem>>) dst(%dma_wait3A_1823 : memref<80x64xf32, #tpu.memory_space<vmem_shared>>)
      tpu.yield
    }) : () -> ()
    %mul3A_26 = arith.constant 640 : i32
    %mul3A_27 = arith.muli %arg1, %mul3A_26 : i32
    %add3A_28 = arith.constant 320 : i32
    %add3A_29 = arith.addi %mul3A_27, %add3A_28 : i32
    %run_scoped3A_30 = arith.constant 0 : i32
    "tpu.region"() ({
      %run_scoped3A_1803 = tpu.sem_alloc : memref<!tpu.dma_semaphore, #tpu.memory_space<semaphore_mem>>
      %dma_start3A_1804 = arith.constant 0 : i32
      %dma_start3A_1805 = arith.constant 0 : i32
      %dma_start3A_1806 = tpu.memref_slice %arg10[%run_scoped3A_30, %dma_start3A_1804, %dma_start3A_1805] : memref<4x80x64xf32, #tpu.memory_space<vmem>> -> memref<1x80x64xf32, #tpu.memory_space<vmem>>
      %dma_start3A_1807 = tpu.memref_squeeze %dma_start3A_1806 : memref<1x80x64xf32, #tpu.memory_space<vmem>> -> memref<80x64xf32, #tpu.memory_space<vmem>>
      %dma_start3A_1808 = arith.constant 0 : i32
      %dma_start3A_1809 = tpu.memref_slice %arg11[%add3A_29, %dma_start3A_1808] : memref<10240x64xf32, #tpu.memory_space<vmem_shared>> -> memref<80x64xf32, #tpu.memory_space<vmem_shared>>
      %dma_start3A_1810 = arith.constant 0 : i32
      %dma_start3A_1811 = tpu.memref_slice %arg11[%add3A_29, %dma_start3A_1810] : memref<10240x64xf32, #tpu.memory_space<vmem_shared>> -> memref<80x64xf32, #tpu.memory_space<vmem_shared>>
      %dma_start3A_1812 = arith.constant 0 : i32
      %dma_start3A_1813 = arith.constant 0 : i32
      %dma_start3A_1814 = tpu.memref_slice %arg10[%run_scoped3A_30, %dma_start3A_1812, %dma_start3A_1813] : memref<4x80x64xf32, #tpu.memory_space<vmem>> -> memref<1x80x64xf32, #tpu.memory_space<vmem>>
      %dma_start3A_1815 = tpu.memref_squeeze %dma_start3A_1814 : memref<1x80x64xf32, #tpu.memory_space<vmem>> -> memref<80x64xf32, #tpu.memory_space<vmem>>
      tpu.enqueue_dma source(%dma_start3A_1815 : memref<80x64xf32, #tpu.memory_space<vmem>>) target(%dma_start3A_1811 : memref<80x64xf32, #tpu.memory_space<vmem_shared>>) target_semaphore(%run_scoped3A_1803 : memref<!tpu.dma_semaphore, #tpu.memory_space<semaphore_mem>>)
      %dma_wait3A_1816 = arith.constant 0 : i32
      %dma_wait3A_1817 = arith.constant 0 : i32
      %dma_wait3A_1818 = tpu.memref_slice %arg10[%run_scoped3A_30, %dma_wait3A_1816, %dma_wait3A_1817] : memref<4x80x64xf32, #tpu.memory_space<vmem>> -> memref<1x80x64xf32, #tpu.memory_space<vmem>>
      %dma_wait3A_1819 = tpu.memref_squeeze %dma_wait3A_1818 : memref<1x80x64xf32, #tpu.memory_space<vmem>> -> memref<80x64xf32, #tpu.memory_space<vmem>>
      %dma_wait3A_1820 = arith.constant 0 : i32
      %dma_wait3A_1821 = tpu.memref_slice %arg11[%add3A_29, %dma_wait3A_1820] : memref<10240x64xf32, #tpu.memory_space<vmem_shared>> -> memref<80x64xf32, #tpu.memory_space<vmem_shared>>
      %dma_wait3A_1822 = arith.constant 0 : i32
      %dma_wait3A_1823 = tpu.memref_slice %arg11[%add3A_29, %dma_wait3A_1822] : memref<10240x64xf32, #tpu.memory_space<vmem_shared>> -> memref<80x64xf32, #tpu.memory_space<vmem_shared>>
      %dma_wait3A_1824 = arith.constant 0 : i32
      %dma_wait3A_1825 = arith.constant 0 : i32
      %dma_wait3A_1826 = tpu.memref_slice %arg10[%run_scoped3A_30, %dma_wait3A_1824, %dma_wait3A_1825] : memref<4x80x64xf32, #tpu.memory_space<vmem>> -> memref<1x80x64xf32, #tpu.memory_space<vmem>>
      %dma_wait3A_1827 = tpu.memref_squeeze %dma_wait3A_1826 : memref<1x80x64xf32, #tpu.memory_space<vmem>> -> memref<80x64xf32, #tpu.memory_space<vmem>>
      tpu.wait_dma2 semaphore(%run_scoped3A_1803 : memref<!tpu.dma_semaphore, #tpu.memory_space<semaphore_mem>>) src(%dma_wait3A_1827 : memref<80x64xf32, #tpu.memory_space<vmem>>) dst(%dma_wait3A_1823 : memref<80x64xf32, #tpu.memory_space<vmem_shared>>)
      tpu.yield
    }) : () -> ()
    %mul3A_31 = arith.constant 640 : i32
    %mul3A_32 = arith.muli %arg1, %mul3A_31 : i32
    %add3A_33 = arith.constant 400 : i32
    %add3A_34 = arith.addi %mul3A_32, %add3A_33 : i32
    %run_scoped3A_35 = arith.constant 0 : i32
    "tpu.region"() ({
      %run_scoped3A_1803 = tpu.sem_alloc : memref<!tpu.dma_semaphore, #tpu.memory_space<semaphore_mem>>
      %dma_start3A_1804 = arith.constant 0 : i32
      %dma_start3A_1805 = arith.constant 0 : i32
      %dma_start3A_1806 = tpu.memref_slice %arg10[%run_scoped3A_35, %dma_start3A_1804, %dma_start3A_1805] : memref<4x80x64xf32, #tpu.memory_space<vmem>> -> memref<1x80x64xf32, #tpu.memory_space<vmem>>
      %dma_start3A_1807 = tpu.memref_squeeze %dma_start3A_1806 : memref<1x80x64xf32, #tpu.memory_space<vmem>> -> memref<80x64xf32, #tpu.memory_space<vmem>>
      %dma_start3A_1808 = arith.constant 0 : i32
      %dma_start3A_1809 = tpu.memref_slice %arg11[%add3A_34, %dma_start3A_1808] : memref<10240x64xf32, #tpu.memory_space<vmem_shared>> -> memref<80x64xf32, #tpu.memory_space<vmem_shared>>
      %dma_start3A_1810 = arith.constant 0 : i32
      %dma_start3A_1811 = tpu.memref_slice %arg11[%add3A_34, %dma_start3A_1810] : memref<10240x64xf32, #tpu.memory_space<vmem_shared>> -> memref<80x64xf32, #tpu.memory_space<vmem_shared>>
      %dma_start3A_1812 = arith.constant 0 : i32
      %dma_start3A_1813 = arith.constant 0 : i32
      %dma_start3A_1814 = tpu.memref_slice %arg10[%run_scoped3A_35, %dma_start3A_1812, %dma_start3A_1813] : memref<4x80x64xf32, #tpu.memory_space<vmem>> -> memref<1x80x64xf32, #tpu.memory_space<vmem>>
      %dma_start3A_1815 = tpu.memref_squeeze %dma_start3A_1814 : memref<1x80x64xf32, #tpu.memory_space<vmem>> -> memref<80x64xf32, #tpu.memory_space<vmem>>
      tpu.enqueue_dma source(%dma_start3A_1815 : memref<80x64xf32, #tpu.memory_space<vmem>>) target(%dma_start3A_1811 : memref<80x64xf32, #tpu.memory_space<vmem_shared>>) target_semaphore(%run_scoped3A_1803 : memref<!tpu.dma_semaphore, #tpu.memory_space<semaphore_mem>>)
      %dma_wait3A_1816 = arith.constant 0 : i32
      %dma_wait3A_1817 = arith.constant 0 : i32
      %dma_wait3A_1818 = tpu.memref_slice %arg10[%run_scoped3A_35, %dma_wait3A_1816, %dma_wait3A_1817] : memref<4x80x64xf32, #tpu.memory_space<vmem>> -> memref<1x80x64xf32, #tpu.memory_space<vmem>>
      %dma_wait3A_1819 = tpu.memref_squeeze %dma_wait3A_1818 : memref<1x80x64xf32, #tpu.memory_space<vmem>> -> memref<80x64xf32, #tpu.memory_space<vmem>>
      %dma_wait3A_1820 = arith.constant 0 : i32
      %dma_wait3A_1821 = tpu.memref_slice %arg11[%add3A_34, %dma_wait3A_1820] : memref<10240x64xf32, #tpu.memory_space<vmem_shared>> -> memref<80x64xf32, #tpu.memory_space<vmem_shared>>
      %dma_wait3A_1822 = arith.constant 0 : i32
      %dma_wait3A_1823 = tpu.memref_slice %arg11[%add3A_34, %dma_wait3A_1822] : memref<10240x64xf32, #tpu.memory_space<vmem_shared>> -> memref<80x64xf32, #tpu.memory_space<vmem_shared>>
      %dma_wait3A_1824 = arith.constant 0 : i32
      %dma_wait3A_1825 = arith.constant 0 : i32
      %dma_wait3A_1826 = tpu.memref_slice %arg10[%run_scoped3A_35, %dma_wait3A_1824, %dma_wait3A_1825] : memref<4x80x64xf32, #tpu.memory_space<vmem>> -> memref<1x80x64xf32, #tpu.memory_space<vmem>>
      %dma_wait3A_1827 = tpu.memref_squeeze %dma_wait3A_1826 : memref<1x80x64xf32, #tpu.memory_space<vmem>> -> memref<80x64xf32, #tpu.memory_space<vmem>>
      tpu.wait_dma2 semaphore(%run_scoped3A_1803 : memref<!tpu.dma_semaphore, #tpu.memory_space<semaphore_mem>>) src(%dma_wait3A_1827 : memref<80x64xf32, #tpu.memory_space<vmem>>) dst(%dma_wait3A_1823 : memref<80x64xf32, #tpu.memory_space<vmem_shared>>)
      tpu.yield
    }) : () -> ()
    %mul3A_36 = arith.constant 640 : i32
    %mul3A_37 = arith.muli %arg1, %mul3A_36 : i32
    %add3A_38 = arith.constant 480 : i32
    %add3A_39 = arith.addi %mul3A_37, %add3A_38 : i32
    %run_scoped3A_40 = arith.constant 0 : i32
    "tpu.region"() ({
      %run_scoped3A_1803 = tpu.sem_alloc : memref<!tpu.dma_semaphore, #tpu.memory_space<semaphore_mem>>
      %dma_start3A_1804 = arith.constant 0 : i32
      %dma_start3A_1805 = arith.constant 0 : i32
      %dma_start3A_1806 = tpu.memref_slice %arg10[%run_scoped3A_40, %dma_start3A_1804, %dma_start3A_1805] : memref<4x80x64xf32, #tpu.memory_space<vmem>> -> memref<1x80x64xf32, #tpu.memory_space<vmem>>
      %dma_start3A_1807 = tpu.memref_squeeze %dma_start3A_1806 : memref<1x80x64xf32, #tpu.memory_space<vmem>> -> memref<80x64xf32, #tpu.memory_space<vmem>>
      %dma_start3A_1808 = arith.constant 0 : i32
      %dma_start3A_1809 = tpu.memref_slice %arg11[%add3A_39, %dma_start3A_1808] : memref<10240x64xf32, #tpu.memory_space<vmem_shared>> -> memref<80x64xf32, #tpu.memory_space<vmem_shared>>
      %dma_start3A_1810 = arith.constant 0 : i32
      %dma_start3A_1811 = tpu.memref_slice %arg11[%add3A_39, %dma_start3A_1810] : memref<10240x64xf32, #tpu.memory_space<vmem_shared>> -> memref<80x64xf32, #tpu.memory_space<vmem_shared>>
      %dma_start3A_1812 = arith.constant 0 : i32
      %dma_start3A_1813 = arith.constant 0 : i32
      %dma_start3A_1814 = tpu.memref_slice %arg10[%run_scoped3A_40, %dma_start3A_1812, %dma_start3A_1813] : memref<4x80x64xf32, #tpu.memory_space<vmem>> -> memref<1x80x64xf32, #tpu.memory_space<vmem>>
      %dma_start3A_1815 = tpu.memref_squeeze %dma_start3A_1814 : memref<1x80x64xf32, #tpu.memory_space<vmem>> -> memref<80x64xf32, #tpu.memory_space<vmem>>
      tpu.enqueue_dma source(%dma_start3A_1815 : memref<80x64xf32, #tpu.memory_space<vmem>>) target(%dma_start3A_1811 : memref<80x64xf32, #tpu.memory_space<vmem_shared>>) target_semaphore(%run_scoped3A_1803 : memref<!tpu.dma_semaphore, #tpu.memory_space<semaphore_mem>>)
      %dma_wait3A_1816 = arith.constant 0 : i32
      %dma_wait3A_1817 = arith.constant 0 : i32
      %dma_wait3A_1818 = tpu.memref_slice %arg10[%run_scoped3A_40, %dma_wait3A_1816, %dma_wait3A_1817] : memref<4x80x64xf32, #tpu.memory_space<vmem>> -> memref<1x80x64xf32, #tpu.memory_space<vmem>>
      %dma_wait3A_1819 = tpu.memref_squeeze %dma_wait3A_1818 : memref<1x80x64xf32, #tpu.memory_space<vmem>> -> memref<80x64xf32, #tpu.memory_space<vmem>>
      %dma_wait3A_1820 = arith.constant 0 : i32
      %dma_wait3A_1821 = tpu.memref_slice %arg11[%add3A_39, %dma_wait3A_1820] : memref<10240x64xf32, #tpu.memory_space<vmem_shared>> -> memref<80x64xf32, #tpu.memory_space<vmem_shared>>
      %dma_wait3A_1822 = arith.constant 0 : i32
      %dma_wait3A_1823 = tpu.memref_slice %arg11[%add3A_39, %dma_wait3A_1822] : memref<10240x64xf32, #tpu.memory_space<vmem_shared>> -> memref<80x64xf32, #tpu.memory_space<vmem_shared>>
      %dma_wait3A_1824 = arith.constant 0 : i32
      %dma_wait3A_1825 = arith.constant 0 : i32
      %dma_wait3A_1826 = tpu.memref_slice %arg10[%run_scoped3A_40, %dma_wait3A_1824, %dma_wait3A_1825] : memref<4x80x64xf32, #tpu.memory_space<vmem>> -> memref<1x80x64xf32, #tpu.memory_space<vmem>>
      %dma_wait3A_1827 = tpu.memref_squeeze %dma_wait3A_1826 : memref<1x80x64xf32, #tpu.memory_space<vmem>> -> memref<80x64xf32, #tpu.memory_space<vmem>>
      tpu.wait_dma2 semaphore(%run_scoped3A_1803 : memref<!tpu.dma_semaphore, #tpu.memory_space<semaphore_mem>>) src(%dma_wait3A_1827 : memref<80x64xf32, #tpu.memory_space<vmem>>) dst(%dma_wait3A_1823 : memref<80x64xf32, #tpu.memory_space<vmem_shared>>)
      tpu.yield
    }) : () -> ()
    %mul3A_41 = arith.constant 640 : i32
    %mul3A_42 = arith.muli %arg1, %mul3A_41 : i32
    %add3A_43 = arith.constant 560 : i32
    %add3A_44 = arith.addi %mul3A_42, %add3A_43 : i32
    %run_scoped3A_45 = arith.constant 0 : i32
    "tpu.region"() ({
      %run_scoped3A_1803 = tpu.sem_alloc : memref<!tpu.dma_semaphore, #tpu.memory_space<semaphore_mem>>
      %dma_start3A_1804 = arith.constant 0 : i32
      %dma_start3A_1805 = arith.constant 0 : i32
      %dma_start3A_1806 = tpu.memref_slice %arg10[%run_scoped3A_45, %dma_start3A_1804, %dma_start3A_1805] : memref<4x80x64xf32, #tpu.memory_space<vmem>> -> memref<1x80x64xf32, #tpu.memory_space<vmem>>
      %dma_start3A_1807 = tpu.memref_squeeze %dma_start3A_1806 : memref<1x80x64xf32, #tpu.memory_space<vmem>> -> memref<80x64xf32, #tpu.memory_space<vmem>>
      %dma_start3A_1808 = arith.constant 0 : i32
      %dma_start3A_1809 = tpu.memref_slice %arg11[%add3A_44, %dma_start3A_1808] : memref<10240x64xf32, #tpu.memory_space<vmem_shared>> -> memref<80x64xf32, #tpu.memory_space<vmem_shared>>
      %dma_start3A_1810 = arith.constant 0 : i32
      %dma_start3A_1811 = tpu.memref_slice %arg11[%add3A_44, %dma_start3A_1810] : memref<10240x64xf32, #tpu.memory_space<vmem_shared>> -> memref<80x64xf32, #tpu.memory_space<vmem_shared>>
      %dma_start3A_1812 = arith.constant 0 : i32
      %dma_start3A_1813 = arith.constant 0 : i32
      %dma_start3A_1814 = tpu.memref_slice %arg10[%run_scoped3A_45, %dma_start3A_1812, %dma_start3A_1813] : memref<4x80x64xf32, #tpu.memory_space<vmem>> -> memref<1x80x64xf32, #tpu.memory_space<vmem>>
      %dma_start3A_1815 = tpu.memref_squeeze %dma_start3A_1814 : memref<1x80x64xf32, #tpu.memory_space<vmem>> -> memref<80x64xf32, #tpu.memory_space<vmem>>
      tpu.enqueue_dma source(%dma_start3A_1815 : memref<80x64xf32, #tpu.memory_space<vmem>>) target(%dma_start3A_1811 : memref<80x64xf32, #tpu.memory_space<vmem_shared>>) target_semaphore(%run_scoped3A_1803 : memref<!tpu.dma_semaphore, #tpu.memory_space<semaphore_mem>>)
      %dma_wait3A_1816 = arith.constant 0 : i32
      %dma_wait3A_1817 = arith.constant 0 : i32
      %dma_wait3A_1818 = tpu.memref_slice %arg10[%run_scoped3A_45, %dma_wait3A_1816, %dma_wait3A_1817] : memref<4x80x64xf32, #tpu.memory_space<vmem>> -> memref<1x80x64xf32, #tpu.memory_space<vmem>>
      %dma_wait3A_1819 = tpu.memref_squeeze %dma_wait3A_1818 : memref<1x80x64xf32, #tpu.memory_space<vmem>> -> memref<80x64xf32, #tpu.memory_space<vmem>>
      %dma_wait3A_1820 = arith.constant 0 : i32
      %dma_wait3A_1821 = tpu.memref_slice %arg11[%add3A_44, %dma_wait3A_1820] : memref<10240x64xf32, #tpu.memory_space<vmem_shared>> -> memref<80x64xf32, #tpu.memory_space<vmem_shared>>
      %dma_wait3A_1822 = arith.constant 0 : i32
      %dma_wait3A_1823 = tpu.memref_slice %arg11[%add3A_44, %dma_wait3A_1822] : memref<10240x64xf32, #tpu.memory_space<vmem_shared>> -> memref<80x64xf32, #tpu.memory_space<vmem_shared>>
      %dma_wait3A_1824 = arith.constant 0 : i32
      %dma_wait3A_1825 = arith.constant 0 : i32
      %dma_wait3A_1826 = tpu.memref_slice %arg10[%run_scoped3A_45, %dma_wait3A_1824, %dma_wait3A_1825] : memref<4x80x64xf32, #tpu.memory_space<vmem>> -> memref<1x80x64xf32, #tpu.memory_space<vmem>>
      %dma_wait3A_1827 = tpu.memref_squeeze %dma_wait3A_1826 : memref<1x80x64xf32, #tpu.memory_space<vmem>> -> memref<80x64xf32, #tpu.memory_space<vmem>>
      tpu.wait_dma2 semaphore(%run_scoped3A_1803 : memref<!tpu.dma_semaphore, #tpu.memory_space<semaphore_mem>>) src(%dma_wait3A_1827 : memref<80x64xf32, #tpu.memory_space<vmem>>) dst(%dma_wait3A_1823 : memref<80x64xf32, #tpu.memory_space<vmem_shared>>)
      tpu.yield
    }) : () -> ()
    %barrier3A = arith.constant 0 : index
    tpu.barrier barrier_id(%barrier3A)
    %get3A = arith.constant 0 : index
    %get3A_46 = tpu.vector_load %arg6[%get3A] {strides = array<i32>} : memref<20000xi32, #tpu.memory_space<vmem>>, vector<16xi32>,
    %get3A_47 = vector.shape_cast %get3A_46 : vector<16xi32> to vector<16xi32>
    %mul3A_48 = arith.constant 2 : i32
    %mul3A_49 = vector.broadcast %mul3A_48 : i32 to vector<16xi32>
    %mul3A_50 = arith.muli %get3A_47, %mul3A_49 : vector<16xi32>
    %add3A_51 = vector.broadcast %arg0 : i32 to vector<16xi32>
    %add3A_52 = arith.addi %mul3A_50, %add3A_51 : vector<16xi32>
    %swap3A = arith.constant 0 : i32
    %swap3A_53 = arith.index_cast %swap3A : i32 to index
    %swap3A_54 = arith.constant 0 : index
    %swap3A_55 = tpu.vector_load %arg8[%swap3A_53, %swap3A_54] {strides = array<i32>} : memref<4x80xi32, #tpu.memory_space<vmem>>, vector<1x16xi32>,
    %swap3A_56 = vector.shape_cast %swap3A_55 : vector<1x16xi32> to vector<16xi32>
    %swap3A_57 = vector.shape_cast %add3A_52 : vector<16xi32> to vector<1x16xi32>
    tpu.vector_store %arg8[%swap3A_53, %swap3A_54], %swap3A_57 {strides = array<i32>} : memref<4x80xi32, #tpu.memory_space<vmem>>, vector<1x16xi32>,
    %get3A_58 = arith.constant 0 : index
    %get3A_59 = tpu.vector_load %arg7[%get3A_58] {strides = array<i32>} : memref<20000xi32, #tpu.memory_space<vmem>>, vector<16xi32>,
    %get3A_60 = vector.shape_cast %get3A_59 : vector<16xi32> to vector<16xi32>
    %swap3A_61 = arith.constant 0 : i32
    %swap3A_62 = arith.index_cast %swap3A_61 : i32 to index
    %swap3A_63 = arith.constant 0 : index
    %swap3A_64 = tpu.vector_load %arg9[%swap3A_62, %swap3A_63] {strides = array<i32>} : memref<4x80xi32, #tpu.memory_space<vmem>>, vector<1x16xi32>,
    %swap3A_65 = vector.shape_cast %swap3A_64 : vector<1x16xi32> to vector<16xi32>
    %swap3A_66 = vector.shape_cast %get3A_60 : vector<16xi32> to vector<1x16xi32>
    tpu.vector_store %arg9[%swap3A_62, %swap3A_63], %swap3A_66 {strides = array<i32>} : memref<4x80xi32, #tpu.memory_space<vmem>>, vector<1x16xi32>,
    %get3A_67 = arith.constant 16 : index
    %get3A_68 = tpu.vector_load %arg6[%get3A_67] {strides = array<i32>} : memref<20000xi32, #tpu.memory_space<vmem>>, vector<16xi32>,
    %get3A_69 = vector.shape_cast %get3A_68 : vector<16xi32> to vector<16xi32>
    %mul3A_70 = arith.constant 2 : i32
    %mul3A_71 = vector.broadcast %mul3A_70 : i32 to vector<16xi32>
    %mul3A_72 = arith.muli %get3A_69, %mul3A_71 : vector<16xi32>
    %add3A_73 = vector.broadcast %arg0 : i32 to vector<16xi32>
    %add3A_74 = arith.addi %mul3A_72, %add3A_73 : vector<16xi32>
    %swap3A_75 = arith.constant 0 : i32
    %swap3A_76 = arith.index_cast %swap3A_75 : i32 to index
    %swap3A_77 = arith.constant 16 : index
    %swap3A_78 = tpu.vector_load %arg8[%swap3A_76, %swap3A_77] {strides = array<i32>} : memref<4x80xi32, #tpu.memory_space<vmem>>, vector<1x16xi32>,
    %swap3A_79 = vector.shape_cast %swap3A_78 : vector<1x16xi32> to vector<16xi32>
    %swap3A_80 = vector.shape_cast %add3A_74 : vector<16xi32> to vector<1x16xi32>
    tpu.vector_store %arg8[%swap3A_76, %swap3A_77], %swap3A_80 {strides = array<i32>} : memref<4x80xi32, #tpu.memory_space<vmem>>, vector<1x16xi32>,
    %get3A_81 = arith.constant 16 : index
    %get3A_82 = tpu.vector_load %arg7[%get3A_81] {strides = array<i32>} : memref<20000xi32, #tpu.memory_space<vmem>>, vector<16xi32>,
    %get3A_83 = vector.shape_cast %get3A_82 : vector<16xi32> to vector<16xi32>
    %swap3A_84 = arith.constant 0 : i32
    %swap3A_85 = arith.index_cast %swap3A_84 : i32 to index
    %swap3A_86 = arith.constant 16 : index
    %swap3A_87 = tpu.vector_load %arg9[%swap3A_85, %swap3A_86] {strides = array<i32>} : memref<4x80xi32, #tpu.memory_space<vmem>>, vector<1x16xi32>,
    %swap3A_88 = vector.shape_cast %swap3A_87 : vector<1x16xi32> to vector<16xi32>
    %swap3A_89 = vector.shape_cast %get3A_83 : vector<16xi32> to vector<1x16xi32>
    tpu.vector_store %arg9[%swap3A_85, %swap3A_86], %swap3A_89 {strides = array<i32>} : memref<4x80xi32, #tpu.memory_space<vmem>>, vector<1x16xi32>,
    %get3A_90 = arith.constant 32 : index
    %get3A_91 = tpu.vector_load %arg6[%get3A_90] {strides = array<i32>} : memref<20000xi32, #tpu.memory_space<vmem>>, vector<16xi32>,
    %get3A_92 = vector.shape_cast %get3A_91 : vector<16xi32> to vector<16xi32>
    %mul3A_93 = arith.constant 2 : i32
    %mul3A_94 = vector.broadcast %mul3A_93 : i32 to vector<16xi32>
    %mul3A_95 = arith.muli %get3A_92, %mul3A_94 : vector<16xi32>
    %add3A_96 = vector.broadcast %arg0 : i32 to vector<16xi32>
    %add3A_97 = arith.addi %mul3A_95, %add3A_96 : vector<16xi32>
    %swap3A_98 = arith.constant 0 : i32
    %swap3A_99 = arith.index_cast %swap3A_98 : i32 to index
    %swap3A_100 = arith.constant 32 : index
    %swap3A_101 = tpu.vector_load %arg8[%swap3A_99, %swap3A_100] {strides = array<i32>} : memref<4x80xi32, #tpu.memory_space<vmem>>, vector<1x16xi32>,
    %swap3A_102 = vector.shape_cast %swap3A_101 : vector<1x16xi32> to vector<16xi32>
    %swap3A_103 = vector.shape_cast %add3A_97 : vector<16xi32> to vector<1x16xi32>
    tpu.vector_store %arg8[%swap3A_99, %swap3A_100], %swap3A_103 {strides = array<i32>} : memref<4x80xi32, #tpu.memory_space<vmem>>, vector<1x16xi32>,
    %get3A_104 = arith.constant 32 : index
    %get3A_105 = tpu.vector_load %arg7[%get3A_104] {strides = array<i32>} : memref<20000xi32, #tpu.memory_space<vmem>>, vector<16xi32>,
    %get3A_106 = vector.shape_cast %get3A_105 : vector<16xi32> to vector<16xi32>
    %swap3A_107 = arith.constant 0 : i32
    %swap3A_108 = arith.index_cast %swap3A_107 : i32 to index
    %swap3A_109 = arith.constant 32 : index
    %swap3A_110 = tpu.vector_load %arg9[%swap3A_108, %swap3A_109] {strides = array<i32>} : memref<4x80xi32, #tpu.memory_space<vmem>>, vector<1x16xi32>,
    %swap3A_111 = vector.shape_cast %swap3A_110 : vector<1x16xi32> to vector<16xi32>
    %swap3A_112 = vector.shape_cast %get3A_106 : vector<16xi32> to vector<1x16xi32>
    tpu.vector_store %arg9[%swap3A_108, %swap3A_109], %swap3A_112 {strides = array<i32>} : memref<4x80xi32, #tpu.memory_space<vmem>>, vector<1x16xi32>,
    %get3A_113 = arith.constant 48 : index
    %get3A_114 = tpu.vector_load %arg6[%get3A_113] {strides = array<i32>} : memref<20000xi32, #tpu.memory_space<vmem>>, vector<16xi32>,
    %get3A_115 = vector.shape_cast %get3A_114 : vector<16xi32> to vector<16xi32>
    %mul3A_116 = arith.constant 2 : i32
    %mul3A_117 = vector.broadcast %mul3A_116 : i32 to vector<16xi32>
    %mul3A_118 = arith.muli %get3A_115, %mul3A_117 : vector<16xi32>
    %add3A_119 = vector.broadcast %arg0 : i32 to vector<16xi32>
    %add3A_120 = arith.addi %mul3A_118, %add3A_119 : vector<16xi32>
    %swap3A_121 = arith.constant 0 : i32
    %swap3A_122 = arith.index_cast %swap3A_121 : i32 to index
    %swap3A_123 = arith.constant 48 : index
    %swap3A_124 = tpu.vector_load %arg8[%swap3A_122, %swap3A_123] {strides = array<i32>} : memref<4x80xi32, #tpu.memory_space<vmem>>, vector<1x16xi32>,
    %swap3A_125 = vector.shape_cast %swap3A_124 : vector<1x16xi32> to vector<16xi32>
    %swap3A_126 = vector.shape_cast %add3A_120 : vector<16xi32> to vector<1x16xi32>
    tpu.vector_store %arg8[%swap3A_122, %swap3A_123], %swap3A_126 {strides = array<i32>} : memref<4x80xi32, #tpu.memory_space<vmem>>, vector<1x16xi32>,
    %get3A_127 = arith.constant 48 : index
    %get3A_128 = tpu.vector_load %arg7[%get3A_127] {strides = array<i32>} : memref<20000xi32, #tpu.memory_space<vmem>>, vector<16xi32>,
    %get3A_129 = vector.shape_cast %get3A_128 : vector<16xi32> to vector<16xi32>
    %swap3A_130 = arith.constant 0 : i32
    %swap3A_131 = arith.index_cast %swap3A_130 : i32 to index
    %swap3A_132 = arith.constant 48 : index
    %swap3A_133 = tpu.vector_load %arg9[%swap3A_131, %swap3A_132] {strides = array<i32>} : memref<4x80xi32, #tpu.memory_space<vmem>>, vector<1x16xi32>,
    %swap3A_134 = vector.shape_cast %swap3A_133 : vector<1x16xi32> to vector<16xi32>
    %swap3A_135 = vector.shape_cast %get3A_129 : vector<16xi32> to vector<1x16xi32>
    tpu.vector_store %arg9[%swap3A_131, %swap3A_132], %swap3A_135 {strides = array<i32>} : memref<4x80xi32, #tpu.memory_space<vmem>>, vector<1x16xi32>,
    %get3A_136 = arith.constant 64 : index
    %get3A_137 = tpu.vector_load %arg6[%get3A_136] {strides = array<i32>} : memref<20000xi32, #tpu.memory_space<vmem>>, vector<16xi32>,
    %get3A_138 = vector.shape_cast %get3A_137 : vector<16xi32> to vector<16xi32>
    %mul3A_139 = arith.constant 2 : i32
    %mul3A_140 = vector.broadcast %mul3A_139 : i32 to vector<16xi32>
    %mul3A_141 = arith.muli %get3A_138, %mul3A_140 : vector<16xi32>
    %add3A_142 = vector.broadcast %arg0 : i32 to vector<16xi32>
    %add3A_143 = arith.addi %mul3A_141, %add3A_142 : vector<16xi32>
    %swap3A_144 = arith.constant 0 : i32
    %swap3A_145 = arith.index_cast %swap3A_144 : i32 to index
    %swap3A_146 = arith.constant 64 : index
    %swap3A_147 = tpu.vector_load %arg8[%swap3A_145, %swap3A_146] {strides = array<i32>} : memref<4x80xi32, #tpu.memory_space<vmem>>, vector<1x16xi32>,
    %swap3A_148 = vector.shape_cast %swap3A_147 : vector<1x16xi32> to vector<16xi32>
    %swap3A_149 = vector.shape_cast %add3A_143 : vector<16xi32> to vector<1x16xi32>
    tpu.vector_store %arg8[%swap3A_145, %swap3A_146], %swap3A_149 {strides = array<i32>} : memref<4x80xi32, #tpu.memory_space<vmem>>, vector<1x16xi32>,
    %get3A_150 = arith.constant 64 : index
    %get3A_151 = tpu.vector_load %arg7[%get3A_150] {strides = array<i32>} : memref<20000xi32, #tpu.memory_space<vmem>>, vector<16xi32>,
    %get3A_152 = vector.shape_cast %get3A_151 : vector<16xi32> to vector<16xi32>
    %swap3A_153 = arith.constant 0 : i32
    %swap3A_154 = arith.index_cast %swap3A_153 : i32 to index
    %swap3A_155 = arith.constant 64 : index
    %swap3A_156 = tpu.vector_load %arg9[%swap3A_154, %swap3A_155] {strides = array<i32>} : memref<4x80xi32, #tpu.memory_space<vmem>>, vector<1x16xi32>,
    %swap3A_157 = vector.shape_cast %swap3A_156 : vector<1x16xi32> to vector<16xi32>
    %swap3A_158 = vector.shape_cast %get3A_152 : vector<16xi32> to vector<1x16xi32>
    tpu.vector_store %arg9[%swap3A_154, %swap3A_155], %swap3A_158 {strides = array<i32>} : memref<4x80xi32, #tpu.memory_space<vmem>>, vector<1x16xi32>,
    %dma_start3A = arith.constant 0 : i32
    %dma_start3A_159 = arith.constant 0 : i32
    %dma_start3A_160 = arith.constant 0 : i32
    %dma_start3A_161 = arith.constant 0 : i32
    %dma_start3A_162 = arith.constant 0 : i32
    %dma_start3A_163 = tpu.memref_slice %arg10[%dma_start3A_159, %dma_start3A_161, %dma_start3A_162] : memref<4x80x64xf32, #tpu.memory_space<vmem>> -> memref<1x80x64xf32, #tpu.memory_space<vmem>>
    %dma_start3A_164 = tpu.memref_squeeze %dma_start3A_163 : memref<1x80x64xf32, #tpu.memory_space<vmem>> -> memref<80x64xf32, #tpu.memory_space<vmem>>
    %dma_start3A_165 = arith.constant 0 : i32
    %dma_start3A_166 = tpu.memref_slice %arg8[%dma_start3A, %dma_start3A_165] : memref<4x80xi32, #tpu.memory_space<vmem>> -> memref<1x80xi32, #tpu.memory_space<vmem>>
    %dma_start3A_167 = tpu.memref_squeeze %dma_start3A_166 : memref<1x80xi32, #tpu.memory_space<vmem>> -> memref<80xi32, #tpu.memory_space<vmem>>
    %dma_start3A_168 = arith.constant 0 : i32
    %dma_start3A_169 = arith.constant 0 : i32
    %dma_start3A_170 = tpu.memref_slice %arg2[%dma_start3A_168, %dma_start3A_169] : memref<20000x64xf32, #tpu.memory_space<hbm>> -> memref<20000x64xf32, #tpu.memory_space<hbm>>
    %dma_start3A_171 = tpu.memref_slice %arg12[%dma_start3A_160] : memref<4x!tpu.dma_semaphore, #tpu.memory_space<semaphore_mem>> -> memref<1x!tpu.dma_semaphore, #tpu.memory_space<semaphore_mem>>
    %dma_start3A_172 = tpu.memref_squeeze %dma_start3A_171 : memref<1x!tpu.dma_semaphore, #tpu.memory_space<semaphore_mem>> -> memref<!tpu.dma_semaphore, #tpu.memory_space<semaphore_mem>>
    tpu.enqueue_indirect_dma source(%dma_start3A_170 : memref<20000x64xf32, #tpu.memory_space<hbm>>) target(%dma_start3A_164 : memref<80x64xf32, #tpu.memory_space<vmem>>) offsets(%dma_start3A_167 : memref<80xi32, #tpu.memory_space<vmem>>) semaphore(%dma_start3A_172 : memref<!tpu.dma_semaphore, #tpu.memory_space<semaphore_mem>>)
    %get3A_173 = arith.constant 80 : index
    %get3A_174 = tpu.vector_load %arg6[%get3A_173] {strides = array<i32>} : memref<20000xi32, #tpu.memory_space<vmem>>, vector<16xi32>,
    %get3A_175 = vector.shape_cast %get3A_174 : vector<16xi32> to vector<16xi32>
    %mul3A_176 = arith.constant 2 : i32
    %mul3A_177 = vector.broadcast %mul3A_176 : i32 to vector<16xi32>
    %mul3A_178 = arith.muli %get3A_175, %mul3A_177 : vector<16xi32>
    %add3A_179 = vector.broadcast %arg0 : i32 to vector<16xi32>
    %add3A_180 = arith.addi %mul3A_178, %add3A_179 : vector<16xi32>
    %swap3A_181 = arith.constant 1 : i32
    %swap3A_182 = arith.index_cast %swap3A_181 : i32 to index
    %swap3A_183 = arith.constant 0 : index
    %swap3A_184 = tpu.vector_load %arg8[%swap3A_182, %swap3A_183] {strides = array<i32>} : memref<4x80xi32, #tpu.memory_space<vmem>>, vector<1x16xi32>,
    %swap3A_185 = vector.shape_cast %swap3A_184 : vector<1x16xi32> to vector<16xi32>
    %swap3A_186 = vector.shape_cast %add3A_180 : vector<16xi32> to vector<1x16xi32>
    tpu.vector_store %arg8[%swap3A_182, %swap3A_183], %swap3A_186 {strides = array<i32>} : memref<4x80xi32, #tpu.memory_space<vmem>>, vector<1x16xi32>,
    %get3A_187 = arith.constant 80 : index
    %get3A_188 = tpu.vector_load %arg7[%get3A_187] {strides = array<i32>} : memref<20000xi32, #tpu.memory_space<vmem>>, vector<16xi32>,
    %get3A_189 = vector.shape_cast %get3A_188 : vector<16xi32> to vector<16xi32>
    %swap3A_190 = arith.constant 1 : i32
    %swap3A_191 = arith.index_cast %swap3A_190 : i32 to index
    %swap3A_192 = arith.constant 0 : index
    %swap3A_193 = tpu.vector_load %arg9[%swap3A_191, %swap3A_192] {strides = array<i32>} : memref<4x80xi32, #tpu.memory_space<vmem>>, vector<1x16xi32>,
    %swap3A_194 = vector.shape_cast %swap3A_193 : vector<1x16xi32> to vector<16xi32>
    %swap3A_195 = vector.shape_cast %get3A_189 : vector<16xi32> to vector<1x16xi32>
    tpu.vector_store %arg9[%swap3A_191, %swap3A_192], %swap3A_195 {strides = array<i32>} : memref<4x80xi32, #tpu.memory_space<vmem>>, vector<1x16xi32>,
    %get3A_196 = arith.constant 96 : index
    %get3A_197 = tpu.vector_load %arg6[%get3A_196] {strides = array<i32>} : memref<20000xi32, #tpu.memory_space<vmem>>, vector<16xi32>,
    %get3A_198 = vector.shape_cast %get3A_197 : vector<16xi32> to vector<16xi32>
    %mul3A_199 = arith.constant 2 : i32
    %mul3A_200 = vector.broadcast %mul3A_199 : i32 to vector<16xi32>
    %mul3A_201 = arith.muli %get3A_198, %mul3A_200 : vector<16xi32>
    %add3A_202 = vector.broadcast %arg0 : i32 to vector<16xi32>
    %add3A_203 = arith.addi %mul3A_201, %add3A_202 : vector<16xi32>
    %swap3A_204 = arith.constant 1 : i32
    %swap3A_205 = arith.index_cast %swap3A_204 : i32 to index
    %swap3A_206 = arith.constant 16 : index
    %swap3A_207 = tpu.vector_load %arg8[%swap3A_205, %swap3A_206] {strides = array<i32>} : memref<4x80xi32, #tpu.memory_space<vmem>>, vector<1x16xi32>,
    %swap3A_208 = vector.shape_cast %swap3A_207 : vector<1x16xi32> to vector<16xi32>
    %swap3A_209 = vector.shape_cast %add3A_203 : vector<16xi32> to vector<1x16xi32>
    tpu.vector_store %arg8[%swap3A_205, %swap3A_206], %swap3A_209 {strides = array<i32>} : memref<4x80xi32, #tpu.memory_space<vmem>>, vector<1x16xi32>,
    %get3A_210 = arith.constant 96 : index
    %get3A_211 = tpu.vector_load %arg7[%get3A_210] {strides = array<i32>} : memref<20000xi32, #tpu.memory_space<vmem>>, vector<16xi32>,
    %get3A_212 = vector.shape_cast %get3A_211 : vector<16xi32> to vector<16xi32>
    %swap3A_213 = arith.constant 1 : i32
    %swap3A_214 = arith.index_cast %swap3A_213 : i32 to index
    %swap3A_215 = arith.constant 16 : index
    %swap3A_216 = tpu.vector_load %arg9[%swap3A_214, %swap3A_215] {strides = array<i32>} : memref<4x80xi32, #tpu.memory_space<vmem>>, vector<1x16xi32>,
    %swap3A_217 = vector.shape_cast %swap3A_216 : vector<1x16xi32> to vector<16xi32>
    %swap3A_218 = vector.shape_cast %get3A_212 : vector<16xi32> to vector<1x16xi32>
    tpu.vector_store %arg9[%swap3A_214, %swap3A_215], %swap3A_218 {strides = array<i32>} : memref<4x80xi32, #tpu.memory_space<vmem>>, vector<1x16xi32>,
    %get3A_219 = arith.constant 112 : index
    %get3A_220 = tpu.vector_load %arg6[%get3A_219] {strides = array<i32>} : memref<20000xi32, #tpu.memory_space<vmem>>, vector<16xi32>,
    %get3A_221 = vector.shape_cast %get3A_220 : vector<16xi32> to vector<16xi32>
    %mul3A_222 = arith.constant 2 : i32
    %mul3A_223 = vector.broadcast %mul3A_222 : i32 to vector<16xi32>
    %mul3A_224 = arith.muli %get3A_221, %mul3A_223 : vector<16xi32>
    %add3A_225 = vector.broadcast %arg0 : i32 to vector<16xi32>
    %add3A_226 = arith.addi %mul3A_224, %add3A_225 : vector<16xi32>
    %swap3A_227 = arith.constant 1 : i32
    %swap3A_228 = arith.index_cast %swap3A_227 : i32 to index
    %swap3A_229 = arith.constant 32 : index
    %swap3A_230 = tpu.vector_load %arg8[%swap3A_228, %swap3A_229] {strides = array<i32>} : memref<4x80xi32, #tpu.memory_space<vmem>>, vector<1x16xi32>,
    %swap3A_231 = vector.shape_cast %swap3A_230 : vector<1x16xi32> to vector<16xi32>
    %swap3A_232 = vector.shape_cast %add3A_226 : vector<16xi32> to vector<1x16xi32>
    tpu.vector_store %arg8[%swap3A_228, %swap3A_229], %swap3A_232 {strides = array<i32>} : memref<4x80xi32, #tpu.memory_space<vmem>>, vector<1x16xi32>,
    %get3A_233 = arith.constant 112 : index
    %get3A_234 = tpu.vector_load %arg7[%get3A_233] {strides = array<i32>} : memref<20000xi32, #tpu.memory_space<vmem>>, vector<16xi32>,
    %get3A_235 = vector.shape_cast %get3A_234 : vector<16xi32> to vector<16xi32>
    %swap3A_236 = arith.constant 1 : i32
    %swap3A_237 = arith.index_cast %swap3A_236 : i32 to index
    %swap3A_238 = arith.constant 32 : index
    %swap3A_239 = tpu.vector_load %arg9[%swap3A_237, %swap3A_238] {strides = array<i32>} : memref<4x80xi32, #tpu.memory_space<vmem>>, vector<1x16xi32>,
    %swap3A_240 = vector.shape_cast %swap3A_239 : vector<1x16xi32> to vector<16xi32>
    %swap3A_241 = vector.shape_cast %get3A_235 : vector<16xi32> to vector<1x16xi32>
    tpu.vector_store %arg9[%swap3A_237, %swap3A_238], %swap3A_241 {strides = array<i32>} : memref<4x80xi32, #tpu.memory_space<vmem>>, vector<1x16xi32>,
    %get3A_242 = arith.constant 128 : index
    %get3A_243 = tpu.vector_load %arg6[%get3A_242] {strides = array<i32>} : memref<20000xi32, #tpu.memory_space<vmem>>, vector<16xi32>,
    %get3A_244 = vector.shape_cast %get3A_243 : vector<16xi32> to vector<16xi32>
    %mul3A_245 = arith.constant 2 : i32
    %mul3A_246 = vector.broadcast %mul3A_245 : i32 to vector<16xi32>
    %mul3A_247 = arith.muli %get3A_244, %mul3A_246 : vector<16xi32>
    %add3A_248 = vector.broadcast %arg0 : i32 to vector<16xi32>
    %add3A_249 = arith.addi %mul3A_247, %add3A_248 : vector<16xi32>
    %swap3A_250 = arith.constant 1 : i32
    %swap3A_251 = arith.index_cast %swap3A_250 : i32 to index
    %swap3A_252 = arith.constant 48 : index
    %swap3A_253 = tpu.vector_load %arg8[%swap3A_251, %swap3A_252] {strides = array<i32>} : memref<4x80xi32, #tpu.memory_space<vmem>>, vector<1x16xi32>,
    %swap3A_254 = vector.shape_cast %swap3A_253 : vector<1x16xi32> to vector<16xi32>
    %swap3A_255 = vector.shape_cast %add3A_249 : vector<16xi32> to vector<1x16xi32>
    tpu.vector_store %arg8[%swap3A_251, %swap3A_252], %swap3A_255 {strides = array<i32>} : memref<4x80xi32, #tpu.memory_space<vmem>>, vector<1x16xi32>,
    %get3A_256 = arith.constant 128 : index
    %get3A_257 = tpu.vector_load %arg7[%get3A_256] {strides = array<i32>} : memref<20000xi32, #tpu.memory_space<vmem>>, vector<16xi32>,
    %get3A_258 = vector.shape_cast %get3A_257 : vector<16xi32> to vector<16xi32>
    %swap3A_259 = arith.constant 1 : i32
    %swap3A_260 = arith.index_cast %swap3A_259 : i32 to index
    %swap3A_261 = arith.constant 48 : index
    %swap3A_262 = tpu.vector_load %arg9[%swap3A_260, %swap3A_261] {strides = array<i32>} : memref<4x80xi32, #tpu.memory_space<vmem>>, vector<1x16xi32>,
    %swap3A_263 = vector.shape_cast %swap3A_262 : vector<1x16xi32> to vector<16xi32>
    %swap3A_264 = vector.shape_cast %get3A_258 : vector<16xi32> to vector<1x16xi32>
    tpu.vector_store %arg9[%swap3A_260, %swap3A_261], %swap3A_264 {strides = array<i32>} : memref<4x80xi32, #tpu.memory_space<vmem>>, vector<1x16xi32>,
    %get3A_265 = arith.constant 144 : index
    %get3A_266 = tpu.vector_load %arg6[%get3A_265] {strides = array<i32>} : memref<20000xi32, #tpu.memory_space<vmem>>, vector<16xi32>,
    %get3A_267 = vector.shape_cast %get3A_266 : vector<16xi32> to vector<16xi32>
    %mul3A_268 = arith.constant 2 : i32
    %mul3A_269 = vector.broadcast %mul3A_268 : i32 to vector<16xi32>
    %mul3A_270 = arith.muli %get3A_267, %mul3A_269 : vector<16xi32>
    %add3A_271 = vector.broadcast %arg0 : i32 to vector<16xi32>
    %add3A_272 = arith.addi %mul3A_270, %add3A_271 : vector<16xi32>
    %swap3A_273 = arith.constant 1 : i32
    %swap3A_274 = arith.index_cast %swap3A_273 : i32 to index
    %swap3A_275 = arith.constant 64 : index
    %swap3A_276 = tpu.vector_load %arg8[%swap3A_274, %swap3A_275] {strides = array<i32>} : memref<4x80xi32, #tpu.memory_space<vmem>>, vector<1x16xi32>,
    %swap3A_277 = vector.shape_cast %swap3A_276 : vector<1x16xi32> to vector<16xi32>
    %swap3A_278 = vector.shape_cast %add3A_272 : vector<16xi32> to vector<1x16xi32>
    tpu.vector_store %arg8[%swap3A_274, %swap3A_275], %swap3A_278 {strides = array<i32>} : memref<4x80xi32, #tpu.memory_space<vmem>>, vector<1x16xi32>,
    %get3A_279 = arith.constant 144 : index
    %get3A_280 = tpu.vector_load %arg7[%get3A_279] {strides = array<i32>} : memref<20000xi32, #tpu.memory_space<vmem>>, vector<16xi32>,
    %get3A_281 = vector.shape_cast %get3A_280 : vector<16xi32> to vector<16xi32>
    %swap3A_282 = arith.constant 1 : i32
    %swap3A_283 = arith.index_cast %swap3A_282 : i32 to index
    %swap3A_284 = arith.constant 64 : index
    %swap3A_285 = tpu.vector_load %arg9[%swap3A_283, %swap3A_284] {strides = array<i32>} : memref<4x80xi32, #tpu.memory_space<vmem>>, vector<1x16xi32>,
    %swap3A_286 = vector.shape_cast %swap3A_285 : vector<1x16xi32> to vector<16xi32>
    %swap3A_287 = vector.shape_cast %get3A_281 : vector<16xi32> to vector<1x16xi32>
    tpu.vector_store %arg9[%swap3A_283, %swap3A_284], %swap3A_287 {strides = array<i32>} : memref<4x80xi32, #tpu.memory_space<vmem>>, vector<1x16xi32>,
    %dma_start3A_288 = arith.constant 1 : i32
    %dma_start3A_289 = arith.constant 1 : i32
    %dma_start3A_290 = arith.constant 1 : i32
    %dma_start3A_291 = arith.constant 0 : i32
    %dma_start3A_292 = arith.constant 0 : i32
    %dma_start3A_293 = tpu.memref_slice %arg10[%dma_start3A_289, %dma_start3A_291, %dma_start3A_292] : memref<4x80x64xf32, #tpu.memory_space<vmem>> -> memref<1x80x64xf32, #tpu.memory_space<vmem>>
    %dma_start3A_294 = tpu.memref_squeeze %dma_start3A_293 : memref<1x80x64xf32, #tpu.memory_space<vmem>> -> memref<80x64xf32, #tpu.memory_space<vmem>>
    %dma_start3A_295 = arith.constant 0 : i32
    %dma_start3A_296 = tpu.memref_slice %arg8[%dma_start3A_288, %dma_start3A_295] : memref<4x80xi32, #tpu.memory_space<vmem>> -> memref<1x80xi32, #tpu.memory_space<vmem>>
    %dma_start3A_297 = tpu.memref_squeeze %dma_start3A_296 : memref<1x80xi32, #tpu.memory_space<vmem>> -> memref<80xi32, #tpu.memory_space<vmem>>
    %dma_start3A_298 = arith.constant 0 : i32
    %dma_start3A_299 = arith.constant 0 : i32
    %dma_start3A_300 = tpu.memref_slice %arg2[%dma_start3A_298, %dma_start3A_299] : memref<20000x64xf32, #tpu.memory_space<hbm>> -> memref<20000x64xf32, #tpu.memory_space<hbm>>
    %dma_start3A_301 = tpu.memref_slice %arg12[%dma_start3A_290] : memref<4x!tpu.dma_semaphore, #tpu.memory_space<semaphore_mem>> -> memref<1x!tpu.dma_semaphore, #tpu.memory_space<semaphore_mem>>
    %dma_start3A_302 = tpu.memref_squeeze %dma_start3A_301 : memref<1x!tpu.dma_semaphore, #tpu.memory_space<semaphore_mem>> -> memref<!tpu.dma_semaphore, #tpu.memory_space<semaphore_mem>>
    tpu.enqueue_indirect_dma source(%dma_start3A_300 : memref<20000x64xf32, #tpu.memory_space<hbm>>) target(%dma_start3A_294 : memref<80x64xf32, #tpu.memory_space<vmem>>) offsets(%dma_start3A_297 : memref<80xi32, #tpu.memory_space<vmem>>) semaphore(%dma_start3A_302 : memref<!tpu.dma_semaphore, #tpu.memory_space<semaphore_mem>>)
    %dma_wait3A = arith.constant 0 : i32
    %dma_wait3A_303 = arith.constant 0 : i32
    %dma_wait3A_304 = arith.constant 0 : i32
    %dma_wait3A_305 = arith.constant 0 : i32
    %dma_wait3A_306 = arith.constant 0 : i32
    %dma_wait3A_307 = tpu.memref_slice %arg10[%dma_wait3A_303, %dma_wait3A_305, %dma_wait3A_306] : memref<4x80x64xf32, #tpu.memory_space<vmem>> -> memref<1x80x64xf32, #tpu.memory_space<vmem>>
    %dma_wait3A_308 = tpu.memref_squeeze %dma_wait3A_307 : memref<1x80x64xf32, #tpu.memory_space<vmem>> -> memref<80x64xf32, #tpu.memory_space<vmem>>
    %dma_wait3A_309 = arith.constant 0 : i32
    %dma_wait3A_310 = tpu.memref_slice %arg8[%dma_wait3A, %dma_wait3A_309] : memref<4x80xi32, #tpu.memory_space<vmem>> -> memref<1x80xi32, #tpu.memory_space<vmem>>
    %dma_wait3A_311 = tpu.memref_squeeze %dma_wait3A_310 : memref<1x80xi32, #tpu.memory_space<vmem>> -> memref<80xi32, #tpu.memory_space<vmem>>
    %dma_wait3A_312 = arith.constant 0 : i32
    %dma_wait3A_313 = arith.constant 0 : i32
    %dma_wait3A_314 = tpu.memref_slice %arg2[%dma_wait3A_312, %dma_wait3A_313] : memref<20000x64xf32, #tpu.memory_space<hbm>> -> memref<20000x64xf32, #tpu.memory_space<hbm>>
    %dma_wait3A_315 = tpu.memref_slice %arg12[%dma_wait3A_304] : memref<4x!tpu.dma_semaphore, #tpu.memory_space<semaphore_mem>> -> memref<1x!tpu.dma_semaphore, #tpu.memory_space<semaphore_mem>>
    %dma_wait3A_316 = tpu.memref_squeeze %dma_wait3A_315 : memref<1x!tpu.dma_semaphore, #tpu.memory_space<semaphore_mem>> -> memref<!tpu.dma_semaphore, #tpu.memory_space<semaphore_mem>>
    tpu.wait_indirect_dma semaphore(%dma_wait3A_316 : memref<!tpu.dma_semaphore, #tpu.memory_space<semaphore_mem>>) src(%dma_wait3A_314 : memref<20000x64xf32, #tpu.memory_space<hbm>>) dst(%dma_wait3A_308 : memref<80x64xf32, #tpu.memory_space<vmem>>)
    %dma_start3A_317 = arith.constant 0 : i32
    %dma_start3A_318 = arith.constant 0 : i32
    %dma_start3A_319 = arith.constant 0 : i32
    %dma_start3A_320 = arith.constant 0 : i32
    %dma_start3A_321 = arith.constant 0 : i32
    %dma_start3A_322 = tpu.memref_slice %arg10[%dma_start3A_317, %dma_start3A_320, %dma_start3A_321] : memref<4x80x64xf32, #tpu.memory_space<vmem>> -> memref<1x80x64xf32, #tpu.memory_space<vmem>>
    %dma_start3A_323 = tpu.memref_squeeze %dma_start3A_322 : memref<1x80x64xf32, #tpu.memory_space<vmem>> -> memref<80x64xf32, #tpu.memory_space<vmem>>
    %dma_start3A_324 = arith.constant 0 : i32
    %dma_start3A_325 = tpu.memref_slice %arg9[%dma_start3A_318, %dma_start3A_324] : memref<4x80xi32, #tpu.memory_space<vmem>> -> memref<1x80xi32, #tpu.memory_space<vmem>>
    %dma_start3A_326 = tpu.memref_squeeze %dma_start3A_325 : memref<1x80xi32, #tpu.memory_space<vmem>> -> memref<80xi32, #tpu.memory_space<vmem>>
    %dma_start3A_327 = arith.constant 0 : i32
    %dma_start3A_328 = arith.constant 0 : i32
    %dma_start3A_329 = tpu.memref_slice %arg11[%dma_start3A_327, %dma_start3A_328] : memref<10240x64xf32, #tpu.memory_space<vmem_shared>> -> memref<10240x64xf32, #tpu.memory_space<vmem_shared>>
    %dma_start3A_330 = tpu.memref_slice %arg13[%dma_start3A_319] : memref<4x!tpu.dma_semaphore, #tpu.memory_space<semaphore_mem>> -> memref<1x!tpu.dma_semaphore, #tpu.memory_space<semaphore_mem>>
    %dma_start3A_331 = tpu.memref_squeeze %dma_start3A_330 : memref<1x!tpu.dma_semaphore, #tpu.memory_space<semaphore_mem>> -> memref<!tpu.dma_semaphore, #tpu.memory_space<semaphore_mem>>
    tpu.enqueue_indirect_dma source(%dma_start3A_323 : memref<80x64xf32, #tpu.memory_space<vmem>>) target(%dma_start3A_329 : memref<10240x64xf32, #tpu.memory_space<vmem_shared>>) offsets(%dma_start3A_326 : memref<80xi32, #tpu.memory_space<vmem>>) semaphore(%dma_start3A_331 : memref<!tpu.dma_semaphore, #tpu.memory_space<semaphore_mem>>) {add = true}
    %get3A_332 = arith.constant 160 : index
    %get3A_333 = tpu.vector_load %arg6[%get3A_332] {strides = array<i32>} : memref<20000xi32, #tpu.memory_space<vmem>>, vector<16xi32>,
    %get3A_334 = vector.shape_cast %get3A_333 : vector<16xi32> to vector<16xi32>
    %mul3A_335 = arith.constant 2 : i32
    %mul3A_336 = vector.broadcast %mul3A_335 : i32 to vector<16xi32>
    %mul3A_337 = arith.muli %get3A_334, %mul3A_336 : vector<16xi32>
    %add3A_338 = vector.broadcast %arg0 : i32 to vector<16xi32>
    %add3A_339 = arith.addi %mul3A_337, %add3A_338 : vector<16xi32>
    %swap3A_340 = arith.constant 2 : i32
    %swap3A_341 = arith.index_cast %swap3A_340 : i32 to index
    %swap3A_342 = arith.constant 0 : index
    %swap3A_343 = tpu.vector_load %arg8[%swap3A_341, %swap3A_342] {strides = array<i32>} : memref<4x80xi32, #tpu.memory_space<vmem>>, vector<1x16xi32>,
    %swap3A_344 = vector.shape_cast %swap3A_343 : vector<1x16xi32> to vector<16xi32>
    %swap3A_345 = vector.shape_cast %add3A_339 : vector<16xi32> to vector<1x16xi32>
    tpu.vector_store %arg8[%swap3A_341, %swap3A_342], %swap3A_345 {strides = array<i32>} : memref<4x80xi32, #tpu.memory_space<vmem>>, vector<1x16xi32>,
    %get3A_346 = arith.constant 160 : index
    %get3A_347 = tpu.vector_load %arg7[%get3A_346] {strides = array<i32>} : memref<20000xi32, #tpu.memory_space<vmem>>, vector<16xi32>,
    %get3A_348 = vector.shape_cast %get3A_347 : vector<16xi32> to vector<16xi32>
    %swap3A_349 = arith.constant 2 : i32
    %swap3A_350 = arith.index_cast %swap3A_349 : i32 to index
    %swap3A_351 = arith.constant 0 : index
    %swap3A_352 = tpu.vector_load %arg9[%swap3A_350, %swap3A_351] {strides = array<i32>} : memref<4x80xi32, #tpu.memory_space<vmem>>, vector<1x16xi32>,
    %swap3A_353 = vector.shape_cast %swap3A_352 : vector<1x16xi32> to vector<16xi32>
    %swap3A_354 = vector.shape_cast %get3A_348 : vector<16xi32> to vector<1x16xi32>
    tpu.vector_store %arg9[%swap3A_350, %swap3A_351], %swap3A_354 {strides = array<i32>} : memref<4x80xi32, #tpu.memory_space<vmem>>, vector<1x16xi32>,
    %get3A_355 = arith.constant 176 : index
    %get3A_356 = tpu.vector_load %arg6[%get3A_355] {strides = array<i32>} : memref<20000xi32, #tpu.memory_space<vmem>>, vector<16xi32>,
    %get3A_357 = vector.shape_cast %get3A_356 : vector<16xi32> to vector<16xi32>
    %mul3A_358 = arith.constant 2 : i32
    %mul3A_359 = vector.broadcast %mul3A_358 : i32 to vector<16xi32>
    %mul3A_360 = arith.muli %get3A_357, %mul3A_359 : vector<16xi32>
    %add3A_361 = vector.broadcast %arg0 : i32 to vector<16xi32>
    %add3A_362 = arith.addi %mul3A_360, %add3A_361 : vector<16xi32>
    %swap3A_363 = arith.constant 2 : i32
    %swap3A_364 = arith.index_cast %swap3A_363 : i32 to index
    %swap3A_365 = arith.constant 16 : index
    %swap3A_366 = tpu.vector_load %arg8[%swap3A_364, %swap3A_365] {strides = array<i32>} : memref<4x80xi32, #tpu.memory_space<vmem>>, vector<1x16xi32>,
    %swap3A_367 = vector.shape_cast %swap3A_366 : vector<1x16xi32> to vector<16xi32>
    %swap3A_368 = vector.shape_cast %add3A_362 : vector<16xi32> to vector<1x16xi32>
    tpu.vector_store %arg8[%swap3A_364, %swap3A_365], %swap3A_368 {strides = array<i32>} : memref<4x80xi32, #tpu.memory_space<vmem>>, vector<1x16xi32>,
    %get3A_369 = arith.constant 176 : index
    %get3A_370 = tpu.vector_load %arg7[%get3A_369] {strides = array<i32>} : memref<20000xi32, #tpu.memory_space<vmem>>, vector<16xi32>,
    %get3A_371 = vector.shape_cast %get3A_370 : vector<16xi32> to vector<16xi32>
    %swap3A_372 = arith.constant 2 : i32
    %swap3A_373 = arith.index_cast %swap3A_372 : i32 to index
    %swap3A_374 = arith.constant 16 : index
    %swap3A_375 = tpu.vector_load %arg9[%swap3A_373, %swap3A_374] {strides = array<i32>} : memref<4x80xi32, #tpu.memory_space<vmem>>, vector<1x16xi32>,
    %swap3A_376 = vector.shape_cast %swap3A_375 : vector<1x16xi32> to vector<16xi32>
    %swap3A_377 = vector.shape_cast %get3A_371 : vector<16xi32> to vector<1x16xi32>
    tpu.vector_store %arg9[%swap3A_373, %swap3A_374], %swap3A_377 {strides = array<i32>} : memref<4x80xi32, #tpu.memory_space<vmem>>, vector<1x16xi32>,
    %get3A_378 = arith.constant 192 : index
    %get3A_379 = tpu.vector_load %arg6[%get3A_378] {strides = array<i32>} : memref<20000xi32, #tpu.memory_space<vmem>>, vector<16xi32>,
    %get3A_380 = vector.shape_cast %get3A_379 : vector<16xi32> to vector<16xi32>
    %mul3A_381 = arith.constant 2 : i32
    %mul3A_382 = vector.broadcast %mul3A_381 : i32 to vector<16xi32>
    %mul3A_383 = arith.muli %get3A_380, %mul3A_382 : vector<16xi32>
    %add3A_384 = vector.broadcast %arg0 : i32 to vector<16xi32>
    %add3A_385 = arith.addi %mul3A_383, %add3A_384 : vector<16xi32>
    %swap3A_386 = arith.constant 2 : i32
    %swap3A_387 = arith.index_cast %swap3A_386 : i32 to index
    %swap3A_388 = arith.constant 32 : index
    %swap3A_389 = tpu.vector_load %arg8[%swap3A_387, %swap3A_388] {strides = array<i32>} : memref<4x80xi32, #tpu.memory_space<vmem>>, vector<1x16xi32>,
    %swap3A_390 = vector.shape_cast %swap3A_389 : vector<1x16xi32> to vector<16xi32>
    %swap3A_391 = vector.shape_cast %add3A_385 : vector<16xi32> to vector<1x16xi32>
    tpu.vector_store %arg8[%swap3A_387, %swap3A_388], %swap3A_391 {strides = array<i32>} : memref<4x80xi32, #tpu.memory_space<vmem>>, vector<1x16xi32>,
    %get3A_392 = arith.constant 192 : index
    %get3A_393 = tpu.vector_load %arg7[%get3A_392] {strides = array<i32>} : memref<20000xi32, #tpu.memory_space<vmem>>, vector<16xi32>,
    %get3A_394 = vector.shape_cast %get3A_393 : vector<16xi32> to vector<16xi32>
    %swap3A_395 = arith.constant 2 : i32
    %swap3A_396 = arith.index_cast %swap3A_395 : i32 to index
    %swap3A_397 = arith.constant 32 : index
    %swap3A_398 = tpu.vector_load %arg9[%swap3A_396, %swap3A_397] {strides = array<i32>} : memref<4x80xi32, #tpu.memory_space<vmem>>, vector<1x16xi32>,
    %swap3A_399 = vector.shape_cast %swap3A_398 : vector<1x16xi32> to vector<16xi32>
    %swap3A_400 = vector.shape_cast %get3A_394 : vector<16xi32> to vector<1x16xi32>
    tpu.vector_store %arg9[%swap3A_396, %swap3A_397], %swap3A_400 {strides = array<i32>} : memref<4x80xi32, #tpu.memory_space<vmem>>, vector<1x16xi32>,
    %get3A_401 = arith.constant 208 : index
    %get3A_402 = tpu.vector_load %arg6[%get3A_401] {strides = array<i32>} : memref<20000xi32, #tpu.memory_space<vmem>>, vector<16xi32>,
    %get3A_403 = vector.shape_cast %get3A_402 : vector<16xi32> to vector<16xi32>
    %mul3A_404 = arith.constant 2 : i32
    %mul3A_405 = vector.broadcast %mul3A_404 : i32 to vector<16xi32>
    %mul3A_406 = arith.muli %get3A_403, %mul3A_405 : vector<16xi32>
    %add3A_407 = vector.broadcast %arg0 : i32 to vector<16xi32>
    %add3A_408 = arith.addi %mul3A_406, %add3A_407 : vector<16xi32>
    %swap3A_409 = arith.constant 2 : i32
    %swap3A_410 = arith.index_cast %swap3A_409 : i32 to index
    %swap3A_411 = arith.constant 48 : index
    %swap3A_412 = tpu.vector_load %arg8[%swap3A_410, %swap3A_411] {strides = array<i32>} : memref<4x80xi32, #tpu.memory_space<vmem>>, vector<1x16xi32>,
    %swap3A_413 = vector.shape_cast %swap3A_412 : vector<1x16xi32> to vector<16xi32>
    %swap3A_414 = vector.shape_cast %add3A_408 : vector<16xi32> to vector<1x16xi32>
    tpu.vector_store %arg8[%swap3A_410, %swap3A_411], %swap3A_414 {strides = array<i32>} : memref<4x80xi32, #tpu.memory_space<vmem>>, vector<1x16xi32>,
    %get3A_415 = arith.constant 208 : index
    %get3A_416 = tpu.vector_load %arg7[%get3A_415] {strides = array<i32>} : memref<20000xi32, #tpu.memory_space<vmem>>, vector<16xi32>,
    %get3A_417 = vector.shape_cast %get3A_416 : vector<16xi32> to vector<16xi32>
    %swap3A_418 = arith.constant 2 : i32
    %swap3A_419 = arith.index_cast %swap3A_418 : i32 to index
    %swap3A_420 = arith.constant 48 : index
    %swap3A_421 = tpu.vector_load %arg9[%swap3A_419, %swap3A_420] {strides = array<i32>} : memref<4x80xi32, #tpu.memory_space<vmem>>, vector<1x16xi32>,
    %swap3A_422 = vector.shape_cast %swap3A_421 : vector<1x16xi32> to vector<16xi32>
    %swap3A_423 = vector.shape_cast %get3A_417 : vector<16xi32> to vector<1x16xi32>
    tpu.vector_store %arg9[%swap3A_419, %swap3A_420], %swap3A_423 {strides = array<i32>} : memref<4x80xi32, #tpu.memory_space<vmem>>, vector<1x16xi32>,
    %get3A_424 = arith.constant 224 : index
    %get3A_425 = tpu.vector_load %arg6[%get3A_424] {strides = array<i32>} : memref<20000xi32, #tpu.memory_space<vmem>>, vector<16xi32>,
    %get3A_426 = vector.shape_cast %get3A_425 : vector<16xi32> to vector<16xi32>
    %mul3A_427 = arith.constant 2 : i32
    %mul3A_428 = vector.broadcast %mul3A_427 : i32 to vector<16xi32>
    %mul3A_429 = arith.muli %get3A_426, %mul3A_428 : vector<16xi32>
    %add3A_430 = vector.broadcast %arg0 : i32 to vector<16xi32>
    %add3A_431 = arith.addi %mul3A_429, %add3A_430 : vector<16xi32>
    %swap3A_432 = arith.constant 2 : i32
    %swap3A_433 = arith.index_cast %swap3A_432 : i32 to index
    %swap3A_434 = arith.constant 64 : index
    %swap3A_435 = tpu.vector_load %arg8[%swap3A_433, %swap3A_434] {strides = array<i32>} : memref<4x80xi32, #tpu.memory_space<vmem>>, vector<1x16xi32>,
    %swap3A_436 = vector.shape_cast %swap3A_435 : vector<1x16xi32> to vector<16xi32>
    %swap3A_437 = vector.shape_cast %add3A_431 : vector<16xi32> to vector<1x16xi32>
    tpu.vector_store %arg8[%swap3A_433, %swap3A_434], %swap3A_437 {strides = array<i32>} : memref<4x80xi32, #tpu.memory_space<vmem>>, vector<1x16xi32>,
    %get3A_438 = arith.constant 224 : index
    %get3A_439 = tpu.vector_load %arg7[%get3A_438] {strides = array<i32>} : memref<20000xi32, #tpu.memory_space<vmem>>, vector<16xi32>,
    %get3A_440 = vector.shape_cast %get3A_439 : vector<16xi32> to vector<16xi32>
    %swap3A_441 = arith.constant 2 : i32
    %swap3A_442 = arith.index_cast %swap3A_441 : i32 to index
    %swap3A_443 = arith.constant 64 : index
    %swap3A_444 = tpu.vector_load %arg9[%swap3A_442, %swap3A_443] {strides = array<i32>} : memref<4x80xi32, #tpu.memory_space<vmem>>, vector<1x16xi32>,
    %swap3A_445 = vector.shape_cast %swap3A_444 : vector<1x16xi32> to vector<16xi32>
    %swap3A_446 = vector.shape_cast %get3A_440 : vector<16xi32> to vector<1x16xi32>
    tpu.vector_store %arg9[%swap3A_442, %swap3A_443], %swap3A_446 {strides = array<i32>} : memref<4x80xi32, #tpu.memory_space<vmem>>, vector<1x16xi32>,
    %dma_start3A_447 = arith.constant 2 : i32
    %dma_start3A_448 = arith.constant 2 : i32
    %dma_start3A_449 = arith.constant 2 : i32
    %dma_start3A_450 = arith.constant 0 : i32
    %dma_start3A_451 = arith.constant 0 : i32
    %dma_start3A_452 = tpu.memref_slice %arg10[%dma_start3A_448, %dma_start3A_450, %dma_start3A_451] : memref<4x80x64xf32, #tpu.memory_space<vmem>> -> memref<1x80x64xf32, #tpu.memory_space<vmem>>
    %dma_start3A_453 = tpu.memref_squeeze %dma_start3A_452 : memref<1x80x64xf32, #tpu.memory_space<vmem>> -> memref<80x64xf32, #tpu.memory_space<vmem>>
    %dma_start3A_454 = arith.constant 0 : i32
    %dma_start3A_455 = tpu.memref_slice %arg8[%dma_start3A_447, %dma_start3A_454] : memref<4x80xi32, #tpu.memory_space<vmem>> -> memref<1x80xi32, #tpu.memory_space<vmem>>
    %dma_start3A_456 = tpu.memref_squeeze %dma_start3A_455 : memref<1x80xi32, #tpu.memory_space<vmem>> -> memref<80xi32, #tpu.memory_space<vmem>>
    %dma_start3A_457 = arith.constant 0 : i32
    %dma_start3A_458 = arith.constant 0 : i32
    %dma_start3A_459 = tpu.memref_slice %arg2[%dma_start3A_457, %dma_start3A_458] : memref<20000x64xf32, #tpu.memory_space<hbm>> -> memref<20000x64xf32, #tpu.memory_space<hbm>>
    %dma_start3A_460 = tpu.memref_slice %arg12[%dma_start3A_449] : memref<4x!tpu.dma_semaphore, #tpu.memory_space<semaphore_mem>> -> memref<1x!tpu.dma_semaphore, #tpu.memory_space<semaphore_mem>>
    %dma_start3A_461 = tpu.memref_squeeze %dma_start3A_460 : memref<1x!tpu.dma_semaphore, #tpu.memory_space<semaphore_mem>> -> memref<!tpu.dma_semaphore, #tpu.memory_space<semaphore_mem>>
    tpu.enqueue_indirect_dma source(%dma_start3A_459 : memref<20000x64xf32, #tpu.memory_space<hbm>>) target(%dma_start3A_453 : memref<80x64xf32, #tpu.memory_space<vmem>>) offsets(%dma_start3A_456 : memref<80xi32, #tpu.memory_space<vmem>>) semaphore(%dma_start3A_461 : memref<!tpu.dma_semaphore, #tpu.memory_space<semaphore_mem>>)
    %dma_wait3A_462 = arith.constant 1 : i32
    %dma_wait3A_463 = arith.constant 1 : i32
    %dma_wait3A_464 = arith.constant 1 : i32
    %dma_wait3A_465 = arith.constant 0 : i32
    %dma_wait3A_466 = arith.constant 0 : i32
    %dma_wait3A_467 = tpu.memref_slice %arg10[%dma_wait3A_463, %dma_wait3A_465, %dma_wait3A_466] : memref<4x80x64xf32, #tpu.memory_space<vmem>> -> memref<1x80x64xf32, #tpu.memory_space<vmem>>
    %dma_wait3A_468 = tpu.memref_squeeze %dma_wait3A_467 : memref<1x80x64xf32, #tpu.memory_space<vmem>> -> memref<80x64xf32, #tpu.memory_space<vmem>>
    %dma_wait3A_469 = arith.constant 0 : i32
    %dma_wait3A_470 = tpu.memref_slice %arg8[%dma_wait3A_462, %dma_wait3A_469] : memref<4x80xi32, #tpu.memory_space<vmem>> -> memref<1x80xi32, #tpu.memory_space<vmem>>
    %dma_wait3A_471 = tpu.memref_squeeze %dma_wait3A_470 : memref<1x80xi32, #tpu.memory_space<vmem>> -> memref<80xi32, #tpu.memory_space<vmem>>
    %dma_wait3A_472 = arith.constant 0 : i32
    %dma_wait3A_473 = arith.constant 0 : i32
    %dma_wait3A_474 = tpu.memref_slice %arg2[%dma_wait3A_472, %dma_wait3A_473] : memref<20000x64xf32, #tpu.memory_space<hbm>> -> memref<20000x64xf32, #tpu.memory_space<hbm>>
    %dma_wait3A_475 = tpu.memref_slice %arg12[%dma_wait3A_464] : memref<4x!tpu.dma_semaphore, #tpu.memory_space<semaphore_mem>> -> memref<1x!tpu.dma_semaphore, #tpu.memory_space<semaphore_mem>>
    %dma_wait3A_476 = tpu.memref_squeeze %dma_wait3A_475 : memref<1x!tpu.dma_semaphore, #tpu.memory_space<semaphore_mem>> -> memref<!tpu.dma_semaphore, #tpu.memory_space<semaphore_mem>>
    tpu.wait_indirect_dma semaphore(%dma_wait3A_476 : memref<!tpu.dma_semaphore, #tpu.memory_space<semaphore_mem>>) src(%dma_wait3A_474 : memref<20000x64xf32, #tpu.memory_space<hbm>>) dst(%dma_wait3A_468 : memref<80x64xf32, #tpu.memory_space<vmem>>)
    %dma_start3A_477 = arith.constant 1 : i32
    %dma_start3A_478 = arith.constant 1 : i32
    %dma_start3A_479 = arith.constant 1 : i32
    %dma_start3A_480 = arith.constant 0 : i32
    %dma_start3A_481 = arith.constant 0 : i32
    %dma_start3A_482 = tpu.memref_slice %arg10[%dma_start3A_477, %dma_start3A_480, %dma_start3A_481] : memref<4x80x64xf32, #tpu.memory_space<vmem>> -> memref<1x80x64xf32, #tpu.memory_space<vmem>>
    %dma_start3A_483 = tpu.memref_squeeze %dma_start3A_482 : memref<1x80x64xf32, #tpu.memory_space<vmem>> -> memref<80x64xf32, #tpu.memory_space<vmem>>
    %dma_start3A_484 = arith.constant 0 : i32
    %dma_start3A_485 = tpu.memref_slice %arg9[%dma_start3A_478, %dma_start3A_484] : memref<4x80xi32, #tpu.memory_space<vmem>> -> memref<1x80xi32, #tpu.memory_space<vmem>>
    %dma_start3A_486 = tpu.memref_squeeze %dma_start3A_485 : memref<1x80xi32, #tpu.memory_space<vmem>> -> memref<80xi32, #tpu.memory_space<vmem>>
    %dma_start3A_487 = arith.constant 0 : i32
    %dma_start3A_488 = arith.constant 0 : i32
    %dma_start3A_489 = tpu.memref_slice %arg11[%dma_start3A_487, %dma_start3A_488] : memref<10240x64xf32, #tpu.memory_space<vmem_shared>> -> memref<10240x64xf32, #tpu.memory_space<vmem_shared>>
    %dma_start3A_490 = tpu.memref_slice %arg13[%dma_start3A_479] : memref<4x!tpu.dma_semaphore, #tpu.memory_space<semaphore_mem>> -> memref<1x!tpu.dma_semaphore, #tpu.memory_space<semaphore_mem>>
    %dma_start3A_491 = tpu.memref_squeeze %dma_start3A_490 : memref<1x!tpu.dma_semaphore, #tpu.memory_space<semaphore_mem>> -> memref<!tpu.dma_semaphore, #tpu.memory_space<semaphore_mem>>
    tpu.enqueue_indirect_dma source(%dma_start3A_483 : memref<80x64xf32, #tpu.memory_space<vmem>>) target(%dma_start3A_489 : memref<10240x64xf32, #tpu.memory_space<vmem_shared>>) offsets(%dma_start3A_486 : memref<80xi32, #tpu.memory_space<vmem>>) semaphore(%dma_start3A_491 : memref<!tpu.dma_semaphore, #tpu.memory_space<semaphore_mem>>) {add = true}
    %get3A_492 = arith.constant 240 : index
    %get3A_493 = tpu.vector_load %arg6[%get3A_492] {strides = array<i32>} : memref<20000xi32, #tpu.memory_space<vmem>>, vector<16xi32>,
    %get3A_494 = vector.shape_cast %get3A_493 : vector<16xi32> to vector<16xi32>
    %mul3A_495 = arith.constant 2 : i32
    %mul3A_496 = vector.broadcast %mul3A_495 : i32 to vector<16xi32>
    %mul3A_497 = arith.muli %get3A_494, %mul3A_496 : vector<16xi32>
    %add3A_498 = vector.broadcast %arg0 : i32 to vector<16xi32>
    %add3A_499 = arith.addi %mul3A_497, %add3A_498 : vector<16xi32>
    %swap3A_500 = arith.constant 3 : i32
    %swap3A_501 = arith.index_cast %swap3A_500 : i32 to index
    %swap3A_502 = arith.constant 0 : index
    %swap3A_503 = tpu.vector_load %arg8[%swap3A_501, %swap3A_502] {strides = array<i32>} : memref<4x80xi32, #tpu.memory_space<vmem>>, vector<1x16xi32>,
    %swap3A_504 = vector.shape_cast %swap3A_503 : vector<1x16xi32> to vector<16xi32>
    %swap3A_505 = vector.shape_cast %add3A_499 : vector<16xi32> to vector<1x16xi32>
    tpu.vector_store %arg8[%swap3A_501, %swap3A_502], %swap3A_505 {strides = array<i32>} : memref<4x80xi32, #tpu.memory_space<vmem>>, vector<1x16xi32>,
    %get3A_506 = arith.constant 240 : index
    %get3A_507 = tpu.vector_load %arg7[%get3A_506] {strides = array<i32>} : memref<20000xi32, #tpu.memory_space<vmem>>, vector<16xi32>,
    %get3A_508 = vector.shape_cast %get3A_507 : vector<16xi32> to vector<16xi32>
    %swap3A_509 = arith.constant 3 : i32
    %swap3A_510 = arith.index_cast %swap3A_509 : i32 to index
    %swap3A_511 = arith.constant 0 : index
    %swap3A_512 = tpu.vector_load %arg9[%swap3A_510, %swap3A_511] {strides = array<i32>} : memref<4x80xi32, #tpu.memory_space<vmem>>, vector<1x16xi32>,
    %swap3A_513 = vector.shape_cast %swap3A_512 : vector<1x16xi32> to vector<16xi32>
    %swap3A_514 = vector.shape_cast %get3A_508 : vector<16xi32> to vector<1x16xi32>
    tpu.vector_store %arg9[%swap3A_510, %swap3A_511], %swap3A_514 {strides = array<i32>} : memref<4x80xi32, #tpu.memory_space<vmem>>, vector<1x16xi32>,
    %get3A_515 = arith.constant 256 : index
    %get3A_516 = tpu.vector_load %arg6[%get3A_515] {strides = array<i32>} : memref<20000xi32, #tpu.memory_space<vmem>>, vector<16xi32>,
    %get3A_517 = vector.shape_cast %get3A_516 : vector<16xi32> to vector<16xi32>
    %mul3A_518 = arith.constant 2 : i32
    %mul3A_519 = vector.broadcast %mul3A_518 : i32 to vector<16xi32>
    %mul3A_520 = arith.muli %get3A_517, %mul3A_519 : vector<16xi32>
    %add3A_521 = vector.broadcast %arg0 : i32 to vector<16xi32>
    %add3A_522 = arith.addi %mul3A_520, %add3A_521 : vector<16xi32>
    %swap3A_523 = arith.constant 3 : i32
    %swap3A_524 = arith.index_cast %swap3A_523 : i32 to index
    %swap3A_525 = arith.constant 16 : index
    %swap3A_526 = tpu.vector_load %arg8[%swap3A_524, %swap3A_525] {strides = array<i32>} : memref<4x80xi32, #tpu.memory_space<vmem>>, vector<1x16xi32>,
    %swap3A_527 = vector.shape_cast %swap3A_526 : vector<1x16xi32> to vector<16xi32>
    %swap3A_528 = vector.shape_cast %add3A_522 : vector<16xi32> to vector<1x16xi32>
    tpu.vector_store %arg8[%swap3A_524, %swap3A_525], %swap3A_528 {strides = array<i32>} : memref<4x80xi32, #tpu.memory_space<vmem>>, vector<1x16xi32>,
    %get3A_529 = arith.constant 256 : index
    %get3A_530 = tpu.vector_load %arg7[%get3A_529] {strides = array<i32>} : memref<20000xi32, #tpu.memory_space<vmem>>, vector<16xi32>,
    %get3A_531 = vector.shape_cast %get3A_530 : vector<16xi32> to vector<16xi32>
    %swap3A_532 = arith.constant 3 : i32
    %swap3A_533 = arith.index_cast %swap3A_532 : i32 to index
    %swap3A_534 = arith.constant 16 : index
    %swap3A_535 = tpu.vector_load %arg9[%swap3A_533, %swap3A_534] {strides = array<i32>} : memref<4x80xi32, #tpu.memory_space<vmem>>, vector<1x16xi32>,
    %swap3A_536 = vector.shape_cast %swap3A_535 : vector<1x16xi32> to vector<16xi32>
    %swap3A_537 = vector.shape_cast %get3A_531 : vector<16xi32> to vector<1x16xi32>
    tpu.vector_store %arg9[%swap3A_533, %swap3A_534], %swap3A_537 {strides = array<i32>} : memref<4x80xi32, #tpu.memory_space<vmem>>, vector<1x16xi32>,
    %get3A_538 = arith.constant 272 : index
    %get3A_539 = tpu.vector_load %arg6[%get3A_538] {strides = array<i32>} : memref<20000xi32, #tpu.memory_space<vmem>>, vector<16xi32>,
    %get3A_540 = vector.shape_cast %get3A_539 : vector<16xi32> to vector<16xi32>
    %mul3A_541 = arith.constant 2 : i32
    %mul3A_542 = vector.broadcast %mul3A_541 : i32 to vector<16xi32>
    %mul3A_543 = arith.muli %get3A_540, %mul3A_542 : vector<16xi32>
    %add3A_544 = vector.broadcast %arg0 : i32 to vector<16xi32>
    %add3A_545 = arith.addi %mul3A_543, %add3A_544 : vector<16xi32>
    %swap3A_546 = arith.constant 3 : i32
    %swap3A_547 = arith.index_cast %swap3A_546 : i32 to index
    %swap3A_548 = arith.constant 32 : index
    %swap3A_549 = tpu.vector_load %arg8[%swap3A_547, %swap3A_548] {strides = array<i32>} : memref<4x80xi32, #tpu.memory_space<vmem>>, vector<1x16xi32>,
    %swap3A_550 = vector.shape_cast %swap3A_549 : vector<1x16xi32> to vector<16xi32>
    %swap3A_551 = vector.shape_cast %add3A_545 : vector<16xi32> to vector<1x16xi32>
    tpu.vector_store %arg8[%swap3A_547, %swap3A_548], %swap3A_551 {strides = array<i32>} : memref<4x80xi32, #tpu.memory_space<vmem>>, vector<1x16xi32>,
    %get3A_552 = arith.constant 272 : index
    %get3A_553 = tpu.vector_load %arg7[%get3A_552] {strides = array<i32>} : memref<20000xi32, #tpu.memory_space<vmem>>, vector<16xi32>,
    %get3A_554 = vector.shape_cast %get3A_553 : vector<16xi32> to vector<16xi32>
    %swap3A_555 = arith.constant 3 : i32
    %swap3A_556 = arith.index_cast %swap3A_555 : i32 to index
    %swap3A_557 = arith.constant 32 : index
    %swap3A_558 = tpu.vector_load %arg9[%swap3A_556, %swap3A_557] {strides = array<i32>} : memref<4x80xi32, #tpu.memory_space<vmem>>, vector<1x16xi32>,
    %swap3A_559 = vector.shape_cast %swap3A_558 : vector<1x16xi32> to vector<16xi32>
    %swap3A_560 = vector.shape_cast %get3A_554 : vector<16xi32> to vector<1x16xi32>
    tpu.vector_store %arg9[%swap3A_556, %swap3A_557], %swap3A_560 {strides = array<i32>} : memref<4x80xi32, #tpu.memory_space<vmem>>, vector<1x16xi32>,
    %get3A_561 = arith.constant 288 : index
    %get3A_562 = tpu.vector_load %arg6[%get3A_561] {strides = array<i32>} : memref<20000xi32, #tpu.memory_space<vmem>>, vector<16xi32>,
    %get3A_563 = vector.shape_cast %get3A_562 : vector<16xi32> to vector<16xi32>
    %mul3A_564 = arith.constant 2 : i32
    %mul3A_565 = vector.broadcast %mul3A_564 : i32 to vector<16xi32>
    %mul3A_566 = arith.muli %get3A_563, %mul3A_565 : vector<16xi32>
    %add3A_567 = vector.broadcast %arg0 : i32 to vector<16xi32>
    %add3A_568 = arith.addi %mul3A_566, %add3A_567 : vector<16xi32>
    %swap3A_569 = arith.constant 3 : i32
    %swap3A_570 = arith.index_cast %swap3A_569 : i32 to index
    %swap3A_571 = arith.constant 48 : index
    %swap3A_572 = tpu.vector_load %arg8[%swap3A_570, %swap3A_571] {strides = array<i32>} : memref<4x80xi32, #tpu.memory_space<vmem>>, vector<1x16xi32>,
    %swap3A_573 = vector.shape_cast %swap3A_572 : vector<1x16xi32> to vector<16xi32>
    %swap3A_574 = vector.shape_cast %add3A_568 : vector<16xi32> to vector<1x16xi32>
    tpu.vector_store %arg8[%swap3A_570, %swap3A_571], %swap3A_574 {strides = array<i32>} : memref<4x80xi32, #tpu.memory_space<vmem>>, vector<1x16xi32>,
    %get3A_575 = arith.constant 288 : index
    %get3A_576 = tpu.vector_load %arg7[%get3A_575] {strides = array<i32>} : memref<20000xi32, #tpu.memory_space<vmem>>, vector<16xi32>,
    %get3A_577 = vector.shape_cast %get3A_576 : vector<16xi32> to vector<16xi32>
    %swap3A_578 = arith.constant 3 : i32
    %swap3A_579 = arith.index_cast %swap3A_578 : i32 to index
    %swap3A_580 = arith.constant 48 : index
    %swap3A_581 = tpu.vector_load %arg9[%swap3A_579, %swap3A_580] {strides = array<i32>} : memref<4x80xi32, #tpu.memory_space<vmem>>, vector<1x16xi32>,
    %swap3A_582 = vector.shape_cast %swap3A_581 : vector<1x16xi32> to vector<16xi32>
    %swap3A_583 = vector.shape_cast %get3A_577 : vector<16xi32> to vector<1x16xi32>
    tpu.vector_store %arg9[%swap3A_579, %swap3A_580], %swap3A_583 {strides = array<i32>} : memref<4x80xi32, #tpu.memory_space<vmem>>, vector<1x16xi32>,
    %get3A_584 = arith.constant 304 : index
    %get3A_585 = tpu.vector_load %arg6[%get3A_584] {strides = array<i32>} : memref<20000xi32, #tpu.memory_space<vmem>>, vector<16xi32>,
    %get3A_586 = vector.shape_cast %get3A_585 : vector<16xi32> to vector<16xi32>
    %mul3A_587 = arith.constant 2 : i32
    %mul3A_588 = vector.broadcast %mul3A_587 : i32 to vector<16xi32>
    %mul3A_589 = arith.muli %get3A_586, %mul3A_588 : vector<16xi32>
    %add3A_590 = vector.broadcast %arg0 : i32 to vector<16xi32>
    %add3A_591 = arith.addi %mul3A_589, %add3A_590 : vector<16xi32>
    %swap3A_592 = arith.constant 3 : i32
    %swap3A_593 = arith.index_cast %swap3A_592 : i32 to index
    %swap3A_594 = arith.constant 64 : index
    %swap3A_595 = tpu.vector_load %arg8[%swap3A_593, %swap3A_594] {strides = array<i32>} : memref<4x80xi32, #tpu.memory_space<vmem>>, vector<1x16xi32>,
    %swap3A_596 = vector.shape_cast %swap3A_595 : vector<1x16xi32> to vector<16xi32>
    %swap3A_597 = vector.shape_cast %add3A_591 : vector<16xi32> to vector<1x16xi32>
    tpu.vector_store %arg8[%swap3A_593, %swap3A_594], %swap3A_597 {strides = array<i32>} : memref<4x80xi32, #tpu.memory_space<vmem>>, vector<1x16xi32>,
    %get3A_598 = arith.constant 304 : index
    %get3A_599 = tpu.vector_load %arg7[%get3A_598] {strides = array<i32>} : memref<20000xi32, #tpu.memory_space<vmem>>, vector<16xi32>,
    %get3A_600 = vector.shape_cast %get3A_599 : vector<16xi32> to vector<16xi32>
    %swap3A_601 = arith.constant 3 : i32
    %swap3A_602 = arith.index_cast %swap3A_601 : i32 to index
    %swap3A_603 = arith.constant 64 : index
    %swap3A_604 = tpu.vector_load %arg9[%swap3A_602, %swap3A_603] {strides = array<i32>} : memref<4x80xi32, #tpu.memory_space<vmem>>, vector<1x16xi32>,
    %swap3A_605 = vector.shape_cast %swap3A_604 : vector<1x16xi32> to vector<16xi32>
    %swap3A_606 = vector.shape_cast %get3A_600 : vector<16xi32> to vector<1x16xi32>
    tpu.vector_store %arg9[%swap3A_602, %swap3A_603], %swap3A_606 {strides = array<i32>} : memref<4x80xi32, #tpu.memory_space<vmem>>, vector<1x16xi32>,
    %dma_start3A_607 = arith.constant 3 : i32
    %dma_start3A_608 = arith.constant 3 : i32
    %dma_start3A_609 = arith.constant 3 : i32
    %dma_start3A_610 = arith.constant 0 : i32
    %dma_start3A_611 = arith.constant 0 : i32
    %dma_start3A_612 = tpu.memref_slice %arg10[%dma_start3A_608, %dma_start3A_610, %dma_start3A_611] : memref<4x80x64xf32, #tpu.memory_space<vmem>> -> memref<1x80x64xf32, #tpu.memory_space<vmem>>
    %dma_start3A_613 = tpu.memref_squeeze %dma_start3A_612 : memref<1x80x64xf32, #tpu.memory_space<vmem>> -> memref<80x64xf32, #tpu.memory_space<vmem>>
    %dma_start3A_614 = arith.constant 0 : i32
    %dma_start3A_615 = tpu.memref_slice %arg8[%dma_start3A_607, %dma_start3A_614] : memref<4x80xi32, #tpu.memory_space<vmem>> -> memref<1x80xi32, #tpu.memory_space<vmem>>
    %dma_start3A_616 = tpu.memref_squeeze %dma_start3A_615 : memref<1x80xi32, #tpu.memory_space<vmem>> -> memref<80xi32, #tpu.memory_space<vmem>>
    %dma_start3A_617 = arith.constant 0 : i32
    %dma_start3A_618 = arith.constant 0 : i32
    %dma_start3A_619 = tpu.memref_slice %arg2[%dma_start3A_617, %dma_start3A_618] : memref<20000x64xf32, #tpu.memory_space<hbm>> -> memref<20000x64xf32, #tpu.memory_space<hbm>>
    %dma_start3A_620 = tpu.memref_slice %arg12[%dma_start3A_609] : memref<4x!tpu.dma_semaphore, #tpu.memory_space<semaphore_mem>> -> memref<1x!tpu.dma_semaphore, #tpu.memory_space<semaphore_mem>>
    %dma_start3A_621 = tpu.memref_squeeze %dma_start3A_620 : memref<1x!tpu.dma_semaphore, #tpu.memory_space<semaphore_mem>> -> memref<!tpu.dma_semaphore, #tpu.memory_space<semaphore_mem>>
    tpu.enqueue_indirect_dma source(%dma_start3A_619 : memref<20000x64xf32, #tpu.memory_space<hbm>>) target(%dma_start3A_613 : memref<80x64xf32, #tpu.memory_space<vmem>>) offsets(%dma_start3A_616 : memref<80xi32, #tpu.memory_space<vmem>>) semaphore(%dma_start3A_621 : memref<!tpu.dma_semaphore, #tpu.memory_space<semaphore_mem>>)
    %dma_wait3A_622 = arith.constant 2 : i32
    %dma_wait3A_623 = arith.constant 2 : i32
    %dma_wait3A_624 = arith.constant 2 : i32
    %dma_wait3A_625 = arith.constant 0 : i32
    %dma_wait3A_626 = arith.constant 0 : i32
    %dma_wait3A_627 = tpu.memref_slice %arg10[%dma_wait3A_623, %dma_wait3A_625, %dma_wait3A_626] : memref<4x80x64xf32, #tpu.memory_space<vmem>> -> memref<1x80x64xf32, #tpu.memory_space<vmem>>
    %dma_wait3A_628 = tpu.memref_squeeze %dma_wait3A_627 : memref<1x80x64xf32, #tpu.memory_space<vmem>> -> memref<80x64xf32, #tpu.memory_space<vmem>>
    %dma_wait3A_629 = arith.constant 0 : i32
    %dma_wait3A_630 = tpu.memref_slice %arg8[%dma_wait3A_622, %dma_wait3A_629] : memref<4x80xi32, #tpu.memory_space<vmem>> -> memref<1x80xi32, #tpu.memory_space<vmem>>
    %dma_wait3A_631 = tpu.memref_squeeze %dma_wait3A_630 : memref<1x80xi32, #tpu.memory_space<vmem>> -> memref<80xi32, #tpu.memory_space<vmem>>
    %dma_wait3A_632 = arith.constant 0 : i32
    %dma_wait3A_633 = arith.constant 0 : i32
    %dma_wait3A_634 = tpu.memref_slice %arg2[%dma_wait3A_632, %dma_wait3A_633] : memref<20000x64xf32, #tpu.memory_space<hbm>> -> memref<20000x64xf32, #tpu.memory_space<hbm>>
    %dma_wait3A_635 = tpu.memref_slice %arg12[%dma_wait3A_624] : memref<4x!tpu.dma_semaphore, #tpu.memory_space<semaphore_mem>> -> memref<1x!tpu.dma_semaphore, #tpu.memory_space<semaphore_mem>>
    %dma_wait3A_636 = tpu.memref_squeeze %dma_wait3A_635 : memref<1x!tpu.dma_semaphore, #tpu.memory_space<semaphore_mem>> -> memref<!tpu.dma_semaphore, #tpu.memory_space<semaphore_mem>>
    tpu.wait_indirect_dma semaphore(%dma_wait3A_636 : memref<!tpu.dma_semaphore, #tpu.memory_space<semaphore_mem>>) src(%dma_wait3A_634 : memref<20000x64xf32, #tpu.memory_space<hbm>>) dst(%dma_wait3A_628 : memref<80x64xf32, #tpu.memory_space<vmem>>)
    %dma_start3A_637 = arith.constant 2 : i32
    %dma_start3A_638 = arith.constant 2 : i32
    %dma_start3A_639 = arith.constant 2 : i32
    %dma_start3A_640 = arith.constant 0 : i32
    %dma_start3A_641 = arith.constant 0 : i32
    %dma_start3A_642 = tpu.memref_slice %arg10[%dma_start3A_637, %dma_start3A_640, %dma_start3A_641] : memref<4x80x64xf32, #tpu.memory_space<vmem>> -> memref<1x80x64xf32, #tpu.memory_space<vmem>>
    %dma_start3A_643 = tpu.memref_squeeze %dma_start3A_642 : memref<1x80x64xf32, #tpu.memory_space<vmem>> -> memref<80x64xf32, #tpu.memory_space<vmem>>
    %dma_start3A_644 = arith.constant 0 : i32
    %dma_start3A_645 = tpu.memref_slice %arg9[%dma_start3A_638, %dma_start3A_644] : memref<4x80xi32, #tpu.memory_space<vmem>> -> memref<1x80xi32, #tpu.memory_space<vmem>>
    %dma_start3A_646 = tpu.memref_squeeze %dma_start3A_645 : memref<1x80xi32, #tpu.memory_space<vmem>> -> memref<80xi32, #tpu.memory_space<vmem>>
    %dma_start3A_647 = arith.constant 0 : i32
    %dma_start3A_648 = arith.constant 0 : i32
    %dma_start3A_649 = tpu.memref_slice %arg11[%dma_start3A_647, %dma_start3A_648] : memref<10240x64xf32, #tpu.memory_space<vmem_shared>> -> memref<10240x64xf32, #tpu.memory_space<vmem_shared>>
    %dma_start3A_650 = tpu.memref_slice %arg13[%dma_start3A_639] : memref<4x!tpu.dma_semaphore, #tpu.memory_space<semaphore_mem>> -> memref<1x!tpu.dma_semaphore, #tpu.memory_space<semaphore_mem>>
    %dma_start3A_651 = tpu.memref_squeeze %dma_start3A_650 : memref<1x!tpu.dma_semaphore, #tpu.memory_space<semaphore_mem>> -> memref<!tpu.dma_semaphore, #tpu.memory_space<semaphore_mem>>
    tpu.enqueue_indirect_dma source(%dma_start3A_643 : memref<80x64xf32, #tpu.memory_space<vmem>>) target(%dma_start3A_649 : memref<10240x64xf32, #tpu.memory_space<vmem_shared>>) offsets(%dma_start3A_646 : memref<80xi32, #tpu.memory_space<vmem>>) semaphore(%dma_start3A_651 : memref<!tpu.dma_semaphore, #tpu.memory_space<semaphore_mem>>) {add = true}
    %scan3A_652 = arith.constant 0 : i32
    %scan3A_653 = arith.constant 1 : i32
    %scan3A_654 = arith.constant 60 : i32
    %scan3A_655 = arith.addi %scan3A_653, %scan3A_654 : i32
    %scan3A_656 = arith.constant 1 : i32
    scf.for %scan3A_1803 = %scan3A_653 to %scan3A_655 step %scan3A_656  : i32 {
      %mul3A_1804 = arith.constant 4 : i32
      %mul3A_1805 = arith.muli %mul3A_1804, %scan3A_1803 : i32
      %dma_wait3A_1806 = arith.constant 0 : i32
      %dma_wait3A_1807 = arith.constant 0 : i32
      %dma_wait3A_1808 = arith.constant 0 : i32
      %dma_wait3A_1809 = arith.constant 0 : i32
      %dma_wait3A_1810 = arith.constant 0 : i32
      %dma_wait3A_1811 = tpu.memref_slice %arg10[%dma_wait3A_1806, %dma_wait3A_1809, %dma_wait3A_1810] : memref<4x80x64xf32, #tpu.memory_space<vmem>> -> memref<1x80x64xf32, #tpu.memory_space<vmem>>
      %dma_wait3A_1812 = tpu.memref_squeeze %dma_wait3A_1811 : memref<1x80x64xf32, #tpu.memory_space<vmem>> -> memref<80x64xf32, #tpu.memory_space<vmem>>
      %dma_wait3A_1813 = arith.constant 0 : i32
      %dma_wait3A_1814 = tpu.memref_slice %arg9[%dma_wait3A_1807, %dma_wait3A_1813] : memref<4x80xi32, #tpu.memory_space<vmem>> -> memref<1x80xi32, #tpu.memory_space<vmem>>
      %dma_wait3A_1815 = tpu.memref_squeeze %dma_wait3A_1814 : memref<1x80xi32, #tpu.memory_space<vmem>> -> memref<80xi32, #tpu.memory_space<vmem>>
      %dma_wait3A_1816 = arith.constant 0 : i32
      %dma_wait3A_1817 = arith.constant 0 : i32
      %dma_wait3A_1818 = tpu.memref_slice %arg11[%dma_wait3A_1816, %dma_wait3A_1817] : memref<10240x64xf32, #tpu.memory_space<vmem_shared>> -> memref<10240x64xf32, #tpu.memory_space<vmem_shared>>
      %dma_wait3A_1819 = tpu.memref_slice %arg13[%dma_wait3A_1808] : memref<4x!tpu.dma_semaphore, #tpu.memory_space<semaphore_mem>> -> memref<1x!tpu.dma_semaphore, #tpu.memory_space<semaphore_mem>>
      %dma_wait3A_1820 = tpu.memref_squeeze %dma_wait3A_1819 : memref<1x!tpu.dma_semaphore, #tpu.memory_space<semaphore_mem>> -> memref<!tpu.dma_semaphore, #tpu.memory_space<semaphore_mem>>
      tpu.wait_indirect_dma semaphore(%dma_wait3A_1820 : memref<!tpu.dma_semaphore, #tpu.memory_space<semaphore_mem>>) src(%dma_wait3A_1812 : memref<80x64xf32, #tpu.memory_space<vmem>>) dst(%dma_wait3A_1818 : memref<10240x64xf32, #tpu.memory_space<vmem_shared>>)
      %mul3A_1821 = arith.constant 80 : i32
      %mul3A_1822 = arith.muli %mul3A_1805, %mul3A_1821 : i32
      %add3A_1823 = arith.constant 0 : i32
      %add3A_1824 = arith.addi %mul3A_1822, %add3A_1823 : i32
      %get3A_1825 = arith.index_cast %add3A_1824 : i32 to index
      %get3A_1826 = tpu.vector_load %arg6[%get3A_1825] {strides = array<i32>} : memref<20000xi32, #tpu.memory_space<vmem>>, vector<16xi32>,
      %get3A_1827 = vector.shape_cast %get3A_1826 : vector<16xi32> to vector<16xi32>
      %mul3A_1828 = arith.constant 2 : i32
      %mul3A_1829 = vector.broadcast %mul3A_1828 : i32 to vector<16xi32>
      %mul3A_1830 = arith.muli %get3A_1827, %mul3A_1829 : vector<16xi32>
      %add3A_1831 = vector.broadcast %arg0 : i32 to vector<16xi32>
      %add3A_1832 = arith.addi %mul3A_1830, %add3A_1831 : vector<16xi32>
      %swap3A_1833 = arith.constant 0 : i32
      %swap3A_1834 = arith.index_cast %swap3A_1833 : i32 to index
      %swap3A_1835 = arith.constant 0 : index
      %swap3A_1836 = tpu.vector_load %arg8[%swap3A_1834, %swap3A_1835] {strides = array<i32>} : memref<4x80xi32, #tpu.memory_space<vmem>>, vector<1x16xi32>,
      %swap3A_1837 = vector.shape_cast %swap3A_1836 : vector<1x16xi32> to vector<16xi32>
      %swap3A_1838 = vector.shape_cast %add3A_1832 : vector<16xi32> to vector<1x16xi32>
      tpu.vector_store %arg8[%swap3A_1834, %swap3A_1835], %swap3A_1838 {strides = array<i32>} : memref<4x80xi32, #tpu.memory_space<vmem>>, vector<1x16xi32>,
      %mul3A_1839 = arith.constant 80 : i32
      %mul3A_1840 = arith.muli %mul3A_1805, %mul3A_1839 : i32
      %add3A_1841 = arith.constant 0 : i32
      %add3A_1842 = arith.addi %mul3A_1840, %add3A_1841 : i32
      %get3A_1843 = arith.index_cast %add3A_1842 : i32 to index
      %get3A_1844 = tpu.vector_load %arg7[%get3A_1843] {strides = array<i32>} : memref<20000xi32, #tpu.memory_space<vmem>>, vector<16xi32>,
      %get3A_1845 = vector.shape_cast %get3A_1844 : vector<16xi32> to vector<16xi32>
      %swap3A_1846 = arith.constant 0 : i32
      %swap3A_1847 = arith.index_cast %swap3A_1846 : i32 to index
      %swap3A_1848 = arith.constant 0 : index
      %swap3A_1849 = tpu.vector_load %arg9[%swap3A_1847, %swap3A_1848] {strides = array<i32>} : memref<4x80xi32, #tpu.memory_space<vmem>>, vector<1x16xi32>,
      %swap3A_1850 = vector.shape_cast %swap3A_1849 : vector<1x16xi32> to vector<16xi32>
      %swap3A_1851 = vector.shape_cast %get3A_1845 : vector<16xi32> to vector<1x16xi32>
      tpu.vector_store %arg9[%swap3A_1847, %swap3A_1848], %swap3A_1851 {strides = array<i32>} : memref<4x80xi32, #tpu.memory_space<vmem>>, vector<1x16xi32>,
      %mul3A_1852 = arith.constant 80 : i32
      %mul3A_1853 = arith.muli %mul3A_1805, %mul3A_1852 : i32
      %add3A_1854 = arith.constant 16 : i32
      %add3A_1855 = arith.addi %mul3A_1853, %add3A_1854 : i32
      %get3A_1856 = arith.index_cast %add3A_1855 : i32 to index
      %get3A_1857 = tpu.vector_load %arg6[%get3A_1856] {strides = array<i32>} : memref<20000xi32, #tpu.memory_space<vmem>>, vector<16xi32>,
      %get3A_1858 = vector.shape_cast %get3A_1857 : vector<16xi32> to vector<16xi32>
      %mul3A_1859 = arith.constant 2 : i32
      %mul3A_1860 = vector.broadcast %mul3A_1859 : i32 to vector<16xi32>
      %mul3A_1861 = arith.muli %get3A_1858, %mul3A_1860 : vector<16xi32>
      %add3A_1862 = vector.broadcast %arg0 : i32 to vector<16xi32>
      %add3A_1863 = arith.addi %mul3A_1861, %add3A_1862 : vector<16xi32>
      %swap3A_1864 = arith.constant 0 : i32
      %swap3A_1865 = arith.index_cast %swap3A_1864 : i32 to index
      %swap3A_1866 = arith.constant 16 : index
      %swap3A_1867 = tpu.vector_load %arg8[%swap3A_1865, %swap3A_1866] {strides = array<i32>} : memref<4x80xi32, #tpu.memory_space<vmem>>, vector<1x16xi32>,
      %swap3A_1868 = vector.shape_cast %swap3A_1867 : vector<1x16xi32> to vector<16xi32>
      %swap3A_1869 = vector.shape_cast %add3A_1863 : vector<16xi32> to vector<1x16xi32>
      tpu.vector_store %arg8[%swap3A_1865, %swap3A_1866], %swap3A_1869 {strides = array<i32>} : memref<4x80xi32, #tpu.memory_space<vmem>>, vector<1x16xi32>,
      %mul3A_1870 = arith.constant 80 : i32
      %mul3A_1871 = arith.muli %mul3A_1805, %mul3A_1870 : i32
      %add3A_1872 = arith.constant 16 : i32
      %add3A_1873 = arith.addi %mul3A_1871, %add3A_1872 : i32
      %get3A_1874 = arith.index_cast %add3A_1873 : i32 to index
      %get3A_1875 = tpu.vector_load %arg7[%get3A_1874] {strides = array<i32>} : memref<20000xi32, #tpu.memory_space<vmem>>, vector<16xi32>,
      %get3A_1876 = vector.shape_cast %get3A_1875 : vector<16xi32> to vector<16xi32>
      %swap3A_1877 = arith.constant 0 : i32
      %swap3A_1878 = arith.index_cast %swap3A_1877 : i32 to index
      %swap3A_1879 = arith.constant 16 : index
      %swap3A_1880 = tpu.vector_load %arg9[%swap3A_1878, %swap3A_1879] {strides = array<i32>} : memref<4x80xi32, #tpu.memory_space<vmem>>, vector<1x16xi32>,
      %swap3A_1881 = vector.shape_cast %swap3A_1880 : vector<1x16xi32> to vector<16xi32>
      %swap3A_1882 = vector.shape_cast %get3A_1876 : vector<16xi32> to vector<1x16xi32>
      tpu.vector_store %arg9[%swap3A_1878, %swap3A_1879], %swap3A_1882 {strides = array<i32>} : memref<4x80xi32, #tpu.memory_space<vmem>>, vector<1x16xi32>,
      %mul3A_1883 = arith.constant 80 : i32
      %mul3A_1884 = arith.muli %mul3A_1805, %mul3A_1883 : i32
      %add3A_1885 = arith.constant 32 : i32
      %add3A_1886 = arith.addi %mul3A_1884, %add3A_1885 : i32
      %get3A_1887 = arith.index_cast %add3A_1886 : i32 to index
      %get3A_1888 = tpu.vector_load %arg6[%get3A_1887] {strides = array<i32>} : memref<20000xi32, #tpu.memory_space<vmem>>, vector<16xi32>,
      %get3A_1889 = vector.shape_cast %get3A_1888 : vector<16xi32> to vector<16xi32>
      %mul3A_1890 = arith.constant 2 : i32
      %mul3A_1891 = vector.broadcast %mul3A_1890 : i32 to vector<16xi32>
      %mul3A_1892 = arith.muli %get3A_1889, %mul3A_1891 : vector<16xi32>
      %add3A_1893 = vector.broadcast %arg0 : i32 to vector<16xi32>
      %add3A_1894 = arith.addi %mul3A_1892, %add3A_1893 : vector<16xi32>
      %swap3A_1895 = arith.constant 0 : i32
      %swap3A_1896 = arith.index_cast %swap3A_1895 : i32 to index
      %swap3A_1897 = arith.constant 32 : index
      %swap3A_1898 = tpu.vector_load %arg8[%swap3A_1896, %swap3A_1897] {strides = array<i32>} : memref<4x80xi32, #tpu.memory_space<vmem>>, vector<1x16xi32>,
      %swap3A_1899 = vector.shape_cast %swap3A_1898 : vector<1x16xi32> to vector<16xi32>
      %swap3A_1900 = vector.shape_cast %add3A_1894 : vector<16xi32> to vector<1x16xi32>
      tpu.vector_store %arg8[%swap3A_1896, %swap3A_1897], %swap3A_1900 {strides = array<i32>} : memref<4x80xi32, #tpu.memory_space<vmem>>, vector<1x16xi32>,
      %mul3A_1901 = arith.constant 80 : i32
      %mul3A_1902 = arith.muli %mul3A_1805, %mul3A_1901 : i32
      %add3A_1903 = arith.constant 32 : i32
      %add3A_1904 = arith.addi %mul3A_1902, %add3A_1903 : i32
      %get3A_1905 = arith.index_cast %add3A_1904 : i32 to index
      %get3A_1906 = tpu.vector_load %arg7[%get3A_1905] {strides = array<i32>} : memref<20000xi32, #tpu.memory_space<vmem>>, vector<16xi32>,
      %get3A_1907 = vector.shape_cast %get3A_1906 : vector<16xi32> to vector<16xi32>
      %swap3A_1908 = arith.constant 0 : i32
      %swap3A_1909 = arith.index_cast %swap3A_1908 : i32 to index
      %swap3A_1910 = arith.constant 32 : index
      %swap3A_1911 = tpu.vector_load %arg9[%swap3A_1909, %swap3A_1910] {strides = array<i32>} : memref<4x80xi32, #tpu.memory_space<vmem>>, vector<1x16xi32>,
      %swap3A_1912 = vector.shape_cast %swap3A_1911 : vector<1x16xi32> to vector<16xi32>
      %swap3A_1913 = vector.shape_cast %get3A_1907 : vector<16xi32> to vector<1x16xi32>
      tpu.vector_store %arg9[%swap3A_1909, %swap3A_1910], %swap3A_1913 {strides = array<i32>} : memref<4x80xi32, #tpu.memory_space<vmem>>, vector<1x16xi32>,
      %mul3A_1914 = arith.constant 80 : i32
      %mul3A_1915 = arith.muli %mul3A_1805, %mul3A_1914 : i32
      %add3A_1916 = arith.constant 48 : i32
      %add3A_1917 = arith.addi %mul3A_1915, %add3A_1916 : i32
      %get3A_1918 = arith.index_cast %add3A_1917 : i32 to index
      %get3A_1919 = tpu.vector_load %arg6[%get3A_1918] {strides = array<i32>} : memref<20000xi32, #tpu.memory_space<vmem>>, vector<16xi32>,
      %get3A_1920 = vector.shape_cast %get3A_1919 : vector<16xi32> to vector<16xi32>
      %mul3A_1921 = arith.constant 2 : i32
      %mul3A_1922 = vector.broadcast %mul3A_1921 : i32 to vector<16xi32>
      %mul3A_1923 = arith.muli %get3A_1920, %mul3A_1922 : vector<16xi32>
      %add3A_1924 = vector.broadcast %arg0 : i32 to vector<16xi32>
      %add3A_1925 = arith.addi %mul3A_1923, %add3A_1924 : vector<16xi32>
      %swap3A_1926 = arith.constant 0 : i32
      %swap3A_1927 = arith.index_cast %swap3A_1926 : i32 to index
      %swap3A_1928 = arith.constant 48 : index
      %swap3A_1929 = tpu.vector_load %arg8[%swap3A_1927, %swap3A_1928] {strides = array<i32>} : memref<4x80xi32, #tpu.memory_space<vmem>>, vector<1x16xi32>,
      %swap3A_1930 = vector.shape_cast %swap3A_1929 : vector<1x16xi32> to vector<16xi32>
      %swap3A_1931 = vector.shape_cast %add3A_1925 : vector<16xi32> to vector<1x16xi32>
      tpu.vector_store %arg8[%swap3A_1927, %swap3A_1928], %swap3A_1931 {strides = array<i32>} : memref<4x80xi32, #tpu.memory_space<vmem>>, vector<1x16xi32>,
      %mul3A_1932 = arith.constant 80 : i32
      %mul3A_1933 = arith.muli %mul3A_1805, %mul3A_1932 : i32
      %add3A_1934 = arith.constant 48 : i32
      %add3A_1935 = arith.addi %mul3A_1933, %add3A_1934 : i32
      %get3A_1936 = arith.index_cast %add3A_1935 : i32 to index
      %get3A_1937 = tpu.vector_load %arg7[%get3A_1936] {strides = array<i32>} : memref<20000xi32, #tpu.memory_space<vmem>>, vector<16xi32>,
      %get3A_1938 = vector.shape_cast %get3A_1937 : vector<16xi32> to vector<16xi32>
      %swap3A_1939 = arith.constant 0 : i32
      %swap3A_1940 = arith.index_cast %swap3A_1939 : i32 to index
      %swap3A_1941 = arith.constant 48 : index
      %swap3A_1942 = tpu.vector_load %arg9[%swap3A_1940, %swap3A_1941] {strides = array<i32>} : memref<4x80xi32, #tpu.memory_space<vmem>>, vector<1x16xi32>,
      %swap3A_1943 = vector.shape_cast %swap3A_1942 : vector<1x16xi32> to vector<16xi32>
      %swap3A_1944 = vector.shape_cast %get3A_1938 : vector<16xi32> to vector<1x16xi32>
      tpu.vector_store %arg9[%swap3A_1940, %swap3A_1941], %swap3A_1944 {strides = array<i32>} : memref<4x80xi32, #tpu.memory_space<vmem>>, vector<1x16xi32>,
      %mul3A_1945 = arith.constant 80 : i32
      %mul3A_1946 = arith.muli %mul3A_1805, %mul3A_1945 : i32
      %add3A_1947 = arith.constant 64 : i32
      %add3A_1948 = arith.addi %mul3A_1946, %add3A_1947 : i32
      %get3A_1949 = arith.index_cast %add3A_1948 : i32 to index
      %get3A_1950 = tpu.vector_load %arg6[%get3A_1949] {strides = array<i32>} : memref<20000xi32, #tpu.memory_space<vmem>>, vector<16xi32>,
      %get3A_1951 = vector.shape_cast %get3A_1950 : vector<16xi32> to vector<16xi32>
      %mul3A_1952 = arith.constant 2 : i32
      %mul3A_1953 = vector.broadcast %mul3A_1952 : i32 to vector<16xi32>
      %mul3A_1954 = arith.muli %get3A_1951, %mul3A_1953 : vector<16xi32>
      %add3A_1955 = vector.broadcast %arg0 : i32 to vector<16xi32>
      %add3A_1956 = arith.addi %mul3A_1954, %add3A_1955 : vector<16xi32>
      %swap3A_1957 = arith.constant 0 : i32
      %swap3A_1958 = arith.index_cast %swap3A_1957 : i32 to index
      %swap3A_1959 = arith.constant 64 : index
      %swap3A_1960 = tpu.vector_load %arg8[%swap3A_1958, %swap3A_1959] {strides = array<i32>} : memref<4x80xi32, #tpu.memory_space<vmem>>, vector<1x16xi32>,
      %swap3A_1961 = vector.shape_cast %swap3A_1960 : vector<1x16xi32> to vector<16xi32>
      %swap3A_1962 = vector.shape_cast %add3A_1956 : vector<16xi32> to vector<1x16xi32>
      tpu.vector_store %arg8[%swap3A_1958, %swap3A_1959], %swap3A_1962 {strides = array<i32>} : memref<4x80xi32, #tpu.memory_space<vmem>>, vector<1x16xi32>,
      %mul3A_1963 = arith.constant 80 : i32
      %mul3A_1964 = arith.muli %mul3A_1805, %mul3A_1963 : i32
      %add3A_1965 = arith.constant 64 : i32
      %add3A_1966 = arith.addi %mul3A_1964, %add3A_1965 : i32
      %get3A_1967 = arith.index_cast %add3A_1966 : i32 to index
      %get3A_1968 = tpu.vector_load %arg7[%get3A_1967] {strides = array<i32>} : memref<20000xi32, #tpu.memory_space<vmem>>, vector<16xi32>,
      %get3A_1969 = vector.shape_cast %get3A_1968 : vector<16xi32> to vector<16xi32>
      %swap3A_1970 = arith.constant 0 : i32
      %swap3A_1971 = arith.index_cast %swap3A_1970 : i32 to index
      %swap3A_1972 = arith.constant 64 : index
      %swap3A_1973 = tpu.vector_load %arg9[%swap3A_1971, %swap3A_1972] {strides = array<i32>} : memref<4x80xi32, #tpu.memory_space<vmem>>, vector<1x16xi32>,
      %swap3A_1974 = vector.shape_cast %swap3A_1973 : vector<1x16xi32> to vector<16xi32>
      %swap3A_1975 = vector.shape_cast %get3A_1969 : vector<16xi32> to vector<1x16xi32>
      tpu.vector_store %arg9[%swap3A_1971, %swap3A_1972], %swap3A_1975 {strides = array<i32>} : memref<4x80xi32, #tpu.memory_space<vmem>>, vector<1x16xi32>,
      %dma_start3A_1976 = arith.constant 0 : i32
      %dma_start3A_1977 = arith.constant 0 : i32
      %dma_start3A_1978 = arith.constant 0 : i32
      %dma_start3A_1979 = arith.constant 0 : i32
      %dma_start3A_1980 = arith.constant 0 : i32
      %dma_start3A_1981 = tpu.memref_slice %arg10[%dma_start3A_1977, %dma_start3A_1979, %dma_start3A_1980] : memref<4x80x64xf32, #tpu.memory_space<vmem>> -> memref<1x80x64xf32, #tpu.memory_space<vmem>>
      %dma_start3A_1982 = tpu.memref_squeeze %dma_start3A_1981 : memref<1x80x64xf32, #tpu.memory_space<vmem>> -> memref<80x64xf32, #tpu.memory_space<vmem>>
      %dma_start3A_1983 = arith.constant 0 : i32
      %dma_start3A_1984 = tpu.memref_slice %arg8[%dma_start3A_1976, %dma_start3A_1983] : memref<4x80xi32, #tpu.memory_space<vmem>> -> memref<1x80xi32, #tpu.memory_space<vmem>>
      %dma_start3A_1985 = tpu.memref_squeeze %dma_start3A_1984 : memref<1x80xi32, #tpu.memory_space<vmem>> -> memref<80xi32, #tpu.memory_space<vmem>>
      %dma_start3A_1986 = arith.constant 0 : i32
      %dma_start3A_1987 = arith.constant 0 : i32
      %dma_start3A_1988 = tpu.memref_slice %arg2[%dma_start3A_1986, %dma_start3A_1987] : memref<20000x64xf32, #tpu.memory_space<hbm>> -> memref<20000x64xf32, #tpu.memory_space<hbm>>
      %dma_start3A_1989 = tpu.memref_slice %arg12[%dma_start3A_1978] : memref<4x!tpu.dma_semaphore, #tpu.memory_space<semaphore_mem>> -> memref<1x!tpu.dma_semaphore, #tpu.memory_space<semaphore_mem>>
      %dma_start3A_1990 = tpu.memref_squeeze %dma_start3A_1989 : memref<1x!tpu.dma_semaphore, #tpu.memory_space<semaphore_mem>> -> memref<!tpu.dma_semaphore, #tpu.memory_space<semaphore_mem>>
      tpu.enqueue_indirect_dma source(%dma_start3A_1988 : memref<20000x64xf32, #tpu.memory_space<hbm>>) target(%dma_start3A_1982 : memref<80x64xf32, #tpu.memory_space<vmem>>) offsets(%dma_start3A_1985 : memref<80xi32, #tpu.memory_space<vmem>>) semaphore(%dma_start3A_1990 : memref<!tpu.dma_semaphore, #tpu.memory_space<semaphore_mem>>)
      %dma_wait3A_1991 = arith.constant 3 : i32
      %dma_wait3A_1992 = arith.constant 3 : i32
      %dma_wait3A_1993 = arith.constant 3 : i32
      %dma_wait3A_1994 = arith.constant 0 : i32
      %dma_wait3A_1995 = arith.constant 0 : i32
      %dma_wait3A_1996 = tpu.memref_slice %arg10[%dma_wait3A_1992, %dma_wait3A_1994, %dma_wait3A_1995] : memref<4x80x64xf32, #tpu.memory_space<vmem>> -> memref<1x80x64xf32, #tpu.memory_space<vmem>>
      %dma_wait3A_1997 = tpu.memref_squeeze %dma_wait3A_1996 : memref<1x80x64xf32, #tpu.memory_space<vmem>> -> memref<80x64xf32, #tpu.memory_space<vmem>>
      %dma_wait3A_1998 = arith.constant 0 : i32
      %dma_wait3A_1999 = tpu.memref_slice %arg8[%dma_wait3A_1991, %dma_wait3A_1998] : memref<4x80xi32, #tpu.memory_space<vmem>> -> memref<1x80xi32, #tpu.memory_space<vmem>>
      %dma_wait3A_2000 = tpu.memref_squeeze %dma_wait3A_1999 : memref<1x80xi32, #tpu.memory_space<vmem>> -> memref<80xi32, #tpu.memory_space<vmem>>
      %dma_wait3A_2001 = arith.constant 0 : i32
      %dma_wait3A_2002 = arith.constant 0 : i32
      %dma_wait3A_2003 = tpu.memref_slice %arg2[%dma_wait3A_2001, %dma_wait3A_2002] : memref<20000x64xf32, #tpu.memory_space<hbm>> -> memref<20000x64xf32, #tpu.memory_space<hbm>>
      %dma_wait3A_2004 = tpu.memref_slice %arg12[%dma_wait3A_1993] : memref<4x!tpu.dma_semaphore, #tpu.memory_space<semaphore_mem>> -> memref<1x!tpu.dma_semaphore, #tpu.memory_space<semaphore_mem>>
      %dma_wait3A_2005 = tpu.memref_squeeze %dma_wait3A_2004 : memref<1x!tpu.dma_semaphore, #tpu.memory_space<semaphore_mem>> -> memref<!tpu.dma_semaphore, #tpu.memory_space<semaphore_mem>>
      tpu.wait_indirect_dma semaphore(%dma_wait3A_2005 : memref<!tpu.dma_semaphore, #tpu.memory_space<semaphore_mem>>) src(%dma_wait3A_2003 : memref<20000x64xf32, #tpu.memory_space<hbm>>) dst(%dma_wait3A_1997 : memref<80x64xf32, #tpu.memory_space<vmem>>)
      %dma_start3A_2006 = arith.constant 3 : i32
      %dma_start3A_2007 = arith.constant 3 : i32
      %dma_start3A_2008 = arith.constant 3 : i32
      %dma_start3A_2009 = arith.constant 0 : i32
      %dma_start3A_2010 = arith.constant 0 : i32
      %dma_start3A_2011 = tpu.memref_slice %arg10[%dma_start3A_2006, %dma_start3A_2009, %dma_start3A_2010] : memref<4x80x64xf32, #tpu.memory_space<vmem>> -> memref<1x80x64xf32, #tpu.memory_space<vmem>>
      %dma_start3A_2012 = tpu.memref_squeeze %dma_start3A_2011 : memref<1x80x64xf32, #tpu.memory_space<vmem>> -> memref<80x64xf32, #tpu.memory_space<vmem>>
      %dma_start3A_2013 = arith.constant 0 : i32
      %dma_start3A_2014 = tpu.memref_slice %arg9[%dma_start3A_2007, %dma_start3A_2013] : memref<4x80xi32, #tpu.memory_space<vmem>> -> memref<1x80xi32, #tpu.memory_space<vmem>>
      %dma_start3A_2015 = tpu.memref_squeeze %dma_start3A_2014 : memref<1x80xi32, #tpu.memory_space<vmem>> -> memref<80xi32, #tpu.memory_space<vmem>>
      %dma_start3A_2016 = arith.constant 0 : i32
      %dma_start3A_2017 = arith.constant 0 : i32
      %dma_start3A_2018 = tpu.memref_slice %arg11[%dma_start3A_2016, %dma_start3A_2017] : memref<10240x64xf32, #tpu.memory_space<vmem_shared>> -> memref<10240x64xf32, #tpu.memory_space<vmem_shared>>
      %dma_start3A_2019 = tpu.memref_slice %arg13[%dma_start3A_2008] : memref<4x!tpu.dma_semaphore, #tpu.memory_space<semaphore_mem>> -> memref<1x!tpu.dma_semaphore, #tpu.memory_space<semaphore_mem>>
      %dma_start3A_2020 = tpu.memref_squeeze %dma_start3A_2019 : memref<1x!tpu.dma_semaphore, #tpu.memory_space<semaphore_mem>> -> memref<!tpu.dma_semaphore, #tpu.memory_space<semaphore_mem>>
      tpu.enqueue_indirect_dma source(%dma_start3A_2012 : memref<80x64xf32, #tpu.memory_space<vmem>>) target(%dma_start3A_2018 : memref<10240x64xf32, #tpu.memory_space<vmem_shared>>) offsets(%dma_start3A_2015 : memref<80xi32, #tpu.memory_space<vmem>>) semaphore(%dma_start3A_2020 : memref<!tpu.dma_semaphore, #tpu.memory_space<semaphore_mem>>) {add = true}
      %add3A_2021 = arith.constant 1 : i32
      %add3A_2022 = arith.addi %mul3A_1805, %add3A_2021 : i32
      %dma_wait3A_2023 = arith.constant 1 : i32
      %dma_wait3A_2024 = arith.constant 1 : i32
      %dma_wait3A_2025 = arith.constant 1 : i32
      %dma_wait3A_2026 = arith.constant 0 : i32
      %dma_wait3A_2027 = arith.constant 0 : i32
      %dma_wait3A_2028 = tpu.memref_slice %arg10[%dma_wait3A_2023, %dma_wait3A_2026, %dma_wait3A_2027] : memref<4x80x64xf32, #tpu.memory_space<vmem>> -> memref<1x80x64xf32, #tpu.memory_space<vmem>>
      %dma_wait3A_2029 = tpu.memref_squeeze %dma_wait3A_2028 : memref<1x80x64xf32, #tpu.memory_space<vmem>> -> memref<80x64xf32, #tpu.memory_space<vmem>>
      %dma_wait3A_2030 = arith.constant 0 : i32
      %dma_wait3A_2031 = tpu.memref_slice %arg9[%dma_wait3A_2024, %dma_wait3A_2030] : memref<4x80xi32, #tpu.memory_space<vmem>> -> memref<1x80xi32, #tpu.memory_space<vmem>>
      %dma_wait3A_2032 = tpu.memref_squeeze %dma_wait3A_2031 : memref<1x80xi32, #tpu.memory_space<vmem>> -> memref<80xi32, #tpu.memory_space<vmem>>
      %dma_wait3A_2033 = arith.constant 0 : i32
      %dma_wait3A_2034 = arith.constant 0 : i32
      %dma_wait3A_2035 = tpu.memref_slice %arg11[%dma_wait3A_2033, %dma_wait3A_2034] : memref<10240x64xf32, #tpu.memory_space<vmem_shared>> -> memref<10240x64xf32, #tpu.memory_space<vmem_shared>>
      %dma_wait3A_2036 = tpu.memref_slice %arg13[%dma_wait3A_2025] : memref<4x!tpu.dma_semaphore, #tpu.memory_space<semaphore_mem>> -> memref<1x!tpu.dma_semaphore, #tpu.memory_space<semaphore_mem>>
      %dma_wait3A_2037 = tpu.memref_squeeze %dma_wait3A_2036 : memref<1x!tpu.dma_semaphore, #tpu.memory_space<semaphore_mem>> -> memref<!tpu.dma_semaphore, #tpu.memory_space<semaphore_mem>>
      tpu.wait_indirect_dma semaphore(%dma_wait3A_2037 : memref<!tpu.dma_semaphore, #tpu.memory_space<semaphore_mem>>) src(%dma_wait3A_2029 : memref<80x64xf32, #tpu.memory_space<vmem>>) dst(%dma_wait3A_2035 : memref<10240x64xf32, #tpu.memory_space<vmem_shared>>)
      %mul3A_2038 = arith.constant 80 : i32
      %mul3A_2039 = arith.muli %add3A_2022, %mul3A_2038 : i32
      %add3A_2040 = arith.constant 0 : i32
      %add3A_2041 = arith.addi %mul3A_2039, %add3A_2040 : i32
      %get3A_2042 = arith.index_cast %add3A_2041 : i32 to index
      %get3A_2043 = tpu.vector_load %arg6[%get3A_2042] {strides = array<i32>} : memref<20000xi32, #tpu.memory_space<vmem>>, vector<16xi32>,
      %get3A_2044 = vector.shape_cast %get3A_2043 : vector<16xi32> to vector<16xi32>
      %mul3A_2045 = arith.constant 2 : i32
      %mul3A_2046 = vector.broadcast %mul3A_2045 : i32 to vector<16xi32>
      %mul3A_2047 = arith.muli %get3A_2044, %mul3A_2046 : vector<16xi32>
      %add3A_2048 = vector.broadcast %arg0 : i32 to vector<16xi32>
      %add3A_2049 = arith.addi %mul3A_2047, %add3A_2048 : vector<16xi32>
      %swap3A_2050 = arith.constant 1 : i32
      %swap3A_2051 = arith.index_cast %swap3A_2050 : i32 to index
      %swap3A_2052 = arith.constant 0 : index
      %swap3A_2053 = tpu.vector_load %arg8[%swap3A_2051, %swap3A_2052] {strides = array<i32>} : memref<4x80xi32, #tpu.memory_space<vmem>>, vector<1x16xi32>,
      %swap3A_2054 = vector.shape_cast %swap3A_2053 : vector<1x16xi32> to vector<16xi32>
      %swap3A_2055 = vector.shape_cast %add3A_2049 : vector<16xi32> to vector<1x16xi32>
      tpu.vector_store %arg8[%swap3A_2051, %swap3A_2052], %swap3A_2055 {strides = array<i32>} : memref<4x80xi32, #tpu.memory_space<vmem>>, vector<1x16xi32>,
      %mul3A_2056 = arith.constant 80 : i32
      %mul3A_2057 = arith.muli %add3A_2022, %mul3A_2056 : i32
      %add3A_2058 = arith.constant 0 : i32
      %add3A_2059 = arith.addi %mul3A_2057, %add3A_2058 : i32
      %get3A_2060 = arith.index_cast %add3A_2059 : i32 to index
      %get3A_2061 = tpu.vector_load %arg7[%get3A_2060] {strides = array<i32>} : memref<20000xi32, #tpu.memory_space<vmem>>, vector<16xi32>,
      %get3A_2062 = vector.shape_cast %get3A_2061 : vector<16xi32> to vector<16xi32>
      %swap3A_2063 = arith.constant 1 : i32
      %swap3A_2064 = arith.index_cast %swap3A_2063 : i32 to index
      %swap3A_2065 = arith.constant 0 : index
      %swap3A_2066 = tpu.vector_load %arg9[%swap3A_2064, %swap3A_2065] {strides = array<i32>} : memref<4x80xi32, #tpu.memory_space<vmem>>, vector<1x16xi32>,
      %swap3A_2067 = vector.shape_cast %swap3A_2066 : vector<1x16xi32> to vector<16xi32>
      %swap3A_2068 = vector.shape_cast %get3A_2062 : vector<16xi32> to vector<1x16xi32>
      tpu.vector_store %arg9[%swap3A_2064, %swap3A_2065], %swap3A_2068 {strides = array<i32>} : memref<4x80xi32, #tpu.memory_space<vmem>>, vector<1x16xi32>,
      %mul3A_2069 = arith.constant 80 : i32
      %mul3A_2070 = arith.muli %add3A_2022, %mul3A_2069 : i32
      %add3A_2071 = arith.constant 16 : i32
      %add3A_2072 = arith.addi %mul3A_2070, %add3A_2071 : i32
      %get3A_2073 = arith.index_cast %add3A_2072 : i32 to index
      %get3A_2074 = tpu.vector_load %arg6[%get3A_2073] {strides = array<i32>} : memref<20000xi32, #tpu.memory_space<vmem>>, vector<16xi32>,
      %get3A_2075 = vector.shape_cast %get3A_2074 : vector<16xi32> to vector<16xi32>
      %mul3A_2076 = arith.constant 2 : i32
      %mul3A_2077 = vector.broadcast %mul3A_2076 : i32 to vector<16xi32>
      %mul3A_2078 = arith.muli %get3A_2075, %mul3A_2077 : vector<16xi32>
      %add3A_2079 = vector.broadcast %arg0 : i32 to vector<16xi32>
      %add3A_2080 = arith.addi %mul3A_2078, %add3A_2079 : vector<16xi32>
      %swap3A_2081 = arith.constant 1 : i32
      %swap3A_2082 = arith.index_cast %swap3A_2081 : i32 to index
      %swap3A_2083 = arith.constant 16 : index
      %swap3A_2084 = tpu.vector_load %arg8[%swap3A_2082, %swap3A_2083] {strides = array<i32>} : memref<4x80xi32, #tpu.memory_space<vmem>>, vector<1x16xi32>,
      %swap3A_2085 = vector.shape_cast %swap3A_2084 : vector<1x16xi32> to vector<16xi32>
      %swap3A_2086 = vector.shape_cast %add3A_2080 : vector<16xi32> to vector<1x16xi32>
      tpu.vector_store %arg8[%swap3A_2082, %swap3A_2083], %swap3A_2086 {strides = array<i32>} : memref<4x80xi32, #tpu.memory_space<vmem>>, vector<1x16xi32>,
      %mul3A_2087 = arith.constant 80 : i32
      %mul3A_2088 = arith.muli %add3A_2022, %mul3A_2087 : i32
      %add3A_2089 = arith.constant 16 : i32
      %add3A_2090 = arith.addi %mul3A_2088, %add3A_2089 : i32
      %get3A_2091 = arith.index_cast %add3A_2090 : i32 to index
      %get3A_2092 = tpu.vector_load %arg7[%get3A_2091] {strides = array<i32>} : memref<20000xi32, #tpu.memory_space<vmem>>, vector<16xi32>,
      %get3A_2093 = vector.shape_cast %get3A_2092 : vector<16xi32> to vector<16xi32>
      %swap3A_2094 = arith.constant 1 : i32
      %swap3A_2095 = arith.index_cast %swap3A_2094 : i32 to index
      %swap3A_2096 = arith.constant 16 : index
      %swap3A_2097 = tpu.vector_load %arg9[%swap3A_2095, %swap3A_2096] {strides = array<i32>} : memref<4x80xi32, #tpu.memory_space<vmem>>, vector<1x16xi32>,
      %swap3A_2098 = vector.shape_cast %swap3A_2097 : vector<1x16xi32> to vector<16xi32>
      %swap3A_2099 = vector.shape_cast %get3A_2093 : vector<16xi32> to vector<1x16xi32>
      tpu.vector_store %arg9[%swap3A_2095, %swap3A_2096], %swap3A_2099 {strides = array<i32>} : memref<4x80xi32, #tpu.memory_space<vmem>>, vector<1x16xi32>,
      %mul3A_2100 = arith.constant 80 : i32
      %mul3A_2101 = arith.muli %add3A_2022, %mul3A_2100 : i32
      %add3A_2102 = arith.constant 32 : i32
      %add3A_2103 = arith.addi %mul3A_2101, %add3A_2102 : i32
      %get3A_2104 = arith.index_cast %add3A_2103 : i32 to index
      %get3A_2105 = tpu.vector_load %arg6[%get3A_2104] {strides = array<i32>} : memref<20000xi32, #tpu.memory_space<vmem>>, vector<16xi32>,
      %get3A_2106 = vector.shape_cast %get3A_2105 : vector<16xi32> to vector<16xi32>
      %mul3A_2107 = arith.constant 2 : i32
      %mul3A_2108 = vector.broadcast %mul3A_2107 : i32 to vector<16xi32>
      %mul3A_2109 = arith.muli %get3A_2106, %mul3A_2108 : vector<16xi32>
      %add3A_2110 = vector.broadcast %arg0 : i32 to vector<16xi32>
      %add3A_2111 = arith.addi %mul3A_2109, %add3A_2110 : vector<16xi32>
      %swap3A_2112 = arith.constant 1 : i32
      %swap3A_2113 = arith.index_cast %swap3A_2112 : i32 to index
      %swap3A_2114 = arith.constant 32 : index
      %swap3A_2115 = tpu.vector_load %arg8[%swap3A_2113, %swap3A_2114] {strides = array<i32>} : memref<4x80xi32, #tpu.memory_space<vmem>>, vector<1x16xi32>,
      %swap3A_2116 = vector.shape_cast %swap3A_2115 : vector<1x16xi32> to vector<16xi32>
      %swap3A_2117 = vector.shape_cast %add3A_2111 : vector<16xi32> to vector<1x16xi32>
      tpu.vector_store %arg8[%swap3A_2113, %swap3A_2114], %swap3A_2117 {strides = array<i32>} : memref<4x80xi32, #tpu.memory_space<vmem>>, vector<1x16xi32>,
      %mul3A_2118 = arith.constant 80 : i32
      %mul3A_2119 = arith.muli %add3A_2022, %mul3A_2118 : i32
      %add3A_2120 = arith.constant 32 : i32
      %add3A_2121 = arith.addi %mul3A_2119, %add3A_2120 : i32
      %get3A_2122 = arith.index_cast %add3A_2121 : i32 to index
      %get3A_2123 = tpu.vector_load %arg7[%get3A_2122] {strides = array<i32>} : memref<20000xi32, #tpu.memory_space<vmem>>, vector<16xi32>,
      %get3A_2124 = vector.shape_cast %get3A_2123 : vector<16xi32> to vector<16xi32>
      %swap3A_2125 = arith.constant 1 : i32
      %swap3A_2126 = arith.index_cast %swap3A_2125 : i32 to index
      %swap3A_2127 = arith.constant 32 : index
      %swap3A_2128 = tpu.vector_load %arg9[%swap3A_2126, %swap3A_2127] {strides = array<i32>} : memref<4x80xi32, #tpu.memory_space<vmem>>, vector<1x16xi32>,
      %swap3A_2129 = vector.shape_cast %swap3A_2128 : vector<1x16xi32> to vector<16xi32>
      %swap3A_2130 = vector.shape_cast %get3A_2124 : vector<16xi32> to vector<1x16xi32>
      tpu.vector_store %arg9[%swap3A_2126, %swap3A_2127], %swap3A_2130 {strides = array<i32>} : memref<4x80xi32, #tpu.memory_space<vmem>>, vector<1x16xi32>,
      %mul3A_2131 = arith.constant 80 : i32
      %mul3A_2132 = arith.muli %add3A_2022, %mul3A_2131 : i32
      %add3A_2133 = arith.constant 48 : i32
      %add3A_2134 = arith.addi %mul3A_2132, %add3A_2133 : i32
      %get3A_2135 = arith.index_cast %add3A_2134 : i32 to index
      %get3A_2136 = tpu.vector_load %arg6[%get3A_2135] {strides = array<i32>} : memref<20000xi32, #tpu.memory_space<vmem>>, vector<16xi32>,
      %get3A_2137 = vector.shape_cast %get3A_2136 : vector<16xi32> to vector<16xi32>
      %mul3A_2138 = arith.constant 2 : i32
      %mul3A_2139 = vector.broadcast %mul3A_2138 : i32 to vector<16xi32>
      %mul3A_2140 = arith.muli %get3A_2137, %mul3A_2139 : vector<16xi32>
      %add3A_2141 = vector.broadcast %arg0 : i32 to vector<16xi32>
      %add3A_2142 = arith.addi %mul3A_2140, %add3A_2141 : vector<16xi32>
      %swap3A_2143 = arith.constant 1 : i32
      %swap3A_2144 = arith.index_cast %swap3A_2143 : i32 to index
      %swap3A_2145 = arith.constant 48 : index
      %swap3A_2146 = tpu.vector_load %arg8[%swap3A_2144, %swap3A_2145] {strides = array<i32>} : memref<4x80xi32, #tpu.memory_space<vmem>>, vector<1x16xi32>,
      %swap3A_2147 = vector.shape_cast %swap3A_2146 : vector<1x16xi32> to vector<16xi32>
      %swap3A_2148 = vector.shape_cast %add3A_2142 : vector<16xi32> to vector<1x16xi32>
      tpu.vector_store %arg8[%swap3A_2144, %swap3A_2145], %swap3A_2148 {strides = array<i32>} : memref<4x80xi32, #tpu.memory_space<vmem>>, vector<1x16xi32>,
      %mul3A_2149 = arith.constant 80 : i32
      %mul3A_2150 = arith.muli %add3A_2022, %mul3A_2149 : i32
      %add3A_2151 = arith.constant 48 : i32
      %add3A_2152 = arith.addi %mul3A_2150, %add3A_2151 : i32
      %get3A_2153 = arith.index_cast %add3A_2152 : i32 to index
      %get3A_2154 = tpu.vector_load %arg7[%get3A_2153] {strides = array<i32>} : memref<20000xi32, #tpu.memory_space<vmem>>, vector<16xi32>,
      %get3A_2155 = vector.shape_cast %get3A_2154 : vector<16xi32> to vector<16xi32>
      %swap3A_2156 = arith.constant 1 : i32
      %swap3A_2157 = arith.index_cast %swap3A_2156 : i32 to index
      %swap3A_2158 = arith.constant 48 : index
      %swap3A_2159 = tpu.vector_load %arg9[%swap3A_2157, %swap3A_2158] {strides = array<i32>} : memref<4x80xi32, #tpu.memory_space<vmem>>, vector<1x16xi32>,
      %swap3A_2160 = vector.shape_cast %swap3A_2159 : vector<1x16xi32> to vector<16xi32>
      %swap3A_2161 = vector.shape_cast %get3A_2155 : vector<16xi32> to vector<1x16xi32>
      tpu.vector_store %arg9[%swap3A_2157, %swap3A_2158], %swap3A_2161 {strides = array<i32>} : memref<4x80xi32, #tpu.memory_space<vmem>>, vector<1x16xi32>,
      %mul3A_2162 = arith.constant 80 : i32
      %mul3A_2163 = arith.muli %add3A_2022, %mul3A_2162 : i32
      %add3A_2164 = arith.constant 64 : i32
      %add3A_2165 = arith.addi %mul3A_2163, %add3A_2164 : i32
      %get3A_2166 = arith.index_cast %add3A_2165 : i32 to index
      %get3A_2167 = tpu.vector_load %arg6[%get3A_2166] {strides = array<i32>} : memref<20000xi32, #tpu.memory_space<vmem>>, vector<16xi32>,
      %get3A_2168 = vector.shape_cast %get3A_2167 : vector<16xi32> to vector<16xi32>
      %mul3A_2169 = arith.constant 2 : i32
      %mul3A_2170 = vector.broadcast %mul3A_2169 : i32 to vector<16xi32>
      %mul3A_2171 = arith.muli %get3A_2168, %mul3A_2170 : vector<16xi32>
      %add3A_2172 = vector.broadcast %arg0 : i32 to vector<16xi32>
      %add3A_2173 = arith.addi %mul3A_2171, %add3A_2172 : vector<16xi32>
      %swap3A_2174 = arith.constant 1 : i32
      %swap3A_2175 = arith.index_cast %swap3A_2174 : i32 to index
      %swap3A_2176 = arith.constant 64 : index
      %swap3A_2177 = tpu.vector_load %arg8[%swap3A_2175, %swap3A_2176] {strides = array<i32>} : memref<4x80xi32, #tpu.memory_space<vmem>>, vector<1x16xi32>,
      %swap3A_2178 = vector.shape_cast %swap3A_2177 : vector<1x16xi32> to vector<16xi32>
      %swap3A_2179 = vector.shape_cast %add3A_2173 : vector<16xi32> to vector<1x16xi32>
      tpu.vector_store %arg8[%swap3A_2175, %swap3A_2176], %swap3A_2179 {strides = array<i32>} : memref<4x80xi32, #tpu.memory_space<vmem>>, vector<1x16xi32>,
      %mul3A_2180 = arith.constant 80 : i32
      %mul3A_2181 = arith.muli %add3A_2022, %mul3A_2180 : i32
      %add3A_2182 = arith.constant 64 : i32
      %add3A_2183 = arith.addi %mul3A_2181, %add3A_2182 : i32
      %get3A_2184 = arith.index_cast %add3A_2183 : i32 to index
      %get3A_2185 = tpu.vector_load %arg7[%get3A_2184] {strides = array<i32>} : memref<20000xi32, #tpu.memory_space<vmem>>, vector<16xi32>,
      %get3A_2186 = vector.shape_cast %get3A_2185 : vector<16xi32> to vector<16xi32>
      %swap3A_2187 = arith.constant 1 : i32
      %swap3A_2188 = arith.index_cast %swap3A_2187 : i32 to index
      %swap3A_2189 = arith.constant 64 : index
      %swap3A_2190 = tpu.vector_load %arg9[%swap3A_2188, %swap3A_2189] {strides = array<i32>} : memref<4x80xi32, #tpu.memory_space<vmem>>, vector<1x16xi32>,
      %swap3A_2191 = vector.shape_cast %swap3A_2190 : vector<1x16xi32> to vector<16xi32>
      %swap3A_2192 = vector.shape_cast %get3A_2186 : vector<16xi32> to vector<1x16xi32>
      tpu.vector_store %arg9[%swap3A_2188, %swap3A_2189], %swap3A_2192 {strides = array<i32>} : memref<4x80xi32, #tpu.memory_space<vmem>>, vector<1x16xi32>,
      %dma_start3A_2193 = arith.constant 1 : i32
      %dma_start3A_2194 = arith.constant 1 : i32
      %dma_start3A_2195 = arith.constant 1 : i32
      %dma_start3A_2196 = arith.constant 0 : i32
      %dma_start3A_2197 = arith.constant 0 : i32
      %dma_start3A_2198 = tpu.memref_slice %arg10[%dma_start3A_2194, %dma_start3A_2196, %dma_start3A_2197] : memref<4x80x64xf32, #tpu.memory_space<vmem>> -> memref<1x80x64xf32, #tpu.memory_space<vmem>>
      %dma_start3A_2199 = tpu.memref_squeeze %dma_start3A_2198 : memref<1x80x64xf32, #tpu.memory_space<vmem>> -> memref<80x64xf32, #tpu.memory_space<vmem>>
      %dma_start3A_2200 = arith.constant 0 : i32
      %dma_start3A_2201 = tpu.memref_slice %arg8[%dma_start3A_2193, %dma_start3A_2200] : memref<4x80xi32, #tpu.memory_space<vmem>> -> memref<1x80xi32, #tpu.memory_space<vmem>>
      %dma_start3A_2202 = tpu.memref_squeeze %dma_start3A_2201 : memref<1x80xi32, #tpu.memory_space<vmem>> -> memref<80xi32, #tpu.memory_space<vmem>>
      %dma_start3A_2203 = arith.constant 0 : i32
      %dma_start3A_2204 = arith.constant 0 : i32
      %dma_start3A_2205 = tpu.memref_slice %arg2[%dma_start3A_2203, %dma_start3A_2204] : memref<20000x64xf32, #tpu.memory_space<hbm>> -> memref<20000x64xf32, #tpu.memory_space<hbm>>
      %dma_start3A_2206 = tpu.memref_slice %arg12[%dma_start3A_2195] : memref<4x!tpu.dma_semaphore, #tpu.memory_space<semaphore_mem>> -> memref<1x!tpu.dma_semaphore, #tpu.memory_space<semaphore_mem>>
      %dma_start3A_2207 = tpu.memref_squeeze %dma_start3A_2206 : memref<1x!tpu.dma_semaphore, #tpu.memory_space<semaphore_mem>> -> memref<!tpu.dma_semaphore, #tpu.memory_space<semaphore_mem>>
      tpu.enqueue_indirect_dma source(%dma_start3A_2205 : memref<20000x64xf32, #tpu.memory_space<hbm>>) target(%dma_start3A_2199 : memref<80x64xf32, #tpu.memory_space<vmem>>) offsets(%dma_start3A_2202 : memref<80xi32, #tpu.memory_space<vmem>>) semaphore(%dma_start3A_2207 : memref<!tpu.dma_semaphore, #tpu.memory_space<semaphore_mem>>)
      %dma_wait3A_2208 = arith.constant 0 : i32
      %dma_wait3A_2209 = arith.constant 0 : i32
      %dma_wait3A_2210 = arith.constant 0 : i32
      %dma_wait3A_2211 = arith.constant 0 : i32
      %dma_wait3A_2212 = arith.constant 0 : i32
      %dma_wait3A_2213 = tpu.memref_slice %arg10[%dma_wait3A_2209, %dma_wait3A_2211, %dma_wait3A_2212] : memref<4x80x64xf32, #tpu.memory_space<vmem>> -> memref<1x80x64xf32, #tpu.memory_space<vmem>>
      %dma_wait3A_2214 = tpu.memref_squeeze %dma_wait3A_2213 : memref<1x80x64xf32, #tpu.memory_space<vmem>> -> memref<80x64xf32, #tpu.memory_space<vmem>>
      %dma_wait3A_2215 = arith.constant 0 : i32
      %dma_wait3A_2216 = tpu.memref_slice %arg8[%dma_wait3A_2208, %dma_wait3A_2215] : memref<4x80xi32, #tpu.memory_space<vmem>> -> memref<1x80xi32, #tpu.memory_space<vmem>>
      %dma_wait3A_2217 = tpu.memref_squeeze %dma_wait3A_2216 : memref<1x80xi32, #tpu.memory_space<vmem>> -> memref<80xi32, #tpu.memory_space<vmem>>
      %dma_wait3A_2218 = arith.constant 0 : i32
      %dma_wait3A_2219 = arith.constant 0 : i32
      %dma_wait3A_2220 = tpu.memref_slice %arg2[%dma_wait3A_2218, %dma_wait3A_2219] : memref<20000x64xf32, #tpu.memory_space<hbm>> -> memref<20000x64xf32, #tpu.memory_space<hbm>>
      %dma_wait3A_2221 = tpu.memref_slice %arg12[%dma_wait3A_2210] : memref<4x!tpu.dma_semaphore, #tpu.memory_space<semaphore_mem>> -> memref<1x!tpu.dma_semaphore, #tpu.memory_space<semaphore_mem>>
      %dma_wait3A_2222 = tpu.memref_squeeze %dma_wait3A_2221 : memref<1x!tpu.dma_semaphore, #tpu.memory_space<semaphore_mem>> -> memref<!tpu.dma_semaphore, #tpu.memory_space<semaphore_mem>>
      tpu.wait_indirect_dma semaphore(%dma_wait3A_2222 : memref<!tpu.dma_semaphore, #tpu.memory_space<semaphore_mem>>) src(%dma_wait3A_2220 : memref<20000x64xf32, #tpu.memory_space<hbm>>) dst(%dma_wait3A_2214 : memref<80x64xf32, #tpu.memory_space<vmem>>)
      %dma_start3A_2223 = arith.constant 0 : i32
      %dma_start3A_2224 = arith.constant 0 : i32
      %dma_start3A_2225 = arith.constant 0 : i32
      %dma_start3A_2226 = arith.constant 0 : i32
      %dma_start3A_2227 = arith.constant 0 : i32
      %dma_start3A_2228 = tpu.memref_slice %arg10[%dma_start3A_2223, %dma_start3A_2226, %dma_start3A_2227] : memref<4x80x64xf32, #tpu.memory_space<vmem>> -> memref<1x80x64xf32, #tpu.memory_space<vmem>>
      %dma_start3A_2229 = tpu.memref_squeeze %dma_start3A_2228 : memref<1x80x64xf32, #tpu.memory_space<vmem>> -> memref<80x64xf32, #tpu.memory_space<vmem>>
      %dma_start3A_2230 = arith.constant 0 : i32
      %dma_start3A_2231 = tpu.memref_slice %arg9[%dma_start3A_2224, %dma_start3A_2230] : memref<4x80xi32, #tpu.memory_space<vmem>> -> memref<1x80xi32, #tpu.memory_space<vmem>>
      %dma_start3A_2232 = tpu.memref_squeeze %dma_start3A_2231 : memref<1x80xi32, #tpu.memory_space<vmem>> -> memref<80xi32, #tpu.memory_space<vmem>>
      %dma_start3A_2233 = arith.constant 0 : i32
      %dma_start3A_2234 = arith.constant 0 : i32
      %dma_start3A_2235 = tpu.memref_slice %arg11[%dma_start3A_2233, %dma_start3A_2234] : memref<10240x64xf32, #tpu.memory_space<vmem_shared>> -> memref<10240x64xf32, #tpu.memory_space<vmem_shared>>
      %dma_start3A_2236 = tpu.memref_slice %arg13[%dma_start3A_2225] : memref<4x!tpu.dma_semaphore, #tpu.memory_space<semaphore_mem>> -> memref<1x!tpu.dma_semaphore, #tpu.memory_space<semaphore_mem>>
      %dma_start3A_2237 = tpu.memref_squeeze %dma_start3A_2236 : memref<1x!tpu.dma_semaphore, #tpu.memory_space<semaphore_mem>> -> memref<!tpu.dma_semaphore, #tpu.memory_space<semaphore_mem>>
      tpu.enqueue_indirect_dma source(%dma_start3A_2229 : memref<80x64xf32, #tpu.memory_space<vmem>>) target(%dma_start3A_2235 : memref<10240x64xf32, #tpu.memory_space<vmem_shared>>) offsets(%dma_start3A_2232 : memref<80xi32, #tpu.memory_space<vmem>>) semaphore(%dma_start3A_2237 : memref<!tpu.dma_semaphore, #tpu.memory_space<semaphore_mem>>) {add = true}
      %add3A_2238 = arith.constant 2 : i32
      %add3A_2239 = arith.addi %mul3A_1805, %add3A_2238 : i32
      %dma_wait3A_2240 = arith.constant 2 : i32
      %dma_wait3A_2241 = arith.constant 2 : i32
      %dma_wait3A_2242 = arith.constant 2 : i32
      %dma_wait3A_2243 = arith.constant 0 : i32
      %dma_wait3A_2244 = arith.constant 0 : i32
      %dma_wait3A_2245 = tpu.memref_slice %arg10[%dma_wait3A_2240, %dma_wait3A_2243, %dma_wait3A_2244] : memref<4x80x64xf32, #tpu.memory_space<vmem>> -> memref<1x80x64xf32, #tpu.memory_space<vmem>>
      %dma_wait3A_2246 = tpu.memref_squeeze %dma_wait3A_2245 : memref<1x80x64xf32, #tpu.memory_space<vmem>> -> memref<80x64xf32, #tpu.memory_space<vmem>>
      %dma_wait3A_2247 = arith.constant 0 : i32
      %dma_wait3A_2248 = tpu.memref_slice %arg9[%dma_wait3A_2241, %dma_wait3A_2247] : memref<4x80xi32, #tpu.memory_space<vmem>> -> memref<1x80xi32, #tpu.memory_space<vmem>>
      %dma_wait3A_2249 = tpu.memref_squeeze %dma_wait3A_2248 : memref<1x80xi32, #tpu.memory_space<vmem>> -> memref<80xi32, #tpu.memory_space<vmem>>
      %dma_wait3A_2250 = arith.constant 0 : i32
      %dma_wait3A_2251 = arith.constant 0 : i32
      %dma_wait3A_2252 = tpu.memref_slice %arg11[%dma_wait3A_2250, %dma_wait3A_2251] : memref<10240x64xf32, #tpu.memory_space<vmem_shared>> -> memref<10240x64xf32, #tpu.memory_space<vmem_shared>>
      %dma_wait3A_2253 = tpu.memref_slice %arg13[%dma_wait3A_2242] : memref<4x!tpu.dma_semaphore, #tpu.memory_space<semaphore_mem>> -> memref<1x!tpu.dma_semaphore, #tpu.memory_space<semaphore_mem>>
      %dma_wait3A_2254 = tpu.memref_squeeze %dma_wait3A_2253 : memref<1x!tpu.dma_semaphore, #tpu.memory_space<semaphore_mem>> -> memref<!tpu.dma_semaphore, #tpu.memory_space<semaphore_mem>>
      tpu.wait_indirect_dma semaphore(%dma_wait3A_2254 : memref<!tpu.dma_semaphore, #tpu.memory_space<semaphore_mem>>) src(%dma_wait3A_2246 : memref<80x64xf32, #tpu.memory_space<vmem>>) dst(%dma_wait3A_2252 : memref<10240x64xf32, #tpu.memory_space<vmem_shared>>)
      %mul3A_2255 = arith.constant 80 : i32
      %mul3A_2256 = arith.muli %add3A_2239, %mul3A_2255 : i32
      %add3A_2257 = arith.constant 0 : i32
      %add3A_2258 = arith.addi %mul3A_2256, %add3A_2257 : i32
      %get3A_2259 = arith.index_cast %add3A_2258 : i32 to index
      %get3A_2260 = tpu.vector_load %arg6[%get3A_2259] {strides = array<i32>} : memref<20000xi32, #tpu.memory_space<vmem>>, vector<16xi32>,
      %get3A_2261 = vector.shape_cast %get3A_2260 : vector<16xi32> to vector<16xi32>
      %mul3A_2262 = arith.constant 2 : i32
      %mul3A_2263 = vector.broadcast %mul3A_2262 : i32 to vector<16xi32>
      %mul3A_2264 = arith.muli %get3A_2261, %mul3A_2263 : vector<16xi32>
      %add3A_2265 = vector.broadcast %arg0 : i32 to vector<16xi32>
      %add3A_2266 = arith.addi %mul3A_2264, %add3A_2265 : vector<16xi32>
      %swap3A_2267 = arith.constant 2 : i32
      %swap3A_2268 = arith.index_cast %swap3A_2267 : i32 to index
      %swap3A_2269 = arith.constant 0 : index
      %swap3A_2270 = tpu.vector_load %arg8[%swap3A_2268, %swap3A_2269] {strides = array<i32>} : memref<4x80xi32, #tpu.memory_space<vmem>>, vector<1x16xi32>,
      %swap3A_2271 = vector.shape_cast %swap3A_2270 : vector<1x16xi32> to vector<16xi32>
      %swap3A_2272 = vector.shape_cast %add3A_2266 : vector<16xi32> to vector<1x16xi32>
      tpu.vector_store %arg8[%swap3A_2268, %swap3A_2269], %swap3A_2272 {strides = array<i32>} : memref<4x80xi32, #tpu.memory_space<vmem>>, vector<1x16xi32>,
      %mul3A_2273 = arith.constant 80 : i32
      %mul3A_2274 = arith.muli %add3A_2239, %mul3A_2273 : i32
      %add3A_2275 = arith.constant 0 : i32
      %add3A_2276 = arith.addi %mul3A_2274, %add3A_2275 : i32
      %get3A_2277 = arith.index_cast %add3A_2276 : i32 to index
      %get3A_2278 = tpu.vector_load %arg7[%get3A_2277] {strides = array<i32>} : memref<20000xi32, #tpu.memory_space<vmem>>, vector<16xi32>,
      %get3A_2279 = vector.shape_cast %get3A_2278 : vector<16xi32> to vector<16xi32>
      %swap3A_2280 = arith.constant 2 : i32
      %swap3A_2281 = arith.index_cast %swap3A_2280 : i32 to index
      %swap3A_2282 = arith.constant 0 : index
      %swap3A_2283 = tpu.vector_load %arg9[%swap3A_2281, %swap3A_2282] {strides = array<i32>} : memref<4x80xi32, #tpu.memory_space<vmem>>, vector<1x16xi32>,
      %swap3A_2284 = vector.shape_cast %swap3A_2283 : vector<1x16xi32> to vector<16xi32>
      %swap3A_2285 = vector.shape_cast %get3A_2279 : vector<16xi32> to vector<1x16xi32>
      tpu.vector_store %arg9[%swap3A_2281, %swap3A_2282], %swap3A_2285 {strides = array<i32>} : memref<4x80xi32, #tpu.memory_space<vmem>>, vector<1x16xi32>,
      %mul3A_2286 = arith.constant 80 : i32
      %mul3A_2287 = arith.muli %add3A_2239, %mul3A_2286 : i32
      %add3A_2288 = arith.constant 16 : i32
      %add3A_2289 = arith.addi %mul3A_2287, %add3A_2288 : i32
      %get3A_2290 = arith.index_cast %add3A_2289 : i32 to index
      %get3A_2291 = tpu.vector_load %arg6[%get3A_2290] {strides = array<i32>} : memref<20000xi32, #tpu.memory_space<vmem>>, vector<16xi32>,
      %get3A_2292 = vector.shape_cast %get3A_2291 : vector<16xi32> to vector<16xi32>
      %mul3A_2293 = arith.constant 2 : i32
      %mul3A_2294 = vector.broadcast %mul3A_2293 : i32 to vector<16xi32>
      %mul3A_2295 = arith.muli %get3A_2292, %mul3A_2294 : vector<16xi32>
      %add3A_2296 = vector.broadcast %arg0 : i32 to vector<16xi32>
      %add3A_2297 = arith.addi %mul3A_2295, %add3A_2296 : vector<16xi32>
      %swap3A_2298 = arith.constant 2 : i32
      %swap3A_2299 = arith.index_cast %swap3A_2298 : i32 to index
      %swap3A_2300 = arith.constant 16 : index
      %swap3A_2301 = tpu.vector_load %arg8[%swap3A_2299, %swap3A_2300] {strides = array<i32>} : memref<4x80xi32, #tpu.memory_space<vmem>>, vector<1x16xi32>,
      %swap3A_2302 = vector.shape_cast %swap3A_2301 : vector<1x16xi32> to vector<16xi32>
      %swap3A_2303 = vector.shape_cast %add3A_2297 : vector<16xi32> to vector<1x16xi32>
      tpu.vector_store %arg8[%swap3A_2299, %swap3A_2300], %swap3A_2303 {strides = array<i32>} : memref<4x80xi32, #tpu.memory_space<vmem>>, vector<1x16xi32>,
      %mul3A_2304 = arith.constant 80 : i32
      %mul3A_2305 = arith.muli %add3A_2239, %mul3A_2304 : i32
      %add3A_2306 = arith.constant 16 : i32
      %add3A_2307 = arith.addi %mul3A_2305, %add3A_2306 : i32
      %get3A_2308 = arith.index_cast %add3A_2307 : i32 to index
      %get3A_2309 = tpu.vector_load %arg7[%get3A_2308] {strides = array<i32>} : memref<20000xi32, #tpu.memory_space<vmem>>, vector<16xi32>,
      %get3A_2310 = vector.shape_cast %get3A_2309 : vector<16xi32> to vector<16xi32>
      %swap3A_2311 = arith.constant 2 : i32
      %swap3A_2312 = arith.index_cast %swap3A_2311 : i32 to index
      %swap3A_2313 = arith.constant 16 : index
      %swap3A_2314 = tpu.vector_load %arg9[%swap3A_2312, %swap3A_2313] {strides = array<i32>} : memref<4x80xi32, #tpu.memory_space<vmem>>, vector<1x16xi32>,
      %swap3A_2315 = vector.shape_cast %swap3A_2314 : vector<1x16xi32> to vector<16xi32>
      %swap3A_2316 = vector.shape_cast %get3A_2310 : vector<16xi32> to vector<1x16xi32>
      tpu.vector_store %arg9[%swap3A_2312, %swap3A_2313], %swap3A_2316 {strides = array<i32>} : memref<4x80xi32, #tpu.memory_space<vmem>>, vector<1x16xi32>,
      %mul3A_2317 = arith.constant 80 : i32
      %mul3A_2318 = arith.muli %add3A_2239, %mul3A_2317 : i32
      %add3A_2319 = arith.constant 32 : i32
      %add3A_2320 = arith.addi %mul3A_2318, %add3A_2319 : i32
      %get3A_2321 = arith.index_cast %add3A_2320 : i32 to index
      %get3A_2322 = tpu.vector_load %arg6[%get3A_2321] {strides = array<i32>} : memref<20000xi32, #tpu.memory_space<vmem>>, vector<16xi32>,
      %get3A_2323 = vector.shape_cast %get3A_2322 : vector<16xi32> to vector<16xi32>
      %mul3A_2324 = arith.constant 2 : i32
      %mul3A_2325 = vector.broadcast %mul3A_2324 : i32 to vector<16xi32>
      %mul3A_2326 = arith.muli %get3A_2323, %mul3A_2325 : vector<16xi32>
      %add3A_2327 = vector.broadcast %arg0 : i32 to vector<16xi32>
      %add3A_2328 = arith.addi %mul3A_2326, %add3A_2327 : vector<16xi32>
      %swap3A_2329 = arith.constant 2 : i32
      %swap3A_2330 = arith.index_cast %swap3A_2329 : i32 to index
      %swap3A_2331 = arith.constant 32 : index
      %swap3A_2332 = tpu.vector_load %arg8[%swap3A_2330, %swap3A_2331] {strides = array<i32>} : memref<4x80xi32, #tpu.memory_space<vmem>>, vector<1x16xi32>,
      %swap3A_2333 = vector.shape_cast %swap3A_2332 : vector<1x16xi32> to vector<16xi32>
      %swap3A_2334 = vector.shape_cast %add3A_2328 : vector<16xi32> to vector<1x16xi32>
      tpu.vector_store %arg8[%swap3A_2330, %swap3A_2331], %swap3A_2334 {strides = array<i32>} : memref<4x80xi32, #tpu.memory_space<vmem>>, vector<1x16xi32>,
      %mul3A_2335 = arith.constant 80 : i32
      %mul3A_2336 = arith.muli %add3A_2239, %mul3A_2335 : i32
      %add3A_2337 = arith.constant 32 : i32
      %add3A_2338 = arith.addi %mul3A_2336, %add3A_2337 : i32
      %get3A_2339 = arith.index_cast %add3A_2338 : i32 to index
      %get3A_2340 = tpu.vector_load %arg7[%get3A_2339] {strides = array<i32>} : memref<20000xi32, #tpu.memory_space<vmem>>, vector<16xi32>,
      %get3A_2341 = vector.shape_cast %get3A_2340 : vector<16xi32> to vector<16xi32>
      %swap3A_2342 = arith.constant 2 : i32
      %swap3A_2343 = arith.index_cast %swap3A_2342 : i32 to index
      %swap3A_2344 = arith.constant 32 : index
      %swap3A_2345 = tpu.vector_load %arg9[%swap3A_2343, %swap3A_2344] {strides = array<i32>} : memref<4x80xi32, #tpu.memory_space<vmem>>, vector<1x16xi32>,
      %swap3A_2346 = vector.shape_cast %swap3A_2345 : vector<1x16xi32> to vector<16xi32>
      %swap3A_2347 = vector.shape_cast %get3A_2341 : vector<16xi32> to vector<1x16xi32>
      tpu.vector_store %arg9[%swap3A_2343, %swap3A_2344], %swap3A_2347 {strides = array<i32>} : memref<4x80xi32, #tpu.memory_space<vmem>>, vector<1x16xi32>,
      %mul3A_2348 = arith.constant 80 : i32
      %mul3A_2349 = arith.muli %add3A_2239, %mul3A_2348 : i32
      %add3A_2350 = arith.constant 48 : i32
      %add3A_2351 = arith.addi %mul3A_2349, %add3A_2350 : i32
      %get3A_2352 = arith.index_cast %add3A_2351 : i32 to index
      %get3A_2353 = tpu.vector_load %arg6[%get3A_2352] {strides = array<i32>} : memref<20000xi32, #tpu.memory_space<vmem>>, vector<16xi32>,
      %get3A_2354 = vector.shape_cast %get3A_2353 : vector<16xi32> to vector<16xi32>
      %mul3A_2355 = arith.constant 2 : i32
      %mul3A_2356 = vector.broadcast %mul3A_2355 : i32 to vector<16xi32>
      %mul3A_2357 = arith.muli %get3A_2354, %mul3A_2356 : vector<16xi32>
      %add3A_2358 = vector.broadcast %arg0 : i32 to vector<16xi32>
      %add3A_2359 = arith.addi %mul3A_2357, %add3A_2358 : vector<16xi32>
      %swap3A_2360 = arith.constant 2 : i32
      %swap3A_2361 = arith.index_cast %swap3A_2360 : i32 to index
      %swap3A_2362 = arith.constant 48 : index
      %swap3A_2363 = tpu.vector_load %arg8[%swap3A_2361, %swap3A_2362] {strides = array<i32>} : memref<4x80xi32, #tpu.memory_space<vmem>>, vector<1x16xi32>,
      %swap3A_2364 = vector.shape_cast %swap3A_2363 : vector<1x16xi32> to vector<16xi32>
      %swap3A_2365 = vector.shape_cast %add3A_2359 : vector<16xi32> to vector<1x16xi32>
      tpu.vector_store %arg8[%swap3A_2361, %swap3A_2362], %swap3A_2365 {strides = array<i32>} : memref<4x80xi32, #tpu.memory_space<vmem>>, vector<1x16xi32>,
      %mul3A_2366 = arith.constant 80 : i32
      %mul3A_2367 = arith.muli %add3A_2239, %mul3A_2366 : i32
      %add3A_2368 = arith.constant 48 : i32
      %add3A_2369 = arith.addi %mul3A_2367, %add3A_2368 : i32
      %get3A_2370 = arith.index_cast %add3A_2369 : i32 to index
      %get3A_2371 = tpu.vector_load %arg7[%get3A_2370] {strides = array<i32>} : memref<20000xi32, #tpu.memory_space<vmem>>, vector<16xi32>,
      %get3A_2372 = vector.shape_cast %get3A_2371 : vector<16xi32> to vector<16xi32>
      %swap3A_2373 = arith.constant 2 : i32
      %swap3A_2374 = arith.index_cast %swap3A_2373 : i32 to index
      %swap3A_2375 = arith.constant 48 : index
      %swap3A_2376 = tpu.vector_load %arg9[%swap3A_2374, %swap3A_2375] {strides = array<i32>} : memref<4x80xi32, #tpu.memory_space<vmem>>, vector<1x16xi32>,
      %swap3A_2377 = vector.shape_cast %swap3A_2376 : vector<1x16xi32> to vector<16xi32>
      %swap3A_2378 = vector.shape_cast %get3A_2372 : vector<16xi32> to vector<1x16xi32>
      tpu.vector_store %arg9[%swap3A_2374, %swap3A_2375], %swap3A_2378 {strides = array<i32>} : memref<4x80xi32, #tpu.memory_space<vmem>>, vector<1x16xi32>,
      %mul3A_2379 = arith.constant 80 : i32
      %mul3A_2380 = arith.muli %add3A_2239, %mul3A_2379 : i32
      %add3A_2381 = arith.constant 64 : i32
      %add3A_2382 = arith.addi %mul3A_2380, %add3A_2381 : i32
      %get3A_2383 = arith.index_cast %add3A_2382 : i32 to index
      %get3A_2384 = tpu.vector_load %arg6[%get3A_2383] {strides = array<i32>} : memref<20000xi32, #tpu.memory_space<vmem>>, vector<16xi32>,
      %get3A_2385 = vector.shape_cast %get3A_2384 : vector<16xi32> to vector<16xi32>
      %mul3A_2386 = arith.constant 2 : i32
      %mul3A_2387 = vector.broadcast %mul3A_2386 : i32 to vector<16xi32>
      %mul3A_2388 = arith.muli %get3A_2385, %mul3A_2387 : vector<16xi32>
      %add3A_2389 = vector.broadcast %arg0 : i32 to vector<16xi32>
      %add3A_2390 = arith.addi %mul3A_2388, %add3A_2389 : vector<16xi32>
      %swap3A_2391 = arith.constant 2 : i32
      %swap3A_2392 = arith.index_cast %swap3A_2391 : i32 to index
      %swap3A_2393 = arith.constant 64 : index
      %swap3A_2394 = tpu.vector_load %arg8[%swap3A_2392, %swap3A_2393] {strides = array<i32>} : memref<4x80xi32, #tpu.memory_space<vmem>>, vector<1x16xi32>,
      %swap3A_2395 = vector.shape_cast %swap3A_2394 : vector<1x16xi32> to vector<16xi32>
      %swap3A_2396 = vector.shape_cast %add3A_2390 : vector<16xi32> to vector<1x16xi32>
      tpu.vector_store %arg8[%swap3A_2392, %swap3A_2393], %swap3A_2396 {strides = array<i32>} : memref<4x80xi32, #tpu.memory_space<vmem>>, vector<1x16xi32>,
      %mul3A_2397 = arith.constant 80 : i32
      %mul3A_2398 = arith.muli %add3A_2239, %mul3A_2397 : i32
      %add3A_2399 = arith.constant 64 : i32
      %add3A_2400 = arith.addi %mul3A_2398, %add3A_2399 : i32
      %get3A_2401 = arith.index_cast %add3A_2400 : i32 to index
      %get3A_2402 = tpu.vector_load %arg7[%get3A_2401] {strides = array<i32>} : memref<20000xi32, #tpu.memory_space<vmem>>, vector<16xi32>,
      %get3A_2403 = vector.shape_cast %get3A_2402 : vector<16xi32> to vector<16xi32>
      %swap3A_2404 = arith.constant 2 : i32
      %swap3A_2405 = arith.index_cast %swap3A_2404 : i32 to index
      %swap3A_2406 = arith.constant 64 : index
      %swap3A_2407 = tpu.vector_load %arg9[%swap3A_2405, %swap3A_2406] {strides = array<i32>} : memref<4x80xi32, #tpu.memory_space<vmem>>, vector<1x16xi32>,
      %swap3A_2408 = vector.shape_cast %swap3A_2407 : vector<1x16xi32> to vector<16xi32>
      %swap3A_2409 = vector.shape_cast %get3A_2403 : vector<16xi32> to vector<1x16xi32>
      tpu.vector_store %arg9[%swap3A_2405, %swap3A_2406], %swap3A_2409 {strides = array<i32>} : memref<4x80xi32, #tpu.memory_space<vmem>>, vector<1x16xi32>,
      %dma_start3A_2410 = arith.constant 2 : i32
      %dma_start3A_2411 = arith.constant 2 : i32
      %dma_start3A_2412 = arith.constant 2 : i32
      %dma_start3A_2413 = arith.constant 0 : i32
      %dma_start3A_2414 = arith.constant 0 : i32
      %dma_start3A_2415 = tpu.memref_slice %arg10[%dma_start3A_2411, %dma_start3A_2413, %dma_start3A_2414] : memref<4x80x64xf32, #tpu.memory_space<vmem>> -> memref<1x80x64xf32, #tpu.memory_space<vmem>>
      %dma_start3A_2416 = tpu.memref_squeeze %dma_start3A_2415 : memref<1x80x64xf32, #tpu.memory_space<vmem>> -> memref<80x64xf32, #tpu.memory_space<vmem>>
      %dma_start3A_2417 = arith.constant 0 : i32
      %dma_start3A_2418 = tpu.memref_slice %arg8[%dma_start3A_2410, %dma_start3A_2417] : memref<4x80xi32, #tpu.memory_space<vmem>> -> memref<1x80xi32, #tpu.memory_space<vmem>>
      %dma_start3A_2419 = tpu.memref_squeeze %dma_start3A_2418 : memref<1x80xi32, #tpu.memory_space<vmem>> -> memref<80xi32, #tpu.memory_space<vmem>>
      %dma_start3A_2420 = arith.constant 0 : i32
      %dma_start3A_2421 = arith.constant 0 : i32
      %dma_start3A_2422 = tpu.memref_slice %arg2[%dma_start3A_2420, %dma_start3A_2421] : memref<20000x64xf32, #tpu.memory_space<hbm>> -> memref<20000x64xf32, #tpu.memory_space<hbm>>
      %dma_start3A_2423 = tpu.memref_slice %arg12[%dma_start3A_2412] : memref<4x!tpu.dma_semaphore, #tpu.memory_space<semaphore_mem>> -> memref<1x!tpu.dma_semaphore, #tpu.memory_space<semaphore_mem>>
      %dma_start3A_2424 = tpu.memref_squeeze %dma_start3A_2423 : memref<1x!tpu.dma_semaphore, #tpu.memory_space<semaphore_mem>> -> memref<!tpu.dma_semaphore, #tpu.memory_space<semaphore_mem>>
      tpu.enqueue_indirect_dma source(%dma_start3A_2422 : memref<20000x64xf32, #tpu.memory_space<hbm>>) target(%dma_start3A_2416 : memref<80x64xf32, #tpu.memory_space<vmem>>) offsets(%dma_start3A_2419 : memref<80xi32, #tpu.memory_space<vmem>>) semaphore(%dma_start3A_2424 : memref<!tpu.dma_semaphore, #tpu.memory_space<semaphore_mem>>)
      %dma_wait3A_2425 = arith.constant 1 : i32
      %dma_wait3A_2426 = arith.constant 1 : i32
      %dma_wait3A_2427 = arith.constant 1 : i32
      %dma_wait3A_2428 = arith.constant 0 : i32
      %dma_wait3A_2429 = arith.constant 0 : i32
      %dma_wait3A_2430 = tpu.memref_slice %arg10[%dma_wait3A_2426, %dma_wait3A_2428, %dma_wait3A_2429] : memref<4x80x64xf32, #tpu.memory_space<vmem>> -> memref<1x80x64xf32, #tpu.memory_space<vmem>>
      %dma_wait3A_2431 = tpu.memref_squeeze %dma_wait3A_2430 : memref<1x80x64xf32, #tpu.memory_space<vmem>> -> memref<80x64xf32, #tpu.memory_space<vmem>>
      %dma_wait3A_2432 = arith.constant 0 : i32
      %dma_wait3A_2433 = tpu.memref_slice %arg8[%dma_wait3A_2425, %dma_wait3A_2432] : memref<4x80xi32, #tpu.memory_space<vmem>> -> memref<1x80xi32, #tpu.memory_space<vmem>>
      %dma_wait3A_2434 = tpu.memref_squeeze %dma_wait3A_2433 : memref<1x80xi32, #tpu.memory_space<vmem>> -> memref<80xi32, #tpu.memory_space<vmem>>
      %dma_wait3A_2435 = arith.constant 0 : i32
      %dma_wait3A_2436 = arith.constant 0 : i32
      %dma_wait3A_2437 = tpu.memref_slice %arg2[%dma_wait3A_2435, %dma_wait3A_2436] : memref<20000x64xf32, #tpu.memory_space<hbm>> -> memref<20000x64xf32, #tpu.memory_space<hbm>>
      %dma_wait3A_2438 = tpu.memref_slice %arg12[%dma_wait3A_2427] : memref<4x!tpu.dma_semaphore, #tpu.memory_space<semaphore_mem>> -> memref<1x!tpu.dma_semaphore, #tpu.memory_space<semaphore_mem>>
      %dma_wait3A_2439 = tpu.memref_squeeze %dma_wait3A_2438 : memref<1x!tpu.dma_semaphore, #tpu.memory_space<semaphore_mem>> -> memref<!tpu.dma_semaphore, #tpu.memory_space<semaphore_mem>>
      tpu.wait_indirect_dma semaphore(%dma_wait3A_2439 : memref<!tpu.dma_semaphore, #tpu.memory_space<semaphore_mem>>) src(%dma_wait3A_2437 : memref<20000x64xf32, #tpu.memory_space<hbm>>) dst(%dma_wait3A_2431 : memref<80x64xf32, #tpu.memory_space<vmem>>)
      %dma_start3A_2440 = arith.constant 1 : i32
      %dma_start3A_2441 = arith.constant 1 : i32
      %dma_start3A_2442 = arith.constant 1 : i32
      %dma_start3A_2443 = arith.constant 0 : i32
      %dma_start3A_2444 = arith.constant 0 : i32
      %dma_start3A_2445 = tpu.memref_slice %arg10[%dma_start3A_2440, %dma_start3A_2443, %dma_start3A_2444] : memref<4x80x64xf32, #tpu.memory_space<vmem>> -> memref<1x80x64xf32, #tpu.memory_space<vmem>>
      %dma_start3A_2446 = tpu.memref_squeeze %dma_start3A_2445 : memref<1x80x64xf32, #tpu.memory_space<vmem>> -> memref<80x64xf32, #tpu.memory_space<vmem>>
      %dma_start3A_2447 = arith.constant 0 : i32
      %dma_start3A_2448 = tpu.memref_slice %arg9[%dma_start3A_2441, %dma_start3A_2447] : memref<4x80xi32, #tpu.memory_space<vmem>> -> memref<1x80xi32, #tpu.memory_space<vmem>>
      %dma_start3A_2449 = tpu.memref_squeeze %dma_start3A_2448 : memref<1x80xi32, #tpu.memory_space<vmem>> -> memref<80xi32, #tpu.memory_space<vmem>>
      %dma_start3A_2450 = arith.constant 0 : i32
      %dma_start3A_2451 = arith.constant 0 : i32
      %dma_start3A_2452 = tpu.memref_slice %arg11[%dma_start3A_2450, %dma_start3A_2451] : memref<10240x64xf32, #tpu.memory_space<vmem_shared>> -> memref<10240x64xf32, #tpu.memory_space<vmem_shared>>
      %dma_start3A_2453 = tpu.memref_slice %arg13[%dma_start3A_2442] : memref<4x!tpu.dma_semaphore, #tpu.memory_space<semaphore_mem>> -> memref<1x!tpu.dma_semaphore, #tpu.memory_space<semaphore_mem>>
      %dma_start3A_2454 = tpu.memref_squeeze %dma_start3A_2453 : memref<1x!tpu.dma_semaphore, #tpu.memory_space<semaphore_mem>> -> memref<!tpu.dma_semaphore, #tpu.memory_space<semaphore_mem>>
      tpu.enqueue_indirect_dma source(%dma_start3A_2446 : memref<80x64xf32, #tpu.memory_space<vmem>>) target(%dma_start3A_2452 : memref<10240x64xf32, #tpu.memory_space<vmem_shared>>) offsets(%dma_start3A_2449 : memref<80xi32, #tpu.memory_space<vmem>>) semaphore(%dma_start3A_2454 : memref<!tpu.dma_semaphore, #tpu.memory_space<semaphore_mem>>) {add = true}
      %add3A_2455 = arith.constant 3 : i32
      %add3A_2456 = arith.addi %mul3A_1805, %add3A_2455 : i32
      %dma_wait3A_2457 = arith.constant 3 : i32
      %dma_wait3A_2458 = arith.constant 3 : i32
      %dma_wait3A_2459 = arith.constant 3 : i32
      %dma_wait3A_2460 = arith.constant 0 : i32
      %dma_wait3A_2461 = arith.constant 0 : i32
      %dma_wait3A_2462 = tpu.memref_slice %arg10[%dma_wait3A_2457, %dma_wait3A_2460, %dma_wait3A_2461] : memref<4x80x64xf32, #tpu.memory_space<vmem>> -> memref<1x80x64xf32, #tpu.memory_space<vmem>>
      %dma_wait3A_2463 = tpu.memref_squeeze %dma_wait3A_2462 : memref<1x80x64xf32, #tpu.memory_space<vmem>> -> memref<80x64xf32, #tpu.memory_space<vmem>>
      %dma_wait3A_2464 = arith.constant 0 : i32
      %dma_wait3A_2465 = tpu.memref_slice %arg9[%dma_wait3A_2458, %dma_wait3A_2464] : memref<4x80xi32, #tpu.memory_space<vmem>> -> memref<1x80xi32, #tpu.memory_space<vmem>>
      %dma_wait3A_2466 = tpu.memref_squeeze %dma_wait3A_2465 : memref<1x80xi32, #tpu.memory_space<vmem>> -> memref<80xi32, #tpu.memory_space<vmem>>
      %dma_wait3A_2467 = arith.constant 0 : i32
      %dma_wait3A_2468 = arith.constant 0 : i32
      %dma_wait3A_2469 = tpu.memref_slice %arg11[%dma_wait3A_2467, %dma_wait3A_2468] : memref<10240x64xf32, #tpu.memory_space<vmem_shared>> -> memref<10240x64xf32, #tpu.memory_space<vmem_shared>>
      %dma_wait3A_2470 = tpu.memref_slice %arg13[%dma_wait3A_2459] : memref<4x!tpu.dma_semaphore, #tpu.memory_space<semaphore_mem>> -> memref<1x!tpu.dma_semaphore, #tpu.memory_space<semaphore_mem>>
      %dma_wait3A_2471 = tpu.memref_squeeze %dma_wait3A_2470 : memref<1x!tpu.dma_semaphore, #tpu.memory_space<semaphore_mem>> -> memref<!tpu.dma_semaphore, #tpu.memory_space<semaphore_mem>>
      tpu.wait_indirect_dma semaphore(%dma_wait3A_2471 : memref<!tpu.dma_semaphore, #tpu.memory_space<semaphore_mem>>) src(%dma_wait3A_2463 : memref<80x64xf32, #tpu.memory_space<vmem>>) dst(%dma_wait3A_2469 : memref<10240x64xf32, #tpu.memory_space<vmem_shared>>)
      %mul3A_2472 = arith.constant 80 : i32
      %mul3A_2473 = arith.muli %add3A_2456, %mul3A_2472 : i32
      %add3A_2474 = arith.constant 0 : i32
      %add3A_2475 = arith.addi %mul3A_2473, %add3A_2474 : i32
      %get3A_2476 = arith.index_cast %add3A_2475 : i32 to index
      %get3A_2477 = tpu.vector_load %arg6[%get3A_2476] {strides = array<i32>} : memref<20000xi32, #tpu.memory_space<vmem>>, vector<16xi32>,
      %get3A_2478 = vector.shape_cast %get3A_2477 : vector<16xi32> to vector<16xi32>
      %mul3A_2479 = arith.constant 2 : i32
      %mul3A_2480 = vector.broadcast %mul3A_2479 : i32 to vector<16xi32>
      %mul3A_2481 = arith.muli %get3A_2478, %mul3A_2480 : vector<16xi32>
      %add3A_2482 = vector.broadcast %arg0 : i32 to vector<16xi32>
      %add3A_2483 = arith.addi %mul3A_2481, %add3A_2482 : vector<16xi32>
      %swap3A_2484 = arith.constant 3 : i32
      %swap3A_2485 = arith.index_cast %swap3A_2484 : i32 to index
      %swap3A_2486 = arith.constant 0 : index
      %swap3A_2487 = tpu.vector_load %arg8[%swap3A_2485, %swap3A_2486] {strides = array<i32>} : memref<4x80xi32, #tpu.memory_space<vmem>>, vector<1x16xi32>,
      %swap3A_2488 = vector.shape_cast %swap3A_2487 : vector<1x16xi32> to vector<16xi32>
      %swap3A_2489 = vector.shape_cast %add3A_2483 : vector<16xi32> to vector<1x16xi32>
      tpu.vector_store %arg8[%swap3A_2485, %swap3A_2486], %swap3A_2489 {strides = array<i32>} : memref<4x80xi32, #tpu.memory_space<vmem>>, vector<1x16xi32>,
      %mul3A_2490 = arith.constant 80 : i32
      %mul3A_2491 = arith.muli %add3A_2456, %mul3A_2490 : i32
      %add3A_2492 = arith.constant 0 : i32
      %add3A_2493 = arith.addi %mul3A_2491, %add3A_2492 : i32
      %get3A_2494 = arith.index_cast %add3A_2493 : i32 to index
      %get3A_2495 = tpu.vector_load %arg7[%get3A_2494] {strides = array<i32>} : memref<20000xi32, #tpu.memory_space<vmem>>, vector<16xi32>,
      %get3A_2496 = vector.shape_cast %get3A_2495 : vector<16xi32> to vector<16xi32>
      %swap3A_2497 = arith.constant 3 : i32
      %swap3A_2498 = arith.index_cast %swap3A_2497 : i32 to index
      %swap3A_2499 = arith.constant 0 : index
      %swap3A_2500 = tpu.vector_load %arg9[%swap3A_2498, %swap3A_2499] {strides = array<i32>} : memref<4x80xi32, #tpu.memory_space<vmem>>, vector<1x16xi32>,
      %swap3A_2501 = vector.shape_cast %swap3A_2500 : vector<1x16xi32> to vector<16xi32>
      %swap3A_2502 = vector.shape_cast %get3A_2496 : vector<16xi32> to vector<1x16xi32>
      tpu.vector_store %arg9[%swap3A_2498, %swap3A_2499], %swap3A_2502 {strides = array<i32>} : memref<4x80xi32, #tpu.memory_space<vmem>>, vector<1x16xi32>,
      %mul3A_2503 = arith.constant 80 : i32
      %mul3A_2504 = arith.muli %add3A_2456, %mul3A_2503 : i32
      %add3A_2505 = arith.constant 16 : i32
      %add3A_2506 = arith.addi %mul3A_2504, %add3A_2505 : i32
      %get3A_2507 = arith.index_cast %add3A_2506 : i32 to index
      %get3A_2508 = tpu.vector_load %arg6[%get3A_2507] {strides = array<i32>} : memref<20000xi32, #tpu.memory_space<vmem>>, vector<16xi32>,
      %get3A_2509 = vector.shape_cast %get3A_2508 : vector<16xi32> to vector<16xi32>
      %mul3A_2510 = arith.constant 2 : i32
      %mul3A_2511 = vector.broadcast %mul3A_2510 : i32 to vector<16xi32>
      %mul3A_2512 = arith.muli %get3A_2509, %mul3A_2511 : vector<16xi32>
      %add3A_2513 = vector.broadcast %arg0 : i32 to vector<16xi32>
      %add3A_2514 = arith.addi %mul3A_2512, %add3A_2513 : vector<16xi32>
      %swap3A_2515 = arith.constant 3 : i32
      %swap3A_2516 = arith.index_cast %swap3A_2515 : i32 to index
      %swap3A_2517 = arith.constant 16 : index
      %swap3A_2518 = tpu.vector_load %arg8[%swap3A_2516, %swap3A_2517] {strides = array<i32>} : memref<4x80xi32, #tpu.memory_space<vmem>>, vector<1x16xi32>,
      %swap3A_2519 = vector.shape_cast %swap3A_2518 : vector<1x16xi32> to vector<16xi32>
      %swap3A_2520 = vector.shape_cast %add3A_2514 : vector<16xi32> to vector<1x16xi32>
      tpu.vector_store %arg8[%swap3A_2516, %swap3A_2517], %swap3A_2520 {strides = array<i32>} : memref<4x80xi32, #tpu.memory_space<vmem>>, vector<1x16xi32>,
      %mul3A_2521 = arith.constant 80 : i32
      %mul3A_2522 = arith.muli %add3A_2456, %mul3A_2521 : i32
      %add3A_2523 = arith.constant 16 : i32
      %add3A_2524 = arith.addi %mul3A_2522, %add3A_2523 : i32
      %get3A_2525 = arith.index_cast %add3A_2524 : i32 to index
      %get3A_2526 = tpu.vector_load %arg7[%get3A_2525] {strides = array<i32>} : memref<20000xi32, #tpu.memory_space<vmem>>, vector<16xi32>,
      %get3A_2527 = vector.shape_cast %get3A_2526 : vector<16xi32> to vector<16xi32>
      %swap3A_2528 = arith.constant 3 : i32
      %swap3A_2529 = arith.index_cast %swap3A_2528 : i32 to index
      %swap3A_2530 = arith.constant 16 : index
      %swap3A_2531 = tpu.vector_load %arg9[%swap3A_2529, %swap3A_2530] {strides = array<i32>} : memref<4x80xi32, #tpu.memory_space<vmem>>, vector<1x16xi32>,
      %swap3A_2532 = vector.shape_cast %swap3A_2531 : vector<1x16xi32> to vector<16xi32>
      %swap3A_2533 = vector.shape_cast %get3A_2527 : vector<16xi32> to vector<1x16xi32>
      tpu.vector_store %arg9[%swap3A_2529, %swap3A_2530], %swap3A_2533 {strides = array<i32>} : memref<4x80xi32, #tpu.memory_space<vmem>>, vector<1x16xi32>,
      %mul3A_2534 = arith.constant 80 : i32
      %mul3A_2535 = arith.muli %add3A_2456, %mul3A_2534 : i32
      %add3A_2536 = arith.constant 32 : i32
      %add3A_2537 = arith.addi %mul3A_2535, %add3A_2536 : i32
      %get3A_2538 = arith.index_cast %add3A_2537 : i32 to index
      %get3A_2539 = tpu.vector_load %arg6[%get3A_2538] {strides = array<i32>} : memref<20000xi32, #tpu.memory_space<vmem>>, vector<16xi32>,
      %get3A_2540 = vector.shape_cast %get3A_2539 : vector<16xi32> to vector<16xi32>
      %mul3A_2541 = arith.constant 2 : i32
      %mul3A_2542 = vector.broadcast %mul3A_2541 : i32 to vector<16xi32>
      %mul3A_2543 = arith.muli %get3A_2540, %mul3A_2542 : vector<16xi32>
      %add3A_2544 = vector.broadcast %arg0 : i32 to vector<16xi32>
      %add3A_2545 = arith.addi %mul3A_2543, %add3A_2544 : vector<16xi32>
      %swap3A_2546 = arith.constant 3 : i32
      %swap3A_2547 = arith.index_cast %swap3A_2546 : i32 to index
      %swap3A_2548 = arith.constant 32 : index
      %swap3A_2549 = tpu.vector_load %arg8[%swap3A_2547, %swap3A_2548] {strides = array<i32>} : memref<4x80xi32, #tpu.memory_space<vmem>>, vector<1x16xi32>,
      %swap3A_2550 = vector.shape_cast %swap3A_2549 : vector<1x16xi32> to vector<16xi32>
      %swap3A_2551 = vector.shape_cast %add3A_2545 : vector<16xi32> to vector<1x16xi32>
      tpu.vector_store %arg8[%swap3A_2547, %swap3A_2548], %swap3A_2551 {strides = array<i32>} : memref<4x80xi32, #tpu.memory_space<vmem>>, vector<1x16xi32>,
      %mul3A_2552 = arith.constant 80 : i32
      %mul3A_2553 = arith.muli %add3A_2456, %mul3A_2552 : i32
      %add3A_2554 = arith.constant 32 : i32
      %add3A_2555 = arith.addi %mul3A_2553, %add3A_2554 : i32
      %get3A_2556 = arith.index_cast %add3A_2555 : i32 to index
      %get3A_2557 = tpu.vector_load %arg7[%get3A_2556] {strides = array<i32>} : memref<20000xi32, #tpu.memory_space<vmem>>, vector<16xi32>,
      %get3A_2558 = vector.shape_cast %get3A_2557 : vector<16xi32> to vector<16xi32>
      %swap3A_2559 = arith.constant 3 : i32
      %swap3A_2560 = arith.index_cast %swap3A_2559 : i32 to index
      %swap3A_2561 = arith.constant 32 : index
      %swap3A_2562 = tpu.vector_load %arg9[%swap3A_2560, %swap3A_2561] {strides = array<i32>} : memref<4x80xi32, #tpu.memory_space<vmem>>, vector<1x16xi32>,
      %swap3A_2563 = vector.shape_cast %swap3A_2562 : vector<1x16xi32> to vector<16xi32>
      %swap3A_2564 = vector.shape_cast %get3A_2558 : vector<16xi32> to vector<1x16xi32>
      tpu.vector_store %arg9[%swap3A_2560, %swap3A_2561], %swap3A_2564 {strides = array<i32>} : memref<4x80xi32, #tpu.memory_space<vmem>>, vector<1x16xi32>,
      %mul3A_2565 = arith.constant 80 : i32
      %mul3A_2566 = arith.muli %add3A_2456, %mul3A_2565 : i32
      %add3A_2567 = arith.constant 48 : i32
      %add3A_2568 = arith.addi %mul3A_2566, %add3A_2567 : i32
      %get3A_2569 = arith.index_cast %add3A_2568 : i32 to index
      %get3A_2570 = tpu.vector_load %arg6[%get3A_2569] {strides = array<i32>} : memref<20000xi32, #tpu.memory_space<vmem>>, vector<16xi32>,
      %get3A_2571 = vector.shape_cast %get3A_2570 : vector<16xi32> to vector<16xi32>
      %mul3A_2572 = arith.constant 2 : i32
      %mul3A_2573 = vector.broadcast %mul3A_2572 : i32 to vector<16xi32>
      %mul3A_2574 = arith.muli %get3A_2571, %mul3A_2573 : vector<16xi32>
      %add3A_2575 = vector.broadcast %arg0 : i32 to vector<16xi32>
      %add3A_2576 = arith.addi %mul3A_2574, %add3A_2575 : vector<16xi32>
      %swap3A_2577 = arith.constant 3 : i32
      %swap3A_2578 = arith.index_cast %swap3A_2577 : i32 to index
      %swap3A_2579 = arith.constant 48 : index
      %swap3A_2580 = tpu.vector_load %arg8[%swap3A_2578, %swap3A_2579] {strides = array<i32>} : memref<4x80xi32, #tpu.memory_space<vmem>>, vector<1x16xi32>,
      %swap3A_2581 = vector.shape_cast %swap3A_2580 : vector<1x16xi32> to vector<16xi32>
      %swap3A_2582 = vector.shape_cast %add3A_2576 : vector<16xi32> to vector<1x16xi32>
      tpu.vector_store %arg8[%swap3A_2578, %swap3A_2579], %swap3A_2582 {strides = array<i32>} : memref<4x80xi32, #tpu.memory_space<vmem>>, vector<1x16xi32>,
      %mul3A_2583 = arith.constant 80 : i32
      %mul3A_2584 = arith.muli %add3A_2456, %mul3A_2583 : i32
      %add3A_2585 = arith.constant 48 : i32
      %add3A_2586 = arith.addi %mul3A_2584, %add3A_2585 : i32
      %get3A_2587 = arith.index_cast %add3A_2586 : i32 to index
      %get3A_2588 = tpu.vector_load %arg7[%get3A_2587] {strides = array<i32>} : memref<20000xi32, #tpu.memory_space<vmem>>, vector<16xi32>,
      %get3A_2589 = vector.shape_cast %get3A_2588 : vector<16xi32> to vector<16xi32>
      %swap3A_2590 = arith.constant 3 : i32
      %swap3A_2591 = arith.index_cast %swap3A_2590 : i32 to index
      %swap3A_2592 = arith.constant 48 : index
      %swap3A_2593 = tpu.vector_load %arg9[%swap3A_2591, %swap3A_2592] {strides = array<i32>} : memref<4x80xi32, #tpu.memory_space<vmem>>, vector<1x16xi32>,
      %swap3A_2594 = vector.shape_cast %swap3A_2593 : vector<1x16xi32> to vector<16xi32>
      %swap3A_2595 = vector.shape_cast %get3A_2589 : vector<16xi32> to vector<1x16xi32>
      tpu.vector_store %arg9[%swap3A_2591, %swap3A_2592], %swap3A_2595 {strides = array<i32>} : memref<4x80xi32, #tpu.memory_space<vmem>>, vector<1x16xi32>,
      %mul3A_2596 = arith.constant 80 : i32
      %mul3A_2597 = arith.muli %add3A_2456, %mul3A_2596 : i32
      %add3A_2598 = arith.constant 64 : i32
      %add3A_2599 = arith.addi %mul3A_2597, %add3A_2598 : i32
      %get3A_2600 = arith.index_cast %add3A_2599 : i32 to index
      %get3A_2601 = tpu.vector_load %arg6[%get3A_2600] {strides = array<i32>} : memref<20000xi32, #tpu.memory_space<vmem>>, vector<16xi32>,
      %get3A_2602 = vector.shape_cast %get3A_2601 : vector<16xi32> to vector<16xi32>
      %mul3A_2603 = arith.constant 2 : i32
      %mul3A_2604 = vector.broadcast %mul3A_2603 : i32 to vector<16xi32>
      %mul3A_2605 = arith.muli %get3A_2602, %mul3A_2604 : vector<16xi32>
      %add3A_2606 = vector.broadcast %arg0 : i32 to vector<16xi32>
      %add3A_2607 = arith.addi %mul3A_2605, %add3A_2606 : vector<16xi32>
      %swap3A_2608 = arith.constant 3 : i32
      %swap3A_2609 = arith.index_cast %swap3A_2608 : i32 to index
      %swap3A_2610 = arith.constant 64 : index
      %swap3A_2611 = tpu.vector_load %arg8[%swap3A_2609, %swap3A_2610] {strides = array<i32>} : memref<4x80xi32, #tpu.memory_space<vmem>>, vector<1x16xi32>,
      %swap3A_2612 = vector.shape_cast %swap3A_2611 : vector<1x16xi32> to vector<16xi32>
      %swap3A_2613 = vector.shape_cast %add3A_2607 : vector<16xi32> to vector<1x16xi32>
      tpu.vector_store %arg8[%swap3A_2609, %swap3A_2610], %swap3A_2613 {strides = array<i32>} : memref<4x80xi32, #tpu.memory_space<vmem>>, vector<1x16xi32>,
      %mul3A_2614 = arith.constant 80 : i32
      %mul3A_2615 = arith.muli %add3A_2456, %mul3A_2614 : i32
      %add3A_2616 = arith.constant 64 : i32
      %add3A_2617 = arith.addi %mul3A_2615, %add3A_2616 : i32
      %get3A_2618 = arith.index_cast %add3A_2617 : i32 to index
      %get3A_2619 = tpu.vector_load %arg7[%get3A_2618] {strides = array<i32>} : memref<20000xi32, #tpu.memory_space<vmem>>, vector<16xi32>,
      %get3A_2620 = vector.shape_cast %get3A_2619 : vector<16xi32> to vector<16xi32>
      %swap3A_2621 = arith.constant 3 : i32
      %swap3A_2622 = arith.index_cast %swap3A_2621 : i32 to index
      %swap3A_2623 = arith.constant 64 : index
      %swap3A_2624 = tpu.vector_load %arg9[%swap3A_2622, %swap3A_2623] {strides = array<i32>} : memref<4x80xi32, #tpu.memory_space<vmem>>, vector<1x16xi32>,
      %swap3A_2625 = vector.shape_cast %swap3A_2624 : vector<1x16xi32> to vector<16xi32>
      %swap3A_2626 = vector.shape_cast %get3A_2620 : vector<16xi32> to vector<1x16xi32>
      tpu.vector_store %arg9[%swap3A_2622, %swap3A_2623], %swap3A_2626 {strides = array<i32>} : memref<4x80xi32, #tpu.memory_space<vmem>>, vector<1x16xi32>,
      %dma_start3A_2627 = arith.constant 3 : i32
      %dma_start3A_2628 = arith.constant 3 : i32
      %dma_start3A_2629 = arith.constant 3 : i32
      %dma_start3A_2630 = arith.constant 0 : i32
      %dma_start3A_2631 = arith.constant 0 : i32
      %dma_start3A_2632 = tpu.memref_slice %arg10[%dma_start3A_2628, %dma_start3A_2630, %dma_start3A_2631] : memref<4x80x64xf32, #tpu.memory_space<vmem>> -> memref<1x80x64xf32, #tpu.memory_space<vmem>>
      %dma_start3A_2633 = tpu.memref_squeeze %dma_start3A_2632 : memref<1x80x64xf32, #tpu.memory_space<vmem>> -> memref<80x64xf32, #tpu.memory_space<vmem>>
      %dma_start3A_2634 = arith.constant 0 : i32
      %dma_start3A_2635 = tpu.memref_slice %arg8[%dma_start3A_2627, %dma_start3A_2634] : memref<4x80xi32, #tpu.memory_space<vmem>> -> memref<1x80xi32, #tpu.memory_space<vmem>>
      %dma_start3A_2636 = tpu.memref_squeeze %dma_start3A_2635 : memref<1x80xi32, #tpu.memory_space<vmem>> -> memref<80xi32, #tpu.memory_space<vmem>>
      %dma_start3A_2637 = arith.constant 0 : i32
      %dma_start3A_2638 = arith.constant 0 : i32
      %dma_start3A_2639 = tpu.memref_slice %arg2[%dma_start3A_2637, %dma_start3A_2638] : memref<20000x64xf32, #tpu.memory_space<hbm>> -> memref<20000x64xf32, #tpu.memory_space<hbm>>
      %dma_start3A_2640 = tpu.memref_slice %arg12[%dma_start3A_2629] : memref<4x!tpu.dma_semaphore, #tpu.memory_space<semaphore_mem>> -> memref<1x!tpu.dma_semaphore, #tpu.memory_space<semaphore_mem>>
      %dma_start3A_2641 = tpu.memref_squeeze %dma_start3A_2640 : memref<1x!tpu.dma_semaphore, #tpu.memory_space<semaphore_mem>> -> memref<!tpu.dma_semaphore, #tpu.memory_space<semaphore_mem>>
      tpu.enqueue_indirect_dma source(%dma_start3A_2639 : memref<20000x64xf32, #tpu.memory_space<hbm>>) target(%dma_start3A_2633 : memref<80x64xf32, #tpu.memory_space<vmem>>) offsets(%dma_start3A_2636 : memref<80xi32, #tpu.memory_space<vmem>>) semaphore(%dma_start3A_2641 : memref<!tpu.dma_semaphore, #tpu.memory_space<semaphore_mem>>)
      %dma_wait3A_2642 = arith.constant 2 : i32
      %dma_wait3A_2643 = arith.constant 2 : i32
      %dma_wait3A_2644 = arith.constant 2 : i32
      %dma_wait3A_2645 = arith.constant 0 : i32
      %dma_wait3A_2646 = arith.constant 0 : i32
      %dma_wait3A_2647 = tpu.memref_slice %arg10[%dma_wait3A_2643, %dma_wait3A_2645, %dma_wait3A_2646] : memref<4x80x64xf32, #tpu.memory_space<vmem>> -> memref<1x80x64xf32, #tpu.memory_space<vmem>>
      %dma_wait3A_2648 = tpu.memref_squeeze %dma_wait3A_2647 : memref<1x80x64xf32, #tpu.memory_space<vmem>> -> memref<80x64xf32, #tpu.memory_space<vmem>>
      %dma_wait3A_2649 = arith.constant 0 : i32
      %dma_wait3A_2650 = tpu.memref_slice %arg8[%dma_wait3A_2642, %dma_wait3A_2649] : memref<4x80xi32, #tpu.memory_space<vmem>> -> memref<1x80xi32, #tpu.memory_space<vmem>>
      %dma_wait3A_2651 = tpu.memref_squeeze %dma_wait3A_2650 : memref<1x80xi32, #tpu.memory_space<vmem>> -> memref<80xi32, #tpu.memory_space<vmem>>
      %dma_wait3A_2652 = arith.constant 0 : i32
      %dma_wait3A_2653 = arith.constant 0 : i32
      %dma_wait3A_2654 = tpu.memref_slice %arg2[%dma_wait3A_2652, %dma_wait3A_2653] : memref<20000x64xf32, #tpu.memory_space<hbm>> -> memref<20000x64xf32, #tpu.memory_space<hbm>>
      %dma_wait3A_2655 = tpu.memref_slice %arg12[%dma_wait3A_2644] : memref<4x!tpu.dma_semaphore, #tpu.memory_space<semaphore_mem>> -> memref<1x!tpu.dma_semaphore, #tpu.memory_space<semaphore_mem>>
      %dma_wait3A_2656 = tpu.memref_squeeze %dma_wait3A_2655 : memref<1x!tpu.dma_semaphore, #tpu.memory_space<semaphore_mem>> -> memref<!tpu.dma_semaphore, #tpu.memory_space<semaphore_mem>>
      tpu.wait_indirect_dma semaphore(%dma_wait3A_2656 : memref<!tpu.dma_semaphore, #tpu.memory_space<semaphore_mem>>) src(%dma_wait3A_2654 : memref<20000x64xf32, #tpu.memory_space<hbm>>) dst(%dma_wait3A_2648 : memref<80x64xf32, #tpu.memory_space<vmem>>)
      %dma_start3A_2657 = arith.constant 2 : i32
      %dma_start3A_2658 = arith.constant 2 : i32
      %dma_start3A_2659 = arith.constant 2 : i32
      %dma_start3A_2660 = arith.constant 0 : i32
      %dma_start3A_2661 = arith.constant 0 : i32
      %dma_start3A_2662 = tpu.memref_slice %arg10[%dma_start3A_2657, %dma_start3A_2660, %dma_start3A_2661] : memref<4x80x64xf32, #tpu.memory_space<vmem>> -> memref<1x80x64xf32, #tpu.memory_space<vmem>>
      %dma_start3A_2663 = tpu.memref_squeeze %dma_start3A_2662 : memref<1x80x64xf32, #tpu.memory_space<vmem>> -> memref<80x64xf32, #tpu.memory_space<vmem>>
      %dma_start3A_2664 = arith.constant 0 : i32
      %dma_start3A_2665 = tpu.memref_slice %arg9[%dma_start3A_2658, %dma_start3A_2664] : memref<4x80xi32, #tpu.memory_space<vmem>> -> memref<1x80xi32, #tpu.memory_space<vmem>>
      %dma_start3A_2666 = tpu.memref_squeeze %dma_start3A_2665 : memref<1x80xi32, #tpu.memory_space<vmem>> -> memref<80xi32, #tpu.memory_space<vmem>>
      %dma_start3A_2667 = arith.constant 0 : i32
      %dma_start3A_2668 = arith.constant 0 : i32
      %dma_start3A_2669 = tpu.memref_slice %arg11[%dma_start3A_2667, %dma_start3A_2668] : memref<10240x64xf32, #tpu.memory_space<vmem_shared>> -> memref<10240x64xf32, #tpu.memory_space<vmem_shared>>
      %dma_start3A_2670 = tpu.memref_slice %arg13[%dma_start3A_2659] : memref<4x!tpu.dma_semaphore, #tpu.memory_space<semaphore_mem>> -> memref<1x!tpu.dma_semaphore, #tpu.memory_space<semaphore_mem>>
      %dma_start3A_2671 = tpu.memref_squeeze %dma_start3A_2670 : memref<1x!tpu.dma_semaphore, #tpu.memory_space<semaphore_mem>> -> memref<!tpu.dma_semaphore, #tpu.memory_space<semaphore_mem>>
      tpu.enqueue_indirect_dma source(%dma_start3A_2663 : memref<80x64xf32, #tpu.memory_space<vmem>>) target(%dma_start3A_2669 : memref<10240x64xf32, #tpu.memory_space<vmem_shared>>) offsets(%dma_start3A_2666 : memref<80xi32, #tpu.memory_space<vmem>>) semaphore(%dma_start3A_2671 : memref<!tpu.dma_semaphore, #tpu.memory_space<semaphore_mem>>) {add = true}
    }
    %scan3A_657 = arith.constant 60 : i32
    %dma_wait3A_658 = arith.constant 0 : i32
    %dma_wait3A_659 = arith.constant 0 : i32
    %dma_wait3A_660 = arith.constant 0 : i32
    %dma_wait3A_661 = arith.constant 0 : i32
    %dma_wait3A_662 = arith.constant 0 : i32
    %dma_wait3A_663 = tpu.memref_slice %arg10[%dma_wait3A_658, %dma_wait3A_661, %dma_wait3A_662] : memref<4x80x64xf32, #tpu.memory_space<vmem>> -> memref<1x80x64xf32, #tpu.memory_space<vmem>>
    %dma_wait3A_664 = tpu.memref_squeeze %dma_wait3A_663 : memref<1x80x64xf32, #tpu.memory_space<vmem>> -> memref<80x64xf32, #tpu.memory_space<vmem>>
    %dma_wait3A_665 = arith.constant 0 : i32
    %dma_wait3A_666 = tpu.memref_slice %arg9[%dma_wait3A_659, %dma_wait3A_665] : memref<4x80xi32, #tpu.memory_space<vmem>> -> memref<1x80xi32, #tpu.memory_space<vmem>>
    %dma_wait3A_667 = tpu.memref_squeeze %dma_wait3A_666 : memref<1x80xi32, #tpu.memory_space<vmem>> -> memref<80xi32, #tpu.memory_space<vmem>>
    %dma_wait3A_668 = arith.constant 0 : i32
    %dma_wait3A_669 = arith.constant 0 : i32
    %dma_wait3A_670 = tpu.memref_slice %arg11[%dma_wait3A_668, %dma_wait3A_669] : memref<10240x64xf32, #tpu.memory_space<vmem_shared>> -> memref<10240x64xf32, #tpu.memory_space<vmem_shared>>
    %dma_wait3A_671 = tpu.memref_slice %arg13[%dma_wait3A_660] : memref<4x!tpu.dma_semaphore, #tpu.memory_space<semaphore_mem>> -> memref<1x!tpu.dma_semaphore, #tpu.memory_space<semaphore_mem>>
    %dma_wait3A_672 = tpu.memref_squeeze %dma_wait3A_671 : memref<1x!tpu.dma_semaphore, #tpu.memory_space<semaphore_mem>> -> memref<!tpu.dma_semaphore, #tpu.memory_space<semaphore_mem>>
    tpu.wait_indirect_dma semaphore(%dma_wait3A_672 : memref<!tpu.dma_semaphore, #tpu.memory_space<semaphore_mem>>) src(%dma_wait3A_664 : memref<80x64xf32, #tpu.memory_space<vmem>>) dst(%dma_wait3A_670 : memref<10240x64xf32, #tpu.memory_space<vmem_shared>>)
    %get3A_673 = arith.constant 19520 : index
    %get3A_674 = tpu.vector_load %arg6[%get3A_673] {strides = array<i32>} : memref<20000xi32, #tpu.memory_space<vmem>>, vector<16xi32>,
    %get3A_675 = vector.shape_cast %get3A_674 : vector<16xi32> to vector<16xi32>
    %mul3A_676 = arith.constant 2 : i32
    %mul3A_677 = vector.broadcast %mul3A_676 : i32 to vector<16xi32>
    %mul3A_678 = arith.muli %get3A_675, %mul3A_677 : vector<16xi32>
    %add3A_679 = vector.broadcast %arg0 : i32 to vector<16xi32>
    %add3A_680 = arith.addi %mul3A_678, %add3A_679 : vector<16xi32>
    %swap3A_681 = arith.constant 0 : i32
    %swap3A_682 = arith.index_cast %swap3A_681 : i32 to index
    %swap3A_683 = arith.constant 0 : index
    %swap3A_684 = tpu.vector_load %arg8[%swap3A_682, %swap3A_683] {strides = array<i32>} : memref<4x80xi32, #tpu.memory_space<vmem>>, vector<1x16xi32>,
    %swap3A_685 = vector.shape_cast %swap3A_684 : vector<1x16xi32> to vector<16xi32>
    %swap3A_686 = vector.shape_cast %add3A_680 : vector<16xi32> to vector<1x16xi32>
    tpu.vector_store %arg8[%swap3A_682, %swap3A_683], %swap3A_686 {strides = array<i32>} : memref<4x80xi32, #tpu.memory_space<vmem>>, vector<1x16xi32>,
    %get3A_687 = arith.constant 19520 : index
    %get3A_688 = tpu.vector_load %arg7[%get3A_687] {strides = array<i32>} : memref<20000xi32, #tpu.memory_space<vmem>>, vector<16xi32>,
    %get3A_689 = vector.shape_cast %get3A_688 : vector<16xi32> to vector<16xi32>
    %swap3A_690 = arith.constant 0 : i32
    %swap3A_691 = arith.index_cast %swap3A_690 : i32 to index
    %swap3A_692 = arith.constant 0 : index
    %swap3A_693 = tpu.vector_load %arg9[%swap3A_691, %swap3A_692] {strides = array<i32>} : memref<4x80xi32, #tpu.memory_space<vmem>>, vector<1x16xi32>,
    %swap3A_694 = vector.shape_cast %swap3A_693 : vector<1x16xi32> to vector<16xi32>
    %swap3A_695 = vector.shape_cast %get3A_689 : vector<16xi32> to vector<1x16xi32>
    tpu.vector_store %arg9[%swap3A_691, %swap3A_692], %swap3A_695 {strides = array<i32>} : memref<4x80xi32, #tpu.memory_space<vmem>>, vector<1x16xi32>,
    %get3A_696 = arith.constant 19536 : index
    %get3A_697 = tpu.vector_load %arg6[%get3A_696] {strides = array<i32>} : memref<20000xi32, #tpu.memory_space<vmem>>, vector<16xi32>,
    %get3A_698 = vector.shape_cast %get3A_697 : vector<16xi32> to vector<16xi32>
    %mul3A_699 = arith.constant 2 : i32
    %mul3A_700 = vector.broadcast %mul3A_699 : i32 to vector<16xi32>
    %mul3A_701 = arith.muli %get3A_698, %mul3A_700 : vector<16xi32>
    %add3A_702 = vector.broadcast %arg0 : i32 to vector<16xi32>
    %add3A_703 = arith.addi %mul3A_701, %add3A_702 : vector<16xi32>
    %swap3A_704 = arith.constant 0 : i32
    %swap3A_705 = arith.index_cast %swap3A_704 : i32 to index
    %swap3A_706 = arith.constant 16 : index
    %swap3A_707 = tpu.vector_load %arg8[%swap3A_705, %swap3A_706] {strides = array<i32>} : memref<4x80xi32, #tpu.memory_space<vmem>>, vector<1x16xi32>,
    %swap3A_708 = vector.shape_cast %swap3A_707 : vector<1x16xi32> to vector<16xi32>
    %swap3A_709 = vector.shape_cast %add3A_703 : vector<16xi32> to vector<1x16xi32>
    tpu.vector_store %arg8[%swap3A_705, %swap3A_706], %swap3A_709 {strides = array<i32>} : memref<4x80xi32, #tpu.memory_space<vmem>>, vector<1x16xi32>,
    %get3A_710 = arith.constant 19536 : index
    %get3A_711 = tpu.vector_load %arg7[%get3A_710] {strides = array<i32>} : memref<20000xi32, #tpu.memory_space<vmem>>, vector<16xi32>,
    %get3A_712 = vector.shape_cast %get3A_711 : vector<16xi32> to vector<16xi32>
    %swap3A_713 = arith.constant 0 : i32
    %swap3A_714 = arith.index_cast %swap3A_713 : i32 to index
    %swap3A_715 = arith.constant 16 : index
    %swap3A_716 = tpu.vector_load %arg9[%swap3A_714, %swap3A_715] {strides = array<i32>} : memref<4x80xi32, #tpu.memory_space<vmem>>, vector<1x16xi32>,
    %swap3A_717 = vector.shape_cast %swap3A_716 : vector<1x16xi32> to vector<16xi32>
    %swap3A_718 = vector.shape_cast %get3A_712 : vector<16xi32> to vector<1x16xi32>
    tpu.vector_store %arg9[%swap3A_714, %swap3A_715], %swap3A_718 {strides = array<i32>} : memref<4x80xi32, #tpu.memory_space<vmem>>, vector<1x16xi32>,
    %get3A_719 = arith.constant 19552 : index
    %get3A_720 = tpu.vector_load %arg6[%get3A_719] {strides = array<i32>} : memref<20000xi32, #tpu.memory_space<vmem>>, vector<16xi32>,
    %get3A_721 = vector.shape_cast %get3A_720 : vector<16xi32> to vector<16xi32>
    %mul3A_722 = arith.constant 2 : i32
    %mul3A_723 = vector.broadcast %mul3A_722 : i32 to vector<16xi32>
    %mul3A_724 = arith.muli %get3A_721, %mul3A_723 : vector<16xi32>
    %add3A_725 = vector.broadcast %arg0 : i32 to vector<16xi32>
    %add3A_726 = arith.addi %mul3A_724, %add3A_725 : vector<16xi32>
    %swap3A_727 = arith.constant 0 : i32
    %swap3A_728 = arith.index_cast %swap3A_727 : i32 to index
    %swap3A_729 = arith.constant 32 : index
    %swap3A_730 = tpu.vector_load %arg8[%swap3A_728, %swap3A_729] {strides = array<i32>} : memref<4x80xi32, #tpu.memory_space<vmem>>, vector<1x16xi32>,
    %swap3A_731 = vector.shape_cast %swap3A_730 : vector<1x16xi32> to vector<16xi32>
    %swap3A_732 = vector.shape_cast %add3A_726 : vector<16xi32> to vector<1x16xi32>
    tpu.vector_store %arg8[%swap3A_728, %swap3A_729], %swap3A_732 {strides = array<i32>} : memref<4x80xi32, #tpu.memory_space<vmem>>, vector<1x16xi32>,
    %get3A_733 = arith.constant 19552 : index
    %get3A_734 = tpu.vector_load %arg7[%get3A_733] {strides = array<i32>} : memref<20000xi32, #tpu.memory_space<vmem>>, vector<16xi32>,
    %get3A_735 = vector.shape_cast %get3A_734 : vector<16xi32> to vector<16xi32>
    %swap3A_736 = arith.constant 0 : i32
    %swap3A_737 = arith.index_cast %swap3A_736 : i32 to index
    %swap3A_738 = arith.constant 32 : index
    %swap3A_739 = tpu.vector_load %arg9[%swap3A_737, %swap3A_738] {strides = array<i32>} : memref<4x80xi32, #tpu.memory_space<vmem>>, vector<1x16xi32>,
    %swap3A_740 = vector.shape_cast %swap3A_739 : vector<1x16xi32> to vector<16xi32>
    %swap3A_741 = vector.shape_cast %get3A_735 : vector<16xi32> to vector<1x16xi32>
    tpu.vector_store %arg9[%swap3A_737, %swap3A_738], %swap3A_741 {strides = array<i32>} : memref<4x80xi32, #tpu.memory_space<vmem>>, vector<1x16xi32>,
    %get3A_742 = arith.constant 19568 : index
    %get3A_743 = tpu.vector_load %arg6[%get3A_742] {strides = array<i32>} : memref<20000xi32, #tpu.memory_space<vmem>>, vector<16xi32>,
    %get3A_744 = vector.shape_cast %get3A_743 : vector<16xi32> to vector<16xi32>
    %mul3A_745 = arith.constant 2 : i32
    %mul3A_746 = vector.broadcast %mul3A_745 : i32 to vector<16xi32>
    %mul3A_747 = arith.muli %get3A_744, %mul3A_746 : vector<16xi32>
    %add3A_748 = vector.broadcast %arg0 : i32 to vector<16xi32>
    %add3A_749 = arith.addi %mul3A_747, %add3A_748 : vector<16xi32>
    %swap3A_750 = arith.constant 0 : i32
    %swap3A_751 = arith.index_cast %swap3A_750 : i32 to index
    %swap3A_752 = arith.constant 48 : index
    %swap3A_753 = tpu.vector_load %arg8[%swap3A_751, %swap3A_752] {strides = array<i32>} : memref<4x80xi32, #tpu.memory_space<vmem>>, vector<1x16xi32>,
    %swap3A_754 = vector.shape_cast %swap3A_753 : vector<1x16xi32> to vector<16xi32>
    %swap3A_755 = vector.shape_cast %add3A_749 : vector<16xi32> to vector<1x16xi32>
    tpu.vector_store %arg8[%swap3A_751, %swap3A_752], %swap3A_755 {strides = array<i32>} : memref<4x80xi32, #tpu.memory_space<vmem>>, vector<1x16xi32>,
    %get3A_756 = arith.constant 19568 : index
    %get3A_757 = tpu.vector_load %arg7[%get3A_756] {strides = array<i32>} : memref<20000xi32, #tpu.memory_space<vmem>>, vector<16xi32>,
    %get3A_758 = vector.shape_cast %get3A_757 : vector<16xi32> to vector<16xi32>
    %swap3A_759 = arith.constant 0 : i32
    %swap3A_760 = arith.index_cast %swap3A_759 : i32 to index
    %swap3A_761 = arith.constant 48 : index
    %swap3A_762 = tpu.vector_load %arg9[%swap3A_760, %swap3A_761] {strides = array<i32>} : memref<4x80xi32, #tpu.memory_space<vmem>>, vector<1x16xi32>,
    %swap3A_763 = vector.shape_cast %swap3A_762 : vector<1x16xi32> to vector<16xi32>
    %swap3A_764 = vector.shape_cast %get3A_758 : vector<16xi32> to vector<1x16xi32>
    tpu.vector_store %arg9[%swap3A_760, %swap3A_761], %swap3A_764 {strides = array<i32>} : memref<4x80xi32, #tpu.memory_space<vmem>>, vector<1x16xi32>,
    %get3A_765 = arith.constant 19584 : index
    %get3A_766 = tpu.vector_load %arg6[%get3A_765] {strides = array<i32>} : memref<20000xi32, #tpu.memory_space<vmem>>, vector<16xi32>,
    %get3A_767 = vector.shape_cast %get3A_766 : vector<16xi32> to vector<16xi32>
    %mul3A_768 = arith.constant 2 : i32
    %mul3A_769 = vector.broadcast %mul3A_768 : i32 to vector<16xi32>
    %mul3A_770 = arith.muli %get3A_767, %mul3A_769 : vector<16xi32>
    %add3A_771 = vector.broadcast %arg0 : i32 to vector<16xi32>
    %add3A_772 = arith.addi %mul3A_770, %add3A_771 : vector<16xi32>
    %swap3A_773 = arith.constant 0 : i32
    %swap3A_774 = arith.index_cast %swap3A_773 : i32 to index
    %swap3A_775 = arith.constant 64 : index
    %swap3A_776 = tpu.vector_load %arg8[%swap3A_774, %swap3A_775] {strides = array<i32>} : memref<4x80xi32, #tpu.memory_space<vmem>>, vector<1x16xi32>,
    %swap3A_777 = vector.shape_cast %swap3A_776 : vector<1x16xi32> to vector<16xi32>
    %swap3A_778 = vector.shape_cast %add3A_772 : vector<16xi32> to vector<1x16xi32>
    tpu.vector_store %arg8[%swap3A_774, %swap3A_775], %swap3A_778 {strides = array<i32>} : memref<4x80xi32, #tpu.memory_space<vmem>>, vector<1x16xi32>,
    %get3A_779 = arith.constant 19584 : index
    %get3A_780 = tpu.vector_load %arg7[%get3A_779] {strides = array<i32>} : memref<20000xi32, #tpu.memory_space<vmem>>, vector<16xi32>,
    %get3A_781 = vector.shape_cast %get3A_780 : vector<16xi32> to vector<16xi32>
    %swap3A_782 = arith.constant 0 : i32
    %swap3A_783 = arith.index_cast %swap3A_782 : i32 to index
    %swap3A_784 = arith.constant 64 : index
    %swap3A_785 = tpu.vector_load %arg9[%swap3A_783, %swap3A_784] {strides = array<i32>} : memref<4x80xi32, #tpu.memory_space<vmem>>, vector<1x16xi32>,
    %swap3A_786 = vector.shape_cast %swap3A_785 : vector<1x16xi32> to vector<16xi32>
    %swap3A_787 = vector.shape_cast %get3A_781 : vector<16xi32> to vector<1x16xi32>
    tpu.vector_store %arg9[%swap3A_783, %swap3A_784], %swap3A_787 {strides = array<i32>} : memref<4x80xi32, #tpu.memory_space<vmem>>, vector<1x16xi32>,
    %dma_start3A_788 = arith.constant 0 : i32
    %dma_start3A_789 = arith.constant 0 : i32
    %dma_start3A_790 = arith.constant 0 : i32
    %dma_start3A_791 = arith.constant 0 : i32
    %dma_start3A_792 = arith.constant 0 : i32
    %dma_start3A_793 = tpu.memref_slice %arg10[%dma_start3A_789, %dma_start3A_791, %dma_start3A_792] : memref<4x80x64xf32, #tpu.memory_space<vmem>> -> memref<1x80x64xf32, #tpu.memory_space<vmem>>
    %dma_start3A_794 = tpu.memref_squeeze %dma_start3A_793 : memref<1x80x64xf32, #tpu.memory_space<vmem>> -> memref<80x64xf32, #tpu.memory_space<vmem>>
    %dma_start3A_795 = arith.constant 0 : i32
    %dma_start3A_796 = tpu.memref_slice %arg8[%dma_start3A_788, %dma_start3A_795] : memref<4x80xi32, #tpu.memory_space<vmem>> -> memref<1x80xi32, #tpu.memory_space<vmem>>
    %dma_start3A_797 = tpu.memref_squeeze %dma_start3A_796 : memref<1x80xi32, #tpu.memory_space<vmem>> -> memref<80xi32, #tpu.memory_space<vmem>>
    %dma_start3A_798 = arith.constant 0 : i32
    %dma_start3A_799 = arith.constant 0 : i32
    %dma_start3A_800 = tpu.memref_slice %arg2[%dma_start3A_798, %dma_start3A_799] : memref<20000x64xf32, #tpu.memory_space<hbm>> -> memref<20000x64xf32, #tpu.memory_space<hbm>>
    %dma_start3A_801 = tpu.memref_slice %arg12[%dma_start3A_790] : memref<4x!tpu.dma_semaphore, #tpu.memory_space<semaphore_mem>> -> memref<1x!tpu.dma_semaphore, #tpu.memory_space<semaphore_mem>>
    %dma_start3A_802 = tpu.memref_squeeze %dma_start3A_801 : memref<1x!tpu.dma_semaphore, #tpu.memory_space<semaphore_mem>> -> memref<!tpu.dma_semaphore, #tpu.memory_space<semaphore_mem>>
    tpu.enqueue_indirect_dma source(%dma_start3A_800 : memref<20000x64xf32, #tpu.memory_space<hbm>>) target(%dma_start3A_794 : memref<80x64xf32, #tpu.memory_space<vmem>>) offsets(%dma_start3A_797 : memref<80xi32, #tpu.memory_space<vmem>>) semaphore(%dma_start3A_802 : memref<!tpu.dma_semaphore, #tpu.memory_space<semaphore_mem>>)
    %dma_wait3A_803 = arith.constant 3 : i32
    %dma_wait3A_804 = arith.constant 3 : i32
    %dma_wait3A_805 = arith.constant 3 : i32
    %dma_wait3A_806 = arith.constant 0 : i32
    %dma_wait3A_807 = arith.constant 0 : i32
    %dma_wait3A_808 = tpu.memref_slice %arg10[%dma_wait3A_804, %dma_wait3A_806, %dma_wait3A_807] : memref<4x80x64xf32, #tpu.memory_space<vmem>> -> memref<1x80x64xf32, #tpu.memory_space<vmem>>
    %dma_wait3A_809 = tpu.memref_squeeze %dma_wait3A_808 : memref<1x80x64xf32, #tpu.memory_space<vmem>> -> memref<80x64xf32, #tpu.memory_space<vmem>>
    %dma_wait3A_810 = arith.constant 0 : i32
    %dma_wait3A_811 = tpu.memref_slice %arg8[%dma_wait3A_803, %dma_wait3A_810] : memref<4x80xi32, #tpu.memory_space<vmem>> -> memref<1x80xi32, #tpu.memory_space<vmem>>
    %dma_wait3A_812 = tpu.memref_squeeze %dma_wait3A_811 : memref<1x80xi32, #tpu.memory_space<vmem>> -> memref<80xi32, #tpu.memory_space<vmem>>
    %dma_wait3A_813 = arith.constant 0 : i32
    %dma_wait3A_814 = arith.constant 0 : i32
    %dma_wait3A_815 = tpu.memref_slice %arg2[%dma_wait3A_813, %dma_wait3A_814] : memref<20000x64xf32, #tpu.memory_space<hbm>> -> memref<20000x64xf32, #tpu.memory_space<hbm>>
    %dma_wait3A_816 = tpu.memref_slice %arg12[%dma_wait3A_805] : memref<4x!tpu.dma_semaphore, #tpu.memory_space<semaphore_mem>> -> memref<1x!tpu.dma_semaphore, #tpu.memory_space<semaphore_mem>>
    %dma_wait3A_817 = tpu.memref_squeeze %dma_wait3A_816 : memref<1x!tpu.dma_semaphore, #tpu.memory_space<semaphore_mem>> -> memref<!tpu.dma_semaphore, #tpu.memory_space<semaphore_mem>>
    tpu.wait_indirect_dma semaphore(%dma_wait3A_817 : memref<!tpu.dma_semaphore, #tpu.memory_space<semaphore_mem>>) src(%dma_wait3A_815 : memref<20000x64xf32, #tpu.memory_space<hbm>>) dst(%dma_wait3A_809 : memref<80x64xf32, #tpu.memory_space<vmem>>)
    %dma_start3A_818 = arith.constant 3 : i32
    %dma_start3A_819 = arith.constant 3 : i32
    %dma_start3A_820 = arith.constant 3 : i32
    %dma_start3A_821 = arith.constant 0 : i32
    %dma_start3A_822 = arith.constant 0 : i32
    %dma_start3A_823 = tpu.memref_slice %arg10[%dma_start3A_818, %dma_start3A_821, %dma_start3A_822] : memref<4x80x64xf32, #tpu.memory_space<vmem>> -> memref<1x80x64xf32, #tpu.memory_space<vmem>>
    %dma_start3A_824 = tpu.memref_squeeze %dma_start3A_823 : memref<1x80x64xf32, #tpu.memory_space<vmem>> -> memref<80x64xf32, #tpu.memory_space<vmem>>
    %dma_start3A_825 = arith.constant 0 : i32
    %dma_start3A_826 = tpu.memref_slice %arg9[%dma_start3A_819, %dma_start3A_825] : memref<4x80xi32, #tpu.memory_space<vmem>> -> memref<1x80xi32, #tpu.memory_space<vmem>>
    %dma_start3A_827 = tpu.memref_squeeze %dma_start3A_826 : memref<1x80xi32, #tpu.memory_space<vmem>> -> memref<80xi32, #tpu.memory_space<vmem>>
    %dma_start3A_828 = arith.constant 0 : i32
    %dma_start3A_829 = arith.constant 0 : i32
    %dma_start3A_830 = tpu.memref_slice %arg11[%dma_start3A_828, %dma_start3A_829] : memref<10240x64xf32, #tpu.memory_space<vmem_shared>> -> memref<10240x64xf32, #tpu.memory_space<vmem_shared>>
    %dma_start3A_831 = tpu.memref_slice %arg13[%dma_start3A_820] : memref<4x!tpu.dma_semaphore, #tpu.memory_space<semaphore_mem>> -> memref<1x!tpu.dma_semaphore, #tpu.memory_space<semaphore_mem>>
    %dma_start3A_832 = tpu.memref_squeeze %dma_start3A_831 : memref<1x!tpu.dma_semaphore, #tpu.memory_space<semaphore_mem>> -> memref<!tpu.dma_semaphore, #tpu.memory_space<semaphore_mem>>
    tpu.enqueue_indirect_dma source(%dma_start3A_824 : memref<80x64xf32, #tpu.memory_space<vmem>>) target(%dma_start3A_830 : memref<10240x64xf32, #tpu.memory_space<vmem_shared>>) offsets(%dma_start3A_827 : memref<80xi32, #tpu.memory_space<vmem>>) semaphore(%dma_start3A_832 : memref<!tpu.dma_semaphore, #tpu.memory_space<semaphore_mem>>) {add = true}
    %dma_wait3A_833 = arith.constant 1 : i32
    %dma_wait3A_834 = arith.constant 1 : i32
    %dma_wait3A_835 = arith.constant 1 : i32
    %dma_wait3A_836 = arith.constant 0 : i32
    %dma_wait3A_837 = arith.constant 0 : i32
    %dma_wait3A_838 = tpu.memref_slice %arg10[%dma_wait3A_833, %dma_wait3A_836, %dma_wait3A_837] : memref<4x80x64xf32, #tpu.memory_space<vmem>> -> memref<1x80x64xf32, #tpu.memory_space<vmem>>
    %dma_wait3A_839 = tpu.memref_squeeze %dma_wait3A_838 : memref<1x80x64xf32, #tpu.memory_space<vmem>> -> memref<80x64xf32, #tpu.memory_space<vmem>>
    %dma_wait3A_840 = arith.constant 0 : i32
    %dma_wait3A_841 = tpu.memref_slice %arg9[%dma_wait3A_834, %dma_wait3A_840] : memref<4x80xi32, #tpu.memory_space<vmem>> -> memref<1x80xi32, #tpu.memory_space<vmem>>
    %dma_wait3A_842 = tpu.memref_squeeze %dma_wait3A_841 : memref<1x80xi32, #tpu.memory_space<vmem>> -> memref<80xi32, #tpu.memory_space<vmem>>
    %dma_wait3A_843 = arith.constant 0 : i32
    %dma_wait3A_844 = arith.constant 0 : i32
    %dma_wait3A_845 = tpu.memref_slice %arg11[%dma_wait3A_843, %dma_wait3A_844] : memref<10240x64xf32, #tpu.memory_space<vmem_shared>> -> memref<10240x64xf32, #tpu.memory_space<vmem_shared>>
    %dma_wait3A_846 = tpu.memref_slice %arg13[%dma_wait3A_835] : memref<4x!tpu.dma_semaphore, #tpu.memory_space<semaphore_mem>> -> memref<1x!tpu.dma_semaphore, #tpu.memory_space<semaphore_mem>>
    %dma_wait3A_847 = tpu.memref_squeeze %dma_wait3A_846 : memref<1x!tpu.dma_semaphore, #tpu.memory_space<semaphore_mem>> -> memref<!tpu.dma_semaphore, #tpu.memory_space<semaphore_mem>>
    tpu.wait_indirect_dma semaphore(%dma_wait3A_847 : memref<!tpu.dma_semaphore, #tpu.memory_space<semaphore_mem>>) src(%dma_wait3A_839 : memref<80x64xf32, #tpu.memory_space<vmem>>) dst(%dma_wait3A_845 : memref<10240x64xf32, #tpu.memory_space<vmem_shared>>)
    %get3A_848 = arith.constant 19600 : index
    %get3A_849 = tpu.vector_load %arg6[%get3A_848] {strides = array<i32>} : memref<20000xi32, #tpu.memory_space<vmem>>, vector<16xi32>,
    %get3A_850 = vector.shape_cast %get3A_849 : vector<16xi32> to vector<16xi32>
    %mul3A_851 = arith.constant 2 : i32
    %mul3A_852 = vector.broadcast %mul3A_851 : i32 to vector<16xi32>
    %mul3A_853 = arith.muli %get3A_850, %mul3A_852 : vector<16xi32>
    %add3A_854 = vector.broadcast %arg0 : i32 to vector<16xi32>
    %add3A_855 = arith.addi %mul3A_853, %add3A_854 : vector<16xi32>
    %swap3A_856 = arith.constant 1 : i32
    %swap3A_857 = arith.index_cast %swap3A_856 : i32 to index
    %swap3A_858 = arith.constant 0 : index
    %swap3A_859 = tpu.vector_load %arg8[%swap3A_857, %swap3A_858] {strides = array<i32>} : memref<4x80xi32, #tpu.memory_space<vmem>>, vector<1x16xi32>,
    %swap3A_860 = vector.shape_cast %swap3A_859 : vector<1x16xi32> to vector<16xi32>
    %swap3A_861 = vector.shape_cast %add3A_855 : vector<16xi32> to vector<1x16xi32>
    tpu.vector_store %arg8[%swap3A_857, %swap3A_858], %swap3A_861 {strides = array<i32>} : memref<4x80xi32, #tpu.memory_space<vmem>>, vector<1x16xi32>,
    %get3A_862 = arith.constant 19600 : index
    %get3A_863 = tpu.vector_load %arg7[%get3A_862] {strides = array<i32>} : memref<20000xi32, #tpu.memory_space<vmem>>, vector<16xi32>,
    %get3A_864 = vector.shape_cast %get3A_863 : vector<16xi32> to vector<16xi32>
    %swap3A_865 = arith.constant 1 : i32
    %swap3A_866 = arith.index_cast %swap3A_865 : i32 to index
    %swap3A_867 = arith.constant 0 : index
    %swap3A_868 = tpu.vector_load %arg9[%swap3A_866, %swap3A_867] {strides = array<i32>} : memref<4x80xi32, #tpu.memory_space<vmem>>, vector<1x16xi32>,
    %swap3A_869 = vector.shape_cast %swap3A_868 : vector<1x16xi32> to vector<16xi32>
    %swap3A_870 = vector.shape_cast %get3A_864 : vector<16xi32> to vector<1x16xi32>
    tpu.vector_store %arg9[%swap3A_866, %swap3A_867], %swap3A_870 {strides = array<i32>} : memref<4x80xi32, #tpu.memory_space<vmem>>, vector<1x16xi32>,
    %get3A_871 = arith.constant 19616 : index
    %get3A_872 = tpu.vector_load %arg6[%get3A_871] {strides = array<i32>} : memref<20000xi32, #tpu.memory_space<vmem>>, vector<16xi32>,
    %get3A_873 = vector.shape_cast %get3A_872 : vector<16xi32> to vector<16xi32>
    %mul3A_874 = arith.constant 2 : i32
    %mul3A_875 = vector.broadcast %mul3A_874 : i32 to vector<16xi32>
    %mul3A_876 = arith.muli %get3A_873, %mul3A_875 : vector<16xi32>
    %add3A_877 = vector.broadcast %arg0 : i32 to vector<16xi32>
    %add3A_878 = arith.addi %mul3A_876, %add3A_877 : vector<16xi32>
    %swap3A_879 = arith.constant 1 : i32
    %swap3A_880 = arith.index_cast %swap3A_879 : i32 to index
    %swap3A_881 = arith.constant 16 : index
    %swap3A_882 = tpu.vector_load %arg8[%swap3A_880, %swap3A_881] {strides = array<i32>} : memref<4x80xi32, #tpu.memory_space<vmem>>, vector<1x16xi32>,
    %swap3A_883 = vector.shape_cast %swap3A_882 : vector<1x16xi32> to vector<16xi32>
    %swap3A_884 = vector.shape_cast %add3A_878 : vector<16xi32> to vector<1x16xi32>
    tpu.vector_store %arg8[%swap3A_880, %swap3A_881], %swap3A_884 {strides = array<i32>} : memref<4x80xi32, #tpu.memory_space<vmem>>, vector<1x16xi32>,
    %get3A_885 = arith.constant 19616 : index
    %get3A_886 = tpu.vector_load %arg7[%get3A_885] {strides = array<i32>} : memref<20000xi32, #tpu.memory_space<vmem>>, vector<16xi32>,
    %get3A_887 = vector.shape_cast %get3A_886 : vector<16xi32> to vector<16xi32>
    %swap3A_888 = arith.constant 1 : i32
    %swap3A_889 = arith.index_cast %swap3A_888 : i32 to index
    %swap3A_890 = arith.constant 16 : index
    %swap3A_891 = tpu.vector_load %arg9[%swap3A_889, %swap3A_890] {strides = array<i32>} : memref<4x80xi32, #tpu.memory_space<vmem>>, vector<1x16xi32>,
    %swap3A_892 = vector.shape_cast %swap3A_891 : vector<1x16xi32> to vector<16xi32>
    %swap3A_893 = vector.shape_cast %get3A_887 : vector<16xi32> to vector<1x16xi32>
    tpu.vector_store %arg9[%swap3A_889, %swap3A_890], %swap3A_893 {strides = array<i32>} : memref<4x80xi32, #tpu.memory_space<vmem>>, vector<1x16xi32>,
    %get3A_894 = arith.constant 19632 : index
    %get3A_895 = tpu.vector_load %arg6[%get3A_894] {strides = array<i32>} : memref<20000xi32, #tpu.memory_space<vmem>>, vector<16xi32>,
    %get3A_896 = vector.shape_cast %get3A_895 : vector<16xi32> to vector<16xi32>
    %mul3A_897 = arith.constant 2 : i32
    %mul3A_898 = vector.broadcast %mul3A_897 : i32 to vector<16xi32>
    %mul3A_899 = arith.muli %get3A_896, %mul3A_898 : vector<16xi32>
    %add3A_900 = vector.broadcast %arg0 : i32 to vector<16xi32>
    %add3A_901 = arith.addi %mul3A_899, %add3A_900 : vector<16xi32>
    %swap3A_902 = arith.constant 1 : i32
    %swap3A_903 = arith.index_cast %swap3A_902 : i32 to index
    %swap3A_904 = arith.constant 32 : index
    %swap3A_905 = tpu.vector_load %arg8[%swap3A_903, %swap3A_904] {strides = array<i32>} : memref<4x80xi32, #tpu.memory_space<vmem>>, vector<1x16xi32>,
    %swap3A_906 = vector.shape_cast %swap3A_905 : vector<1x16xi32> to vector<16xi32>
    %swap3A_907 = vector.shape_cast %add3A_901 : vector<16xi32> to vector<1x16xi32>
    tpu.vector_store %arg8[%swap3A_903, %swap3A_904], %swap3A_907 {strides = array<i32>} : memref<4x80xi32, #tpu.memory_space<vmem>>, vector<1x16xi32>,
    %get3A_908 = arith.constant 19632 : index
    %get3A_909 = tpu.vector_load %arg7[%get3A_908] {strides = array<i32>} : memref<20000xi32, #tpu.memory_space<vmem>>, vector<16xi32>,
    %get3A_910 = vector.shape_cast %get3A_909 : vector<16xi32> to vector<16xi32>
    %swap3A_911 = arith.constant 1 : i32
    %swap3A_912 = arith.index_cast %swap3A_911 : i32 to index
    %swap3A_913 = arith.constant 32 : index
    %swap3A_914 = tpu.vector_load %arg9[%swap3A_912, %swap3A_913] {strides = array<i32>} : memref<4x80xi32, #tpu.memory_space<vmem>>, vector<1x16xi32>,
    %swap3A_915 = vector.shape_cast %swap3A_914 : vector<1x16xi32> to vector<16xi32>
    %swap3A_916 = vector.shape_cast %get3A_910 : vector<16xi32> to vector<1x16xi32>
    tpu.vector_store %arg9[%swap3A_912, %swap3A_913], %swap3A_916 {strides = array<i32>} : memref<4x80xi32, #tpu.memory_space<vmem>>, vector<1x16xi32>,
    %get3A_917 = arith.constant 19648 : index
    %get3A_918 = tpu.vector_load %arg6[%get3A_917] {strides = array<i32>} : memref<20000xi32, #tpu.memory_space<vmem>>, vector<16xi32>,
    %get3A_919 = vector.shape_cast %get3A_918 : vector<16xi32> to vector<16xi32>
    %mul3A_920 = arith.constant 2 : i32
    %mul3A_921 = vector.broadcast %mul3A_920 : i32 to vector<16xi32>
    %mul3A_922 = arith.muli %get3A_919, %mul3A_921 : vector<16xi32>
    %add3A_923 = vector.broadcast %arg0 : i32 to vector<16xi32>
    %add3A_924 = arith.addi %mul3A_922, %add3A_923 : vector<16xi32>
    %swap3A_925 = arith.constant 1 : i32
    %swap3A_926 = arith.index_cast %swap3A_925 : i32 to index
    %swap3A_927 = arith.constant 48 : index
    %swap3A_928 = tpu.vector_load %arg8[%swap3A_926, %swap3A_927] {strides = array<i32>} : memref<4x80xi32, #tpu.memory_space<vmem>>, vector<1x16xi32>,
    %swap3A_929 = vector.shape_cast %swap3A_928 : vector<1x16xi32> to vector<16xi32>
    %swap3A_930 = vector.shape_cast %add3A_924 : vector<16xi32> to vector<1x16xi32>
    tpu.vector_store %arg8[%swap3A_926, %swap3A_927], %swap3A_930 {strides = array<i32>} : memref<4x80xi32, #tpu.memory_space<vmem>>, vector<1x16xi32>,
    %get3A_931 = arith.constant 19648 : index
    %get3A_932 = tpu.vector_load %arg7[%get3A_931] {strides = array<i32>} : memref<20000xi32, #tpu.memory_space<vmem>>, vector<16xi32>,
    %get3A_933 = vector.shape_cast %get3A_932 : vector<16xi32> to vector<16xi32>
    %swap3A_934 = arith.constant 1 : i32
    %swap3A_935 = arith.index_cast %swap3A_934 : i32 to index
    %swap3A_936 = arith.constant 48 : index
    %swap3A_937 = tpu.vector_load %arg9[%swap3A_935, %swap3A_936] {strides = array<i32>} : memref<4x80xi32, #tpu.memory_space<vmem>>, vector<1x16xi32>,
    %swap3A_938 = vector.shape_cast %swap3A_937 : vector<1x16xi32> to vector<16xi32>
    %swap3A_939 = vector.shape_cast %get3A_933 : vector<16xi32> to vector<1x16xi32>
    tpu.vector_store %arg9[%swap3A_935, %swap3A_936], %swap3A_939 {strides = array<i32>} : memref<4x80xi32, #tpu.memory_space<vmem>>, vector<1x16xi32>,
    %get3A_940 = arith.constant 19664 : index
    %get3A_941 = tpu.vector_load %arg6[%get3A_940] {strides = array<i32>} : memref<20000xi32, #tpu.memory_space<vmem>>, vector<16xi32>,
    %get3A_942 = vector.shape_cast %get3A_941 : vector<16xi32> to vector<16xi32>
    %mul3A_943 = arith.constant 2 : i32
    %mul3A_944 = vector.broadcast %mul3A_943 : i32 to vector<16xi32>
    %mul3A_945 = arith.muli %get3A_942, %mul3A_944 : vector<16xi32>
    %add3A_946 = vector.broadcast %arg0 : i32 to vector<16xi32>
    %add3A_947 = arith.addi %mul3A_945, %add3A_946 : vector<16xi32>
    %swap3A_948 = arith.constant 1 : i32
    %swap3A_949 = arith.index_cast %swap3A_948 : i32 to index
    %swap3A_950 = arith.constant 64 : index
    %swap3A_951 = tpu.vector_load %arg8[%swap3A_949, %swap3A_950] {strides = array<i32>} : memref<4x80xi32, #tpu.memory_space<vmem>>, vector<1x16xi32>,
    %swap3A_952 = vector.shape_cast %swap3A_951 : vector<1x16xi32> to vector<16xi32>
    %swap3A_953 = vector.shape_cast %add3A_947 : vector<16xi32> to vector<1x16xi32>
    tpu.vector_store %arg8[%swap3A_949, %swap3A_950], %swap3A_953 {strides = array<i32>} : memref<4x80xi32, #tpu.memory_space<vmem>>, vector<1x16xi32>,
    %get3A_954 = arith.constant 19664 : index
    %get3A_955 = tpu.vector_load %arg7[%get3A_954] {strides = array<i32>} : memref<20000xi32, #tpu.memory_space<vmem>>, vector<16xi32>,
    %get3A_956 = vector.shape_cast %get3A_955 : vector<16xi32> to vector<16xi32>
    %swap3A_957 = arith.constant 1 : i32
    %swap3A_958 = arith.index_cast %swap3A_957 : i32 to index
    %swap3A_959 = arith.constant 64 : index
    %swap3A_960 = tpu.vector_load %arg9[%swap3A_958, %swap3A_959] {strides = array<i32>} : memref<4x80xi32, #tpu.memory_space<vmem>>, vector<1x16xi32>,
    %swap3A_961 = vector.shape_cast %swap3A_960 : vector<1x16xi32> to vector<16xi32>
    %swap3A_962 = vector.shape_cast %get3A_956 : vector<16xi32> to vector<1x16xi32>
    tpu.vector_store %arg9[%swap3A_958, %swap3A_959], %swap3A_962 {strides = array<i32>} : memref<4x80xi32, #tpu.memory_space<vmem>>, vector<1x16xi32>,
    %dma_start3A_963 = arith.constant 1 : i32
    %dma_start3A_964 = arith.constant 1 : i32
    %dma_start3A_965 = arith.constant 1 : i32
    %dma_start3A_966 = arith.constant 0 : i32
    %dma_start3A_967 = arith.constant 0 : i32
    %dma_start3A_968 = tpu.memref_slice %arg10[%dma_start3A_964, %dma_start3A_966, %dma_start3A_967] : memref<4x80x64xf32, #tpu.memory_space<vmem>> -> memref<1x80x64xf32, #tpu.memory_space<vmem>>
    %dma_start3A_969 = tpu.memref_squeeze %dma_start3A_968 : memref<1x80x64xf32, #tpu.memory_space<vmem>> -> memref<80x64xf32, #tpu.memory_space<vmem>>
    %dma_start3A_970 = arith.constant 0 : i32
    %dma_start3A_971 = tpu.memref_slice %arg8[%dma_start3A_963, %dma_start3A_970] : memref<4x80xi32, #tpu.memory_space<vmem>> -> memref<1x80xi32, #tpu.memory_space<vmem>>
    %dma_start3A_972 = tpu.memref_squeeze %dma_start3A_971 : memref<1x80xi32, #tpu.memory_space<vmem>> -> memref<80xi32, #tpu.memory_space<vmem>>
    %dma_start3A_973 = arith.constant 0 : i32
    %dma_start3A_974 = arith.constant 0 : i32
    %dma_start3A_975 = tpu.memref_slice %arg2[%dma_start3A_973, %dma_start3A_974] : memref<20000x64xf32, #tpu.memory_space<hbm>> -> memref<20000x64xf32, #tpu.memory_space<hbm>>
    %dma_start3A_976 = tpu.memref_slice %arg12[%dma_start3A_965] : memref<4x!tpu.dma_semaphore, #tpu.memory_space<semaphore_mem>> -> memref<1x!tpu.dma_semaphore, #tpu.memory_space<semaphore_mem>>
    %dma_start3A_977 = tpu.memref_squeeze %dma_start3A_976 : memref<1x!tpu.dma_semaphore, #tpu.memory_space<semaphore_mem>> -> memref<!tpu.dma_semaphore, #tpu.memory_space<semaphore_mem>>
    tpu.enqueue_indirect_dma source(%dma_start3A_975 : memref<20000x64xf32, #tpu.memory_space<hbm>>) target(%dma_start3A_969 : memref<80x64xf32, #tpu.memory_space<vmem>>) offsets(%dma_start3A_972 : memref<80xi32, #tpu.memory_space<vmem>>) semaphore(%dma_start3A_977 : memref<!tpu.dma_semaphore, #tpu.memory_space<semaphore_mem>>)
    %dma_wait3A_978 = arith.constant 0 : i32
    %dma_wait3A_979 = arith.constant 0 : i32
    %dma_wait3A_980 = arith.constant 0 : i32
    %dma_wait3A_981 = arith.constant 0 : i32
    %dma_wait3A_982 = arith.constant 0 : i32
    %dma_wait3A_983 = tpu.memref_slice %arg10[%dma_wait3A_979, %dma_wait3A_981, %dma_wait3A_982] : memref<4x80x64xf32, #tpu.memory_space<vmem>> -> memref<1x80x64xf32, #tpu.memory_space<vmem>>
    %dma_wait3A_984 = tpu.memref_squeeze %dma_wait3A_983 : memref<1x80x64xf32, #tpu.memory_space<vmem>> -> memref<80x64xf32, #tpu.memory_space<vmem>>
    %dma_wait3A_985 = arith.constant 0 : i32
    %dma_wait3A_986 = tpu.memref_slice %arg8[%dma_wait3A_978, %dma_wait3A_985] : memref<4x80xi32, #tpu.memory_space<vmem>> -> memref<1x80xi32, #tpu.memory_space<vmem>>
    %dma_wait3A_987 = tpu.memref_squeeze %dma_wait3A_986 : memref<1x80xi32, #tpu.memory_space<vmem>> -> memref<80xi32, #tpu.memory_space<vmem>>
    %dma_wait3A_988 = arith.constant 0 : i32
    %dma_wait3A_989 = arith.constant 0 : i32
    %dma_wait3A_990 = tpu.memref_slice %arg2[%dma_wait3A_988, %dma_wait3A_989] : memref<20000x64xf32, #tpu.memory_space<hbm>> -> memref<20000x64xf32, #tpu.memory_space<hbm>>
    %dma_wait3A_991 = tpu.memref_slice %arg12[%dma_wait3A_980] : memref<4x!tpu.dma_semaphore, #tpu.memory_space<semaphore_mem>> -> memref<1x!tpu.dma_semaphore, #tpu.memory_space<semaphore_mem>>
    %dma_wait3A_992 = tpu.memref_squeeze %dma_wait3A_991 : memref<1x!tpu.dma_semaphore, #tpu.memory_space<semaphore_mem>> -> memref<!tpu.dma_semaphore, #tpu.memory_space<semaphore_mem>>
    tpu.wait_indirect_dma semaphore(%dma_wait3A_992 : memref<!tpu.dma_semaphore, #tpu.memory_space<semaphore_mem>>) src(%dma_wait3A_990 : memref<20000x64xf32, #tpu.memory_space<hbm>>) dst(%dma_wait3A_984 : memref<80x64xf32, #tpu.memory_space<vmem>>)
    %dma_start3A_993 = arith.constant 0 : i32
    %dma_start3A_994 = arith.constant 0 : i32
    %dma_start3A_995 = arith.constant 0 : i32
    %dma_start3A_996 = arith.constant 0 : i32
    %dma_start3A_997 = arith.constant 0 : i32
    %dma_start3A_998 = tpu.memref_slice %arg10[%dma_start3A_993, %dma_start3A_996, %dma_start3A_997] : memref<4x80x64xf32, #tpu.memory_space<vmem>> -> memref<1x80x64xf32, #tpu.memory_space<vmem>>
    %dma_start3A_999 = tpu.memref_squeeze %dma_start3A_998 : memref<1x80x64xf32, #tpu.memory_space<vmem>> -> memref<80x64xf32, #tpu.memory_space<vmem>>
    %dma_start3A_1000 = arith.constant 0 : i32
    %dma_start3A_1001 = tpu.memref_slice %arg9[%dma_start3A_994, %dma_start3A_1000] : memref<4x80xi32, #tpu.memory_space<vmem>> -> memref<1x80xi32, #tpu.memory_space<vmem>>
    %dma_start3A_1002 = tpu.memref_squeeze %dma_start3A_1001 : memref<1x80xi32, #tpu.memory_space<vmem>> -> memref<80xi32, #tpu.memory_space<vmem>>
    %dma_start3A_1003 = arith.constant 0 : i32
    %dma_start3A_1004 = arith.constant 0 : i32
    %dma_start3A_1005 = tpu.memref_slice %arg11[%dma_start3A_1003, %dma_start3A_1004] : memref<10240x64xf32, #tpu.memory_space<vmem_shared>> -> memref<10240x64xf32, #tpu.memory_space<vmem_shared>>
    %dma_start3A_1006 = tpu.memref_slice %arg13[%dma_start3A_995] : memref<4x!tpu.dma_semaphore, #tpu.memory_space<semaphore_mem>> -> memref<1x!tpu.dma_semaphore, #tpu.memory_space<semaphore_mem>>
    %dma_start3A_1007 = tpu.memref_squeeze %dma_start3A_1006 : memref<1x!tpu.dma_semaphore, #tpu.memory_space<semaphore_mem>> -> memref<!tpu.dma_semaphore, #tpu.memory_space<semaphore_mem>>
    tpu.enqueue_indirect_dma source(%dma_start3A_999 : memref<80x64xf32, #tpu.memory_space<vmem>>) target(%dma_start3A_1005 : memref<10240x64xf32, #tpu.memory_space<vmem_shared>>) offsets(%dma_start3A_1002 : memref<80xi32, #tpu.memory_space<vmem>>) semaphore(%dma_start3A_1007 : memref<!tpu.dma_semaphore, #tpu.memory_space<semaphore_mem>>) {add = true}
    %dma_wait3A_1008 = arith.constant 2 : i32
    %dma_wait3A_1009 = arith.constant 2 : i32
    %dma_wait3A_1010 = arith.constant 2 : i32
    %dma_wait3A_1011 = arith.constant 0 : i32
    %dma_wait3A_1012 = arith.constant 0 : i32
    %dma_wait3A_1013 = tpu.memref_slice %arg10[%dma_wait3A_1008, %dma_wait3A_1011, %dma_wait3A_1012] : memref<4x80x64xf32, #tpu.memory_space<vmem>> -> memref<1x80x64xf32, #tpu.memory_space<vmem>>
    %dma_wait3A_1014 = tpu.memref_squeeze %dma_wait3A_1013 : memref<1x80x64xf32, #tpu.memory_space<vmem>> -> memref<80x64xf32, #tpu.memory_space<vmem>>
    %dma_wait3A_1015 = arith.constant 0 : i32
    %dma_wait3A_1016 = tpu.memref_slice %arg9[%dma_wait3A_1009, %dma_wait3A_1015] : memref<4x80xi32, #tpu.memory_space<vmem>> -> memref<1x80xi32, #tpu.memory_space<vmem>>
    %dma_wait3A_1017 = tpu.memref_squeeze %dma_wait3A_1016 : memref<1x80xi32, #tpu.memory_space<vmem>> -> memref<80xi32, #tpu.memory_space<vmem>>
    %dma_wait3A_1018 = arith.constant 0 : i32
    %dma_wait3A_1019 = arith.constant 0 : i32
    %dma_wait3A_1020 = tpu.memref_slice %arg11[%dma_wait3A_1018, %dma_wait3A_1019] : memref<10240x64xf32, #tpu.memory_space<vmem_shared>> -> memref<10240x64xf32, #tpu.memory_space<vmem_shared>>
    %dma_wait3A_1021 = tpu.memref_slice %arg13[%dma_wait3A_1010] : memref<4x!tpu.dma_semaphore, #tpu.memory_space<semaphore_mem>> -> memref<1x!tpu.dma_semaphore, #tpu.memory_space<semaphore_mem>>
    %dma_wait3A_1022 = tpu.memref_squeeze %dma_wait3A_1021 : memref<1x!tpu.dma_semaphore, #tpu.memory_space<semaphore_mem>> -> memref<!tpu.dma_semaphore, #tpu.memory_space<semaphore_mem>>
    tpu.wait_indirect_dma semaphore(%dma_wait3A_1022 : memref<!tpu.dma_semaphore, #tpu.memory_space<semaphore_mem>>) src(%dma_wait3A_1014 : memref<80x64xf32, #tpu.memory_space<vmem>>) dst(%dma_wait3A_1020 : memref<10240x64xf32, #tpu.memory_space<vmem_shared>>)
    %get3A_1023 = arith.constant 19680 : index
    %get3A_1024 = tpu.vector_load %arg6[%get3A_1023] {strides = array<i32>} : memref<20000xi32, #tpu.memory_space<vmem>>, vector<16xi32>,
    %get3A_1025 = vector.shape_cast %get3A_1024 : vector<16xi32> to vector<16xi32>
    %mul3A_1026 = arith.constant 2 : i32
    %mul3A_1027 = vector.broadcast %mul3A_1026 : i32 to vector<16xi32>
    %mul3A_1028 = arith.muli %get3A_1025, %mul3A_1027 : vector<16xi32>
    %add3A_1029 = vector.broadcast %arg0 : i32 to vector<16xi32>
    %add3A_1030 = arith.addi %mul3A_1028, %add3A_1029 : vector<16xi32>
    %swap3A_1031 = arith.constant 2 : i32
    %swap3A_1032 = arith.index_cast %swap3A_1031 : i32 to index
    %swap3A_1033 = arith.constant 0 : index
    %swap3A_1034 = tpu.vector_load %arg8[%swap3A_1032, %swap3A_1033] {strides = array<i32>} : memref<4x80xi32, #tpu.memory_space<vmem>>, vector<1x16xi32>,
    %swap3A_1035 = vector.shape_cast %swap3A_1034 : vector<1x16xi32> to vector<16xi32>
    %swap3A_1036 = vector.shape_cast %add3A_1030 : vector<16xi32> to vector<1x16xi32>
    tpu.vector_store %arg8[%swap3A_1032, %swap3A_1033], %swap3A_1036 {strides = array<i32>} : memref<4x80xi32, #tpu.memory_space<vmem>>, vector<1x16xi32>,
    %get3A_1037 = arith.constant 19680 : index
    %get3A_1038 = tpu.vector_load %arg7[%get3A_1037] {strides = array<i32>} : memref<20000xi32, #tpu.memory_space<vmem>>, vector<16xi32>,
    %get3A_1039 = vector.shape_cast %get3A_1038 : vector<16xi32> to vector<16xi32>
    %swap3A_1040 = arith.constant 2 : i32
    %swap3A_1041 = arith.index_cast %swap3A_1040 : i32 to index
    %swap3A_1042 = arith.constant 0 : index
    %swap3A_1043 = tpu.vector_load %arg9[%swap3A_1041, %swap3A_1042] {strides = array<i32>} : memref<4x80xi32, #tpu.memory_space<vmem>>, vector<1x16xi32>,
    %swap3A_1044 = vector.shape_cast %swap3A_1043 : vector<1x16xi32> to vector<16xi32>
    %swap3A_1045 = vector.shape_cast %get3A_1039 : vector<16xi32> to vector<1x16xi32>
    tpu.vector_store %arg9[%swap3A_1041, %swap3A_1042], %swap3A_1045 {strides = array<i32>} : memref<4x80xi32, #tpu.memory_space<vmem>>, vector<1x16xi32>,
    %get3A_1046 = arith.constant 19696 : index
    %get3A_1047 = tpu.vector_load %arg6[%get3A_1046] {strides = array<i32>} : memref<20000xi32, #tpu.memory_space<vmem>>, vector<16xi32>,
    %get3A_1048 = vector.shape_cast %get3A_1047 : vector<16xi32> to vector<16xi32>
    %mul3A_1049 = arith.constant 2 : i32
    %mul3A_1050 = vector.broadcast %mul3A_1049 : i32 to vector<16xi32>
    %mul3A_1051 = arith.muli %get3A_1048, %mul3A_1050 : vector<16xi32>
    %add3A_1052 = vector.broadcast %arg0 : i32 to vector<16xi32>
    %add3A_1053 = arith.addi %mul3A_1051, %add3A_1052 : vector<16xi32>
    %swap3A_1054 = arith.constant 2 : i32
    %swap3A_1055 = arith.index_cast %swap3A_1054 : i32 to index
    %swap3A_1056 = arith.constant 16 : index
    %swap3A_1057 = tpu.vector_load %arg8[%swap3A_1055, %swap3A_1056] {strides = array<i32>} : memref<4x80xi32, #tpu.memory_space<vmem>>, vector<1x16xi32>,
    %swap3A_1058 = vector.shape_cast %swap3A_1057 : vector<1x16xi32> to vector<16xi32>
    %swap3A_1059 = vector.shape_cast %add3A_1053 : vector<16xi32> to vector<1x16xi32>
    tpu.vector_store %arg8[%swap3A_1055, %swap3A_1056], %swap3A_1059 {strides = array<i32>} : memref<4x80xi32, #tpu.memory_space<vmem>>, vector<1x16xi32>,
    %get3A_1060 = arith.constant 19696 : index
    %get3A_1061 = tpu.vector_load %arg7[%get3A_1060] {strides = array<i32>} : memref<20000xi32, #tpu.memory_space<vmem>>, vector<16xi32>,
    %get3A_1062 = vector.shape_cast %get3A_1061 : vector<16xi32> to vector<16xi32>
    %swap3A_1063 = arith.constant 2 : i32
    %swap3A_1064 = arith.index_cast %swap3A_1063 : i32 to index
    %swap3A_1065 = arith.constant 16 : index
    %swap3A_1066 = tpu.vector_load %arg9[%swap3A_1064, %swap3A_1065] {strides = array<i32>} : memref<4x80xi32, #tpu.memory_space<vmem>>, vector<1x16xi32>,
    %swap3A_1067 = vector.shape_cast %swap3A_1066 : vector<1x16xi32> to vector<16xi32>
    %swap3A_1068 = vector.shape_cast %get3A_1062 : vector<16xi32> to vector<1x16xi32>
    tpu.vector_store %arg9[%swap3A_1064, %swap3A_1065], %swap3A_1068 {strides = array<i32>} : memref<4x80xi32, #tpu.memory_space<vmem>>, vector<1x16xi32>,
    %get3A_1069 = arith.constant 19712 : index
    %get3A_1070 = tpu.vector_load %arg6[%get3A_1069] {strides = array<i32>} : memref<20000xi32, #tpu.memory_space<vmem>>, vector<16xi32>,
    %get3A_1071 = vector.shape_cast %get3A_1070 : vector<16xi32> to vector<16xi32>
    %mul3A_1072 = arith.constant 2 : i32
    %mul3A_1073 = vector.broadcast %mul3A_1072 : i32 to vector<16xi32>
    %mul3A_1074 = arith.muli %get3A_1071, %mul3A_1073 : vector<16xi32>
    %add3A_1075 = vector.broadcast %arg0 : i32 to vector<16xi32>
    %add3A_1076 = arith.addi %mul3A_1074, %add3A_1075 : vector<16xi32>
    %swap3A_1077 = arith.constant 2 : i32
    %swap3A_1078 = arith.index_cast %swap3A_1077 : i32 to index
    %swap3A_1079 = arith.constant 32 : index
    %swap3A_1080 = tpu.vector_load %arg8[%swap3A_1078, %swap3A_1079] {strides = array<i32>} : memref<4x80xi32, #tpu.memory_space<vmem>>, vector<1x16xi32>,
    %swap3A_1081 = vector.shape_cast %swap3A_1080 : vector<1x16xi32> to vector<16xi32>
    %swap3A_1082 = vector.shape_cast %add3A_1076 : vector<16xi32> to vector<1x16xi32>
    tpu.vector_store %arg8[%swap3A_1078, %swap3A_1079], %swap3A_1082 {strides = array<i32>} : memref<4x80xi32, #tpu.memory_space<vmem>>, vector<1x16xi32>,
    %get3A_1083 = arith.constant 19712 : index
    %get3A_1084 = tpu.vector_load %arg7[%get3A_1083] {strides = array<i32>} : memref<20000xi32, #tpu.memory_space<vmem>>, vector<16xi32>,
    %get3A_1085 = vector.shape_cast %get3A_1084 : vector<16xi32> to vector<16xi32>
    %swap3A_1086 = arith.constant 2 : i32
    %swap3A_1087 = arith.index_cast %swap3A_1086 : i32 to index
    %swap3A_1088 = arith.constant 32 : index
    %swap3A_1089 = tpu.vector_load %arg9[%swap3A_1087, %swap3A_1088] {strides = array<i32>} : memref<4x80xi32, #tpu.memory_space<vmem>>, vector<1x16xi32>,
    %swap3A_1090 = vector.shape_cast %swap3A_1089 : vector<1x16xi32> to vector<16xi32>
    %swap3A_1091 = vector.shape_cast %get3A_1085 : vector<16xi32> to vector<1x16xi32>
    tpu.vector_store %arg9[%swap3A_1087, %swap3A_1088], %swap3A_1091 {strides = array<i32>} : memref<4x80xi32, #tpu.memory_space<vmem>>, vector<1x16xi32>,
    %get3A_1092 = arith.constant 19728 : index
    %get3A_1093 = tpu.vector_load %arg6[%get3A_1092] {strides = array<i32>} : memref<20000xi32, #tpu.memory_space<vmem>>, vector<16xi32>,
    %get3A_1094 = vector.shape_cast %get3A_1093 : vector<16xi32> to vector<16xi32>
    %mul3A_1095 = arith.constant 2 : i32
    %mul3A_1096 = vector.broadcast %mul3A_1095 : i32 to vector<16xi32>
    %mul3A_1097 = arith.muli %get3A_1094, %mul3A_1096 : vector<16xi32>
    %add3A_1098 = vector.broadcast %arg0 : i32 to vector<16xi32>
    %add3A_1099 = arith.addi %mul3A_1097, %add3A_1098 : vector<16xi32>
    %swap3A_1100 = arith.constant 2 : i32
    %swap3A_1101 = arith.index_cast %swap3A_1100 : i32 to index
    %swap3A_1102 = arith.constant 48 : index
    %swap3A_1103 = tpu.vector_load %arg8[%swap3A_1101, %swap3A_1102] {strides = array<i32>} : memref<4x80xi32, #tpu.memory_space<vmem>>, vector<1x16xi32>,
    %swap3A_1104 = vector.shape_cast %swap3A_1103 : vector<1x16xi32> to vector<16xi32>
    %swap3A_1105 = vector.shape_cast %add3A_1099 : vector<16xi32> to vector<1x16xi32>
    tpu.vector_store %arg8[%swap3A_1101, %swap3A_1102], %swap3A_1105 {strides = array<i32>} : memref<4x80xi32, #tpu.memory_space<vmem>>, vector<1x16xi32>,
    %get3A_1106 = arith.constant 19728 : index
    %get3A_1107 = tpu.vector_load %arg7[%get3A_1106] {strides = array<i32>} : memref<20000xi32, #tpu.memory_space<vmem>>, vector<16xi32>,
    %get3A_1108 = vector.shape_cast %get3A_1107 : vector<16xi32> to vector<16xi32>
    %swap3A_1109 = arith.constant 2 : i32
    %swap3A_1110 = arith.index_cast %swap3A_1109 : i32 to index
    %swap3A_1111 = arith.constant 48 : index
    %swap3A_1112 = tpu.vector_load %arg9[%swap3A_1110, %swap3A_1111] {strides = array<i32>} : memref<4x80xi32, #tpu.memory_space<vmem>>, vector<1x16xi32>,
    %swap3A_1113 = vector.shape_cast %swap3A_1112 : vector<1x16xi32> to vector<16xi32>
    %swap3A_1114 = vector.shape_cast %get3A_1108 : vector<16xi32> to vector<1x16xi32>
    tpu.vector_store %arg9[%swap3A_1110, %swap3A_1111], %swap3A_1114 {strides = array<i32>} : memref<4x80xi32, #tpu.memory_space<vmem>>, vector<1x16xi32>,
    %get3A_1115 = arith.constant 19744 : index
    %get3A_1116 = tpu.vector_load %arg6[%get3A_1115] {strides = array<i32>} : memref<20000xi32, #tpu.memory_space<vmem>>, vector<16xi32>,
    %get3A_1117 = vector.shape_cast %get3A_1116 : vector<16xi32> to vector<16xi32>
    %mul3A_1118 = arith.constant 2 : i32
    %mul3A_1119 = vector.broadcast %mul3A_1118 : i32 to vector<16xi32>
    %mul3A_1120 = arith.muli %get3A_1117, %mul3A_1119 : vector<16xi32>
    %add3A_1121 = vector.broadcast %arg0 : i32 to vector<16xi32>
    %add3A_1122 = arith.addi %mul3A_1120, %add3A_1121 : vector<16xi32>
    %swap3A_1123 = arith.constant 2 : i32
    %swap3A_1124 = arith.index_cast %swap3A_1123 : i32 to index
    %swap3A_1125 = arith.constant 64 : index
    %swap3A_1126 = tpu.vector_load %arg8[%swap3A_1124, %swap3A_1125] {strides = array<i32>} : memref<4x80xi32, #tpu.memory_space<vmem>>, vector<1x16xi32>,
    %swap3A_1127 = vector.shape_cast %swap3A_1126 : vector<1x16xi32> to vector<16xi32>
    %swap3A_1128 = vector.shape_cast %add3A_1122 : vector<16xi32> to vector<1x16xi32>
    tpu.vector_store %arg8[%swap3A_1124, %swap3A_1125], %swap3A_1128 {strides = array<i32>} : memref<4x80xi32, #tpu.memory_space<vmem>>, vector<1x16xi32>,
    %get3A_1129 = arith.constant 19744 : index
    %get3A_1130 = tpu.vector_load %arg7[%get3A_1129] {strides = array<i32>} : memref<20000xi32, #tpu.memory_space<vmem>>, vector<16xi32>,
    %get3A_1131 = vector.shape_cast %get3A_1130 : vector<16xi32> to vector<16xi32>
    %swap3A_1132 = arith.constant 2 : i32
    %swap3A_1133 = arith.index_cast %swap3A_1132 : i32 to index
    %swap3A_1134 = arith.constant 64 : index
    %swap3A_1135 = tpu.vector_load %arg9[%swap3A_1133, %swap3A_1134] {strides = array<i32>} : memref<4x80xi32, #tpu.memory_space<vmem>>, vector<1x16xi32>,
    %swap3A_1136 = vector.shape_cast %swap3A_1135 : vector<1x16xi32> to vector<16xi32>
    %swap3A_1137 = vector.shape_cast %get3A_1131 : vector<16xi32> to vector<1x16xi32>
    tpu.vector_store %arg9[%swap3A_1133, %swap3A_1134], %swap3A_1137 {strides = array<i32>} : memref<4x80xi32, #tpu.memory_space<vmem>>, vector<1x16xi32>,
    %dma_start3A_1138 = arith.constant 2 : i32
    %dma_start3A_1139 = arith.constant 2 : i32
    %dma_start3A_1140 = arith.constant 2 : i32
    %dma_start3A_1141 = arith.constant 0 : i32
    %dma_start3A_1142 = arith.constant 0 : i32
    %dma_start3A_1143 = tpu.memref_slice %arg10[%dma_start3A_1139, %dma_start3A_1141, %dma_start3A_1142] : memref<4x80x64xf32, #tpu.memory_space<vmem>> -> memref<1x80x64xf32, #tpu.memory_space<vmem>>
    %dma_start3A_1144 = tpu.memref_squeeze %dma_start3A_1143 : memref<1x80x64xf32, #tpu.memory_space<vmem>> -> memref<80x64xf32, #tpu.memory_space<vmem>>
    %dma_start3A_1145 = arith.constant 0 : i32
    %dma_start3A_1146 = tpu.memref_slice %arg8[%dma_start3A_1138, %dma_start3A_1145] : memref<4x80xi32, #tpu.memory_space<vmem>> -> memref<1x80xi32, #tpu.memory_space<vmem>>
    %dma_start3A_1147 = tpu.memref_squeeze %dma_start3A_1146 : memref<1x80xi32, #tpu.memory_space<vmem>> -> memref<80xi32, #tpu.memory_space<vmem>>
    %dma_start3A_1148 = arith.constant 0 : i32
    %dma_start3A_1149 = arith.constant 0 : i32
    %dma_start3A_1150 = tpu.memref_slice %arg2[%dma_start3A_1148, %dma_start3A_1149] : memref<20000x64xf32, #tpu.memory_space<hbm>> -> memref<20000x64xf32, #tpu.memory_space<hbm>>
    %dma_start3A_1151 = tpu.memref_slice %arg12[%dma_start3A_1140] : memref<4x!tpu.dma_semaphore, #tpu.memory_space<semaphore_mem>> -> memref<1x!tpu.dma_semaphore, #tpu.memory_space<semaphore_mem>>
    %dma_start3A_1152 = tpu.memref_squeeze %dma_start3A_1151 : memref<1x!tpu.dma_semaphore, #tpu.memory_space<semaphore_mem>> -> memref<!tpu.dma_semaphore, #tpu.memory_space<semaphore_mem>>
    tpu.enqueue_indirect_dma source(%dma_start3A_1150 : memref<20000x64xf32, #tpu.memory_space<hbm>>) target(%dma_start3A_1144 : memref<80x64xf32, #tpu.memory_space<vmem>>) offsets(%dma_start3A_1147 : memref<80xi32, #tpu.memory_space<vmem>>) semaphore(%dma_start3A_1152 : memref<!tpu.dma_semaphore, #tpu.memory_space<semaphore_mem>>)
    %dma_wait3A_1153 = arith.constant 1 : i32
    %dma_wait3A_1154 = arith.constant 1 : i32
    %dma_wait3A_1155 = arith.constant 1 : i32
    %dma_wait3A_1156 = arith.constant 0 : i32
    %dma_wait3A_1157 = arith.constant 0 : i32
    %dma_wait3A_1158 = tpu.memref_slice %arg10[%dma_wait3A_1154, %dma_wait3A_1156, %dma_wait3A_1157] : memref<4x80x64xf32, #tpu.memory_space<vmem>> -> memref<1x80x64xf32, #tpu.memory_space<vmem>>
    %dma_wait3A_1159 = tpu.memref_squeeze %dma_wait3A_1158 : memref<1x80x64xf32, #tpu.memory_space<vmem>> -> memref<80x64xf32, #tpu.memory_space<vmem>>
    %dma_wait3A_1160 = arith.constant 0 : i32
    %dma_wait3A_1161 = tpu.memref_slice %arg8[%dma_wait3A_1153, %dma_wait3A_1160] : memref<4x80xi32, #tpu.memory_space<vmem>> -> memref<1x80xi32, #tpu.memory_space<vmem>>
    %dma_wait3A_1162 = tpu.memref_squeeze %dma_wait3A_1161 : memref<1x80xi32, #tpu.memory_space<vmem>> -> memref<80xi32, #tpu.memory_space<vmem>>
    %dma_wait3A_1163 = arith.constant 0 : i32
    %dma_wait3A_1164 = arith.constant 0 : i32
    %dma_wait3A_1165 = tpu.memref_slice %arg2[%dma_wait3A_1163, %dma_wait3A_1164] : memref<20000x64xf32, #tpu.memory_space<hbm>> -> memref<20000x64xf32, #tpu.memory_space<hbm>>
    %dma_wait3A_1166 = tpu.memref_slice %arg12[%dma_wait3A_1155] : memref<4x!tpu.dma_semaphore, #tpu.memory_space<semaphore_mem>> -> memref<1x!tpu.dma_semaphore, #tpu.memory_space<semaphore_mem>>
    %dma_wait3A_1167 = tpu.memref_squeeze %dma_wait3A_1166 : memref<1x!tpu.dma_semaphore, #tpu.memory_space<semaphore_mem>> -> memref<!tpu.dma_semaphore, #tpu.memory_space<semaphore_mem>>
    tpu.wait_indirect_dma semaphore(%dma_wait3A_1167 : memref<!tpu.dma_semaphore, #tpu.memory_space<semaphore_mem>>) src(%dma_wait3A_1165 : memref<20000x64xf32, #tpu.memory_space<hbm>>) dst(%dma_wait3A_1159 : memref<80x64xf32, #tpu.memory_space<vmem>>)
    %dma_start3A_1168 = arith.constant 1 : i32
    %dma_start3A_1169 = arith.constant 1 : i32
    %dma_start3A_1170 = arith.constant 1 : i32
    %dma_start3A_1171 = arith.constant 0 : i32
    %dma_start3A_1172 = arith.constant 0 : i32
    %dma_start3A_1173 = tpu.memref_slice %arg10[%dma_start3A_1168, %dma_start3A_1171, %dma_start3A_1172] : memref<4x80x64xf32, #tpu.memory_space<vmem>> -> memref<1x80x64xf32, #tpu.memory_space<vmem>>
    %dma_start3A_1174 = tpu.memref_squeeze %dma_start3A_1173 : memref<1x80x64xf32, #tpu.memory_space<vmem>> -> memref<80x64xf32, #tpu.memory_space<vmem>>
    %dma_start3A_1175 = arith.constant 0 : i32
    %dma_start3A_1176 = tpu.memref_slice %arg9[%dma_start3A_1169, %dma_start3A_1175] : memref<4x80xi32, #tpu.memory_space<vmem>> -> memref<1x80xi32, #tpu.memory_space<vmem>>
    %dma_start3A_1177 = tpu.memref_squeeze %dma_start3A_1176 : memref<1x80xi32, #tpu.memory_space<vmem>> -> memref<80xi32, #tpu.memory_space<vmem>>
    %dma_start3A_1178 = arith.constant 0 : i32
    %dma_start3A_1179 = arith.constant 0 : i32
    %dma_start3A_1180 = tpu.memref_slice %arg11[%dma_start3A_1178, %dma_start3A_1179] : memref<10240x64xf32, #tpu.memory_space<vmem_shared>> -> memref<10240x64xf32, #tpu.memory_space<vmem_shared>>
    %dma_start3A_1181 = tpu.memref_slice %arg13[%dma_start3A_1170] : memref<4x!tpu.dma_semaphore, #tpu.memory_space<semaphore_mem>> -> memref<1x!tpu.dma_semaphore, #tpu.memory_space<semaphore_mem>>
    %dma_start3A_1182 = tpu.memref_squeeze %dma_start3A_1181 : memref<1x!tpu.dma_semaphore, #tpu.memory_space<semaphore_mem>> -> memref<!tpu.dma_semaphore, #tpu.memory_space<semaphore_mem>>
    tpu.enqueue_indirect_dma source(%dma_start3A_1174 : memref<80x64xf32, #tpu.memory_space<vmem>>) target(%dma_start3A_1180 : memref<10240x64xf32, #tpu.memory_space<vmem_shared>>) offsets(%dma_start3A_1177 : memref<80xi32, #tpu.memory_space<vmem>>) semaphore(%dma_start3A_1182 : memref<!tpu.dma_semaphore, #tpu.memory_space<semaphore_mem>>) {add = true}
    %dma_wait3A_1183 = arith.constant 3 : i32
    %dma_wait3A_1184 = arith.constant 3 : i32
    %dma_wait3A_1185 = arith.constant 3 : i32
    %dma_wait3A_1186 = arith.constant 0 : i32
    %dma_wait3A_1187 = arith.constant 0 : i32
    %dma_wait3A_1188 = tpu.memref_slice %arg10[%dma_wait3A_1183, %dma_wait3A_1186, %dma_wait3A_1187] : memref<4x80x64xf32, #tpu.memory_space<vmem>> -> memref<1x80x64xf32, #tpu.memory_space<vmem>>
    %dma_wait3A_1189 = tpu.memref_squeeze %dma_wait3A_1188 : memref<1x80x64xf32, #tpu.memory_space<vmem>> -> memref<80x64xf32, #tpu.memory_space<vmem>>
    %dma_wait3A_1190 = arith.constant 0 : i32
    %dma_wait3A_1191 = tpu.memref_slice %arg9[%dma_wait3A_1184, %dma_wait3A_1190] : memref<4x80xi32, #tpu.memory_space<vmem>> -> memref<1x80xi32, #tpu.memory_space<vmem>>
    %dma_wait3A_1192 = tpu.memref_squeeze %dma_wait3A_1191 : memref<1x80xi32, #tpu.memory_space<vmem>> -> memref<80xi32, #tpu.memory_space<vmem>>
    %dma_wait3A_1193 = arith.constant 0 : i32
    %dma_wait3A_1194 = arith.constant 0 : i32
    %dma_wait3A_1195 = tpu.memref_slice %arg11[%dma_wait3A_1193, %dma_wait3A_1194] : memref<10240x64xf32, #tpu.memory_space<vmem_shared>> -> memref<10240x64xf32, #tpu.memory_space<vmem_shared>>
    %dma_wait3A_1196 = tpu.memref_slice %arg13[%dma_wait3A_1185] : memref<4x!tpu.dma_semaphore, #tpu.memory_space<semaphore_mem>> -> memref<1x!tpu.dma_semaphore, #tpu.memory_space<semaphore_mem>>
    %dma_wait3A_1197 = tpu.memref_squeeze %dma_wait3A_1196 : memref<1x!tpu.dma_semaphore, #tpu.memory_space<semaphore_mem>> -> memref<!tpu.dma_semaphore, #tpu.memory_space<semaphore_mem>>
    tpu.wait_indirect_dma semaphore(%dma_wait3A_1197 : memref<!tpu.dma_semaphore, #tpu.memory_space<semaphore_mem>>) src(%dma_wait3A_1189 : memref<80x64xf32, #tpu.memory_space<vmem>>) dst(%dma_wait3A_1195 : memref<10240x64xf32, #tpu.memory_space<vmem_shared>>)
    %get3A_1198 = arith.constant 19760 : index
    %get3A_1199 = tpu.vector_load %arg6[%get3A_1198] {strides = array<i32>} : memref<20000xi32, #tpu.memory_space<vmem>>, vector<16xi32>,
    %get3A_1200 = vector.shape_cast %get3A_1199 : vector<16xi32> to vector<16xi32>
    %mul3A_1201 = arith.constant 2 : i32
    %mul3A_1202 = vector.broadcast %mul3A_1201 : i32 to vector<16xi32>
    %mul3A_1203 = arith.muli %get3A_1200, %mul3A_1202 : vector<16xi32>
    %add3A_1204 = vector.broadcast %arg0 : i32 to vector<16xi32>
    %add3A_1205 = arith.addi %mul3A_1203, %add3A_1204 : vector<16xi32>
    %swap3A_1206 = arith.constant 3 : i32
    %swap3A_1207 = arith.index_cast %swap3A_1206 : i32 to index
    %swap3A_1208 = arith.constant 0 : index
    %swap3A_1209 = tpu.vector_load %arg8[%swap3A_1207, %swap3A_1208] {strides = array<i32>} : memref<4x80xi32, #tpu.memory_space<vmem>>, vector<1x16xi32>,
    %swap3A_1210 = vector.shape_cast %swap3A_1209 : vector<1x16xi32> to vector<16xi32>
    %swap3A_1211 = vector.shape_cast %add3A_1205 : vector<16xi32> to vector<1x16xi32>
    tpu.vector_store %arg8[%swap3A_1207, %swap3A_1208], %swap3A_1211 {strides = array<i32>} : memref<4x80xi32, #tpu.memory_space<vmem>>, vector<1x16xi32>,
    %get3A_1212 = arith.constant 19760 : index
    %get3A_1213 = tpu.vector_load %arg7[%get3A_1212] {strides = array<i32>} : memref<20000xi32, #tpu.memory_space<vmem>>, vector<16xi32>,
    %get3A_1214 = vector.shape_cast %get3A_1213 : vector<16xi32> to vector<16xi32>
    %swap3A_1215 = arith.constant 3 : i32
    %swap3A_1216 = arith.index_cast %swap3A_1215 : i32 to index
    %swap3A_1217 = arith.constant 0 : index
    %swap3A_1218 = tpu.vector_load %arg9[%swap3A_1216, %swap3A_1217] {strides = array<i32>} : memref<4x80xi32, #tpu.memory_space<vmem>>, vector<1x16xi32>,
    %swap3A_1219 = vector.shape_cast %swap3A_1218 : vector<1x16xi32> to vector<16xi32>
    %swap3A_1220 = vector.shape_cast %get3A_1214 : vector<16xi32> to vector<1x16xi32>
    tpu.vector_store %arg9[%swap3A_1216, %swap3A_1217], %swap3A_1220 {strides = array<i32>} : memref<4x80xi32, #tpu.memory_space<vmem>>, vector<1x16xi32>,
    %get3A_1221 = arith.constant 19776 : index
    %get3A_1222 = tpu.vector_load %arg6[%get3A_1221] {strides = array<i32>} : memref<20000xi32, #tpu.memory_space<vmem>>, vector<16xi32>,
    %get3A_1223 = vector.shape_cast %get3A_1222 : vector<16xi32> to vector<16xi32>
    %mul3A_1224 = arith.constant 2 : i32
    %mul3A_1225 = vector.broadcast %mul3A_1224 : i32 to vector<16xi32>
    %mul3A_1226 = arith.muli %get3A_1223, %mul3A_1225 : vector<16xi32>
    %add3A_1227 = vector.broadcast %arg0 : i32 to vector<16xi32>
    %add3A_1228 = arith.addi %mul3A_1226, %add3A_1227 : vector<16xi32>
    %swap3A_1229 = arith.constant 3 : i32
    %swap3A_1230 = arith.index_cast %swap3A_1229 : i32 to index
    %swap3A_1231 = arith.constant 16 : index
    %swap3A_1232 = tpu.vector_load %arg8[%swap3A_1230, %swap3A_1231] {strides = array<i32>} : memref<4x80xi32, #tpu.memory_space<vmem>>, vector<1x16xi32>,
    %swap3A_1233 = vector.shape_cast %swap3A_1232 : vector<1x16xi32> to vector<16xi32>
    %swap3A_1234 = vector.shape_cast %add3A_1228 : vector<16xi32> to vector<1x16xi32>
    tpu.vector_store %arg8[%swap3A_1230, %swap3A_1231], %swap3A_1234 {strides = array<i32>} : memref<4x80xi32, #tpu.memory_space<vmem>>, vector<1x16xi32>,
    %get3A_1235 = arith.constant 19776 : index
    %get3A_1236 = tpu.vector_load %arg7[%get3A_1235] {strides = array<i32>} : memref<20000xi32, #tpu.memory_space<vmem>>, vector<16xi32>,
    %get3A_1237 = vector.shape_cast %get3A_1236 : vector<16xi32> to vector<16xi32>
    %swap3A_1238 = arith.constant 3 : i32
    %swap3A_1239 = arith.index_cast %swap3A_1238 : i32 to index
    %swap3A_1240 = arith.constant 16 : index
    %swap3A_1241 = tpu.vector_load %arg9[%swap3A_1239, %swap3A_1240] {strides = array<i32>} : memref<4x80xi32, #tpu.memory_space<vmem>>, vector<1x16xi32>,
    %swap3A_1242 = vector.shape_cast %swap3A_1241 : vector<1x16xi32> to vector<16xi32>
    %swap3A_1243 = vector.shape_cast %get3A_1237 : vector<16xi32> to vector<1x16xi32>
    tpu.vector_store %arg9[%swap3A_1239, %swap3A_1240], %swap3A_1243 {strides = array<i32>} : memref<4x80xi32, #tpu.memory_space<vmem>>, vector<1x16xi32>,
    %get3A_1244 = arith.constant 19792 : index
    %get3A_1245 = tpu.vector_load %arg6[%get3A_1244] {strides = array<i32>} : memref<20000xi32, #tpu.memory_space<vmem>>, vector<16xi32>,
    %get3A_1246 = vector.shape_cast %get3A_1245 : vector<16xi32> to vector<16xi32>
    %mul3A_1247 = arith.constant 2 : i32
    %mul3A_1248 = vector.broadcast %mul3A_1247 : i32 to vector<16xi32>
    %mul3A_1249 = arith.muli %get3A_1246, %mul3A_1248 : vector<16xi32>
    %add3A_1250 = vector.broadcast %arg0 : i32 to vector<16xi32>
    %add3A_1251 = arith.addi %mul3A_1249, %add3A_1250 : vector<16xi32>
    %swap3A_1252 = arith.constant 3 : i32
    %swap3A_1253 = arith.index_cast %swap3A_1252 : i32 to index
    %swap3A_1254 = arith.constant 32 : index
    %swap3A_1255 = tpu.vector_load %arg8[%swap3A_1253, %swap3A_1254] {strides = array<i32>} : memref<4x80xi32, #tpu.memory_space<vmem>>, vector<1x16xi32>,
    %swap3A_1256 = vector.shape_cast %swap3A_1255 : vector<1x16xi32> to vector<16xi32>
    %swap3A_1257 = vector.shape_cast %add3A_1251 : vector<16xi32> to vector<1x16xi32>
    tpu.vector_store %arg8[%swap3A_1253, %swap3A_1254], %swap3A_1257 {strides = array<i32>} : memref<4x80xi32, #tpu.memory_space<vmem>>, vector<1x16xi32>,
    %get3A_1258 = arith.constant 19792 : index
    %get3A_1259 = tpu.vector_load %arg7[%get3A_1258] {strides = array<i32>} : memref<20000xi32, #tpu.memory_space<vmem>>, vector<16xi32>,
    %get3A_1260 = vector.shape_cast %get3A_1259 : vector<16xi32> to vector<16xi32>
    %swap3A_1261 = arith.constant 3 : i32
    %swap3A_1262 = arith.index_cast %swap3A_1261 : i32 to index
    %swap3A_1263 = arith.constant 32 : index
    %swap3A_1264 = tpu.vector_load %arg9[%swap3A_1262, %swap3A_1263] {strides = array<i32>} : memref<4x80xi32, #tpu.memory_space<vmem>>, vector<1x16xi32>,
    %swap3A_1265 = vector.shape_cast %swap3A_1264 : vector<1x16xi32> to vector<16xi32>
    %swap3A_1266 = vector.shape_cast %get3A_1260 : vector<16xi32> to vector<1x16xi32>
    tpu.vector_store %arg9[%swap3A_1262, %swap3A_1263], %swap3A_1266 {strides = array<i32>} : memref<4x80xi32, #tpu.memory_space<vmem>>, vector<1x16xi32>,
    %get3A_1267 = arith.constant 19808 : index
    %get3A_1268 = tpu.vector_load %arg6[%get3A_1267] {strides = array<i32>} : memref<20000xi32, #tpu.memory_space<vmem>>, vector<16xi32>,
    %get3A_1269 = vector.shape_cast %get3A_1268 : vector<16xi32> to vector<16xi32>
    %mul3A_1270 = arith.constant 2 : i32
    %mul3A_1271 = vector.broadcast %mul3A_1270 : i32 to vector<16xi32>
    %mul3A_1272 = arith.muli %get3A_1269, %mul3A_1271 : vector<16xi32>
    %add3A_1273 = vector.broadcast %arg0 : i32 to vector<16xi32>
    %add3A_1274 = arith.addi %mul3A_1272, %add3A_1273 : vector<16xi32>
    %swap3A_1275 = arith.constant 3 : i32
    %swap3A_1276 = arith.index_cast %swap3A_1275 : i32 to index
    %swap3A_1277 = arith.constant 48 : index
    %swap3A_1278 = tpu.vector_load %arg8[%swap3A_1276, %swap3A_1277] {strides = array<i32>} : memref<4x80xi32, #tpu.memory_space<vmem>>, vector<1x16xi32>,
    %swap3A_1279 = vector.shape_cast %swap3A_1278 : vector<1x16xi32> to vector<16xi32>
    %swap3A_1280 = vector.shape_cast %add3A_1274 : vector<16xi32> to vector<1x16xi32>
    tpu.vector_store %arg8[%swap3A_1276, %swap3A_1277], %swap3A_1280 {strides = array<i32>} : memref<4x80xi32, #tpu.memory_space<vmem>>, vector<1x16xi32>,
    %get3A_1281 = arith.constant 19808 : index
    %get3A_1282 = tpu.vector_load %arg7[%get3A_1281] {strides = array<i32>} : memref<20000xi32, #tpu.memory_space<vmem>>, vector<16xi32>,
    %get3A_1283 = vector.shape_cast %get3A_1282 : vector<16xi32> to vector<16xi32>
    %swap3A_1284 = arith.constant 3 : i32
    %swap3A_1285 = arith.index_cast %swap3A_1284 : i32 to index
    %swap3A_1286 = arith.constant 48 : index
    %swap3A_1287 = tpu.vector_load %arg9[%swap3A_1285, %swap3A_1286] {strides = array<i32>} : memref<4x80xi32, #tpu.memory_space<vmem>>, vector<1x16xi32>,
    %swap3A_1288 = vector.shape_cast %swap3A_1287 : vector<1x16xi32> to vector<16xi32>
    %swap3A_1289 = vector.shape_cast %get3A_1283 : vector<16xi32> to vector<1x16xi32>
    tpu.vector_store %arg9[%swap3A_1285, %swap3A_1286], %swap3A_1289 {strides = array<i32>} : memref<4x80xi32, #tpu.memory_space<vmem>>, vector<1x16xi32>,
    %get3A_1290 = arith.constant 19824 : index
    %get3A_1291 = tpu.vector_load %arg6[%get3A_1290] {strides = array<i32>} : memref<20000xi32, #tpu.memory_space<vmem>>, vector<16xi32>,
    %get3A_1292 = vector.shape_cast %get3A_1291 : vector<16xi32> to vector<16xi32>
    %mul3A_1293 = arith.constant 2 : i32
    %mul3A_1294 = vector.broadcast %mul3A_1293 : i32 to vector<16xi32>
    %mul3A_1295 = arith.muli %get3A_1292, %mul3A_1294 : vector<16xi32>
    %add3A_1296 = vector.broadcast %arg0 : i32 to vector<16xi32>
    %add3A_1297 = arith.addi %mul3A_1295, %add3A_1296 : vector<16xi32>
    %swap3A_1298 = arith.constant 3 : i32
    %swap3A_1299 = arith.index_cast %swap3A_1298 : i32 to index
    %swap3A_1300 = arith.constant 64 : index
    %swap3A_1301 = tpu.vector_load %arg8[%swap3A_1299, %swap3A_1300] {strides = array<i32>} : memref<4x80xi32, #tpu.memory_space<vmem>>, vector<1x16xi32>,
    %swap3A_1302 = vector.shape_cast %swap3A_1301 : vector<1x16xi32> to vector<16xi32>
    %swap3A_1303 = vector.shape_cast %add3A_1297 : vector<16xi32> to vector<1x16xi32>
    tpu.vector_store %arg8[%swap3A_1299, %swap3A_1300], %swap3A_1303 {strides = array<i32>} : memref<4x80xi32, #tpu.memory_space<vmem>>, vector<1x16xi32>,
    %get3A_1304 = arith.constant 19824 : index
    %get3A_1305 = tpu.vector_load %arg7[%get3A_1304] {strides = array<i32>} : memref<20000xi32, #tpu.memory_space<vmem>>, vector<16xi32>,
    %get3A_1306 = vector.shape_cast %get3A_1305 : vector<16xi32> to vector<16xi32>
    %swap3A_1307 = arith.constant 3 : i32
    %swap3A_1308 = arith.index_cast %swap3A_1307 : i32 to index
    %swap3A_1309 = arith.constant 64 : index
    %swap3A_1310 = tpu.vector_load %arg9[%swap3A_1308, %swap3A_1309] {strides = array<i32>} : memref<4x80xi32, #tpu.memory_space<vmem>>, vector<1x16xi32>,
    %swap3A_1311 = vector.shape_cast %swap3A_1310 : vector<1x16xi32> to vector<16xi32>
    %swap3A_1312 = vector.shape_cast %get3A_1306 : vector<16xi32> to vector<1x16xi32>
    tpu.vector_store %arg9[%swap3A_1308, %swap3A_1309], %swap3A_1312 {strides = array<i32>} : memref<4x80xi32, #tpu.memory_space<vmem>>, vector<1x16xi32>,
    %dma_start3A_1313 = arith.constant 3 : i32
    %dma_start3A_1314 = arith.constant 3 : i32
    %dma_start3A_1315 = arith.constant 3 : i32
    %dma_start3A_1316 = arith.constant 0 : i32
    %dma_start3A_1317 = arith.constant 0 : i32
    %dma_start3A_1318 = tpu.memref_slice %arg10[%dma_start3A_1314, %dma_start3A_1316, %dma_start3A_1317] : memref<4x80x64xf32, #tpu.memory_space<vmem>> -> memref<1x80x64xf32, #tpu.memory_space<vmem>>
    %dma_start3A_1319 = tpu.memref_squeeze %dma_start3A_1318 : memref<1x80x64xf32, #tpu.memory_space<vmem>> -> memref<80x64xf32, #tpu.memory_space<vmem>>
    %dma_start3A_1320 = arith.constant 0 : i32
    %dma_start3A_1321 = tpu.memref_slice %arg8[%dma_start3A_1313, %dma_start3A_1320] : memref<4x80xi32, #tpu.memory_space<vmem>> -> memref<1x80xi32, #tpu.memory_space<vmem>>
    %dma_start3A_1322 = tpu.memref_squeeze %dma_start3A_1321 : memref<1x80xi32, #tpu.memory_space<vmem>> -> memref<80xi32, #tpu.memory_space<vmem>>
    %dma_start3A_1323 = arith.constant 0 : i32
    %dma_start3A_1324 = arith.constant 0 : i32
    %dma_start3A_1325 = tpu.memref_slice %arg2[%dma_start3A_1323, %dma_start3A_1324] : memref<20000x64xf32, #tpu.memory_space<hbm>> -> memref<20000x64xf32, #tpu.memory_space<hbm>>
    %dma_start3A_1326 = tpu.memref_slice %arg12[%dma_start3A_1315] : memref<4x!tpu.dma_semaphore, #tpu.memory_space<semaphore_mem>> -> memref<1x!tpu.dma_semaphore, #tpu.memory_space<semaphore_mem>>
    %dma_start3A_1327 = tpu.memref_squeeze %dma_start3A_1326 : memref<1x!tpu.dma_semaphore, #tpu.memory_space<semaphore_mem>> -> memref<!tpu.dma_semaphore, #tpu.memory_space<semaphore_mem>>
    tpu.enqueue_indirect_dma source(%dma_start3A_1325 : memref<20000x64xf32, #tpu.memory_space<hbm>>) target(%dma_start3A_1319 : memref<80x64xf32, #tpu.memory_space<vmem>>) offsets(%dma_start3A_1322 : memref<80xi32, #tpu.memory_space<vmem>>) semaphore(%dma_start3A_1327 : memref<!tpu.dma_semaphore, #tpu.memory_space<semaphore_mem>>)
    %dma_wait3A_1328 = arith.constant 2 : i32
    %dma_wait3A_1329 = arith.constant 2 : i32
    %dma_wait3A_1330 = arith.constant 2 : i32
    %dma_wait3A_1331 = arith.constant 0 : i32
    %dma_wait3A_1332 = arith.constant 0 : i32
    %dma_wait3A_1333 = tpu.memref_slice %arg10[%dma_wait3A_1329, %dma_wait3A_1331, %dma_wait3A_1332] : memref<4x80x64xf32, #tpu.memory_space<vmem>> -> memref<1x80x64xf32, #tpu.memory_space<vmem>>
    %dma_wait3A_1334 = tpu.memref_squeeze %dma_wait3A_1333 : memref<1x80x64xf32, #tpu.memory_space<vmem>> -> memref<80x64xf32, #tpu.memory_space<vmem>>
    %dma_wait3A_1335 = arith.constant 0 : i32
    %dma_wait3A_1336 = tpu.memref_slice %arg8[%dma_wait3A_1328, %dma_wait3A_1335] : memref<4x80xi32, #tpu.memory_space<vmem>> -> memref<1x80xi32, #tpu.memory_space<vmem>>
    %dma_wait3A_1337 = tpu.memref_squeeze %dma_wait3A_1336 : memref<1x80xi32, #tpu.memory_space<vmem>> -> memref<80xi32, #tpu.memory_space<vmem>>
    %dma_wait3A_1338 = arith.constant 0 : i32
    %dma_wait3A_1339 = arith.constant 0 : i32
    %dma_wait3A_1340 = tpu.memref_slice %arg2[%dma_wait3A_1338, %dma_wait3A_1339] : memref<20000x64xf32, #tpu.memory_space<hbm>> -> memref<20000x64xf32, #tpu.memory_space<hbm>>
    %dma_wait3A_1341 = tpu.memref_slice %arg12[%dma_wait3A_1330] : memref<4x!tpu.dma_semaphore, #tpu.memory_space<semaphore_mem>> -> memref<1x!tpu.dma_semaphore, #tpu.memory_space<semaphore_mem>>
    %dma_wait3A_1342 = tpu.memref_squeeze %dma_wait3A_1341 : memref<1x!tpu.dma_semaphore, #tpu.memory_space<semaphore_mem>> -> memref<!tpu.dma_semaphore, #tpu.memory_space<semaphore_mem>>
    tpu.wait_indirect_dma semaphore(%dma_wait3A_1342 : memref<!tpu.dma_semaphore, #tpu.memory_space<semaphore_mem>>) src(%dma_wait3A_1340 : memref<20000x64xf32, #tpu.memory_space<hbm>>) dst(%dma_wait3A_1334 : memref<80x64xf32, #tpu.memory_space<vmem>>)
    %dma_start3A_1343 = arith.constant 2 : i32
    %dma_start3A_1344 = arith.constant 2 : i32
    %dma_start3A_1345 = arith.constant 2 : i32
    %dma_start3A_1346 = arith.constant 0 : i32
    %dma_start3A_1347 = arith.constant 0 : i32
    %dma_start3A_1348 = tpu.memref_slice %arg10[%dma_start3A_1343, %dma_start3A_1346, %dma_start3A_1347] : memref<4x80x64xf32, #tpu.memory_space<vmem>> -> memref<1x80x64xf32, #tpu.memory_space<vmem>>
    %dma_start3A_1349 = tpu.memref_squeeze %dma_start3A_1348 : memref<1x80x64xf32, #tpu.memory_space<vmem>> -> memref<80x64xf32, #tpu.memory_space<vmem>>
    %dma_start3A_1350 = arith.constant 0 : i32
    %dma_start3A_1351 = tpu.memref_slice %arg9[%dma_start3A_1344, %dma_start3A_1350] : memref<4x80xi32, #tpu.memory_space<vmem>> -> memref<1x80xi32, #tpu.memory_space<vmem>>
    %dma_start3A_1352 = tpu.memref_squeeze %dma_start3A_1351 : memref<1x80xi32, #tpu.memory_space<vmem>> -> memref<80xi32, #tpu.memory_space<vmem>>
    %dma_start3A_1353 = arith.constant 0 : i32
    %dma_start3A_1354 = arith.constant 0 : i32
    %dma_start3A_1355 = tpu.memref_slice %arg11[%dma_start3A_1353, %dma_start3A_1354] : memref<10240x64xf32, #tpu.memory_space<vmem_shared>> -> memref<10240x64xf32, #tpu.memory_space<vmem_shared>>
    %dma_start3A_1356 = tpu.memref_slice %arg13[%dma_start3A_1345] : memref<4x!tpu.dma_semaphore, #tpu.memory_space<semaphore_mem>> -> memref<1x!tpu.dma_semaphore, #tpu.memory_space<semaphore_mem>>
    %dma_start3A_1357 = tpu.memref_squeeze %dma_start3A_1356 : memref<1x!tpu.dma_semaphore, #tpu.memory_space<semaphore_mem>> -> memref<!tpu.dma_semaphore, #tpu.memory_space<semaphore_mem>>
    tpu.enqueue_indirect_dma source(%dma_start3A_1349 : memref<80x64xf32, #tpu.memory_space<vmem>>) target(%dma_start3A_1355 : memref<10240x64xf32, #tpu.memory_space<vmem_shared>>) offsets(%dma_start3A_1352 : memref<80xi32, #tpu.memory_space<vmem>>) semaphore(%dma_start3A_1357 : memref<!tpu.dma_semaphore, #tpu.memory_space<semaphore_mem>>) {add = true}
    %dma_wait3A_1358 = arith.constant 0 : i32
    %dma_wait3A_1359 = arith.constant 0 : i32
    %dma_wait3A_1360 = arith.constant 0 : i32
    %dma_wait3A_1361 = arith.constant 0 : i32
    %dma_wait3A_1362 = arith.constant 0 : i32
    %dma_wait3A_1363 = tpu.memref_slice %arg10[%dma_wait3A_1358, %dma_wait3A_1361, %dma_wait3A_1362] : memref<4x80x64xf32, #tpu.memory_space<vmem>> -> memref<1x80x64xf32, #tpu.memory_space<vmem>>
    %dma_wait3A_1364 = tpu.memref_squeeze %dma_wait3A_1363 : memref<1x80x64xf32, #tpu.memory_space<vmem>> -> memref<80x64xf32, #tpu.memory_space<vmem>>
    %dma_wait3A_1365 = arith.constant 0 : i32
    %dma_wait3A_1366 = tpu.memref_slice %arg9[%dma_wait3A_1359, %dma_wait3A_1365] : memref<4x80xi32, #tpu.memory_space<vmem>> -> memref<1x80xi32, #tpu.memory_space<vmem>>
    %dma_wait3A_1367 = tpu.memref_squeeze %dma_wait3A_1366 : memref<1x80xi32, #tpu.memory_space<vmem>> -> memref<80xi32, #tpu.memory_space<vmem>>
    %dma_wait3A_1368 = arith.constant 0 : i32
    %dma_wait3A_1369 = arith.constant 0 : i32
    %dma_wait3A_1370 = tpu.memref_slice %arg11[%dma_wait3A_1368, %dma_wait3A_1369] : memref<10240x64xf32, #tpu.memory_space<vmem_shared>> -> memref<10240x64xf32, #tpu.memory_space<vmem_shared>>
    %dma_wait3A_1371 = tpu.memref_slice %arg13[%dma_wait3A_1360] : memref<4x!tpu.dma_semaphore, #tpu.memory_space<semaphore_mem>> -> memref<1x!tpu.dma_semaphore, #tpu.memory_space<semaphore_mem>>
    %dma_wait3A_1372 = tpu.memref_squeeze %dma_wait3A_1371 : memref<1x!tpu.dma_semaphore, #tpu.memory_space<semaphore_mem>> -> memref<!tpu.dma_semaphore, #tpu.memory_space<semaphore_mem>>
    tpu.wait_indirect_dma semaphore(%dma_wait3A_1372 : memref<!tpu.dma_semaphore, #tpu.memory_space<semaphore_mem>>) src(%dma_wait3A_1364 : memref<80x64xf32, #tpu.memory_space<vmem>>) dst(%dma_wait3A_1370 : memref<10240x64xf32, #tpu.memory_space<vmem_shared>>)
    %get3A_1373 = arith.constant 19840 : index
    %get3A_1374 = tpu.vector_load %arg6[%get3A_1373] {strides = array<i32>} : memref<20000xi32, #tpu.memory_space<vmem>>, vector<16xi32>,
    %get3A_1375 = vector.shape_cast %get3A_1374 : vector<16xi32> to vector<16xi32>
    %mul3A_1376 = arith.constant 2 : i32
    %mul3A_1377 = vector.broadcast %mul3A_1376 : i32 to vector<16xi32>
    %mul3A_1378 = arith.muli %get3A_1375, %mul3A_1377 : vector<16xi32>
    %add3A_1379 = vector.broadcast %arg0 : i32 to vector<16xi32>
    %add3A_1380 = arith.addi %mul3A_1378, %add3A_1379 : vector<16xi32>
    %swap3A_1381 = arith.constant 0 : i32
    %swap3A_1382 = arith.index_cast %swap3A_1381 : i32 to index
    %swap3A_1383 = arith.constant 0 : index
    %swap3A_1384 = tpu.vector_load %arg8[%swap3A_1382, %swap3A_1383] {strides = array<i32>} : memref<4x80xi32, #tpu.memory_space<vmem>>, vector<1x16xi32>,
    %swap3A_1385 = vector.shape_cast %swap3A_1384 : vector<1x16xi32> to vector<16xi32>
    %swap3A_1386 = vector.shape_cast %add3A_1380 : vector<16xi32> to vector<1x16xi32>
    tpu.vector_store %arg8[%swap3A_1382, %swap3A_1383], %swap3A_1386 {strides = array<i32>} : memref<4x80xi32, #tpu.memory_space<vmem>>, vector<1x16xi32>,
    %get3A_1387 = arith.constant 19840 : index
    %get3A_1388 = tpu.vector_load %arg7[%get3A_1387] {strides = array<i32>} : memref<20000xi32, #tpu.memory_space<vmem>>, vector<16xi32>,
    %get3A_1389 = vector.shape_cast %get3A_1388 : vector<16xi32> to vector<16xi32>
    %swap3A_1390 = arith.constant 0 : i32
    %swap3A_1391 = arith.index_cast %swap3A_1390 : i32 to index
    %swap3A_1392 = arith.constant 0 : index
    %swap3A_1393 = tpu.vector_load %arg9[%swap3A_1391, %swap3A_1392] {strides = array<i32>} : memref<4x80xi32, #tpu.memory_space<vmem>>, vector<1x16xi32>,
    %swap3A_1394 = vector.shape_cast %swap3A_1393 : vector<1x16xi32> to vector<16xi32>
    %swap3A_1395 = vector.shape_cast %get3A_1389 : vector<16xi32> to vector<1x16xi32>
    tpu.vector_store %arg9[%swap3A_1391, %swap3A_1392], %swap3A_1395 {strides = array<i32>} : memref<4x80xi32, #tpu.memory_space<vmem>>, vector<1x16xi32>,
    %get3A_1396 = arith.constant 19856 : index
    %get3A_1397 = tpu.vector_load %arg6[%get3A_1396] {strides = array<i32>} : memref<20000xi32, #tpu.memory_space<vmem>>, vector<16xi32>,
    %get3A_1398 = vector.shape_cast %get3A_1397 : vector<16xi32> to vector<16xi32>
    %mul3A_1399 = arith.constant 2 : i32
    %mul3A_1400 = vector.broadcast %mul3A_1399 : i32 to vector<16xi32>
    %mul3A_1401 = arith.muli %get3A_1398, %mul3A_1400 : vector<16xi32>
    %add3A_1402 = vector.broadcast %arg0 : i32 to vector<16xi32>
    %add3A_1403 = arith.addi %mul3A_1401, %add3A_1402 : vector<16xi32>
    %swap3A_1404 = arith.constant 0 : i32
    %swap3A_1405 = arith.index_cast %swap3A_1404 : i32 to index
    %swap3A_1406 = arith.constant 16 : index
    %swap3A_1407 = tpu.vector_load %arg8[%swap3A_1405, %swap3A_1406] {strides = array<i32>} : memref<4x80xi32, #tpu.memory_space<vmem>>, vector<1x16xi32>,
    %swap3A_1408 = vector.shape_cast %swap3A_1407 : vector<1x16xi32> to vector<16xi32>
    %swap3A_1409 = vector.shape_cast %add3A_1403 : vector<16xi32> to vector<1x16xi32>
    tpu.vector_store %arg8[%swap3A_1405, %swap3A_1406], %swap3A_1409 {strides = array<i32>} : memref<4x80xi32, #tpu.memory_space<vmem>>, vector<1x16xi32>,
    %get3A_1410 = arith.constant 19856 : index
    %get3A_1411 = tpu.vector_load %arg7[%get3A_1410] {strides = array<i32>} : memref<20000xi32, #tpu.memory_space<vmem>>, vector<16xi32>,
    %get3A_1412 = vector.shape_cast %get3A_1411 : vector<16xi32> to vector<16xi32>
    %swap3A_1413 = arith.constant 0 : i32
    %swap3A_1414 = arith.index_cast %swap3A_1413 : i32 to index
    %swap3A_1415 = arith.constant 16 : index
    %swap3A_1416 = tpu.vector_load %arg9[%swap3A_1414, %swap3A_1415] {strides = array<i32>} : memref<4x80xi32, #tpu.memory_space<vmem>>, vector<1x16xi32>,
    %swap3A_1417 = vector.shape_cast %swap3A_1416 : vector<1x16xi32> to vector<16xi32>
    %swap3A_1418 = vector.shape_cast %get3A_1412 : vector<16xi32> to vector<1x16xi32>
    tpu.vector_store %arg9[%swap3A_1414, %swap3A_1415], %swap3A_1418 {strides = array<i32>} : memref<4x80xi32, #tpu.memory_space<vmem>>, vector<1x16xi32>,
    %get3A_1419 = arith.constant 19872 : index
    %get3A_1420 = tpu.vector_load %arg6[%get3A_1419] {strides = array<i32>} : memref<20000xi32, #tpu.memory_space<vmem>>, vector<16xi32>,
    %get3A_1421 = vector.shape_cast %get3A_1420 : vector<16xi32> to vector<16xi32>
    %mul3A_1422 = arith.constant 2 : i32
    %mul3A_1423 = vector.broadcast %mul3A_1422 : i32 to vector<16xi32>
    %mul3A_1424 = arith.muli %get3A_1421, %mul3A_1423 : vector<16xi32>
    %add3A_1425 = vector.broadcast %arg0 : i32 to vector<16xi32>
    %add3A_1426 = arith.addi %mul3A_1424, %add3A_1425 : vector<16xi32>
    %swap3A_1427 = arith.constant 0 : i32
    %swap3A_1428 = arith.index_cast %swap3A_1427 : i32 to index
    %swap3A_1429 = arith.constant 32 : index
    %swap3A_1430 = tpu.vector_load %arg8[%swap3A_1428, %swap3A_1429] {strides = array<i32>} : memref<4x80xi32, #tpu.memory_space<vmem>>, vector<1x16xi32>,
    %swap3A_1431 = vector.shape_cast %swap3A_1430 : vector<1x16xi32> to vector<16xi32>
    %swap3A_1432 = vector.shape_cast %add3A_1426 : vector<16xi32> to vector<1x16xi32>
    tpu.vector_store %arg8[%swap3A_1428, %swap3A_1429], %swap3A_1432 {strides = array<i32>} : memref<4x80xi32, #tpu.memory_space<vmem>>, vector<1x16xi32>,
    %get3A_1433 = arith.constant 19872 : index
    %get3A_1434 = tpu.vector_load %arg7[%get3A_1433] {strides = array<i32>} : memref<20000xi32, #tpu.memory_space<vmem>>, vector<16xi32>,
    %get3A_1435 = vector.shape_cast %get3A_1434 : vector<16xi32> to vector<16xi32>
    %swap3A_1436 = arith.constant 0 : i32
    %swap3A_1437 = arith.index_cast %swap3A_1436 : i32 to index
    %swap3A_1438 = arith.constant 32 : index
    %swap3A_1439 = tpu.vector_load %arg9[%swap3A_1437, %swap3A_1438] {strides = array<i32>} : memref<4x80xi32, #tpu.memory_space<vmem>>, vector<1x16xi32>,
    %swap3A_1440 = vector.shape_cast %swap3A_1439 : vector<1x16xi32> to vector<16xi32>
    %swap3A_1441 = vector.shape_cast %get3A_1435 : vector<16xi32> to vector<1x16xi32>
    tpu.vector_store %arg9[%swap3A_1437, %swap3A_1438], %swap3A_1441 {strides = array<i32>} : memref<4x80xi32, #tpu.memory_space<vmem>>, vector<1x16xi32>,
    %get3A_1442 = arith.constant 19888 : index
    %get3A_1443 = tpu.vector_load %arg6[%get3A_1442] {strides = array<i32>} : memref<20000xi32, #tpu.memory_space<vmem>>, vector<16xi32>,
    %get3A_1444 = vector.shape_cast %get3A_1443 : vector<16xi32> to vector<16xi32>
    %mul3A_1445 = arith.constant 2 : i32
    %mul3A_1446 = vector.broadcast %mul3A_1445 : i32 to vector<16xi32>
    %mul3A_1447 = arith.muli %get3A_1444, %mul3A_1446 : vector<16xi32>
    %add3A_1448 = vector.broadcast %arg0 : i32 to vector<16xi32>
    %add3A_1449 = arith.addi %mul3A_1447, %add3A_1448 : vector<16xi32>
    %swap3A_1450 = arith.constant 0 : i32
    %swap3A_1451 = arith.index_cast %swap3A_1450 : i32 to index
    %swap3A_1452 = arith.constant 48 : index
    %swap3A_1453 = tpu.vector_load %arg8[%swap3A_1451, %swap3A_1452] {strides = array<i32>} : memref<4x80xi32, #tpu.memory_space<vmem>>, vector<1x16xi32>,
    %swap3A_1454 = vector.shape_cast %swap3A_1453 : vector<1x16xi32> to vector<16xi32>
    %swap3A_1455 = vector.shape_cast %add3A_1449 : vector<16xi32> to vector<1x16xi32>
    tpu.vector_store %arg8[%swap3A_1451, %swap3A_1452], %swap3A_1455 {strides = array<i32>} : memref<4x80xi32, #tpu.memory_space<vmem>>, vector<1x16xi32>,
    %get3A_1456 = arith.constant 19888 : index
    %get3A_1457 = tpu.vector_load %arg7[%get3A_1456] {strides = array<i32>} : memref<20000xi32, #tpu.memory_space<vmem>>, vector<16xi32>,
    %get3A_1458 = vector.shape_cast %get3A_1457 : vector<16xi32> to vector<16xi32>
    %swap3A_1459 = arith.constant 0 : i32
    %swap3A_1460 = arith.index_cast %swap3A_1459 : i32 to index
    %swap3A_1461 = arith.constant 48 : index
    %swap3A_1462 = tpu.vector_load %arg9[%swap3A_1460, %swap3A_1461] {strides = array<i32>} : memref<4x80xi32, #tpu.memory_space<vmem>>, vector<1x16xi32>,
    %swap3A_1463 = vector.shape_cast %swap3A_1462 : vector<1x16xi32> to vector<16xi32>
    %swap3A_1464 = vector.shape_cast %get3A_1458 : vector<16xi32> to vector<1x16xi32>
    tpu.vector_store %arg9[%swap3A_1460, %swap3A_1461], %swap3A_1464 {strides = array<i32>} : memref<4x80xi32, #tpu.memory_space<vmem>>, vector<1x16xi32>,
    %get3A_1465 = arith.constant 19904 : index
    %get3A_1466 = tpu.vector_load %arg6[%get3A_1465] {strides = array<i32>} : memref<20000xi32, #tpu.memory_space<vmem>>, vector<16xi32>,
    %get3A_1467 = vector.shape_cast %get3A_1466 : vector<16xi32> to vector<16xi32>
    %mul3A_1468 = arith.constant 2 : i32
    %mul3A_1469 = vector.broadcast %mul3A_1468 : i32 to vector<16xi32>
    %mul3A_1470 = arith.muli %get3A_1467, %mul3A_1469 : vector<16xi32>
    %add3A_1471 = vector.broadcast %arg0 : i32 to vector<16xi32>
    %add3A_1472 = arith.addi %mul3A_1470, %add3A_1471 : vector<16xi32>
    %swap3A_1473 = arith.constant 0 : i32
    %swap3A_1474 = arith.index_cast %swap3A_1473 : i32 to index
    %swap3A_1475 = arith.constant 64 : index
    %swap3A_1476 = tpu.vector_load %arg8[%swap3A_1474, %swap3A_1475] {strides = array<i32>} : memref<4x80xi32, #tpu.memory_space<vmem>>, vector<1x16xi32>,
    %swap3A_1477 = vector.shape_cast %swap3A_1476 : vector<1x16xi32> to vector<16xi32>
    %swap3A_1478 = vector.shape_cast %add3A_1472 : vector<16xi32> to vector<1x16xi32>
    tpu.vector_store %arg8[%swap3A_1474, %swap3A_1475], %swap3A_1478 {strides = array<i32>} : memref<4x80xi32, #tpu.memory_space<vmem>>, vector<1x16xi32>,
    %get3A_1479 = arith.constant 19904 : index
    %get3A_1480 = tpu.vector_load %arg7[%get3A_1479] {strides = array<i32>} : memref<20000xi32, #tpu.memory_space<vmem>>, vector<16xi32>,
    %get3A_1481 = vector.shape_cast %get3A_1480 : vector<16xi32> to vector<16xi32>
    %swap3A_1482 = arith.constant 0 : i32
    %swap3A_1483 = arith.index_cast %swap3A_1482 : i32 to index
    %swap3A_1484 = arith.constant 64 : index
    %swap3A_1485 = tpu.vector_load %arg9[%swap3A_1483, %swap3A_1484] {strides = array<i32>} : memref<4x80xi32, #tpu.memory_space<vmem>>, vector<1x16xi32>,
    %swap3A_1486 = vector.shape_cast %swap3A_1485 : vector<1x16xi32> to vector<16xi32>
    %swap3A_1487 = vector.shape_cast %get3A_1481 : vector<16xi32> to vector<1x16xi32>
    tpu.vector_store %arg9[%swap3A_1483, %swap3A_1484], %swap3A_1487 {strides = array<i32>} : memref<4x80xi32, #tpu.memory_space<vmem>>, vector<1x16xi32>,
    %dma_start3A_1488 = arith.constant 0 : i32
    %dma_start3A_1489 = arith.constant 0 : i32
    %dma_start3A_1490 = arith.constant 0 : i32
    %dma_start3A_1491 = arith.constant 0 : i32
    %dma_start3A_1492 = arith.constant 0 : i32
    %dma_start3A_1493 = tpu.memref_slice %arg10[%dma_start3A_1489, %dma_start3A_1491, %dma_start3A_1492] : memref<4x80x64xf32, #tpu.memory_space<vmem>> -> memref<1x80x64xf32, #tpu.memory_space<vmem>>
    %dma_start3A_1494 = tpu.memref_squeeze %dma_start3A_1493 : memref<1x80x64xf32, #tpu.memory_space<vmem>> -> memref<80x64xf32, #tpu.memory_space<vmem>>
    %dma_start3A_1495 = arith.constant 0 : i32
    %dma_start3A_1496 = tpu.memref_slice %arg8[%dma_start3A_1488, %dma_start3A_1495] : memref<4x80xi32, #tpu.memory_space<vmem>> -> memref<1x80xi32, #tpu.memory_space<vmem>>
    %dma_start3A_1497 = tpu.memref_squeeze %dma_start3A_1496 : memref<1x80xi32, #tpu.memory_space<vmem>> -> memref<80xi32, #tpu.memory_space<vmem>>
    %dma_start3A_1498 = arith.constant 0 : i32
    %dma_start3A_1499 = arith.constant 0 : i32
    %dma_start3A_1500 = tpu.memref_slice %arg2[%dma_start3A_1498, %dma_start3A_1499] : memref<20000x64xf32, #tpu.memory_space<hbm>> -> memref<20000x64xf32, #tpu.memory_space<hbm>>
    %dma_start3A_1501 = tpu.memref_slice %arg12[%dma_start3A_1490] : memref<4x!tpu.dma_semaphore, #tpu.memory_space<semaphore_mem>> -> memref<1x!tpu.dma_semaphore, #tpu.memory_space<semaphore_mem>>
    %dma_start3A_1502 = tpu.memref_squeeze %dma_start3A_1501 : memref<1x!tpu.dma_semaphore, #tpu.memory_space<semaphore_mem>> -> memref<!tpu.dma_semaphore, #tpu.memory_space<semaphore_mem>>
    tpu.enqueue_indirect_dma source(%dma_start3A_1500 : memref<20000x64xf32, #tpu.memory_space<hbm>>) target(%dma_start3A_1494 : memref<80x64xf32, #tpu.memory_space<vmem>>) offsets(%dma_start3A_1497 : memref<80xi32, #tpu.memory_space<vmem>>) semaphore(%dma_start3A_1502 : memref<!tpu.dma_semaphore, #tpu.memory_space<semaphore_mem>>)
    %dma_wait3A_1503 = arith.constant 3 : i32
    %dma_wait3A_1504 = arith.constant 3 : i32
    %dma_wait3A_1505 = arith.constant 3 : i32
    %dma_wait3A_1506 = arith.constant 0 : i32
    %dma_wait3A_1507 = arith.constant 0 : i32
    %dma_wait3A_1508 = tpu.memref_slice %arg10[%dma_wait3A_1504, %dma_wait3A_1506, %dma_wait3A_1507] : memref<4x80x64xf32, #tpu.memory_space<vmem>> -> memref<1x80x64xf32, #tpu.memory_space<vmem>>
    %dma_wait3A_1509 = tpu.memref_squeeze %dma_wait3A_1508 : memref<1x80x64xf32, #tpu.memory_space<vmem>> -> memref<80x64xf32, #tpu.memory_space<vmem>>
    %dma_wait3A_1510 = arith.constant 0 : i32
    %dma_wait3A_1511 = tpu.memref_slice %arg8[%dma_wait3A_1503, %dma_wait3A_1510] : memref<4x80xi32, #tpu.memory_space<vmem>> -> memref<1x80xi32, #tpu.memory_space<vmem>>
    %dma_wait3A_1512 = tpu.memref_squeeze %dma_wait3A_1511 : memref<1x80xi32, #tpu.memory_space<vmem>> -> memref<80xi32, #tpu.memory_space<vmem>>
    %dma_wait3A_1513 = arith.constant 0 : i32
    %dma_wait3A_1514 = arith.constant 0 : i32
    %dma_wait3A_1515 = tpu.memref_slice %arg2[%dma_wait3A_1513, %dma_wait3A_1514] : memref<20000x64xf32, #tpu.memory_space<hbm>> -> memref<20000x64xf32, #tpu.memory_space<hbm>>
    %dma_wait3A_1516 = tpu.memref_slice %arg12[%dma_wait3A_1505] : memref<4x!tpu.dma_semaphore, #tpu.memory_space<semaphore_mem>> -> memref<1x!tpu.dma_semaphore, #tpu.memory_space<semaphore_mem>>
    %dma_wait3A_1517 = tpu.memref_squeeze %dma_wait3A_1516 : memref<1x!tpu.dma_semaphore, #tpu.memory_space<semaphore_mem>> -> memref<!tpu.dma_semaphore, #tpu.memory_space<semaphore_mem>>
    tpu.wait_indirect_dma semaphore(%dma_wait3A_1517 : memref<!tpu.dma_semaphore, #tpu.memory_space<semaphore_mem>>) src(%dma_wait3A_1515 : memref<20000x64xf32, #tpu.memory_space<hbm>>) dst(%dma_wait3A_1509 : memref<80x64xf32, #tpu.memory_space<vmem>>)
    %dma_start3A_1518 = arith.constant 3 : i32
    %dma_start3A_1519 = arith.constant 3 : i32
    %dma_start3A_1520 = arith.constant 3 : i32
    %dma_start3A_1521 = arith.constant 0 : i32
    %dma_start3A_1522 = arith.constant 0 : i32
    %dma_start3A_1523 = tpu.memref_slice %arg10[%dma_start3A_1518, %dma_start3A_1521, %dma_start3A_1522] : memref<4x80x64xf32, #tpu.memory_space<vmem>> -> memref<1x80x64xf32, #tpu.memory_space<vmem>>
    %dma_start3A_1524 = tpu.memref_squeeze %dma_start3A_1523 : memref<1x80x64xf32, #tpu.memory_space<vmem>> -> memref<80x64xf32, #tpu.memory_space<vmem>>
    %dma_start3A_1525 = arith.constant 0 : i32
    %dma_start3A_1526 = tpu.memref_slice %arg9[%dma_start3A_1519, %dma_start3A_1525] : memref<4x80xi32, #tpu.memory_space<vmem>> -> memref<1x80xi32, #tpu.memory_space<vmem>>
    %dma_start3A_1527 = tpu.memref_squeeze %dma_start3A_1526 : memref<1x80xi32, #tpu.memory_space<vmem>> -> memref<80xi32, #tpu.memory_space<vmem>>
    %dma_start3A_1528 = arith.constant 0 : i32
    %dma_start3A_1529 = arith.constant 0 : i32
    %dma_start3A_1530 = tpu.memref_slice %arg11[%dma_start3A_1528, %dma_start3A_1529] : memref<10240x64xf32, #tpu.memory_space<vmem_shared>> -> memref<10240x64xf32, #tpu.memory_space<vmem_shared>>
    %dma_start3A_1531 = tpu.memref_slice %arg13[%dma_start3A_1520] : memref<4x!tpu.dma_semaphore, #tpu.memory_space<semaphore_mem>> -> memref<1x!tpu.dma_semaphore, #tpu.memory_space<semaphore_mem>>
    %dma_start3A_1532 = tpu.memref_squeeze %dma_start3A_1531 : memref<1x!tpu.dma_semaphore, #tpu.memory_space<semaphore_mem>> -> memref<!tpu.dma_semaphore, #tpu.memory_space<semaphore_mem>>
    tpu.enqueue_indirect_dma source(%dma_start3A_1524 : memref<80x64xf32, #tpu.memory_space<vmem>>) target(%dma_start3A_1530 : memref<10240x64xf32, #tpu.memory_space<vmem_shared>>) offsets(%dma_start3A_1527 : memref<80xi32, #tpu.memory_space<vmem>>) semaphore(%dma_start3A_1532 : memref<!tpu.dma_semaphore, #tpu.memory_space<semaphore_mem>>) {add = true}
    %dma_wait3A_1533 = arith.constant 1 : i32
    %dma_wait3A_1534 = arith.constant 1 : i32
    %dma_wait3A_1535 = arith.constant 1 : i32
    %dma_wait3A_1536 = arith.constant 0 : i32
    %dma_wait3A_1537 = arith.constant 0 : i32
    %dma_wait3A_1538 = tpu.memref_slice %arg10[%dma_wait3A_1533, %dma_wait3A_1536, %dma_wait3A_1537] : memref<4x80x64xf32, #tpu.memory_space<vmem>> -> memref<1x80x64xf32, #tpu.memory_space<vmem>>
    %dma_wait3A_1539 = tpu.memref_squeeze %dma_wait3A_1538 : memref<1x80x64xf32, #tpu.memory_space<vmem>> -> memref<80x64xf32, #tpu.memory_space<vmem>>
    %dma_wait3A_1540 = arith.constant 0 : i32
    %dma_wait3A_1541 = tpu.memref_slice %arg9[%dma_wait3A_1534, %dma_wait3A_1540] : memref<4x80xi32, #tpu.memory_space<vmem>> -> memref<1x80xi32, #tpu.memory_space<vmem>>
    %dma_wait3A_1542 = tpu.memref_squeeze %dma_wait3A_1541 : memref<1x80xi32, #tpu.memory_space<vmem>> -> memref<80xi32, #tpu.memory_space<vmem>>
    %dma_wait3A_1543 = arith.constant 0 : i32
    %dma_wait3A_1544 = arith.constant 0 : i32
    %dma_wait3A_1545 = tpu.memref_slice %arg11[%dma_wait3A_1543, %dma_wait3A_1544] : memref<10240x64xf32, #tpu.memory_space<vmem_shared>> -> memref<10240x64xf32, #tpu.memory_space<vmem_shared>>
    %dma_wait3A_1546 = tpu.memref_slice %arg13[%dma_wait3A_1535] : memref<4x!tpu.dma_semaphore, #tpu.memory_space<semaphore_mem>> -> memref<1x!tpu.dma_semaphore, #tpu.memory_space<semaphore_mem>>
    %dma_wait3A_1547 = tpu.memref_squeeze %dma_wait3A_1546 : memref<1x!tpu.dma_semaphore, #tpu.memory_space<semaphore_mem>> -> memref<!tpu.dma_semaphore, #tpu.memory_space<semaphore_mem>>
    tpu.wait_indirect_dma semaphore(%dma_wait3A_1547 : memref<!tpu.dma_semaphore, #tpu.memory_space<semaphore_mem>>) src(%dma_wait3A_1539 : memref<80x64xf32, #tpu.memory_space<vmem>>) dst(%dma_wait3A_1545 : memref<10240x64xf32, #tpu.memory_space<vmem_shared>>)
    %get3A_1548 = arith.constant 19920 : index
    %get3A_1549 = tpu.vector_load %arg6[%get3A_1548] {strides = array<i32>} : memref<20000xi32, #tpu.memory_space<vmem>>, vector<16xi32>,
    %get3A_1550 = vector.shape_cast %get3A_1549 : vector<16xi32> to vector<16xi32>
    %mul3A_1551 = arith.constant 2 : i32
    %mul3A_1552 = vector.broadcast %mul3A_1551 : i32 to vector<16xi32>
    %mul3A_1553 = arith.muli %get3A_1550, %mul3A_1552 : vector<16xi32>
    %add3A_1554 = vector.broadcast %arg0 : i32 to vector<16xi32>
    %add3A_1555 = arith.addi %mul3A_1553, %add3A_1554 : vector<16xi32>
    %swap3A_1556 = arith.constant 1 : i32
    %swap3A_1557 = arith.index_cast %swap3A_1556 : i32 to index
    %swap3A_1558 = arith.constant 0 : index
    %swap3A_1559 = tpu.vector_load %arg8[%swap3A_1557, %swap3A_1558] {strides = array<i32>} : memref<4x80xi32, #tpu.memory_space<vmem>>, vector<1x16xi32>,
    %swap3A_1560 = vector.shape_cast %swap3A_1559 : vector<1x16xi32> to vector<16xi32>
    %swap3A_1561 = vector.shape_cast %add3A_1555 : vector<16xi32> to vector<1x16xi32>
    tpu.vector_store %arg8[%swap3A_1557, %swap3A_1558], %swap3A_1561 {strides = array<i32>} : memref<4x80xi32, #tpu.memory_space<vmem>>, vector<1x16xi32>,
    %get3A_1562 = arith.constant 19920 : index
    %get3A_1563 = tpu.vector_load %arg7[%get3A_1562] {strides = array<i32>} : memref<20000xi32, #tpu.memory_space<vmem>>, vector<16xi32>,
    %get3A_1564 = vector.shape_cast %get3A_1563 : vector<16xi32> to vector<16xi32>
    %swap3A_1565 = arith.constant 1 : i32
    %swap3A_1566 = arith.index_cast %swap3A_1565 : i32 to index
    %swap3A_1567 = arith.constant 0 : index
    %swap3A_1568 = tpu.vector_load %arg9[%swap3A_1566, %swap3A_1567] {strides = array<i32>} : memref<4x80xi32, #tpu.memory_space<vmem>>, vector<1x16xi32>,
    %swap3A_1569 = vector.shape_cast %swap3A_1568 : vector<1x16xi32> to vector<16xi32>
    %swap3A_1570 = vector.shape_cast %get3A_1564 : vector<16xi32> to vector<1x16xi32>
    tpu.vector_store %arg9[%swap3A_1566, %swap3A_1567], %swap3A_1570 {strides = array<i32>} : memref<4x80xi32, #tpu.memory_space<vmem>>, vector<1x16xi32>,
    %get3A_1571 = arith.constant 19936 : index
    %get3A_1572 = tpu.vector_load %arg6[%get3A_1571] {strides = array<i32>} : memref<20000xi32, #tpu.memory_space<vmem>>, vector<16xi32>,
    %get3A_1573 = vector.shape_cast %get3A_1572 : vector<16xi32> to vector<16xi32>
    %mul3A_1574 = arith.constant 2 : i32
    %mul3A_1575 = vector.broadcast %mul3A_1574 : i32 to vector<16xi32>
    %mul3A_1576 = arith.muli %get3A_1573, %mul3A_1575 : vector<16xi32>
    %add3A_1577 = vector.broadcast %arg0 : i32 to vector<16xi32>
    %add3A_1578 = arith.addi %mul3A_1576, %add3A_1577 : vector<16xi32>
    %swap3A_1579 = arith.constant 1 : i32
    %swap3A_1580 = arith.index_cast %swap3A_1579 : i32 to index
    %swap3A_1581 = arith.constant 16 : index
    %swap3A_1582 = tpu.vector_load %arg8[%swap3A_1580, %swap3A_1581] {strides = array<i32>} : memref<4x80xi32, #tpu.memory_space<vmem>>, vector<1x16xi32>,
    %swap3A_1583 = vector.shape_cast %swap3A_1582 : vector<1x16xi32> to vector<16xi32>
    %swap3A_1584 = vector.shape_cast %add3A_1578 : vector<16xi32> to vector<1x16xi32>
    tpu.vector_store %arg8[%swap3A_1580, %swap3A_1581], %swap3A_1584 {strides = array<i32>} : memref<4x80xi32, #tpu.memory_space<vmem>>, vector<1x16xi32>,
    %get3A_1585 = arith.constant 19936 : index
    %get3A_1586 = tpu.vector_load %arg7[%get3A_1585] {strides = array<i32>} : memref<20000xi32, #tpu.memory_space<vmem>>, vector<16xi32>,
    %get3A_1587 = vector.shape_cast %get3A_1586 : vector<16xi32> to vector<16xi32>
    %swap3A_1588 = arith.constant 1 : i32
    %swap3A_1589 = arith.index_cast %swap3A_1588 : i32 to index
    %swap3A_1590 = arith.constant 16 : index
    %swap3A_1591 = tpu.vector_load %arg9[%swap3A_1589, %swap3A_1590] {strides = array<i32>} : memref<4x80xi32, #tpu.memory_space<vmem>>, vector<1x16xi32>,
    %swap3A_1592 = vector.shape_cast %swap3A_1591 : vector<1x16xi32> to vector<16xi32>
    %swap3A_1593 = vector.shape_cast %get3A_1587 : vector<16xi32> to vector<1x16xi32>
    tpu.vector_store %arg9[%swap3A_1589, %swap3A_1590], %swap3A_1593 {strides = array<i32>} : memref<4x80xi32, #tpu.memory_space<vmem>>, vector<1x16xi32>,
    %get3A_1594 = arith.constant 19952 : index
    %get3A_1595 = tpu.vector_load %arg6[%get3A_1594] {strides = array<i32>} : memref<20000xi32, #tpu.memory_space<vmem>>, vector<16xi32>,
    %get3A_1596 = vector.shape_cast %get3A_1595 : vector<16xi32> to vector<16xi32>
    %mul3A_1597 = arith.constant 2 : i32
    %mul3A_1598 = vector.broadcast %mul3A_1597 : i32 to vector<16xi32>
    %mul3A_1599 = arith.muli %get3A_1596, %mul3A_1598 : vector<16xi32>
    %add3A_1600 = vector.broadcast %arg0 : i32 to vector<16xi32>
    %add3A_1601 = arith.addi %mul3A_1599, %add3A_1600 : vector<16xi32>
    %swap3A_1602 = arith.constant 1 : i32
    %swap3A_1603 = arith.index_cast %swap3A_1602 : i32 to index
    %swap3A_1604 = arith.constant 32 : index
    %swap3A_1605 = tpu.vector_load %arg8[%swap3A_1603, %swap3A_1604] {strides = array<i32>} : memref<4x80xi32, #tpu.memory_space<vmem>>, vector<1x16xi32>,
    %swap3A_1606 = vector.shape_cast %swap3A_1605 : vector<1x16xi32> to vector<16xi32>
    %swap3A_1607 = vector.shape_cast %add3A_1601 : vector<16xi32> to vector<1x16xi32>
    tpu.vector_store %arg8[%swap3A_1603, %swap3A_1604], %swap3A_1607 {strides = array<i32>} : memref<4x80xi32, #tpu.memory_space<vmem>>, vector<1x16xi32>,
    %get3A_1608 = arith.constant 19952 : index
    %get3A_1609 = tpu.vector_load %arg7[%get3A_1608] {strides = array<i32>} : memref<20000xi32, #tpu.memory_space<vmem>>, vector<16xi32>,
    %get3A_1610 = vector.shape_cast %get3A_1609 : vector<16xi32> to vector<16xi32>
    %swap3A_1611 = arith.constant 1 : i32
    %swap3A_1612 = arith.index_cast %swap3A_1611 : i32 to index
    %swap3A_1613 = arith.constant 32 : index
    %swap3A_1614 = tpu.vector_load %arg9[%swap3A_1612, %swap3A_1613] {strides = array<i32>} : memref<4x80xi32, #tpu.memory_space<vmem>>, vector<1x16xi32>,
    %swap3A_1615 = vector.shape_cast %swap3A_1614 : vector<1x16xi32> to vector<16xi32>
    %swap3A_1616 = vector.shape_cast %get3A_1610 : vector<16xi32> to vector<1x16xi32>
    tpu.vector_store %arg9[%swap3A_1612, %swap3A_1613], %swap3A_1616 {strides = array<i32>} : memref<4x80xi32, #tpu.memory_space<vmem>>, vector<1x16xi32>,
    %get3A_1617 = arith.constant 19968 : index
    %get3A_1618 = tpu.vector_load %arg6[%get3A_1617] {strides = array<i32>} : memref<20000xi32, #tpu.memory_space<vmem>>, vector<16xi32>,
    %get3A_1619 = vector.shape_cast %get3A_1618 : vector<16xi32> to vector<16xi32>
    %mul3A_1620 = arith.constant 2 : i32
    %mul3A_1621 = vector.broadcast %mul3A_1620 : i32 to vector<16xi32>
    %mul3A_1622 = arith.muli %get3A_1619, %mul3A_1621 : vector<16xi32>
    %add3A_1623 = vector.broadcast %arg0 : i32 to vector<16xi32>
    %add3A_1624 = arith.addi %mul3A_1622, %add3A_1623 : vector<16xi32>
    %swap3A_1625 = arith.constant 1 : i32
    %swap3A_1626 = arith.index_cast %swap3A_1625 : i32 to index
    %swap3A_1627 = arith.constant 48 : index
    %swap3A_1628 = tpu.vector_load %arg8[%swap3A_1626, %swap3A_1627] {strides = array<i32>} : memref<4x80xi32, #tpu.memory_space<vmem>>, vector<1x16xi32>,
    %swap3A_1629 = vector.shape_cast %swap3A_1628 : vector<1x16xi32> to vector<16xi32>
    %swap3A_1630 = vector.shape_cast %add3A_1624 : vector<16xi32> to vector<1x16xi32>
    tpu.vector_store %arg8[%swap3A_1626, %swap3A_1627], %swap3A_1630 {strides = array<i32>} : memref<4x80xi32, #tpu.memory_space<vmem>>, vector<1x16xi32>,
    %get3A_1631 = arith.constant 19968 : index
    %get3A_1632 = tpu.vector_load %arg7[%get3A_1631] {strides = array<i32>} : memref<20000xi32, #tpu.memory_space<vmem>>, vector<16xi32>,
    %get3A_1633 = vector.shape_cast %get3A_1632 : vector<16xi32> to vector<16xi32>
    %swap3A_1634 = arith.constant 1 : i32
    %swap3A_1635 = arith.index_cast %swap3A_1634 : i32 to index
    %swap3A_1636 = arith.constant 48 : index
    %swap3A_1637 = tpu.vector_load %arg9[%swap3A_1635, %swap3A_1636] {strides = array<i32>} : memref<4x80xi32, #tpu.memory_space<vmem>>, vector<1x16xi32>,
    %swap3A_1638 = vector.shape_cast %swap3A_1637 : vector<1x16xi32> to vector<16xi32>
    %swap3A_1639 = vector.shape_cast %get3A_1633 : vector<16xi32> to vector<1x16xi32>
    tpu.vector_store %arg9[%swap3A_1635, %swap3A_1636], %swap3A_1639 {strides = array<i32>} : memref<4x80xi32, #tpu.memory_space<vmem>>, vector<1x16xi32>,
    %get3A_1640 = arith.constant 19984 : index
    %get3A_1641 = tpu.vector_load %arg6[%get3A_1640] {strides = array<i32>} : memref<20000xi32, #tpu.memory_space<vmem>>, vector<16xi32>,
    %get3A_1642 = vector.shape_cast %get3A_1641 : vector<16xi32> to vector<16xi32>
    %mul3A_1643 = arith.constant 2 : i32
    %mul3A_1644 = vector.broadcast %mul3A_1643 : i32 to vector<16xi32>
    %mul3A_1645 = arith.muli %get3A_1642, %mul3A_1644 : vector<16xi32>
    %add3A_1646 = vector.broadcast %arg0 : i32 to vector<16xi32>
    %add3A_1647 = arith.addi %mul3A_1645, %add3A_1646 : vector<16xi32>
    %swap3A_1648 = arith.constant 1 : i32
    %swap3A_1649 = arith.index_cast %swap3A_1648 : i32 to index
    %swap3A_1650 = arith.constant 64 : index
    %swap3A_1651 = tpu.vector_load %arg8[%swap3A_1649, %swap3A_1650] {strides = array<i32>} : memref<4x80xi32, #tpu.memory_space<vmem>>, vector<1x16xi32>,
    %swap3A_1652 = vector.shape_cast %swap3A_1651 : vector<1x16xi32> to vector<16xi32>
    %swap3A_1653 = vector.shape_cast %add3A_1647 : vector<16xi32> to vector<1x16xi32>
    tpu.vector_store %arg8[%swap3A_1649, %swap3A_1650], %swap3A_1653 {strides = array<i32>} : memref<4x80xi32, #tpu.memory_space<vmem>>, vector<1x16xi32>,
    %get3A_1654 = arith.constant 19984 : index
    %get3A_1655 = tpu.vector_load %arg7[%get3A_1654] {strides = array<i32>} : memref<20000xi32, #tpu.memory_space<vmem>>, vector<16xi32>,
    %get3A_1656 = vector.shape_cast %get3A_1655 : vector<16xi32> to vector<16xi32>
    %swap3A_1657 = arith.constant 1 : i32
    %swap3A_1658 = arith.index_cast %swap3A_1657 : i32 to index
    %swap3A_1659 = arith.constant 64 : index
    %swap3A_1660 = tpu.vector_load %arg9[%swap3A_1658, %swap3A_1659] {strides = array<i32>} : memref<4x80xi32, #tpu.memory_space<vmem>>, vector<1x16xi32>,
    %swap3A_1661 = vector.shape_cast %swap3A_1660 : vector<1x16xi32> to vector<16xi32>
    %swap3A_1662 = vector.shape_cast %get3A_1656 : vector<16xi32> to vector<1x16xi32>
    tpu.vector_store %arg9[%swap3A_1658, %swap3A_1659], %swap3A_1662 {strides = array<i32>} : memref<4x80xi32, #tpu.memory_space<vmem>>, vector<1x16xi32>,
    %dma_start3A_1663 = arith.constant 1 : i32
    %dma_start3A_1664 = arith.constant 1 : i32
    %dma_start3A_1665 = arith.constant 1 : i32
    %dma_start3A_1666 = arith.constant 0 : i32
    %dma_start3A_1667 = arith.constant 0 : i32
    %dma_start3A_1668 = tpu.memref_slice %arg10[%dma_start3A_1664, %dma_start3A_1666, %dma_start3A_1667] : memref<4x80x64xf32, #tpu.memory_space<vmem>> -> memref<1x80x64xf32, #tpu.memory_space<vmem>>
    %dma_start3A_1669 = tpu.memref_squeeze %dma_start3A_1668 : memref<1x80x64xf32, #tpu.memory_space<vmem>> -> memref<80x64xf32, #tpu.memory_space<vmem>>
    %dma_start3A_1670 = arith.constant 0 : i32
    %dma_start3A_1671 = tpu.memref_slice %arg8[%dma_start3A_1663, %dma_start3A_1670] : memref<4x80xi32, #tpu.memory_space<vmem>> -> memref<1x80xi32, #tpu.memory_space<vmem>>
    %dma_start3A_1672 = tpu.memref_squeeze %dma_start3A_1671 : memref<1x80xi32, #tpu.memory_space<vmem>> -> memref<80xi32, #tpu.memory_space<vmem>>
    %dma_start3A_1673 = arith.constant 0 : i32
    %dma_start3A_1674 = arith.constant 0 : i32
    %dma_start3A_1675 = tpu.memref_slice %arg2[%dma_start3A_1673, %dma_start3A_1674] : memref<20000x64xf32, #tpu.memory_space<hbm>> -> memref<20000x64xf32, #tpu.memory_space<hbm>>
    %dma_start3A_1676 = tpu.memref_slice %arg12[%dma_start3A_1665] : memref<4x!tpu.dma_semaphore, #tpu.memory_space<semaphore_mem>> -> memref<1x!tpu.dma_semaphore, #tpu.memory_space<semaphore_mem>>
    %dma_start3A_1677 = tpu.memref_squeeze %dma_start3A_1676 : memref<1x!tpu.dma_semaphore, #tpu.memory_space<semaphore_mem>> -> memref<!tpu.dma_semaphore, #tpu.memory_space<semaphore_mem>>
    tpu.enqueue_indirect_dma source(%dma_start3A_1675 : memref<20000x64xf32, #tpu.memory_space<hbm>>) target(%dma_start3A_1669 : memref<80x64xf32, #tpu.memory_space<vmem>>) offsets(%dma_start3A_1672 : memref<80xi32, #tpu.memory_space<vmem>>) semaphore(%dma_start3A_1677 : memref<!tpu.dma_semaphore, #tpu.memory_space<semaphore_mem>>)
    %dma_wait3A_1678 = arith.constant 0 : i32
    %dma_wait3A_1679 = arith.constant 0 : i32
    %dma_wait3A_1680 = arith.constant 0 : i32
    %dma_wait3A_1681 = arith.constant 0 : i32
    %dma_wait3A_1682 = arith.constant 0 : i32
    %dma_wait3A_1683 = tpu.memref_slice %arg10[%dma_wait3A_1679, %dma_wait3A_1681, %dma_wait3A_1682] : memref<4x80x64xf32, #tpu.memory_space<vmem>> -> memref<1x80x64xf32, #tpu.memory_space<vmem>>
    %dma_wait3A_1684 = tpu.memref_squeeze %dma_wait3A_1683 : memref<1x80x64xf32, #tpu.memory_space<vmem>> -> memref<80x64xf32, #tpu.memory_space<vmem>>
    %dma_wait3A_1685 = arith.constant 0 : i32
    %dma_wait3A_1686 = tpu.memref_slice %arg8[%dma_wait3A_1678, %dma_wait3A_1685] : memref<4x80xi32, #tpu.memory_space<vmem>> -> memref<1x80xi32, #tpu.memory_space<vmem>>
    %dma_wait3A_1687 = tpu.memref_squeeze %dma_wait3A_1686 : memref<1x80xi32, #tpu.memory_space<vmem>> -> memref<80xi32, #tpu.memory_space<vmem>>
    %dma_wait3A_1688 = arith.constant 0 : i32
    %dma_wait3A_1689 = arith.constant 0 : i32
    %dma_wait3A_1690 = tpu.memref_slice %arg2[%dma_wait3A_1688, %dma_wait3A_1689] : memref<20000x64xf32, #tpu.memory_space<hbm>> -> memref<20000x64xf32, #tpu.memory_space<hbm>>
    %dma_wait3A_1691 = tpu.memref_slice %arg12[%dma_wait3A_1680] : memref<4x!tpu.dma_semaphore, #tpu.memory_space<semaphore_mem>> -> memref<1x!tpu.dma_semaphore, #tpu.memory_space<semaphore_mem>>
    %dma_wait3A_1692 = tpu.memref_squeeze %dma_wait3A_1691 : memref<1x!tpu.dma_semaphore, #tpu.memory_space<semaphore_mem>> -> memref<!tpu.dma_semaphore, #tpu.memory_space<semaphore_mem>>
    tpu.wait_indirect_dma semaphore(%dma_wait3A_1692 : memref<!tpu.dma_semaphore, #tpu.memory_space<semaphore_mem>>) src(%dma_wait3A_1690 : memref<20000x64xf32, #tpu.memory_space<hbm>>) dst(%dma_wait3A_1684 : memref<80x64xf32, #tpu.memory_space<vmem>>)
    %dma_start3A_1693 = arith.constant 0 : i32
    %dma_start3A_1694 = arith.constant 0 : i32
    %dma_start3A_1695 = arith.constant 0 : i32
    %dma_start3A_1696 = arith.constant 0 : i32
    %dma_start3A_1697 = arith.constant 0 : i32
    %dma_start3A_1698 = tpu.memref_slice %arg10[%dma_start3A_1693, %dma_start3A_1696, %dma_start3A_1697] : memref<4x80x64xf32, #tpu.memory_space<vmem>> -> memref<1x80x64xf32, #tpu.memory_space<vmem>>
    %dma_start3A_1699 = tpu.memref_squeeze %dma_start3A_1698 : memref<1x80x64xf32, #tpu.memory_space<vmem>> -> memref<80x64xf32, #tpu.memory_space<vmem>>
    %dma_start3A_1700 = arith.constant 0 : i32
    %dma_start3A_1701 = tpu.memref_slice %arg9[%dma_start3A_1694, %dma_start3A_1700] : memref<4x80xi32, #tpu.memory_space<vmem>> -> memref<1x80xi32, #tpu.memory_space<vmem>>
    %dma_start3A_1702 = tpu.memref_squeeze %dma_start3A_1701 : memref<1x80xi32, #tpu.memory_space<vmem>> -> memref<80xi32, #tpu.memory_space<vmem>>
    %dma_start3A_1703 = arith.constant 0 : i32
    %dma_start3A_1704 = arith.constant 0 : i32
    %dma_start3A_1705 = tpu.memref_slice %arg11[%dma_start3A_1703, %dma_start3A_1704] : memref<10240x64xf32, #tpu.memory_space<vmem_shared>> -> memref<10240x64xf32, #tpu.memory_space<vmem_shared>>
    %dma_start3A_1706 = tpu.memref_slice %arg13[%dma_start3A_1695] : memref<4x!tpu.dma_semaphore, #tpu.memory_space<semaphore_mem>> -> memref<1x!tpu.dma_semaphore, #tpu.memory_space<semaphore_mem>>
    %dma_start3A_1707 = tpu.memref_squeeze %dma_start3A_1706 : memref<1x!tpu.dma_semaphore, #tpu.memory_space<semaphore_mem>> -> memref<!tpu.dma_semaphore, #tpu.memory_space<semaphore_mem>>
    tpu.enqueue_indirect_dma source(%dma_start3A_1699 : memref<80x64xf32, #tpu.memory_space<vmem>>) target(%dma_start3A_1705 : memref<10240x64xf32, #tpu.memory_space<vmem_shared>>) offsets(%dma_start3A_1702 : memref<80xi32, #tpu.memory_space<vmem>>) semaphore(%dma_start3A_1707 : memref<!tpu.dma_semaphore, #tpu.memory_space<semaphore_mem>>) {add = true}
    %dma_wait3A_1708 = arith.constant 1 : i32
    %dma_wait3A_1709 = arith.constant 1 : i32
    %dma_wait3A_1710 = arith.constant 1 : i32
    %dma_wait3A_1711 = arith.constant 0 : i32
    %dma_wait3A_1712 = arith.constant 0 : i32
    %dma_wait3A_1713 = tpu.memref_slice %arg10[%dma_wait3A_1709, %dma_wait3A_1711, %dma_wait3A_1712] : memref<4x80x64xf32, #tpu.memory_space<vmem>> -> memref<1x80x64xf32, #tpu.memory_space<vmem>>
    %dma_wait3A_1714 = tpu.memref_squeeze %dma_wait3A_1713 : memref<1x80x64xf32, #tpu.memory_space<vmem>> -> memref<80x64xf32, #tpu.memory_space<vmem>>
    %dma_wait3A_1715 = arith.constant 0 : i32
    %dma_wait3A_1716 = tpu.memref_slice %arg8[%dma_wait3A_1708, %dma_wait3A_1715] : memref<4x80xi32, #tpu.memory_space<vmem>> -> memref<1x80xi32, #tpu.memory_space<vmem>>
    %dma_wait3A_1717 = tpu.memref_squeeze %dma_wait3A_1716 : memref<1x80xi32, #tpu.memory_space<vmem>> -> memref<80xi32, #tpu.memory_space<vmem>>
    %dma_wait3A_1718 = arith.constant 0 : i32
    %dma_wait3A_1719 = arith.constant 0 : i32
    %dma_wait3A_1720 = tpu.memref_slice %arg2[%dma_wait3A_1718, %dma_wait3A_1719] : memref<20000x64xf32, #tpu.memory_space<hbm>> -> memref<20000x64xf32, #tpu.memory_space<hbm>>
    %dma_wait3A_1721 = tpu.memref_slice %arg12[%dma_wait3A_1710] : memref<4x!tpu.dma_semaphore, #tpu.memory_space<semaphore_mem>> -> memref<1x!tpu.dma_semaphore, #tpu.memory_space<semaphore_mem>>
    %dma_wait3A_1722 = tpu.memref_squeeze %dma_wait3A_1721 : memref<1x!tpu.dma_semaphore, #tpu.memory_space<semaphore_mem>> -> memref<!tpu.dma_semaphore, #tpu.memory_space<semaphore_mem>>
    tpu.wait_indirect_dma semaphore(%dma_wait3A_1722 : memref<!tpu.dma_semaphore, #tpu.memory_space<semaphore_mem>>) src(%dma_wait3A_1720 : memref<20000x64xf32, #tpu.memory_space<hbm>>) dst(%dma_wait3A_1714 : memref<80x64xf32, #tpu.memory_space<vmem>>)
    %dma_start3A_1723 = arith.constant 1 : i32
    %dma_start3A_1724 = arith.constant 1 : i32
    %dma_start3A_1725 = arith.constant 1 : i32
    %dma_start3A_1726 = arith.constant 0 : i32
    %dma_start3A_1727 = arith.constant 0 : i32
    %dma_start3A_1728 = tpu.memref_slice %arg10[%dma_start3A_1723, %dma_start3A_1726, %dma_start3A_1727] : memref<4x80x64xf32, #tpu.memory_space<vmem>> -> memref<1x80x64xf32, #tpu.memory_space<vmem>>
    %dma_start3A_1729 = tpu.memref_squeeze %dma_start3A_1728 : memref<1x80x64xf32, #tpu.memory_space<vmem>> -> memref<80x64xf32, #tpu.memory_space<vmem>>
    %dma_start3A_1730 = arith.constant 0 : i32
    %dma_start3A_1731 = tpu.memref_slice %arg9[%dma_start3A_1724, %dma_start3A_1730] : memref<4x80xi32, #tpu.memory_space<vmem>> -> memref<1x80xi32, #tpu.memory_space<vmem>>
    %dma_start3A_1732 = tpu.memref_squeeze %dma_start3A_1731 : memref<1x80xi32, #tpu.memory_space<vmem>> -> memref<80xi32, #tpu.memory_space<vmem>>
    %dma_start3A_1733 = arith.constant 0 : i32
    %dma_start3A_1734 = arith.constant 0 : i32
    %dma_start3A_1735 = tpu.memref_slice %arg11[%dma_start3A_1733, %dma_start3A_1734] : memref<10240x64xf32, #tpu.memory_space<vmem_shared>> -> memref<10240x64xf32, #tpu.memory_space<vmem_shared>>
    %dma_start3A_1736 = tpu.memref_slice %arg13[%dma_start3A_1725] : memref<4x!tpu.dma_semaphore, #tpu.memory_space<semaphore_mem>> -> memref<1x!tpu.dma_semaphore, #tpu.memory_space<semaphore_mem>>
    %dma_start3A_1737 = tpu.memref_squeeze %dma_start3A_1736 : memref<1x!tpu.dma_semaphore, #tpu.memory_space<semaphore_mem>> -> memref<!tpu.dma_semaphore, #tpu.memory_space<semaphore_mem>>
    tpu.enqueue_indirect_dma source(%dma_start3A_1729 : memref<80x64xf32, #tpu.memory_space<vmem>>) target(%dma_start3A_1735 : memref<10240x64xf32, #tpu.memory_space<vmem_shared>>) offsets(%dma_start3A_1732 : memref<80xi32, #tpu.memory_space<vmem>>) semaphore(%dma_start3A_1737 : memref<!tpu.dma_semaphore, #tpu.memory_space<semaphore_mem>>) {add = true}
    %dma_wait3A_1738 = arith.constant 0 : i32
    %dma_wait3A_1739 = arith.constant 0 : i32
    %dma_wait3A_1740 = arith.constant 0 : i32
    %dma_wait3A_1741 = arith.constant 0 : i32
    %dma_wait3A_1742 = arith.constant 0 : i32
    %dma_wait3A_1743 = tpu.memref_slice %arg10[%dma_wait3A_1738, %dma_wait3A_1741, %dma_wait3A_1742] : memref<4x80x64xf32, #tpu.memory_space<vmem>> -> memref<1x80x64xf32, #tpu.memory_space<vmem>>
    %dma_wait3A_1744 = tpu.memref_squeeze %dma_wait3A_1743 : memref<1x80x64xf32, #tpu.memory_space<vmem>> -> memref<80x64xf32, #tpu.memory_space<vmem>>
    %dma_wait3A_1745 = arith.constant 0 : i32
    %dma_wait3A_1746 = tpu.memref_slice %arg9[%dma_wait3A_1739, %dma_wait3A_1745] : memref<4x80xi32, #tpu.memory_space<vmem>> -> memref<1x80xi32, #tpu.memory_space<vmem>>
    %dma_wait3A_1747 = tpu.memref_squeeze %dma_wait3A_1746 : memref<1x80xi32, #tpu.memory_space<vmem>> -> memref<80xi32, #tpu.memory_space<vmem>>
    %dma_wait3A_1748 = arith.constant 0 : i32
    %dma_wait3A_1749 = arith.constant 0 : i32
    %dma_wait3A_1750 = tpu.memref_slice %arg11[%dma_wait3A_1748, %dma_wait3A_1749] : memref<10240x64xf32, #tpu.memory_space<vmem_shared>> -> memref<10240x64xf32, #tpu.memory_space<vmem_shared>>
    %dma_wait3A_1751 = tpu.memref_slice %arg13[%dma_wait3A_1740] : memref<4x!tpu.dma_semaphore, #tpu.memory_space<semaphore_mem>> -> memref<1x!tpu.dma_semaphore, #tpu.memory_space<semaphore_mem>>
    %dma_wait3A_1752 = tpu.memref_squeeze %dma_wait3A_1751 : memref<1x!tpu.dma_semaphore, #tpu.memory_space<semaphore_mem>> -> memref<!tpu.dma_semaphore, #tpu.memory_space<semaphore_mem>>
    tpu.wait_indirect_dma semaphore(%dma_wait3A_1752 : memref<!tpu.dma_semaphore, #tpu.memory_space<semaphore_mem>>) src(%dma_wait3A_1744 : memref<80x64xf32, #tpu.memory_space<vmem>>) dst(%dma_wait3A_1750 : memref<10240x64xf32, #tpu.memory_space<vmem_shared>>)
    %dma_wait3A_1753 = arith.constant 1 : i32
    %dma_wait3A_1754 = arith.constant 1 : i32
    %dma_wait3A_1755 = arith.constant 1 : i32
    %dma_wait3A_1756 = arith.constant 0 : i32
    %dma_wait3A_1757 = arith.constant 0 : i32
    %dma_wait3A_1758 = tpu.memref_slice %arg10[%dma_wait3A_1753, %dma_wait3A_1756, %dma_wait3A_1757] : memref<4x80x64xf32, #tpu.memory_space<vmem>> -> memref<1x80x64xf32, #tpu.memory_space<vmem>>
    %dma_wait3A_1759 = tpu.memref_squeeze %dma_wait3A_1758 : memref<1x80x64xf32, #tpu.memory_space<vmem>> -> memref<80x64xf32, #tpu.memory_space<vmem>>
    %dma_wait3A_1760 = arith.constant 0 : i32
    %dma_wait3A_1761 = tpu.memref_slice %arg9[%dma_wait3A_1754, %dma_wait3A_1760] : memref<4x80xi32, #tpu.memory_space<vmem>> -> memref<1x80xi32, #tpu.memory_space<vmem>>
    %dma_wait3A_1762 = tpu.memref_squeeze %dma_wait3A_1761 : memref<1x80xi32, #tpu.memory_space<vmem>> -> memref<80xi32, #tpu.memory_space<vmem>>
    %dma_wait3A_1763 = arith.constant 0 : i32
    %dma_wait3A_1764 = arith.constant 0 : i32
    %dma_wait3A_1765 = tpu.memref_slice %arg11[%dma_wait3A_1763, %dma_wait3A_1764] : memref<10240x64xf32, #tpu.memory_space<vmem_shared>> -> memref<10240x64xf32, #tpu.memory_space<vmem_shared>>
    %dma_wait3A_1766 = tpu.memref_slice %arg13[%dma_wait3A_1755] : memref<4x!tpu.dma_semaphore, #tpu.memory_space<semaphore_mem>> -> memref<1x!tpu.dma_semaphore, #tpu.memory_space<semaphore_mem>>
    %dma_wait3A_1767 = tpu.memref_squeeze %dma_wait3A_1766 : memref<1x!tpu.dma_semaphore, #tpu.memory_space<semaphore_mem>> -> memref<!tpu.dma_semaphore, #tpu.memory_space<semaphore_mem>>
    tpu.wait_indirect_dma semaphore(%dma_wait3A_1767 : memref<!tpu.dma_semaphore, #tpu.memory_space<semaphore_mem>>) src(%dma_wait3A_1759 : memref<80x64xf32, #tpu.memory_space<vmem>>) dst(%dma_wait3A_1765 : memref<10240x64xf32, #tpu.memory_space<vmem_shared>>)
    %dma_wait3A_1768 = arith.constant 2 : i32
    %dma_wait3A_1769 = arith.constant 2 : i32
    %dma_wait3A_1770 = arith.constant 2 : i32
    %dma_wait3A_1771 = arith.constant 0 : i32
    %dma_wait3A_1772 = arith.constant 0 : i32
    %dma_wait3A_1773 = tpu.memref_slice %arg10[%dma_wait3A_1768, %dma_wait3A_1771, %dma_wait3A_1772] : memref<4x80x64xf32, #tpu.memory_space<vmem>> -> memref<1x80x64xf32, #tpu.memory_space<vmem>>
    %dma_wait3A_1774 = tpu.memref_squeeze %dma_wait3A_1773 : memref<1x80x64xf32, #tpu.memory_space<vmem>> -> memref<80x64xf32, #tpu.memory_space<vmem>>
    %dma_wait3A_1775 = arith.constant 0 : i32
    %dma_wait3A_1776 = tpu.memref_slice %arg9[%dma_wait3A_1769, %dma_wait3A_1775] : memref<4x80xi32, #tpu.memory_space<vmem>> -> memref<1x80xi32, #tpu.memory_space<vmem>>
    %dma_wait3A_1777 = tpu.memref_squeeze %dma_wait3A_1776 : memref<1x80xi32, #tpu.memory_space<vmem>> -> memref<80xi32, #tpu.memory_space<vmem>>
    %dma_wait3A_1778 = arith.constant 0 : i32
    %dma_wait3A_1779 = arith.constant 0 : i32
    %dma_wait3A_1780 = tpu.memref_slice %arg11[%dma_wait3A_1778, %dma_wait3A_1779] : memref<10240x64xf32, #tpu.memory_space<vmem_shared>> -> memref<10240x64xf32, #tpu.memory_space<vmem_shared>>
    %dma_wait3A_1781 = tpu.memref_slice %arg13[%dma_wait3A_1770] : memref<4x!tpu.dma_semaphore, #tpu.memory_space<semaphore_mem>> -> memref<1x!tpu.dma_semaphore, #tpu.memory_space<semaphore_mem>>
    %dma_wait3A_1782 = tpu.memref_squeeze %dma_wait3A_1781 : memref<1x!tpu.dma_semaphore, #tpu.memory_space<semaphore_mem>> -> memref<!tpu.dma_semaphore, #tpu.memory_space<semaphore_mem>>
    tpu.wait_indirect_dma semaphore(%dma_wait3A_1782 : memref<!tpu.dma_semaphore, #tpu.memory_space<semaphore_mem>>) src(%dma_wait3A_1774 : memref<80x64xf32, #tpu.memory_space<vmem>>) dst(%dma_wait3A_1780 : memref<10240x64xf32, #tpu.memory_space<vmem_shared>>)
    %dma_wait3A_1783 = arith.constant 3 : i32
    %dma_wait3A_1784 = arith.constant 3 : i32
    %dma_wait3A_1785 = arith.constant 3 : i32
    %dma_wait3A_1786 = arith.constant 0 : i32
    %dma_wait3A_1787 = arith.constant 0 : i32
    %dma_wait3A_1788 = tpu.memref_slice %arg10[%dma_wait3A_1783, %dma_wait3A_1786, %dma_wait3A_1787] : memref<4x80x64xf32, #tpu.memory_space<vmem>> -> memref<1x80x64xf32, #tpu.memory_space<vmem>>
    %dma_wait3A_1789 = tpu.memref_squeeze %dma_wait3A_1788 : memref<1x80x64xf32, #tpu.memory_space<vmem>> -> memref<80x64xf32, #tpu.memory_space<vmem>>
    %dma_wait3A_1790 = arith.constant 0 : i32
    %dma_wait3A_1791 = tpu.memref_slice %arg9[%dma_wait3A_1784, %dma_wait3A_1790] : memref<4x80xi32, #tpu.memory_space<vmem>> -> memref<1x80xi32, #tpu.memory_space<vmem>>
    %dma_wait3A_1792 = tpu.memref_squeeze %dma_wait3A_1791 : memref<1x80xi32, #tpu.memory_space<vmem>> -> memref<80xi32, #tpu.memory_space<vmem>>
    %dma_wait3A_1793 = arith.constant 0 : i32
    %dma_wait3A_1794 = arith.constant 0 : i32
    %dma_wait3A_1795 = tpu.memref_slice %arg11[%dma_wait3A_1793, %dma_wait3A_1794] : memref<10240x64xf32, #tpu.memory_space<vmem_shared>> -> memref<10240x64xf32, #tpu.memory_space<vmem_shared>>
    %dma_wait3A_1796 = tpu.memref_slice %arg13[%dma_wait3A_1785] : memref<4x!tpu.dma_semaphore, #tpu.memory_space<semaphore_mem>> -> memref<1x!tpu.dma_semaphore, #tpu.memory_space<semaphore_mem>>
    %dma_wait3A_1797 = tpu.memref_squeeze %dma_wait3A_1796 : memref<1x!tpu.dma_semaphore, #tpu.memory_space<semaphore_mem>> -> memref<!tpu.dma_semaphore, #tpu.memory_space<semaphore_mem>>
    tpu.wait_indirect_dma semaphore(%dma_wait3A_1797 : memref<!tpu.dma_semaphore, #tpu.memory_space<semaphore_mem>>) src(%dma_wait3A_1789 : memref<80x64xf32, #tpu.memory_space<vmem>>) dst(%dma_wait3A_1795 : memref<10240x64xf32, #tpu.memory_space<vmem_shared>>)
    %barrier3A_1798 = arith.constant 0 : index
    tpu.barrier barrier_id(%barrier3A_1798)
    %mul3A_1799 = arith.constant 640 : i32
    %mul3A_1800 = arith.muli %arg1, %mul3A_1799 : i32
    %mul3A_1801 = arith.constant 640 : i32
    %mul3A_1802 = arith.muli %arg1, %mul3A_1801 : i32
    "tpu.region"() ({
      %run_scoped3A_1803 = tpu.sem_alloc : memref<!tpu.dma_semaphore, #tpu.memory_space<semaphore_mem>>
      %dma_start3A_1804 = arith.constant 0 : i32
      %dma_start3A_1805 = tpu.memref_slice %arg5[%arg0, %mul3A_1802, %dma_start3A_1804] : memref<2x10240x64xf32, #tpu.memory_space<hbm>> -> memref<1x640x64xf32, #tpu.memory_space<hbm>>
      %dma_start3A_1806 = tpu.memref_squeeze %dma_start3A_1805 : memref<1x640x64xf32, #tpu.memory_space<hbm>> -> memref<640x64xf32, #tpu.memory_space<hbm>>
      %dma_start3A_1807 = arith.constant 0 : i32
      %dma_start3A_1808 = tpu.memref_slice %arg11[%mul3A_1800, %dma_start3A_1807] : memref<10240x64xf32, #tpu.memory_space<vmem_shared>> -> memref<640x64xf32, #tpu.memory_space<vmem_shared>>
      tpu.enqueue_dma source(%dma_start3A_1808 : memref<640x64xf32, #tpu.memory_space<vmem_shared>>) target(%dma_start3A_1806 : memref<640x64xf32, #tpu.memory_space<hbm>>) target_semaphore(%run_scoped3A_1803 : memref<!tpu.dma_semaphore, #tpu.memory_space<semaphore_mem>>)
      %dma_wait3A_1809 = arith.constant 0 : i32
      %dma_wait3A_1810 = tpu.memref_slice %arg5[%arg0, %mul3A_1802, %dma_wait3A_1809] : memref<2x10240x64xf32, #tpu.memory_space<hbm>> -> memref<1x640x64xf32, #tpu.memory_space<hbm>>
      %dma_wait3A_1811 = tpu.memref_squeeze %dma_wait3A_1810 : memref<1x640x64xf32, #tpu.memory_space<hbm>> -> memref<640x64xf32, #tpu.memory_space<hbm>>
      %dma_wait3A_1812 = arith.constant 0 : i32
      %dma_wait3A_1813 = tpu.memref_slice %arg11[%mul3A_1800, %dma_wait3A_1812] : memref<10240x64xf32, #tpu.memory_space<vmem_shared>> -> memref<640x64xf32, #tpu.memory_space<vmem_shared>>
      tpu.wait_dma2 semaphore(%run_scoped3A_1803 : memref<!tpu.dma_semaphore, #tpu.memory_space<semaphore_mem>>) src(%dma_wait3A_1813 : memref<640x64xf32, #tpu.memory_space<vmem_shared>>) dst(%dma_wait3A_1811 : memref<640x64xf32, #tpu.memory_space<hbm>>)
      tpu.yield
    }) : () -> ()
    return
  }
}

module attributes {stable_mosaic.version = 14 : i64} {
  func.func @_mlp_body(%arg0: i32, %arg1: memref<2x2048x64xf32, #tpu.memory_space<vmem>>, %arg2: memref<128x128xf32, #tpu.memory_space<vmem>>, %arg3: memref<128x1xf32, #tpu.memory_space<vmem>>, %arg4: memref<2048xf32, #tpu.memory_space<vmem>>) attributes {dimension_semantics = [#tpu.dimension_semantics<arbitrary>], iteration_bounds = array<i64: 5>, scalar_prefetch = 0 : i64, scratch_operands = 0 : i64, tpu.core_type = #tpu.core_type<tc>, window_params = [{transform_indices = @transform_0, window_bounds = array<i64: 2, 2048, 64>}, {pipeline_mode = #tpu.pipeline_mode<synchronous>, transform_indices = @transform_1, window_bounds = array<i64: 128, 128>}, {pipeline_mode = #tpu.pipeline_mode<synchronous>, transform_indices = @transform_2, window_bounds = array<i64: 128, 1>}, {transform_indices = @transform_3, window_bounds = array<i64: 2048>}]} {
    %get3A = arith.constant 0 : index
    %get3A_0 = arith.constant 0 : index
    %get3A_1 = arith.constant 0 : index
    %get3A_2 = vector.load %arg1[%get3A, %get3A_0, %get3A_1] : memref<2x2048x64xf32, #tpu.memory_space<vmem>>, vector<1x2048x64xf32>
    %get3A_3 = vector.shape_cast %get3A_2 : vector<1x2048x64xf32> to vector<2048x64xf32>
    %get3A_4 = arith.constant 1 : index
    %get3A_5 = arith.constant 0 : index
    %get3A_6 = arith.constant 0 : index
    %get3A_7 = vector.load %arg1[%get3A_4, %get3A_5, %get3A_6] : memref<2x2048x64xf32, #tpu.memory_space<vmem>>, vector<1x2048x64xf32>
    %get3A_8 = vector.shape_cast %get3A_7 : vector<1x2048x64xf32> to vector<2048x64xf32>
    %concatenate3A = tpu.concatenate %get3A_3, %get3A_8 in 1 : vector<2048x64xf32>, vector<2048x64xf32> -> vector<2048x128xf32>
    %get3A_9 = arith.constant 0 : index
    %get3A_10 = arith.constant 0 : index
    %get3A_11 = vector.load %arg2[%get3A_9, %get3A_10] : memref<128x128xf32, #tpu.memory_space<vmem>>, vector<128x128xf32>
    %dot_general3A = arith.constant dense<0.000000e+00> : vector<2048x128xf32>
    %dot_general3A_12 = tpu.matmul %concatenate3A, %get3A_11, %dot_general3A {dimension_numbers = #tpu.dot_dimension_numbers<[1], [0], [0], [1], [0, 0, 1, 1], [], []>, transpose_lhs_hint = false} : vector<2048x128xf32>, vector<128x128xf32>, vector<2048x128xf32> -> vector<2048x128xf32>
    %max3A = arith.constant 0.000000e+00 : f32
    %max3A_13 = vector.broadcast %max3A : f32 to vector<2048x128xf32>
    %max3A_14 = arith.maximumf %dot_general3A_12, %max3A_13 : vector<2048x128xf32>
    %get3A_15 = arith.constant 0 : index
    %get3A_16 = arith.constant 0 : index
    %get3A_17 = vector.load %arg3[%get3A_15, %get3A_16] : memref<128x1xf32, #tpu.memory_space<vmem>>, vector<128x1xf32>
    %dot_general3A_18 = arith.constant dense<0.000000e+00> : vector<2048x1xf32>
    %dot_general3A_19 = tpu.matmul %max3A_14, %get3A_17, %dot_general3A_18 {dimension_numbers = #tpu.dot_dimension_numbers<[1], [0], [0], [1], [0, 0, 1, 1], [], []>, transpose_lhs_hint = false} : vector<2048x128xf32>, vector<128x1xf32>, vector<2048x1xf32> -> vector<2048x1xf32>
    %squeeze3A = vector.shape_cast %dot_general3A_19 : vector<2048x1xf32> to vector<2048xf32>
    %swap3A = arith.constant 0 : index
    %swap3A_20 = vector.load %arg4[%swap3A] : memref<2048xf32, #tpu.memory_space<vmem>>, vector<2048xf32>
    tpu.vector_store %arg4[%swap3A], %squeeze3A {strides = array<i32>} : memref<2048xf32, #tpu.memory_space<vmem>>, vector<2048xf32>,
    return
  }
  func.func @transform_0(%arg0: i32) -> (i32, i32, i32) {
    %c0_i32 = arith.constant 0 : i32
    %c0_i32_0 = arith.constant 0 : i32
    %c0_i32_1 = arith.constant 0 : i32
    return %c0_i32, %arg0, %c0_i32_0 : i32, i32, i32
  }
  func.func @transform_1(%arg0: i32) -> (i32, i32) {
    %c0_i32 = arith.constant 0 : i32
    %c0_i32_0 = arith.constant 0 : i32
    %c0_i32_1 = arith.constant 0 : i32
    return %c0_i32, %c0_i32_0 : i32, i32
  }
  func.func @transform_2(%arg0: i32) -> (i32, i32) {
    %c0_i32 = arith.constant 0 : i32
    %c0_i32_0 = arith.constant 0 : i32
    %c0_i32_1 = arith.constant 0 : i32
    return %c0_i32, %c0_i32_0 : i32, i32
  }
  func.func @transform_3(%arg0: i32) -> i32 {
    %c0_i32 = arith.constant 0 : i32
    return %arg0 : i32
  }
}

</mosaic_0001>

<sc_bundles>
// kernel: kernel.5.cloned.1.call-start
scs
__scs_entry_jumppad:
0x0: {  	(pc) =	sbr.rel $0x88, $3  }
0x1: {  	(tag) =	ssettag $0x0;
	lr =	simm.s32 $0x1  }
0x2: {  	[smem:$0x3F9D] =	sst lr;
	_ =	strace $0xD0000000  }
0x3: {  	_ = 	snop  }
0x4: {  	_ = 	snop  }
0x5: {  	_ = 	snop  }
0x6: {  	_ = 	snop  }
0x7: {  	_ = 	snop  }
__scs_overlays_trampoline_lowered:
0x8: {  	[smem:$0x3FAC] =	sst s0  }
0x9: {  	[smem:$0x3FAD] =	sst s1  }
0xa: {  	[smem:$0x3FAE] =	sst s2  }
0xb: {  	[smem:$0x3FAF] =	sst s3  }
0xc: {  	[smem:$0x3FB0] =	sst s4  }
0xd: {  	[smem:$0x3FB1] =	sst s5  }
0xe: {  	[smem:$0x3FB2] =	sst s6  }
0xf: {  	[smem:$0x3FB3] =	sst s7  }
0x10: {  	[smem:$0x3FB4] =	sst s8  }
0x11: {  	[smem:$0x3FB5] =	sst s9;
	s0 =	simm.s32 @!p0 $0x0  }
0x12: {  	s1 =	sld [smem:$0x3F9B];
	s0 =	simm.s32 @p0 $0x1  }
0x13: {  	[smem:$0x3FB6] =	sst s0;
	s0 =	simm.s32 @!p1 $0x0  }
0x14: {  	s2 =	sld [smem:$0x3F9A];
	s0 =	simm.s32 @p1 $0x1  }
0x15: {  	[smem:$0x3FB7] =	sst s0;
	s0 =	simm.s32 @!p2 $0x0  }
0x16: {  	s3 =	sld [smem:$0x3FDB];
	s0 =	simm.s32 @p2 $0x1  }
0x17: {  	s4 =	simm.s32 $0x1BF5;
	[smem:$0x3FB9] =	sst s0  }
0x18: {  	s0 =	sld [smem:$0x3F9C];
	_ =	swait.ge [sflag:s4], $0x0  }
0x19: {  	s7 =	sld [smem:$0x3F9D]  }
0x1a: {  	s8 =	sadd.s32 $0xFFFFE003, lr  }
0x1b: {  	s9 =	sadd.s32 $0xFFFFFEF7, lr;
	s5 =	simm.s32 $0xFFFFFFFF;
	p2 =	slt.u32 s8, $0xFFFFF086  }
0x1c: {  	p1 =	slt.u32 s9, $0xF7A;
	s5 =	simm.s32 @!p2 $0x0  }
0x1d: {  	s5 =	simm.s32 @p1 $0x1;
	p0 =	seq.s32 s7, s2  }
0x1e: {  	s7 =	smul.u32 @!p0 $0xF7A, s2;
	p2 =	seq.s32 @!p0 s5, $0x0  }
0x1f: {  	s9 =	smul.u32 $0xF7A, s1;
	s8 =	simm.s32 @!p0 $0x1BF5;
	p2 =	por !p2, p0  }
0x20: {  	[sflag:s8] =	ssyncset.s32 @!p0 $0xFFFFF086;
	s6 =	sadd.s32 @!p0 s3, s7;
	s7 =	simm.s32 @!p0 $0x108  }
0x21: {  	s3 =	sadd.s32 s3, s9;
	s6 =	sadd.s32 @!p0 $0x88, s6;
	s7 =	simm.s32 @p2 $0x1082  }
0x22: {  	[simem:s7], [sflag:s8] =	dma.local @!p0 [hbm:s6], $0xF7A  }
0x23: {  	s9 =	sor.u32 $0xD0000000, s2;
	s6 =	simm.s32 $0x108;
	_ =	swait.ge @!p0 [sflag:s8], $0x0  }
0x24: {  	s3 =	sadd.s32 $0x88, s3;
	s6 =	simm.s32 @!p1 $0x1082;
	[sflag:s4] =	ssyncset.s32 $0xFFFFF086  }
0x25: {  	[simem:s6], [sflag:s4] =	dma.local [hbm:s3], $0xF7A  }
0x26: {  	[smem:$0x3F9D] =	sst s1;
	(tag) =	ssettag s2;
	_ =	strace s9  }
0x27: {  	s1 =	sld [smem:$0x3FAD]  }
0x28: {  	s2 =	sld [smem:$0x3FAE]  }
0x29: {  	s4 =	sld [smem:$0x3FB0]  }
0x2a: {  	p0 =	seq.s32 s5, $0x0;
	s5 =	sld [smem:$0x3FB1]  }
0x2b: {  	s6 =	sld [smem:$0x3FB2]  }
0x2c: {  	s7 =	sld [smem:$0x3FB3]  }
0x2d: {  	s3 =	simm.s32 $0x108;
	s8 =	sld [smem:$0x3FB4]  }
0x2e: {  	s3 =	simm.s32 @!p0 $0x1082;
	s9 =	sld [smem:$0x3FB5]  }
0x2f: {  	lr =	sadd.s32 s0, s3;
	s0 =	sld [smem:$0x3FAC]  }
0x30: {  	s3 =	sld [smem:$0x3FAF]  }
0x31: {  	[smem:$0x3FB8] =	sst s10  }
0x32: {  	s10 =	sld [smem:$0x3FB6];
	_ =	sdelay $0x3  }
0x33: {  	p0 =	seq.s32 s10, $0x1;
	s10 =	sld [smem:$0x3FB8];
	_ =	sdelay $0x3  }
0x34: {  	[smem:$0x3FB8] =	sst s10  }
0x35: {  	s10 =	sld [smem:$0x3FB7];
	_ =	sdelay $0x3  }
0x36: {  	p1 =	seq.s32 s10, $0x1;
	s10 =	sld [smem:$0x3FB8];
	_ =	sdelay $0x3  }
0x37: {  	[smem:$0x3FB8] =	sst s10  }
0x38: {  	s10 =	sld [smem:$0x3FB9]  }
0x39: {  	_ = 	snop;
	(pc) =	sbr.ind lr, $3  }
0x3a: {  	_ = 	snop  }
0x3b: {  	_ = 	snop  }
0x3c: {  	p2 =	seq.s32 s10, $0x1;
	s10 =	sld [smem:$0x3FB8]  }
0x3d: {  	_ =	shalt  }
0x3e: {  	_ =	shalt  }
0x3f: {  	_ =	shalt  }
0x40: {  	_ =	shalt  }
0x41: {  	_ =	shalt  }
0x42: {  	_ =	shalt  }
0x43: {  	_ =	shalt  }
0x44: {  	_ =	shalt  }
0x45: {  	_ =	shalt  }
0x46: {  	_ =	shalt  }
0x47: {  	_ =	shalt  }
0x48: {  	_ =	shalt  }
0x49: {  	_ =	shalt  }
0x4a: {  	_ =	shalt  }
0x4b: {  	_ =	shalt  }
0x4c: {  	_ =	shalt  }
0x4d: {  	_ =	shalt  }
0x4e: {  	_ =	shalt  }
0x4f: {  	_ =	shalt  }
0x50: {  	_ =	shalt  }
0x51: {  	_ =	shalt  }
0x52: {  	_ =	shalt  }
0x53: {  	_ =	shalt  }
0x54: {  	_ =	shalt  }
0x55: {  	_ =	shalt  }
0x56: {  	_ =	shalt  }
0x57: {  	_ =	shalt  }
0x58: {  	_ =	shalt  }
0x59: {  	_ =	shalt  }
0x5a: {  	_ =	shalt  }
0x5b: {  	_ =	shalt  }
0x5c: {  	_ =	shalt  }
0x5d: {  	_ =	shalt  }
0x5e: {  	_ =	shalt  }
0x5f: {  	_ =	shalt  }
0x60: {  	_ =	shalt  }
0x61: {  	_ =	shalt  }
0x62: {  	_ =	shalt  }
0x63: {  	_ =	shalt  }
0x64: {  	_ =	shalt  }
0x65: {  	_ =	shalt  }
0x66: {  	_ =	shalt  }
0x67: {  	_ =	shalt  }
0x68: {  	_ =	shalt  }
0x69: {  	_ =	shalt  }
0x6a: {  	_ =	shalt  }
0x6b: {  	_ =	shalt  }
0x6c: {  	_ =	shalt  }
0x6d: {  	_ =	shalt  }
0x6e: {  	_ =	shalt  }
0x6f: {  	_ =	shalt  }
0x70: {  	_ =	shalt  }
0x71: {  	_ =	shalt  }
0x72: {  	_ =	shalt  }
0x73: {  	_ =	shalt  }
0x74: {  	_ =	shalt  }
0x75: {  	_ =	shalt  }
0x76: {  	_ =	shalt  }
0x77: {  	_ =	shalt  }
0x78: {  	_ =	shalt  }
0x79: {  	_ =	shalt  }
0x7a: {  	_ =	shalt  }
0x7b: {  	_ =	shalt  }
0x7c: {  	_ =	shalt  }
0x7d: {  	_ =	shalt  }
0x7e: {  	_ =	shalt  }
0x7f: {  	_ =	shalt  }
0x80: {  	_ =	shalt  }
0x81: {  	_ =	shalt  }
0x82: {  	_ =	shalt  }
0x83: {  	_ =	shalt  }
0x84: {  	_ =	shalt  }
0x85: {  	_ =	shalt  }
0x86: {  	_ =	shalt  }
0x87: {  	_ =	shalt  }
.Lfunc_end0:
.L_simem_size_0:
called_computation_lowered:
.L_overlay_start_0:
0x88: {  	s2 =	sld [smem:$0x3FD9]  }
0x89: {  	s3 =	sld [smem:$0x3FFE];
	_ =	sdelay $0x1  }
0x8a: {  	s1 =	srdreg.scid  }
0x8b: {  	s0 =	sand.u32 $0x1, s1  }
0x8c: {  	s17 =	sshll.u32 s0, $0xA;
	s2 =	sadd.s32 s3, s2  }
0x8d: {  	s2 =	sadd.s32 s2, s17  }
0x8e: {  	[smem:$0x3FC4] =	sst s2  }
0x8f: {  	_ = 	snop  }
0x90: {  	s2 =	sld [smem:$0x3FC9];
	(tm) =	ssettm $0x1  }
0x91: {  	s18 =	sld [smem:$0x3FFB];
	_ =	sdelay $0x3  }
0x92: {  	_ =	strace s18  }
0x93: {  	s3 =	sld [smem:$0x3FFC];
	_ =	sdelay $0x3  }
0x94: {  	_ =	strace s3  }
0x95: {  	s3 =	sld [smem:$0x3FFD];
	_ =	sdelay $0x3  }
0x96: {  	_ =	strace s3  }
0x97: {  	_ =	strace $0x8FFFFFFF  }
0x98: {  	s19 =	sld [smem:$0x3FDB];
	_ =	sdelay $0x1  }
0x99: {  	s4 =	simm.s32 $_scs_section_size  }
0x9a: {  	s5 =	simm.s32 $_size__tile_overlayer_lowered;
	s6 =	simm.s32 $_tile_overlayer_lowered  }
0x9b: {  	s22 =	simm.s32 $0x1BFF;
	s21 =	sshll.u32 s6, $0x1;
	s3 =	sadd.s32 s4, s19  }
0x9c: {  	s7 =	simm.s32 $0x0;
	s20 =	sshll.u32 s5, $0x1;
	s5 =	sadd.s32 s21, s3  }
0x9d: {  	[timem:s7], [sflag:s22] =	dma.local [hbm:s5], s20  }
0x9e: {  	_ =	swait.ge [sflag:s22], s20  }
0x9f: {  	s4 =	ssub.s32 $0x0, s20;
	[sflag:s22] =	ssyncset.done $0x0  }
0xa0: {  	[sflag:s22] =	ssyncadd.s32 s4;
	_ =	sdelay $0x1  }
0xa1: {  	s23 =	simm.s32 $0x1B8B  }
0xa2: {  	_ =	swait.ge [sflag:s23], $0x1  }
0xa3: {  	[sflag:s23] =	ssyncset.done $0x0  }
0xa4: {  	s25 =	simm.s32 $0x1B8E;
	s24 =	sld [smem:$0x3FFE];
	[sflag:s23] =	ssyncadd.s32 $0xFFFFFFFF  }
0xa5: {  	s26 =	simm.s32 $execute0_lowered;
	[smem:$0x3FD2] =	sst s25  }
0xa6: {  	s5 =	sshll.u32 s26, $0x1;
	_ =	strace $0x80000046;
	[dreg:$0x1] =	wrdreg $0xFFFFFFFF  }
0xa7: {  	s28 =	simm.s32 $_size_execute0_lowered;
	s3 =	sadd.s32 s3, s5;
	[dreg:$0x0] =	wrdreg $0x0  }
0xa8: {  	s5 =	sshll.u32 s28, $0x1;
	[dreg:$0x2] =	wrdreg s3  }
0xa9: {  	[dreg:$0x3] =	wrdreg s5  }
0xaa: {  	[dreg:$0x4] =	wrdreg $0xC0  }
0xab: {  	_ =	task [dreg:s7], $0x5FFFF  }
0xac: {  	[dreg:$0x1] =	wrdreg $0xFFFFFFFF  }
0xad: {  	[dreg:$0x0] =	wrdreg $0x60  }
0xae: {  	[dreg:$0x2] =	wrdreg s2  }
0xaf: {  	[dreg:$0x3] =	wrdreg s24  }
0xb0: {  	[dreg:$0x4] =	wrdreg $0xEEC00  }
0xb1: {  	[dreg:$0x5] =	wrdreg $0x9  }
0xb2: {  	_ =	task.clear_ibuf [dreg:s7], $0x6FFFF;
	_ =	strace $0x90000046  }
0xb3: {  	s29 =	simm.s32 $0x9;
	_ =	strace $0x80000048  }
0xb4: {  	_ =	swait.ge [sflag:s29], $0x1  }
0xb5: {  	[sflag:s29] =	ssyncadd.s32 $0xFFFFFFFF  }
0xb6: {  	_ =	strace $0x90000048  }
0xb7: {  	_ =	sfence  }
0xb8: {  	s30 =	sld [smem:$0x0];
	_ =	sdelay $0x2  }
0xb9: {  	s31 =	sshll.u32 s1, $0xD;
	s1 =	sshrl.u32 s1, $0x2  }
0xba: {  	s3 =	sand.u32 $0x4000, s31;
	s1 =	sadd.s32 s1, s30  }
0xbb: {  	s0 =	sor.u32 s3, s0;
	s1 =	sshll.u32 s1, $0x11  }
0xbc: {  	s0 =	sor.u32 s1, s0  }
0xbd: {  	s0 =	sadd.s32 $0x8F2B, s0  }
0xbe: {  	[sflag:s0] =	ssyncadd.remote.s32 $0x1  }
0xbf: {  	_ =	sfence.sel $0xFFFF  }
0xc0: {  	[dreg:$0x0] =	wrdreg $0xFFFFFFFF;
	(pc) =	sbr.abs _section_cstart, $3  }
0xc1: {  	[dreg:$0x1] =	wrdreg $0xFFFFFFFF  }
0xc2: {  	_ =	task.clear_ibuf [dreg:s7], $0x2FFFF;
	_ =	strace $0x9FFFFFFF  }
0xc3: {  	(tm) =	ssettm $0x7FFFFFFF  }
tec
execute0_lowered:
.L_overlay_start_1:
0x0: {  	(tag) =	ssettag $0x1  }
0x1: {  	s1 =	rddreg [dreg:$0x0]  }
0x2: {  	s0 =	rddreg [dreg:$0x1];
	s8 =	stileid.u32  }
0x3: {  	s2 =	srdreg.scid;
	s3 =	rddreg [dreg:$0x2]  }
0x4: {  	s4 =	simm.s32 $0x0;
	s28 =	simm.s32 $0xC6C0;
	s29 =	simm.s32 $0x2  }
0x5: {  	s30 =	simm.s32 $0x9DD0;
	s31 =	simm.s32 $0x9D30;
	s16 =	smul.u32 $0xA000, s8  }
0x6: {  	s9 =	simm.s32 $0x6;
	s11 =	simm.s32 $0x8;
	s6 =	smul.u32 $0x9C4, s8  }
0x7: {  	s10 =	sand.u32 $0x1, s2;
	[smem:$0x7FF] =	sst s4;
	s8 =	smul.u32 $0x28000, s8  }
0x8: {  	s12 =	simm.s32 $0x0;
	s5 =	smul.u32 $0xA0000, s10;
	_ =	strace $0x80000047  }
0x9: {  	s7 =	ssub.s32 $0x2, s10;
	v0 =	vmov s10;
	s10 =	simm.s32 $0x7;
	s6 =	sadd.s32 s6, s0  }
0xa: {  	s17 =	sshrl.u32 s7, $0x1;
	s8 =	sshrl.u32 s8, $0x2;
	s18 =	sadd.s32 $0xA800, s6  }
0xb: {  	s6 =	sadd.s32 $0xA00, s6;
	s19 =	sadd.s32 s8, s3;
	[dreg:$0x4] =	wrdreg s18  }
0xc: {  	s5 =	sadd.s32 s16, s5;
	[dreg:$0x5] =	wrdreg s6;
	s20 =	sadd.s32 $0x1400, s19  }
0xd: {  	s8 =	simm.s32 $0x9E70;
	s21 =	sadd.s32 $0x2800, s19;
	[dreg:$0x6] =	wrdreg s20  }
0xe: {  	s5 =	sshrl.u32 s5, $0x3;
	s22 =	sadd.s32 $0x3C00, s19;
	[dreg:$0x7] =	wrdreg s21  }
0xf: {  	s23 =	sadd.s32 $0x5000, s19;
	s24 =	sadd.s32 $0x6400, s19;
	[dreg:$0x8] =	wrdreg s22  }
0x10: {  	s25 =	sadd.s32 $0x7800, s19;
	s2 =	sadd.s32 $0x8C00, s19;
	[dreg:$0x9] =	wrdreg s23  }
0x11: {  	s19 =	simm.s32 $0x9EC0;
	s18 =	simm.s32 $0x3;
	[dreg:$0xa] =	wrdreg s24  }
0x12: {  	s6 =	simm.s32 $0x4;
	s0 =	sadd.s32 s5, s0;
	[dreg:$0xb] =	wrdreg s25  }
0x13: {  	s5 =	ssub.s32 s7, s17;
	s7 =	sadd.s32 s16, s3;
	[dreg:$0xc] =	wrdreg s2  }
0x14: {  	s17 =	simm.s32 $0x9;
	s20 =	simm.s32 $0x50;
	s21 =	simm.s32 $0x9C40  }
0x15: {  	s22 =	simm.s32 $0x9C90;
	s23 =	simm.s32 $0xB2C0;
	s24 =	simm.s32 $0x1  }
0x16: {  	s25 =	simm.s32 $0x9D80;
	s2 =	simm.s32 $0xDAC0;
	s0 =	sadd.s32 $0x14600, s0  }
0x17: {  	s26 =	smax.u32 s5, $0x1;
	s5 =	simm.s32 $0x5;
	[dreg:$0xd] =	wrdreg s0  }
0x18: {  	v1 =	vimm.f32 $0.0e+00;
	[dreg:$0xe] =	wrdreg s26;
	s26 =	simm.s32 $0x9CE0;
	s0 =	simm.s32 $0x9E20  }
.LBB2_1:
0x19: {  	s13 =	rddreg [dreg:$0x4]  }
0x1a: {  	[tilespmem:s4], [sflag:$0x9] =	stream.linear.gather [hbm4b:s13+s4], $0x4E20, $0x38;
	[tilespmem:$0x18EC0] =	vst v63  }
0x1b: {  	_ =	swait.ge [sflag:s17], $0x4E20  }
0x1c: {  	s14 =	simm.s32 $0x4E20;
	[sflag:s17] =	ssyncset.done $0x0  }
0x1d: {  	s15 =	sand.u32 $0x7F00, s4;
	s16 =	rddreg [dreg:$0x5];
	[sflag:s17] =	ssyncadd.s32 $0xFFFFB1E0  }
0x1e: {  	[tilespmem:s14], [sflag:$0x9] =	stream.linear.gather [hbm4b:s16+s4], $0x4E20, $0x38;
	[tilespmem:$0x18EC0] =	vst v63  }
0x1f: {  	s15 =	sshrl.u32 s15, $0x2;
	_ =	swait.ge [sflag:s17], $0x4E20  }
0x20: {  	s13 =	simm.s32 $0x40;
	s16 =	sand.u32 $0x30, s4;
	[sflag:s17] =	ssyncset.done $0x0  }
0x21: {  	s14 =	simm.s32 $0x0;
	s15 =	sor.u32 s16, s15;
	[sflag:s17] =	ssyncadd.s32 $0xFFFFB1E0  }
.LBB2_2:
0x22: {  	p0 =	sne.s32 s13, $0x4FC0  }
0x23: {  	[tilespmem:s15+$0x9EC0] =	vst v1;
	s14 =	sadd.s32 $0x10, s14;
	s15 =	smov.u32 s13;
	s13 =	sadd.s32 $0x40, s13  }
.Ltmp0:
0x24: {  	(pc) =	sbr.rel @p0 .LBB2_2-.Ltmp0, $4  }
0x25: {  	_ = 	snop  }
0x26: {  	s15 =	sand.u32 $0x7F00, s15  }
0x27: {  	s16 =	sand.u32 $0x30, s14;
	s15 =	sshrl.u32 s15, $0x2  }
0x28: {  	s15 =	sor.u32 s16, s15  }
0x29: {  	[tilespmem:s15+$0x9EC0] =	vst v1  }
0x2a: {  	[spmem:s7] =	stream.linear.scatter [tilespmem:s19], [sflag:$0x9], $0x1400, $0x38;
	[tilespmem:$0x18EC0] =	vst v63  }
0x2b: {  	_ =	swait.ge [sflag:s17], $0x1400  }
0x2c: {  	[sflag:s17] =	ssyncset.done $0x0  }
0x2d: {  	s13 =	rddreg [dreg:$0x6];
	[sflag:s17] =	ssyncadd.s32 $0xFFFFEC00  }
0x2e: {  	[spmem:s13] =	stream.linear.scatter [tilespmem:s19], [sflag:$0x9], $0x1400, $0x38;
	[tilespmem:$0x18EC0] =	vst v63  }
0x2f: {  	_ =	swait.ge [sflag:s17], $0x1400  }
0x30: {  	[sflag:s17] =	ssyncset.done $0x0  }
0x31: {  	s14 =	rddreg [dreg:$0x7];
	[sflag:s17] =	ssyncadd.s32 $0xFFFFEC00  }
0x32: {  	[spmem:s14] =	stream.linear.scatter [tilespmem:s19], [sflag:$0x9], $0x1400, $0x38;
	[tilespmem:$0x18EC0] =	vst v63  }
0x33: {  	_ =	swait.ge [sflag:s17], $0x1400  }
0x34: {  	[sflag:s17] =	ssyncset.done $0x0  }
0x35: {  	s15 =	rddreg [dreg:$0x8];
	[sflag:s17] =	ssyncadd.s32 $0xFFFFEC00  }
0x36: {  	[spmem:s15] =	stream.linear.scatter [tilespmem:s19], [sflag:$0x9], $0x1400, $0x38;
	[tilespmem:$0x18EC0] =	vst v63  }
0x37: {  	_ =	swait.ge [sflag:s17], $0x1400  }
0x38: {  	[sflag:s17] =	ssyncset.done $0x0  }
0x39: {  	s16 =	rddreg [dreg:$0x9];
	[sflag:s17] =	ssyncadd.s32 $0xFFFFEC00  }
0x3a: {  	[spmem:s16] =	stream.linear.scatter [tilespmem:s19], [sflag:$0x9], $0x1400, $0x38;
	[tilespmem:$0x18EC0] =	vst v63  }
0x3b: {  	_ =	swait.ge [sflag:s17], $0x1400  }
0x3c: {  	[sflag:s17] =	ssyncset.done $0x0  }
0x3d: {  	s14 =	rddreg [dreg:$0xa];
	[sflag:s17] =	ssyncadd.s32 $0xFFFFEC00  }
0x3e: {  	[spmem:s14] =	stream.linear.scatter [tilespmem:s19], [sflag:$0x9], $0x1400, $0x38;
	[tilespmem:$0x18EC0] =	vst v63  }
0x3f: {  	_ =	swait.ge [sflag:s17], $0x1400  }
0x40: {  	[sflag:s17] =	ssyncset.done $0x0  }
0x41: {  	s15 =	rddreg [dreg:$0xb];
	[sflag:s17] =	ssyncadd.s32 $0xFFFFEC00  }
0x42: {  	[spmem:s15] =	stream.linear.scatter [tilespmem:s19], [sflag:$0x9], $0x1400, $0x38;
	[tilespmem:$0x18EC0] =	vst v63  }
0x43: {  	_ =	swait.ge [sflag:s17], $0x1400  }
0x44: {  	[sflag:s17] =	ssyncset.done $0x0  }
0x45: {  	s16 =	rddreg [dreg:$0xc];
	[sflag:s17] =	ssyncadd.s32 $0xFFFFEC00  }
0x46: {  	[spmem:s16] =	stream.linear.scatter [tilespmem:s19], [sflag:$0x9], $0x1400, $0x38;
	[tilespmem:$0x18EC0] =	vst v63  }
0x47: {  	_ =	swait.ge [sflag:s17], $0x1400  }
0x48: {  	[sflag:s17] =	ssyncset.done $0x0  }
0x49: {  	[sflag:s17] =	ssyncadd.s32 $0xFFFFEC00  }
0x4a: {  	[bflag:$0x0] =	sbarrier.arrive $0xFFFF  }
0x4b: {  	v2 =	vld [tilespmem:$0x0]  }
0x4c: {  	v4 =	vld [tilespmem:$0x4E20]  }
0x4d: {  	v3 =	vld [tilespmem:$0x10]  }
0x4e: {  	v6 =	vld [tilespmem:$0x4E30]  }
0x4f: {  	v5 =	vld [tilespmem:$0x20]  }
0x50: {  	v41 =	vld [tilespmem:$0x4E50];
	v2 =	vshll.u32 v2, $0x1  }
0x51: {  	v7 =	vld [tilespmem:$0x30];
	[tilespmem:$0x9D80] =	vst v4;
	v2 =	vor.u32 v0, v2  }
0x52: {  	v42 =	vld [tilespmem:$0x4E60];
	[tilespmem:$0x9C40] =	vst v2;
	v2 =	vshll.u32 v3, $0x1  }
0x53: {  	v40 =	vld [tilespmem:$0x40];
	[tilespmem:$0x9D90] =	vst v6;
	v2 =	vor.u32 v0, v2  }
0x54: {  	v3 =	vld [tilespmem:$0x4E40];
	[tilespmem:$0x9C50] =	vst v2;
	v2 =	vshll.u32 v5, $0x1  }
0x55: {  	[tilespmem:$0x9DB0] =	vst v41;
	v2 =	vor.u32 v0, v2  }
0x56: {  	[tilespmem:$0x9C60] =	vst v2;
	v2 =	vshll.u32 v7, $0x1  }
0x57: {  	[tilespmem:$0x9DC0] =	vst v42;
	v2 =	vor.u32 v0, v2  }
0x58: {  	[tilespmem:$0x9C70] =	vst v2;
	v2 =	vshll.u32 v40, $0x1  }
0x59: {  	[tilespmem:$0x9DA0] =	vst v3;
	v2 =	vor.u32 v0, v2  }
0x5a: {  	[tilespmem:$0x9C80] =	vst v2  }
0x5b: {  	[tilespmem:s19], [sflag:$0x1] =	stream.indirect.gather [hbm4b:s1+s20], $0x40, s21, s20, $0xb8;
	[tilespmem:$0x18EC0] =	vst v63  }
0x5c: {  	v2 =	vld [tilespmem:$0x50]  }
0x5d: {  	v43 =	vld [tilespmem:$0x4E70]  }
0x5e: {  	v3 =	vld [tilespmem:$0x60]  }
0x5f: {  	v45 =	vld [tilespmem:$0x4E80]  }
0x60: {  	v44 =	vld [tilespmem:$0x70]  }
0x61: {  	v48 =	vld [tilespmem:$0x4EA0];
	v2 =	vshll.u32 v2, $0x1  }
0x62: {  	v46 =	vld [tilespmem:$0x80];
	[tilespmem:$0x9DD0] =	vst v43;
	v2 =	vor.u32 v0, v2  }
0x63: {  	v49 =	vld [tilespmem:$0x4EB0];
	[tilespmem:$0x9C90] =	vst v2;
	v2 =	vshll.u32 v3, $0x1  }
0x64: {  	v47 =	vld [tilespmem:$0x90];
	[tilespmem:$0x9DE0] =	vst v45;
	v2 =	vor.u32 v0, v2  }
0x65: {  	v3 =	vld [tilespmem:$0x4E90];
	[tilespmem:$0x9CA0] =	vst v2;
	v2 =	vshll.u32 v44, $0x1  }
0x66: {  	[tilespmem:$0x9E00] =	vst v48;
	v2 =	vor.u32 v0, v2  }
0x67: {  	[tilespmem:$0x9CB0] =	vst v2;
	v2 =	vshll.u32 v46, $0x1  }
0x68: {  	[tilespmem:$0x9E10] =	vst v49;
	v2 =	vor.u32 v0, v2  }
0x69: {  	[tilespmem:$0x9CC0] =	vst v2;
	v2 =	vshll.u32 v47, $0x1  }
0x6a: {  	[tilespmem:$0x9DF0] =	vst v3;
	v2 =	vor.u32 v0, v2  }
0x6b: {  	[tilespmem:$0x9CD0] =	vst v2  }
0x6c: {  	[tilespmem:s23], [sflag:$0x2] =	stream.indirect.gather [hbm4b:s1+s20], $0x40, s22, s20, $0xb8;
	[tilespmem:$0x18EC0] =	vst v63  }
0x6d: {  	_ =	swait.ge [sflag:s24], $0x1400  }
0x6e: {  	[sflag:s24] =	ssyncset.done $0x0  }
0x6f: {  	[sflag:s24] =	ssyncadd.s32 $0xFFFFEC00  }
0x70: {  	[spmem:s3] =	stream.indirect.scatter.add.f32 [tilespmem:s19], [sflag:$0x5], $0x40, s25, s20, $0xb8;
	[tilespmem:$0x18EC0] =	vst v63  }
0x71: {  	v2 =	vld [tilespmem:$0xA0]  }
0x72: {  	v50 =	vld [tilespmem:$0x4EC0]  }
0x73: {  	v3 =	vld [tilespmem:$0xB0]  }
0x74: {  	v52 =	vld [tilespmem:$0x4ED0]  }
0x75: {  	v51 =	vld [tilespmem:$0xC0]  }
0x76: {  	v55 =	vld [tilespmem:$0x4EF0];
	v2 =	vshll.u32 v2, $0x1  }
0x77: {  	v53 =	vld [tilespmem:$0xD0];
	[tilespmem:$0x9E20] =	vst v50;
	v2 =	vor.u32 v0, v2  }
0x78: {  	v56 =	vld [tilespmem:$0x4F00];
	[tilespmem:$0x9CE0] =	vst v2;
	v2 =	vshll.u32 v3, $0x1  }
0x79: {  	v54 =	vld [tilespmem:$0xE0];
	[tilespmem:$0x9E30] =	vst v52;
	v2 =	vor.u32 v0, v2  }
0x7a: {  	v3 =	vld [tilespmem:$0x4EE0];
	[tilespmem:$0x9CF0] =	vst v2;
	v2 =	vshll.u32 v51, $0x1  }
0x7b: {  	[tilespmem:$0x9E50] =	vst v55;
	v2 =	vor.u32 v0, v2  }
0x7c: {  	[tilespmem:$0x9D00] =	vst v2;
	v2 =	vshll.u32 v53, $0x1  }
0x7d: {  	[tilespmem:$0x9E60] =	vst v56;
	v2 =	vor.u32 v0, v2  }
0x7e: {  	[tilespmem:$0x9D10] =	vst v2;
	v2 =	vshll.u32 v54, $0x1  }
0x7f: {  	[tilespmem:$0x9E40] =	vst v3;
	v2 =	vor.u32 v0, v2  }
0x80: {  	[tilespmem:$0x9D20] =	vst v2  }
0x81: {  	[tilespmem:s28], [sflag:$0x3] =	stream.indirect.gather [hbm4b:s1+s20], $0x40, s26, s20, $0xb8;
	[tilespmem:$0x18EC0] =	vst v63  }
0x82: {  	_ =	swait.ge [sflag:s29], $0x1400  }
0x83: {  	[sflag:s29] =	ssyncset.done $0x0  }
0x84: {  	[sflag:s29] =	ssyncadd.s32 $0xFFFFEC00  }
0x85: {  	[spmem:s3] =	stream.indirect.scatter.add.f32 [tilespmem:s23], [sflag:$0x6], $0x40, s30, s20, $0xb8;
	[tilespmem:$0x18EC0] =	vst v63  }
0x86: {  	v2 =	vld [tilespmem:$0xF0]  }
0x87: {  	v57 =	vld [tilespmem:$0x4F10]  }
0x88: {  	v3 =	vld [tilespmem:$0x100]  }
0x89: {  	v59 =	vld [tilespmem:$0x4F20]  }
0x8a: {  	v58 =	vld [tilespmem:$0x110]  }
0x8b: {  	v62 =	vld [tilespmem:$0x4F40];
	v2 =	vshll.u32 v2, $0x1  }
0x8c: {  	v60 =	vld [tilespmem:$0x120];
	[tilespmem:$0x9E70] =	vst v57;
	v2 =	vor.u32 v0, v2  }
0x8d: {  	v63 =	vld [tilespmem:$0x4F50];
	[tilespmem:$0x9D30] =	vst v2;
	v2 =	vshll.u32 v3, $0x1  }
0x8e: {  	v61 =	vld [tilespmem:$0x130];
	[tilespmem:$0x9E80] =	vst v59;
	v2 =	vor.u32 v0, v2  }
0x8f: {  	v3 =	vld [tilespmem:$0x4F30];
	[tilespmem:$0x9D40] =	vst v2;
	v2 =	vshll.u32 v58, $0x1  }
0x90: {  	[tilespmem:$0x9EA0] =	vst v62;
	v2 =	vor.u32 v0, v2  }
0x91: {  	[tilespmem:$0x9D50] =	vst v2;
	v2 =	vshll.u32 v60, $0x1  }
0x92: {  	[tilespmem:$0x9EB0] =	vst v63;
	v2 =	vor.u32 v0, v2  }
0x93: {  	[tilespmem:$0x9D60] =	vst v2;
	v2 =	vshll.u32 v61, $0x1  }
0x94: {  	[tilespmem:$0x9E90] =	vst v3;
	v2 =	vor.u32 v0, v2  }
0x95: {  	[tilespmem:$0x9D70] =	vst v2  }
0x96: {  	[tilespmem:s2], [sflag:$0x4] =	stream.indirect.gather [hbm4b:s1+s20], $0x40, s31, s20, $0xb8;
	[tilespmem:$0x18EC0] =	vst v63  }
0x97: {  	_ =	swait.ge [sflag:s18], $0x1400  }
0x98: {  	[sflag:s18] =	ssyncset.done $0x0  }
0x99: {  	s13 =	simm.s32 $0x9C0;
	[sflag:s18] =	ssyncadd.s32 $0xFFFFEC00  }
0x9a: {  	[spmem:s3] =	stream.indirect.scatter.add.f32 [tilespmem:s28], [sflag:$0x7], $0x40, s0, s20, $0xb8;
	[tilespmem:$0x18EC0] =	vst v63  }
.LBB2_4:
0x9b: {  	_ =	swait.ge [sflag:s5], $0x1400  }
0x9c: {  	[sflag:s5] =	ssyncset.done $0x0  }
0x9d: {  	s14 =	sshra.s32 s13, $0x2;
	[sflag:s5] =	ssyncadd.s32 $0xFFFFEC00  }
0x9e: {  	v2 =	vld [tilespmem:s14+$0xFFFFFED0];
	_ =	sdelay $0x4  }
0x9f: {  	v2 =	vshll.u32 v2, $0x1  }
0xa0: {  	v2 =	vor.u32 v0, v2  }
0xa1: {  	[tilespmem:$0x9C40] =	vst v2  }
0xa2: {  	v2 =	vld [tilespmem:s14+$0x4CF0];
	_ =	sdelay $0x4  }
0xa3: {  	[tilespmem:$0x9D80] =	vst v2  }
0xa4: {  	v2 =	vld [tilespmem:s14+$0xFFFFFEE0];
	_ =	sdelay $0x4  }
0xa5: {  	v2 =	vshll.u32 v2, $0x1  }
0xa6: {  	v2 =	vor.u32 v0, v2  }
0xa7: {  	[tilespmem:$0x9C50] =	vst v2  }
0xa8: {  	v2 =	vld [tilespmem:s14+$0x4D00];
	_ =	sdelay $0x4  }
0xa9: {  	[tilespmem:$0x9D90] =	vst v2  }
0xaa: {  	v2 =	vld [tilespmem:s14+$0xFFFFFEF0];
	_ =	sdelay $0x4  }
0xab: {  	v2 =	vshll.u32 v2, $0x1  }
0xac: {  	v2 =	vor.u32 v0, v2  }
0xad: {  	[tilespmem:$0x9C60] =	vst v2  }
0xae: {  	v2 =	vld [tilespmem:s14+$0x4D10];
	_ =	sdelay $0x4  }
0xaf: {  	[tilespmem:$0x9DA0] =	vst v2  }
0xb0: {  	v2 =	vld [tilespmem:s14+$0xFFFFFF00];
	_ =	sdelay $0x4  }
0xb1: {  	v2 =	vshll.u32 v2, $0x1  }
0xb2: {  	v2 =	vor.u32 v0, v2  }
0xb3: {  	[tilespmem:$0x9C70] =	vst v2  }
0xb4: {  	v2 =	vld [tilespmem:s14+$0x4D20];
	_ =	sdelay $0x4  }
0xb5: {  	[tilespmem:$0x9DB0] =	vst v2  }
0xb6: {  	v2 =	vld [tilespmem:s14+$0xFFFFFF10];
	_ =	sdelay $0x4  }
0xb7: {  	v2 =	vshll.u32 v2, $0x1  }
0xb8: {  	v2 =	vor.u32 v0, v2  }
0xb9: {  	[tilespmem:$0x9C80] =	vst v2  }
0xba: {  	v2 =	vld [tilespmem:s14+$0x4D30];
	_ =	sdelay $0x4  }
0xbb: {  	[tilespmem:$0x9DC0] =	vst v2  }
0xbc: {  	[tilespmem:s19], [sflag:$0x1] =	stream.indirect.gather [hbm4b:s1+s20], $0x40, s21, s20, $0xb8;
	[tilespmem:$0x18EC0] =	vst v63  }
0xbd: {  	_ =	swait.ge [sflag:s6], $0x1400  }
0xbe: {  	[sflag:s6] =	ssyncset.done $0x0  }
0xbf: {  	[sflag:s6] =	ssyncadd.s32 $0xFFFFEC00  }
0xc0: {  	[spmem:s3] =	stream.indirect.scatter.add.f32 [tilespmem:s2], [sflag:$0x8], $0x40, s8, s20, $0xb8;
	[tilespmem:$0x18EC0] =	vst v63  }
0xc1: {  	_ =	swait.ge [sflag:s9], $0x1400  }
0xc2: {  	[sflag:s9] =	ssyncset.done $0x0  }
0xc3: {  	[sflag:s9] =	ssyncadd.s32 $0xFFFFEC00  }
0xc4: {  	v2 =	vld [tilespmem:s14+$0xFFFFFF20];
	_ =	sdelay $0x4  }
0xc5: {  	v2 =	vshll.u32 v2, $0x1  }
0xc6: {  	v2 =	vor.u32 v0, v2  }
0xc7: {  	[tilespmem:$0x9C90] =	vst v2  }
0xc8: {  	v2 =	vld [tilespmem:s14+$0x4D40];
	_ =	sdelay $0x4  }
0xc9: {  	[tilespmem:$0x9DD0] =	vst v2  }
0xca: {  	v2 =	vld [tilespmem:s14+$0xFFFFFF30];
	_ =	sdelay $0x4  }
0xcb: {  	v2 =	vshll.u32 v2, $0x1  }
0xcc: {  	v2 =	vor.u32 v0, v2  }
0xcd: {  	[tilespmem:$0x9CA0] =	vst v2  }
0xce: {  	v2 =	vld [tilespmem:s14+$0x4D50];
	_ =	sdelay $0x4  }
0xcf: {  	[tilespmem:$0x9DE0] =	vst v2  }
0xd0: {  	v2 =	vld [tilespmem:s14+$0xFFFFFF40];
	_ =	sdelay $0x4  }
0xd1: {  	v2 =	vshll.u32 v2, $0x1  }
0xd2: {  	v2 =	vor.u32 v0, v2  }
0xd3: {  	[tilespmem:$0x9CB0] =	vst v2  }
0xd4: {  	v2 =	vld [tilespmem:s14+$0x4D60];
	_ =	sdelay $0x4  }
0xd5: {  	[tilespmem:$0x9DF0] =	vst v2  }
0xd6: {  	v2 =	vld [tilespmem:s14+$0xFFFFFF50];
	_ =	sdelay $0x4  }
0xd7: {  	v2 =	vshll.u32 v2, $0x1  }
0xd8: {  	v2 =	vor.u32 v0, v2  }
0xd9: {  	[tilespmem:$0x9CC0] =	vst v2  }
0xda: {  	v2 =	vld [tilespmem:s14+$0x4D70];
	_ =	sdelay $0x4  }
0xdb: {  	[tilespmem:$0x9E00] =	vst v2  }
0xdc: {  	v2 =	vld [tilespmem:s14+$0xFFFFFF60];
	_ =	sdelay $0x4  }
0xdd: {  	v2 =	vshll.u32 v2, $0x1  }
0xde: {  	v2 =	vor.u32 v0, v2  }
0xdf: {  	[tilespmem:$0x9CD0] =	vst v2  }
0xe0: {  	v2 =	vld [tilespmem:s14+$0x4D80];
	_ =	sdelay $0x4  }
0xe1: {  	[tilespmem:$0x9E10] =	vst v2  }
0xe2: {  	[tilespmem:s23], [sflag:$0x2] =	stream.indirect.gather [hbm4b:s1+s20], $0x40, s22, s20, $0xb8;
	[tilespmem:$0x18EC0] =	vst v63  }
0xe3: {  	_ =	swait.ge [sflag:s24], $0x1400  }
0xe4: {  	[sflag:s24] =	ssyncset.done $0x0  }
0xe5: {  	[sflag:s24] =	ssyncadd.s32 $0xFFFFEC00  }
0xe6: {  	[spmem:s3] =	stream.indirect.scatter.add.f32 [tilespmem:s19], [sflag:$0x5], $0x40, s25, s20, $0xb8;
	[tilespmem:$0x18EC0] =	vst v63  }
0xe7: {  	_ =	swait.ge [sflag:s10], $0x1400  }
0xe8: {  	[sflag:s10] =	ssyncset.done $0x0  }
0xe9: {  	[sflag:s10] =	ssyncadd.s32 $0xFFFFEC00  }
0xea: {  	v2 =	vld [tilespmem:s14+$0xFFFFFF70];
	_ =	sdelay $0x4  }
0xeb: {  	v2 =	vshll.u32 v2, $0x1  }
0xec: {  	v2 =	vor.u32 v0, v2  }
0xed: {  	[tilespmem:$0x9CE0] =	vst v2  }
0xee: {  	v2 =	vld [tilespmem:s14+$0x4D90];
	_ =	sdelay $0x4  }
0xef: {  	[tilespmem:$0x9E20] =	vst v2  }
0xf0: {  	v2 =	vld [tilespmem:s14+$0xFFFFFF80];
	_ =	sdelay $0x4  }
0xf1: {  	v2 =	vshll.u32 v2, $0x1  }
0xf2: {  	v2 =	vor.u32 v0, v2  }
0xf3: {  	[tilespmem:$0x9CF0] =	vst v2  }
0xf4: {  	v2 =	vld [tilespmem:s14+$0x4DA0];
	_ =	sdelay $0x4  }
0xf5: {  	[tilespmem:$0x9E30] =	vst v2  }
0xf6: {  	v2 =	vld [tilespmem:s14+$0xFFFFFF90];
	_ =	sdelay $0x4  }
0xf7: {  	v2 =	vshll.u32 v2, $0x1  }
0xf8: {  	v2 =	vor.u32 v0, v2  }
0xf9: {  	[tilespmem:$0x9D00] =	vst v2  }
0xfa: {  	v2 =	vld [tilespmem:s14+$0x4DB0];
	_ =	sdelay $0x4  }
0xfb: {  	[tilespmem:$0x9E40] =	vst v2  }
0xfc: {  	v2 =	vld [tilespmem:s14+$0xFFFFFFA0];
	_ =	sdelay $0x4  }
0xfd: {  	v2 =	vshll.u32 v2, $0x1  }
0xfe: {  	v2 =	vor.u32 v0, v2  }
0xff: {  	[tilespmem:$0x9D10] =	vst v2  }
0x100: {  	v2 =	vld [tilespmem:s14+$0x4DC0];
	_ =	sdelay $0x4  }
0x101: {  	[tilespmem:$0x9E50] =	vst v2  }
0x102: {  	v2 =	vld [tilespmem:s14+$0xFFFFFFB0];
	_ =	sdelay $0x4  }
0x103: {  	v2 =	vshll.u32 v2, $0x1  }
0x104: {  	v2 =	vor.u32 v0, v2  }
0x105: {  	[tilespmem:$0x9D20] =	vst v2  }
0x106: {  	v2 =	vld [tilespmem:s14+$0x4DD0];
	_ =	sdelay $0x4  }
0x107: {  	[tilespmem:$0x9E60] =	vst v2  }
0x108: {  	[tilespmem:s28], [sflag:$0x3] =	stream.indirect.gather [hbm4b:s1+s20], $0x40, s26, s20, $0xb8;
	[tilespmem:$0x18EC0] =	vst v63  }
0x109: {  	_ =	swait.ge [sflag:s29], $0x1400  }
0x10a: {  	[sflag:s29] =	ssyncset.done $0x0  }
0x10b: {  	[sflag:s29] =	ssyncadd.s32 $0xFFFFEC00  }
0x10c: {  	[spmem:s3] =	stream.indirect.scatter.add.f32 [tilespmem:s23], [sflag:$0x6], $0x40, s30, s20, $0xb8;
	[tilespmem:$0x18EC0] =	vst v63  }
0x10d: {  	_ =	swait.ge [sflag:s11], $0x1400  }
0x10e: {  	[sflag:s11] =	ssyncset.done $0x0  }
0x10f: {  	[sflag:s11] =	ssyncadd.s32 $0xFFFFEC00  }
0x110: {  	v2 =	vld [tilespmem:s14+$0xFFFFFFC0];
	_ =	sdelay $0x4  }
0x111: {  	v2 =	vshll.u32 v2, $0x1  }
0x112: {  	v2 =	vor.u32 v0, v2  }
0x113: {  	[tilespmem:$0x9D30] =	vst v2  }
0x114: {  	v2 =	vld [tilespmem:s14+$0x4DE0];
	_ =	sdelay $0x4  }
0x115: {  	[tilespmem:$0x9E70] =	vst v2  }
0x116: {  	v2 =	vld [tilespmem:s14+$0xFFFFFFD0];
	_ =	sdelay $0x4  }
0x117: {  	v2 =	vshll.u32 v2, $0x1  }
0x118: {  	v2 =	vor.u32 v0, v2  }
0x119: {  	[tilespmem:$0x9D40] =	vst v2  }
0x11a: {  	v2 =	vld [tilespmem:s14+$0x4DF0];
	_ =	sdelay $0x4  }
0x11b: {  	[tilespmem:$0x9E80] =	vst v2  }
0x11c: {  	v2 =	vld [tilespmem:s14+$0xFFFFFFE0];
	_ =	sdelay $0x4  }
0x11d: {  	v2 =	vshll.u32 v2, $0x1  }
0x11e: {  	v2 =	vor.u32 v0, v2  }
0x11f: {  	[tilespmem:$0x9D50] =	vst v2  }
0x120: {  	v2 =	vld [tilespmem:s14+$0x4E00];
	_ =	sdelay $0x4  }
0x121: {  	[tilespmem:$0x9E90] =	vst v2  }
0x122: {  	v2 =	vld [tilespmem:s14+$0xFFFFFFF0];
	_ =	sdelay $0x4  }
0x123: {  	v2 =	vshll.u32 v2, $0x1  }
0x124: {  	v2 =	vor.u32 v0, v2  }
0x125: {  	[tilespmem:$0x9D60] =	vst v2  }
0x126: {  	v2 =	vld [tilespmem:s14+$0x4E10];
	_ =	sdelay $0x4  }
0x127: {  	[tilespmem:$0x9EA0] =	vst v2  }
0x128: {  	v2 =	vld [tilespmem:s14+$0x0];
	_ =	sdelay $0x4  }
0x129: {  	v2 =	vshll.u32 v2, $0x1  }
0x12a: {  	v2 =	vor.u32 v0, v2  }
0x12b: {  	[tilespmem:$0x9D70] =	vst v2  }
0x12c: {  	v2 =	vld [tilespmem:s14+$0x4E20];
	_ =	sdelay $0x4  }
0x12d: {  	p0 =	sne.s32 s13, $0x130C0;
	[tilespmem:$0x9EB0] =	vst v2  }
0x12e: {  	[tilespmem:s2], [sflag:$0x4] =	stream.indirect.gather [hbm4b:s1+s20], $0x40, s31, s20, $0xb8;
	[tilespmem:$0x18EC0] =	vst v63  }
.Ltmp1:
0x12f: {  	_ = 	snop;
	(pc) =	sbr.rel @p0 .LBB2_4-.Ltmp1, $4  }
0x130: {  	_ =	swait.ge [sflag:s18], $0x1400  }
0x131: {  	[sflag:s18] =	ssyncset.done $0x0  }
0x132: {  	s13 =	sadd.s32 $0x500, s13;
	[sflag:s18] =	ssyncadd.s32 $0xFFFFEC00  }
0x133: {  	[spmem:s3] =	stream.indirect.scatter.add.f32 [tilespmem:s28], [sflag:$0x7], $0x40, s0, s20, $0xb8;
	[tilespmem:$0x18EC0] =	vst v63  }
0x134: {  	_ =	swait.ge [sflag:s5], $0x1400  }
0x135: {  	[sflag:s5] =	ssyncset.done $0x0  }
0x136: {  	[sflag:s5] =	ssyncadd.s32 $0xFFFFEC00  }
0x137: {  	v2 =	vld [tilespmem:$0x4C40]  }
0x138: {  	v4 =	vld [tilespmem:$0x9A60]  }
0x139: {  	v3 =	vld [tilespmem:$0x4C50]  }
0x13a: {  	v6 =	vld [tilespmem:$0x9A70]  }
0x13b: {  	v5 =	vld [tilespmem:$0x4C60]  }
0x13c: {  	v27 =	vld [tilespmem:$0x9A90];
	v2 =	vshll.u32 v2, $0x1  }
0x13d: {  	v7 =	vld [tilespmem:$0x4C70];
	[tilespmem:$0x9D80] =	vst v4;
	v2 =	vor.u32 v0, v2  }
0x13e: {  	v28 =	vld [tilespmem:$0x9AA0];
	[tilespmem:$0x9C40] =	vst v2;
	v2 =	vshll.u32 v3, $0x1  }
0x13f: {  	v26 =	vld [tilespmem:$0x4C80];
	[tilespmem:$0x9D90] =	vst v6;
	v2 =	vor.u32 v0, v2  }
0x140: {  	v3 =	vld [tilespmem:$0x9A80];
	[tilespmem:$0x9C50] =	vst v2;
	v2 =	vshll.u32 v5, $0x1  }
0x141: {  	[tilespmem:$0x9DB0] =	vst v27;
	v2 =	vor.u32 v0, v2  }
0x142: {  	[tilespmem:$0x9C60] =	vst v2;
	v2 =	vshll.u32 v7, $0x1  }
0x143: {  	[tilespmem:$0x9DC0] =	vst v28;
	v2 =	vor.u32 v0, v2  }
0x144: {  	[tilespmem:$0x9C70] =	vst v2;
	v2 =	vshll.u32 v26, $0x1  }
0x145: {  	[tilespmem:$0x9DA0] =	vst v3;
	v2 =	vor.u32 v0, v2  }
0x146: {  	[tilespmem:$0x9C80] =	vst v2  }
0x147: {  	[tilespmem:s19], [sflag:$0x1] =	stream.indirect.gather [hbm4b:s1+s20], $0x40, s21, s20, $0xb8;
	[tilespmem:$0x18EC0] =	vst v63  }
0x148: {  	_ =	swait.ge [sflag:s6], $0x1400  }
0x149: {  	[sflag:s6] =	ssyncset.done $0x0  }
0x14a: {  	[sflag:s6] =	ssyncadd.s32 $0xFFFFEC00  }
0x14b: {  	[spmem:s3] =	stream.indirect.scatter.add.f32 [tilespmem:s2], [sflag:$0x8], $0x40, s8, s20, $0xb8;
	[tilespmem:$0x18EC0] =	vst v63  }
0x14c: {  	_ =	swait.ge [sflag:s9], $0x1400  }
0x14d: {  	[sflag:s9] =	ssyncset.done $0x0  }
0x14e: {  	[sflag:s9] =	ssyncadd.s32 $0xFFFFEC00  }
0x14f: {  	v2 =	vld [tilespmem:$0x4C90]  }
0x150: {  	v29 =	vld [tilespmem:$0x9AB0]  }
0x151: {  	v3 =	vld [tilespmem:$0x4CA0]  }
0x152: {  	v31 =	vld [tilespmem:$0x9AC0]  }
0x153: {  	v30 =	vld [tilespmem:$0x4CB0]  }
0x154: {  	v34 =	vld [tilespmem:$0x9AE0];
	v2 =	vshll.u32 v2, $0x1  }
0x155: {  	v32 =	vld [tilespmem:$0x4CC0];
	[tilespmem:$0x9DD0] =	vst v29;
	v2 =	vor.u32 v0, v2  }
0x156: {  	v35 =	vld [tilespmem:$0x9AF0];
	[tilespmem:$0x9C90] =	vst v2;
	v2 =	vshll.u32 v3, $0x1  }
0x157: {  	v33 =	vld [tilespmem:$0x4CD0];
	[tilespmem:$0x9DE0] =	vst v31;
	v2 =	vor.u32 v0, v2  }
0x158: {  	v3 =	vld [tilespmem:$0x9AD0];
	[tilespmem:$0x9CA0] =	vst v2;
	v2 =	vshll.u32 v30, $0x1  }
0x159: {  	[tilespmem:$0x9E00] =	vst v34;
	v2 =	vor.u32 v0, v2  }
0x15a: {  	[tilespmem:$0x9CB0] =	vst v2;
	v2 =	vshll.u32 v32, $0x1  }
0x15b: {  	[tilespmem:$0x9E10] =	vst v35;
	v2 =	vor.u32 v0, v2  }
0x15c: {  	[tilespmem:$0x9CC0] =	vst v2;
	v2 =	vshll.u32 v33, $0x1  }
0x15d: {  	[tilespmem:$0x9DF0] =	vst v3;
	v2 =	vor.u32 v0, v2  }
0x15e: {  	[tilespmem:$0x9CD0] =	vst v2  }
0x15f: {  	[tilespmem:s23], [sflag:$0x2] =	stream.indirect.gather [hbm4b:s1+s20], $0x40, s22, s20, $0xb8;
	[tilespmem:$0x18EC0] =	vst v63  }
0x160: {  	_ =	swait.ge [sflag:s24], $0x1400  }
0x161: {  	[sflag:s24] =	ssyncset.done $0x0  }
0x162: {  	[sflag:s24] =	ssyncadd.s32 $0xFFFFEC00  }
0x163: {  	[spmem:s3] =	stream.indirect.scatter.add.f32 [tilespmem:s19], [sflag:$0x5], $0x40, s25, s20, $0xb8;
	[tilespmem:$0x18EC0] =	vst v63  }
0x164: {  	_ =	swait.ge [sflag:s10], $0x1400  }
0x165: {  	[sflag:s10] =	ssyncset.done $0x0  }
0x166: {  	[sflag:s10] =	ssyncadd.s32 $0xFFFFEC00  }
0x167: {  	v2 =	vld [tilespmem:$0x4CE0]  }
0x168: {  	v36 =	vld [tilespmem:$0x9B00]  }
0x169: {  	v3 =	vld [tilespmem:$0x4CF0]  }
0x16a: {  	v38 =	vld [tilespmem:$0x9B10]  }
0x16b: {  	v37 =	vld [tilespmem:$0x4D00]  }
0x16c: {  	v41 =	vld [tilespmem:$0x9B30];
	v2 =	vshll.u32 v2, $0x1  }
0x16d: {  	v39 =	vld [tilespmem:$0x4D10];
	[tilespmem:$0x9E20] =	vst v36;
	v2 =	vor.u32 v0, v2  }
0x16e: {  	v42 =	vld [tilespmem:$0x9B40];
	[tilespmem:$0x9CE0] =	vst v2;
	v2 =	vshll.u32 v3, $0x1  }
0x16f: {  	v40 =	vld [tilespmem:$0x4D20];
	[tilespmem:$0x9E30] =	vst v38;
	v2 =	vor.u32 v0, v2  }
0x170: {  	v3 =	vld [tilespmem:$0x9B20];
	[tilespmem:$0x9CF0] =	vst v2;
	v2 =	vshll.u32 v37, $0x1  }
0x171: {  	[tilespmem:$0x9E50] =	vst v41;
	v2 =	vor.u32 v0, v2  }
0x172: {  	[tilespmem:$0x9D00] =	vst v2;
	v2 =	vshll.u32 v39, $0x1  }
0x173: {  	[tilespmem:$0x9E60] =	vst v42;
	v2 =	vor.u32 v0, v2  }
0x174: {  	[tilespmem:$0x9D10] =	vst v2;
	v2 =	vshll.u32 v40, $0x1  }
0x175: {  	[tilespmem:$0x9E40] =	vst v3;
	v2 =	vor.u32 v0, v2  }
0x176: {  	[tilespmem:$0x9D20] =	vst v2  }
0x177: {  	[tilespmem:s28], [sflag:$0x3] =	stream.indirect.gather [hbm4b:s1+s20], $0x40, s26, s20, $0xb8;
	[tilespmem:$0x18EC0] =	vst v63  }
0x178: {  	_ =	swait.ge [sflag:s29], $0x1400  }
0x179: {  	[sflag:s29] =	ssyncset.done $0x0  }
0x17a: {  	[sflag:s29] =	ssyncadd.s32 $0xFFFFEC00  }
0x17b: {  	[spmem:s3] =	stream.indirect.scatter.add.f32 [tilespmem:s23], [sflag:$0x6], $0x40, s30, s20, $0xb8;
	[tilespmem:$0x18EC0] =	vst v63  }
0x17c: {  	_ =	swait.ge [sflag:s11], $0x1400  }
0x17d: {  	[sflag:s11] =	ssyncset.done $0x0  }
0x17e: {  	[sflag:s11] =	ssyncadd.s32 $0xFFFFEC00  }
0x17f: {  	v2 =	vld [tilespmem:$0x4D30]  }
0x180: {  	v43 =	vld [tilespmem:$0x9B50]  }
0x181: {  	v3 =	vld [tilespmem:$0x4D40]  }
0x182: {  	v45 =	vld [tilespmem:$0x9B60]  }
0x183: {  	v44 =	vld [tilespmem:$0x4D50]  }
0x184: {  	v48 =	vld [tilespmem:$0x9B80];
	v2 =	vshll.u32 v2, $0x1  }
0x185: {  	v46 =	vld [tilespmem:$0x4D60];
	[tilespmem:$0x9E70] =	vst v43;
	v2 =	vor.u32 v0, v2  }
0x186: {  	v49 =	vld [tilespmem:$0x9B90];
	[tilespmem:$0x9D30] =	vst v2;
	v2 =	vshll.u32 v3, $0x1  }
0x187: {  	v47 =	vld [tilespmem:$0x4D70];
	[tilespmem:$0x9E80] =	vst v45;
	v2 =	vor.u32 v0, v2  }
0x188: {  	v3 =	vld [tilespmem:$0x9B70];
	[tilespmem:$0x9D40] =	vst v2;
	v2 =	vshll.u32 v44, $0x1  }
0x189: {  	[tilespmem:$0x9EA0] =	vst v48;
	v2 =	vor.u32 v0, v2  }
0x18a: {  	[tilespmem:$0x9D50] =	vst v2;
	v2 =	vshll.u32 v46, $0x1  }
0x18b: {  	[tilespmem:$0x9EB0] =	vst v49;
	v2 =	vor.u32 v0, v2  }
0x18c: {  	[tilespmem:$0x9D60] =	vst v2;
	v2 =	vshll.u32 v47, $0x1  }
0x18d: {  	[tilespmem:$0x9E90] =	vst v3;
	v2 =	vor.u32 v0, v2  }
0x18e: {  	[tilespmem:$0x9D70] =	vst v2  }
0x18f: {  	[tilespmem:s2], [sflag:$0x4] =	stream.indirect.gather [hbm4b:s1+s20], $0x40, s31, s20, $0xb8;
	[tilespmem:$0x18EC0] =	vst v63  }
0x190: {  	_ =	swait.ge [sflag:s18], $0x1400  }
0x191: {  	[sflag:s18] =	ssyncset.done $0x0  }
0x192: {  	[sflag:s18] =	ssyncadd.s32 $0xFFFFEC00  }
0x193: {  	[spmem:s3] =	stream.indirect.scatter.add.f32 [tilespmem:s28], [sflag:$0x7], $0x40, s0, s20, $0xb8;
	[tilespmem:$0x18EC0] =	vst v63  }
0x194: {  	_ =	swait.ge [sflag:s5], $0x1400  }
0x195: {  	[sflag:s5] =	ssyncset.done $0x0  }
0x196: {  	[sflag:s5] =	ssyncadd.s32 $0xFFFFEC00  }
0x197: {  	v2 =	vld [tilespmem:$0x4D80]  }
0x198: {  	v50 =	vld [tilespmem:$0x9BA0]  }
0x199: {  	v3 =	vld [tilespmem:$0x4D90]  }
0x19a: {  	v52 =	vld [tilespmem:$0x9BB0]  }
0x19b: {  	v51 =	vld [tilespmem:$0x4DA0]  }
0x19c: {  	v55 =	vld [tilespmem:$0x9BD0];
	v2 =	vshll.u32 v2, $0x1  }
0x19d: {  	v53 =	vld [tilespmem:$0x4DB0];
	[tilespmem:$0x9D80] =	vst v50;
	v2 =	vor.u32 v0, v2  }
0x19e: {  	v56 =	vld [tilespmem:$0x9BE0];
	[tilespmem:$0x9C40] =	vst v2;
	v2 =	vshll.u32 v3, $0x1  }
0x19f: {  	v54 =	vld [tilespmem:$0x4DC0];
	[tilespmem:$0x9D90] =	vst v52;
	v2 =	vor.u32 v0, v2  }
0x1a0: {  	v3 =	vld [tilespmem:$0x9BC0];
	[tilespmem:$0x9C50] =	vst v2;
	v2 =	vshll.u32 v51, $0x1  }
0x1a1: {  	[tilespmem:$0x9DB0] =	vst v55;
	v2 =	vor.u32 v0, v2  }
0x1a2: {  	[tilespmem:$0x9C60] =	vst v2;
	v2 =	vshll.u32 v53, $0x1  }
0x1a3: {  	[tilespmem:$0x9DC0] =	vst v56;
	v2 =	vor.u32 v0, v2  }
0x1a4: {  	[tilespmem:$0x9C70] =	vst v2;
	v2 =	vshll.u32 v54, $0x1  }
0x1a5: {  	[tilespmem:$0x9DA0] =	vst v3;
	v2 =	vor.u32 v0, v2  }
0x1a6: {  	[tilespmem:$0x9C80] =	vst v2  }
0x1a7: {  	[tilespmem:s19], [sflag:$0x1] =	stream.indirect.gather [hbm4b:s1+s20], $0x40, s21, s20, $0xb8;
	[tilespmem:$0x18EC0] =	vst v63  }
0x1a8: {  	_ =	swait.ge [sflag:s6], $0x1400  }
0x1a9: {  	[sflag:s6] =	ssyncset.done $0x0  }
0x1aa: {  	[sflag:s6] =	ssyncadd.s32 $0xFFFFEC00  }
0x1ab: {  	[spmem:s3] =	stream.indirect.scatter.add.f32 [tilespmem:s2], [sflag:$0x8], $0x40, s8, s20, $0xb8;
	[tilespmem:$0x18EC0] =	vst v63  }
0x1ac: {  	_ =	swait.ge [sflag:s9], $0x1400  }
0x1ad: {  	[sflag:s9] =	ssyncset.done $0x0  }
0x1ae: {  	[sflag:s9] =	ssyncadd.s32 $0xFFFFEC00  }
0x1af: {  	v2 =	vld [tilespmem:$0x4DD0]  }
0x1b0: {  	v57 =	vld [tilespmem:$0x9BF0]  }
0x1b1: {  	v3 =	vld [tilespmem:$0x4DE0]  }
0x1b2: {  	v59 =	vld [tilespmem:$0x9C00]  }
0x1b3: {  	v58 =	vld [tilespmem:$0x4DF0]  }
0x1b4: {  	v62 =	vld [tilespmem:$0x9C20];
	v2 =	vshll.u32 v2, $0x1  }
0x1b5: {  	v60 =	vld [tilespmem:$0x4E00];
	[tilespmem:$0x9DD0] =	vst v57;
	v2 =	vor.u32 v0, v2  }
0x1b6: {  	v63 =	vld [tilespmem:$0x9C30];
	[tilespmem:$0x9C90] =	vst v2;
	v2 =	vshll.u32 v3, $0x1  }
0x1b7: {  	v61 =	vld [tilespmem:$0x4E10];
	[tilespmem:$0x9DE0] =	vst v59;
	v2 =	vor.u32 v0, v2  }
0x1b8: {  	v3 =	vld [tilespmem:$0x9C10];
	[tilespmem:$0x9CA0] =	vst v2;
	v2 =	vshll.u32 v58, $0x1  }
0x1b9: {  	[tilespmem:$0x9E00] =	vst v62;
	v2 =	vor.u32 v0, v2  }
0x1ba: {  	[tilespmem:$0x9CB0] =	vst v2;
	v2 =	vshll.u32 v60, $0x1  }
0x1bb: {  	[tilespmem:$0x9E10] =	vst v63;
	v2 =	vor.u32 v0, v2  }
0x1bc: {  	[tilespmem:$0x9CC0] =	vst v2;
	v2 =	vshll.u32 v61, $0x1  }
0x1bd: {  	[tilespmem:$0x9DF0] =	vst v3;
	v2 =	vor.u32 v0, v2  }
0x1be: {  	[tilespmem:$0x9CD0] =	vst v2  }
0x1bf: {  	[tilespmem:s23], [sflag:$0x2] =	stream.indirect.gather [hbm4b:s1+s20], $0x40, s22, s20, $0xb8;
	[tilespmem:$0x18EC0] =	vst v63  }
0x1c0: {  	_ =	swait.ge [sflag:s24], $0x1400  }
0x1c1: {  	[sflag:s24] =	ssyncset.done $0x0  }
0x1c2: {  	[sflag:s24] =	ssyncadd.s32 $0xFFFFEC00  }
0x1c3: {  	[spmem:s3] =	stream.indirect.scatter.add.f32 [tilespmem:s19], [sflag:$0x5], $0x40, s25, s20, $0xb8;
	[tilespmem:$0x18EC0] =	vst v63  }
0x1c4: {  	_ =	swait.ge [sflag:s29], $0x1400  }
0x1c5: {  	[sflag:s29] =	ssyncset.done $0x0  }
0x1c6: {  	[sflag:s29] =	ssyncadd.s32 $0xFFFFEC00  }
0x1c7: {  	[spmem:s3] =	stream.indirect.scatter.add.f32 [tilespmem:s23], [sflag:$0x6], $0x40, s30, s20, $0xb8;
	[tilespmem:$0x18EC0] =	vst v63  }
0x1c8: {  	_ =	swait.ge [sflag:s5], $0x1400  }
0x1c9: {  	[sflag:s5] =	ssyncset.done $0x0  }
0x1ca: {  	[sflag:s5] =	ssyncadd.s32 $0xFFFFEC00  }
0x1cb: {  	_ =	swait.ge [sflag:s9], $0x1400  }
0x1cc: {  	[sflag:s9] =	ssyncset.done $0x0  }
0x1cd: {  	[sflag:s9] =	ssyncadd.s32 $0xFFFFEC00  }
0x1ce: {  	_ =	swait.ge [sflag:s10], $0x1400  }
0x1cf: {  	[sflag:s10] =	ssyncset.done $0x0  }
0x1d0: {  	[sflag:s10] =	ssyncadd.s32 $0xFFFFEC00  }
0x1d1: {  	_ =	swait.ge [sflag:s11], $0x1400  }
0x1d2: {  	[sflag:s11] =	ssyncset.done $0x0  }
0x1d3: {  	s13 =	stileid.u32;
	[sflag:s11] =	ssyncadd.s32 $0xFFFFEC00  }
0x1d4: {  	s13 =	sshll.u32 s13, $0x6;
	[bflag:$0x0] =	sbarrier.arrive $0xFFFF  }
0x1d5: {  	s14 =	sshrl.u32 s7, $0x3;
	s13 =	sor.u32 $0x1C09, s13;
	s15 =	rddreg [dreg:$0xd]  }
0x1d6: {  	[hbm:s15], [sflag:s13] =	dma.local [spmem:s14], $0x1400  }
0x1d7: {  	_ =	swait.ge [sflag:s17], $0x1400  }
0x1d8: {  	s12 =	sadd.s32 $0x1, s12;
	s16 =	rddreg [dreg:$0xe]  }
0x1d9: {  	p0 =	sne.s32 s12, s16  }
.Ltmp2:
0x1da: {  	_ = 	snop;
	(pc) =	sbr.rel @p0 .LBB2_1-.Ltmp2, $3  }
0x1db: {  	_ =	sdelay $0x1  }
0x1dc: {  	[sflag:s17] =	ssyncset.done $0x0  }
0x1dd: {  	[sflag:s17] =	ssyncadd.s32 $0xFFFFEC00  }
0x1de: {  	_ =	sfence.sel $0x180000  }
0x1df: {  	[bflag:$0x0] =	sbarrier.arrive $0xFFFF  }
0x1e0: {  	_ =	strace $0x90000047  }
0x1e1: {  	s0 =	stileid.u32;
	[bflag:$0x2] =	sbarrier.arrive $0xFFFF  }
0x1e2: {  	p0 =	sne.s32 s0, $0x0;
	s0 =	rddreg [dreg:$0x3]  }
0x1e3: {  	s0 =	sadd.s32 @!p0 $0x100000, s0  }
0x1e4: {  	[sflag:s0] =	ssyncadd.tile.s32 @!p0 $0x1;
	_ =	shalt  }
.Lfunc_end2:
_tile_overlayer_lowered:
.L_overlay_start_2:
0x1e5: {  	(tag) =	ssettag $0x2  }
0x1e6: {  	s0 =	rddreg [dreg:$0x0];
	s2 =	stileid.u32  }
0x1e7: {  	s1 =	rddreg [dreg:$0x1];
	p0 =	sne.s32 s2, $0x0  }
0x1e8: {  	s3 =	rddreg [dreg:$0x2];
	[bflag:$0x3] =	sbarrier.arrive $0xFFFF;
	s2 =	simm.s32 @!p0 $0x1C09  }
0x1e9: {  	[timem:s3], [sflag:s2] =	dma.local @!p0 [hbm:s0], s1  }
0x1ea: {  	s0 =	simm.s32 @!p0 $0x9  }
0x1eb: {  	_ =	swait.ge @!p0 [sflag:s0], s1  }
0x1ec: {  	s1 =	ssub.s32 @!p0 $0x0, s1;
	[sflag:s0] =	ssyncset.done @!p0 $0x0  }
0x1ed: {  	[sflag:s0] =	ssyncadd.s32 @!p0 s1  }
0x1ee: {  	[bflag:$0x3] =	sbarrier.arrive $0xFFFF  }
0x1ef: {  	_ =	shalt  }

// kernel: kernel.8.cloned.1.call-start
scs
__scs_entry_jumppad:
0x0: {  	(pc) =	sbr.rel $0x88, $3  }
0x1: {  	(tag) =	ssettag $0x0;
	lr =	simm.s32 $0x1  }
0x2: {  	[smem:$0x3F9D] =	sst lr;
	_ =	strace $0xD0000000  }
0x3: {  	_ = 	snop  }
0x4: {  	_ = 	snop  }
0x5: {  	_ = 	snop  }
0x6: {  	_ = 	snop  }
0x7: {  	_ = 	snop  }
__scs_overlays_trampoline_lowered:
0x8: {  	[smem:$0x3FAC] =	sst s0  }
0x9: {  	[smem:$0x3FAD] =	sst s1  }
0xa: {  	[smem:$0x3FAE] =	sst s2  }
0xb: {  	[smem:$0x3FAF] =	sst s3  }
0xc: {  	[smem:$0x3FB0] =	sst s4  }
0xd: {  	[smem:$0x3FB1] =	sst s5  }
0xe: {  	[smem:$0x3FB2] =	sst s6  }
0xf: {  	[smem:$0x3FB3] =	sst s7  }
0x10: {  	[smem:$0x3FB4] =	sst s8  }
0x11: {  	[smem:$0x3FB5] =	sst s9;
	s0 =	simm.s32 @!p0 $0x0  }
0x12: {  	s1 =	sld [smem:$0x3F9B];
	s0 =	simm.s32 @p0 $0x1  }
0x13: {  	[smem:$0x3FB6] =	sst s0;
	s0 =	simm.s32 @!p1 $0x0  }
0x14: {  	s2 =	sld [smem:$0x3F9A];
	s0 =	simm.s32 @p1 $0x1  }
0x15: {  	[smem:$0x3FB7] =	sst s0;
	s0 =	simm.s32 @!p2 $0x0  }
0x16: {  	s3 =	sld [smem:$0x3FDB];
	s0 =	simm.s32 @p2 $0x1  }
0x17: {  	s4 =	simm.s32 $0x1BF5;
	[smem:$0x3FB9] =	sst s0  }
0x18: {  	s0 =	sld [smem:$0x3F9C];
	_ =	swait.ge [sflag:s4], $0x0  }
0x19: {  	s7 =	sld [smem:$0x3F9D]  }
0x1a: {  	s8 =	sadd.s32 $0xFFFFE003, lr  }
0x1b: {  	s9 =	sadd.s32 $0xFFFFFEF7, lr;
	s5 =	simm.s32 $0xFFFFFFFF;
	p2 =	slt.u32 s8, $0xFFFFF086  }
0x1c: {  	p1 =	slt.u32 s9, $0xF7A;
	s5 =	simm.s32 @!p2 $0x0  }
0x1d: {  	s5 =	simm.s32 @p1 $0x1;
	p0 =	seq.s32 s7, s2  }
0x1e: {  	s7 =	smul.u32 @!p0 $0xF7A, s2;
	p2 =	seq.s32 @!p0 s5, $0x0  }
0x1f: {  	s9 =	smul.u32 $0xF7A, s1;
	s8 =	simm.s32 @!p0 $0x1BF5;
	p2 =	por !p2, p0  }
0x20: {  	[sflag:s8] =	ssyncset.s32 @!p0 $0xFFFFF086;
	s6 =	sadd.s32 @!p0 s3, s7;
	s7 =	simm.s32 @!p0 $0x108  }
0x21: {  	s3 =	sadd.s32 s3, s9;
	s6 =	sadd.s32 @!p0 $0x88, s6;
	s7 =	simm.s32 @p2 $0x1082  }
0x22: {  	[simem:s7], [sflag:s8] =	dma.local @!p0 [hbm:s6], $0xF7A  }
0x23: {  	s9 =	sor.u32 $0xD0000000, s2;
	s6 =	simm.s32 $0x108;
	_ =	swait.ge @!p0 [sflag:s8], $0x0  }
0x24: {  	s3 =	sadd.s32 $0x88, s3;
	s6 =	simm.s32 @!p1 $0x1082;
	[sflag:s4] =	ssyncset.s32 $0xFFFFF086  }
0x25: {  	[simem:s6], [sflag:s4] =	dma.local [hbm:s3], $0xF7A  }
0x26: {  	[smem:$0x3F9D] =	sst s1;
	(tag) =	ssettag s2;
	_ =	strace s9  }
0x27: {  	s1 =	sld [smem:$0x3FAD]  }
0x28: {  	s2 =	sld [smem:$0x3FAE]  }
0x29: {  	s4 =	sld [smem:$0x3FB0]  }
0x2a: {  	p0 =	seq.s32 s5, $0x0;
	s5 =	sld [smem:$0x3FB1]  }
0x2b: {  	s6 =	sld [smem:$0x3FB2]  }
0x2c: {  	s7 =	sld [smem:$0x3FB3]  }
0x2d: {  	s3 =	simm.s32 $0x108;
	s8 =	sld [smem:$0x3FB4]  }
0x2e: {  	s3 =	simm.s32 @!p0 $0x1082;
	s9 =	sld [smem:$0x3FB5]  }
0x2f: {  	lr =	sadd.s32 s0, s3;
	s0 =	sld [smem:$0x3FAC]  }
0x30: {  	s3 =	sld [smem:$0x3FAF]  }
0x31: {  	[smem:$0x3FB8] =	sst s10  }
0x32: {  	s10 =	sld [smem:$0x3FB6];
	_ =	sdelay $0x3  }
0x33: {  	p0 =	seq.s32 s10, $0x1;
	s10 =	sld [smem:$0x3FB8];
	_ =	sdelay $0x3  }
0x34: {  	[smem:$0x3FB8] =	sst s10  }
0x35: {  	s10 =	sld [smem:$0x3FB7];
	_ =	sdelay $0x3  }
0x36: {  	p1 =	seq.s32 s10, $0x1;
	s10 =	sld [smem:$0x3FB8];
	_ =	sdelay $0x3  }
0x37: {  	[smem:$0x3FB8] =	sst s10  }
0x38: {  	s10 =	sld [smem:$0x3FB9]  }
0x39: {  	_ = 	snop;
	(pc) =	sbr.ind lr, $3  }
0x3a: {  	_ = 	snop  }
0x3b: {  	_ = 	snop  }
0x3c: {  	p2 =	seq.s32 s10, $0x1;
	s10 =	sld [smem:$0x3FB8]  }
0x3d: {  	_ =	shalt  }
0x3e: {  	_ =	shalt  }
0x3f: {  	_ =	shalt  }
0x40: {  	_ =	shalt  }
0x41: {  	_ =	shalt  }
0x42: {  	_ =	shalt  }
0x43: {  	_ =	shalt  }
0x44: {  	_ =	shalt  }
0x45: {  	_ =	shalt  }
0x46: {  	_ =	shalt  }
0x47: {  	_ =	shalt  }
0x48: {  	_ =	shalt  }
0x49: {  	_ =	shalt  }
0x4a: {  	_ =	shalt  }
0x4b: {  	_ =	shalt  }
0x4c: {  	_ =	shalt  }
0x4d: {  	_ =	shalt  }
0x4e: {  	_ =	shalt  }
0x4f: {  	_ =	shalt  }
0x50: {  	_ =	shalt  }
0x51: {  	_ =	shalt  }
0x52: {  	_ =	shalt  }
0x53: {  	_ =	shalt  }
0x54: {  	_ =	shalt  }
0x55: {  	_ =	shalt  }
0x56: {  	_ =	shalt  }
0x57: {  	_ =	shalt  }
0x58: {  	_ =	shalt  }
0x59: {  	_ =	shalt  }
0x5a: {  	_ =	shalt  }
0x5b: {  	_ =	shalt  }
0x5c: {  	_ =	shalt  }
0x5d: {  	_ =	shalt  }
0x5e: {  	_ =	shalt  }
0x5f: {  	_ =	shalt  }
0x60: {  	_ =	shalt  }
0x61: {  	_ =	shalt  }
0x62: {  	_ =	shalt  }
0x63: {  	_ =	shalt  }
0x64: {  	_ =	shalt  }
0x65: {  	_ =	shalt  }
0x66: {  	_ =	shalt  }
0x67: {  	_ =	shalt  }
0x68: {  	_ =	shalt  }
0x69: {  	_ =	shalt  }
0x6a: {  	_ =	shalt  }
0x6b: {  	_ =	shalt  }
0x6c: {  	_ =	shalt  }
0x6d: {  	_ =	shalt  }
0x6e: {  	_ =	shalt  }
0x6f: {  	_ =	shalt  }
0x70: {  	_ =	shalt  }
0x71: {  	_ =	shalt  }
0x72: {  	_ =	shalt  }
0x73: {  	_ =	shalt  }
0x74: {  	_ =	shalt  }
0x75: {  	_ =	shalt  }
0x76: {  	_ =	shalt  }
0x77: {  	_ =	shalt  }
0x78: {  	_ =	shalt  }
0x79: {  	_ =	shalt  }
0x7a: {  	_ =	shalt  }
0x7b: {  	_ =	shalt  }
0x7c: {  	_ =	shalt  }
0x7d: {  	_ =	shalt  }
0x7e: {  	_ =	shalt  }
0x7f: {  	_ =	shalt  }
0x80: {  	_ =	shalt  }
0x81: {  	_ =	shalt  }
0x82: {  	_ =	shalt  }
0x83: {  	_ =	shalt  }
0x84: {  	_ =	shalt  }
0x85: {  	_ =	shalt  }
0x86: {  	_ =	shalt  }
0x87: {  	_ =	shalt  }
.Lfunc_end0:
.L_simem_size_0:
called_computation.1_lowered:
.L_overlay_start_0:
0x88: {  	s2 =	sld [smem:$0x3FD9]  }
0x89: {  	s3 =	sld [smem:$0x3FFE];
	_ =	sdelay $0x1  }
0x8a: {  	s1 =	srdreg.scid  }
0x8b: {  	s0 =	sand.u32 $0x1, s1  }
0x8c: {  	s16 =	sshll.u32 s0, $0xA;
	s2 =	sadd.s32 s3, s2  }
0x8d: {  	s2 =	sadd.s32 s2, s16  }
0x8e: {  	[smem:$0x3FC4] =	sst s2  }
0x8f: {  	_ = 	snop  }
0x90: {  	(tm) =	ssettm $0x1  }
0x91: {  	s17 =	sld [smem:$0x3FFB];
	_ =	sdelay $0x3  }
0x92: {  	_ =	strace s17  }
0x93: {  	s2 =	sld [smem:$0x3FFC];
	_ =	sdelay $0x3  }
0x94: {  	_ =	strace s2  }
0x95: {  	s2 =	sld [smem:$0x3FFD];
	_ =	sdelay $0x3  }
0x96: {  	_ =	strace s2  }
0x97: {  	_ =	strace $0x8FFFFFFF  }
0x98: {  	s18 =	sld [smem:$0x3FDB];
	_ =	sdelay $0x1  }
0x99: {  	s19 =	simm.s32 $_scs_section_size  }
0x9a: {  	s4 =	simm.s32 $_size__tile_overlayer_lowered;
	s5 =	simm.s32 $_tile_overlayer_lowered  }
0x9b: {  	s22 =	simm.s32 $0x1BFF;
	s21 =	sshll.u32 s5, $0x1;
	s2 =	sadd.s32 s19, s18  }
0x9c: {  	s6 =	simm.s32 $0x0;
	s20 =	sshll.u32 s4, $0x1;
	s4 =	sadd.s32 s21, s2  }
0x9d: {  	[timem:s6], [sflag:s22] =	dma.local [hbm:s4], s20  }
0x9e: {  	_ =	swait.ge [sflag:s22], s20  }
0x9f: {  	s3 =	ssub.s32 $0x0, s20;
	[sflag:s22] =	ssyncset.done $0x0  }
0xa0: {  	[sflag:s22] =	ssyncadd.s32 s3;
	_ =	sdelay $0x1  }
0xa1: {  	s23 =	simm.s32 $0x1B8B  }
0xa2: {  	_ =	swait.ge [sflag:s23], $0x1  }
0xa3: {  	[sflag:s23] =	ssyncset.done $0x0  }
0xa4: {  	s25 =	simm.s32 $0x1B8E;
	s24 =	sld [smem:$0x3FFE];
	[sflag:s23] =	ssyncadd.s32 $0xFFFFFFFF  }
0xa5: {  	s26 =	simm.s32 $execute0_lowered;
	[smem:$0x3FD2] =	sst s25  }
0xa6: {  	s4 =	sshll.u32 s26, $0x1;
	_ =	strace $0x80000049;
	[dreg:$0x1] =	wrdreg $0xFFFFFFFF  }
0xa7: {  	s28 =	simm.s32 $_size_execute0_lowered;
	s2 =	sadd.s32 s2, s4;
	[dreg:$0x0] =	wrdreg $0x0  }
0xa8: {  	s4 =	sshll.u32 s28, $0x1;
	[dreg:$0x2] =	wrdreg s2  }
0xa9: {  	[dreg:$0x3] =	wrdreg s4  }
0xaa: {  	[dreg:$0x4] =	wrdreg $0xC0  }
0xab: {  	_ =	task [dreg:s6], $0x5FFFF  }
0xac: {  	[dreg:$0x1] =	wrdreg $0xFFFFFFFF  }
0xad: {  	[dreg:$0x0] =	wrdreg $0x60  }
0xae: {  	[dreg:$0x2] =	wrdreg s24  }
0xaf: {  	[dreg:$0x3] =	wrdreg $0x12B800  }
0xb0: {  	[dreg:$0x4] =	wrdreg $0x9  }
0xb1: {  	_ =	task.clear_ibuf [dreg:s6], $0x5FFFF;
	_ =	strace $0x90000049  }
0xb2: {  	s29 =	simm.s32 $0x9;
	_ =	strace $0x8000004B  }
0xb3: {  	_ =	swait.ge [sflag:s29], $0x1  }
0xb4: {  	[sflag:s29] =	ssyncadd.s32 $0xFFFFFFFF  }
0xb5: {  	_ =	strace $0x9000004B  }
0xb6: {  	_ =	sfence  }
0xb7: {  	s30 =	sld [smem:$0x0];
	_ =	sdelay $0x2  }
0xb8: {  	s31 =	sshll.u32 s1, $0xD;
	s1 =	sshrl.u32 s1, $0x2  }
0xb9: {  	s3 =	sand.u32 $0x4000, s31;
	s1 =	sadd.s32 s1, s30  }
0xba: {  	s0 =	sor.u32 s3, s0;
	s1 =	sshll.u32 s1, $0x11  }
0xbb: {  	s0 =	sor.u32 s1, s0  }
0xbc: {  	s0 =	sadd.s32 $0x8F2B, s0  }
0xbd: {  	[sflag:s0] =	ssyncadd.remote.s32 $0x1  }
0xbe: {  	_ =	sfence.sel $0xFFFF  }
0xbf: {  	[dreg:$0x0] =	wrdreg $0xFFFFFFFF;
	(pc) =	sbr.abs _section_cstart, $3  }
0xc0: {  	[dreg:$0x1] =	wrdreg $0xFFFFFFFF  }
0xc1: {  	_ =	task.clear_ibuf [dreg:s6], $0x2FFFF;
	_ =	strace $0x9FFFFFFF  }
0xc2: {  	(tm) =	ssettm $0x7FFFFFFF  }
0xc3: {  	_ =	shalt  }
tec
execute0_lowered:
.L_overlay_start_1:
0x0: {  	(tag) =	ssettag $0x1  }
0x1: {  	s1 =	srdreg.scid  }
0x2: {  	s1 =	sand.u32 $0x1, s1  }
0x3: {  	p0 =	seq.s32 s1, $0x1  }
.Ltmp0:
0x4: {  	_ = 	snop;
	(pc) =	sbr.rel @p0 .LBB2_6-.Ltmp0, $4  }
0x5: {  	s5 =	rddreg [dreg:$0x0]  }
0x6: {  	s2 =	rddreg [dreg:$0x1];
	s3 =	simm.s32 $0x0  }
0x7: {  	[smem:$0x7FF] =	sst s3  }
0x8: {  	s0 =	rddreg [dreg:$0x2];
	_ =	strace $0x8000004A;
	s1 =	stileid.u32  }
0x9: {  	v0 =	vimm.f32 $0.0e+00  }
0xa: {  	[tilespmem:$0x12900] =	vst v0  }
0xb: {  	[tilespmem:$0x12910] =	vst v0  }
0xc: {  	[tilespmem:$0x12920] =	vst v0  }
0xd: {  	[tilespmem:$0x12930] =	vst v0  }
0xe: {  	[tilespmem:$0x12940] =	vst v0  }
0xf: {  	[tilespmem:$0x12950] =	vst v0  }
0x10: {  	[tilespmem:$0x12960] =	vst v0  }
0x11: {  	[tilespmem:$0x12970] =	vst v0  }
0x12: {  	[tilespmem:$0x12980] =	vst v0  }
0x13: {  	[tilespmem:$0x12990] =	vst v0  }
0x14: {  	[tilespmem:$0x129A0] =	vst v0  }
0x15: {  	[tilespmem:$0x129B0] =	vst v0  }
0x16: {  	[tilespmem:$0x129C0] =	vst v0  }
0x17: {  	[tilespmem:$0x129D0] =	vst v0  }
0x18: {  	[tilespmem:$0x129E0] =	vst v0  }
0x19: {  	[tilespmem:$0x129F0] =	vst v0  }
0x1a: {  	[tilespmem:$0x12A00] =	vst v0  }
0x1b: {  	[tilespmem:$0x12A10] =	vst v0  }
0x1c: {  	[tilespmem:$0x12A20] =	vst v0  }
0x1d: {  	[tilespmem:$0x12A30] =	vst v0  }
0x1e: {  	[tilespmem:$0x12A40] =	vst v0  }
0x1f: {  	[tilespmem:$0x12A50] =	vst v0  }
0x20: {  	[tilespmem:$0x12A60] =	vst v0  }
0x21: {  	[tilespmem:$0x12A70] =	vst v0  }
0x22: {  	[tilespmem:$0x12A80] =	vst v0  }
0x23: {  	[tilespmem:$0x12A90] =	vst v0  }
0x24: {  	[tilespmem:$0x12AA0] =	vst v0  }
0x25: {  	[tilespmem:$0x12AB0] =	vst v0  }
0x26: {  	[tilespmem:$0x12AC0] =	vst v0  }
0x27: {  	[tilespmem:$0x12AD0] =	vst v0  }
0x28: {  	[tilespmem:$0x12AE0] =	vst v0  }
0x29: {  	[tilespmem:$0x12AF0] =	vst v0  }
0x2a: {  	[tilespmem:$0x12B00] =	vst v0  }
0x2b: {  	[tilespmem:$0x12B10] =	vst v0  }
0x2c: {  	[tilespmem:$0x12B20] =	vst v0  }
0x2d: {  	[tilespmem:$0x12B30] =	vst v0  }
0x2e: {  	[tilespmem:$0x12B40] =	vst v0  }
0x2f: {  	s8 =	smul.u32 $0x280, s1;
	[tilespmem:$0x12B50] =	vst v0  }
0x30: {  	[tilespmem:$0x12B60] =	vst v0  }
0x31: {  	s6 =	simm.s32 $0x12900;
	s25 =	simm.s32 $0x3;
	[tilespmem:$0x12B70] =	vst v0;
	s4 =	sadd.s32 s8, s2  }
0x32: {  	[spmem:s4] =	stream.linear.scatter [tilespmem:s6], [sflag:$0x3], $0x280, $0x38;
	[tilespmem:$0x12E00] =	vst v63  }
0x33: {  	_ =	swait.ge [sflag:s25], $0x280  }
0x34: {  	[sflag:s25] =	ssyncset.done $0x0  }
0x35: {  	s7 =	sadd.s32 $0xA00, s5;
	[sflag:s25] =	ssyncadd.s32 $0xFFFFFD80  }
0x36: {  	[tilespmem:s3], [sflag:$0x3] =	stream.linear.gather [hbm4b:s7+s3], $0x2800, $0x38;
	[tilespmem:$0x12E00] =	vst v63  }
0x37: {  	_ =	swait.ge [sflag:s25], $0x2800  }
0x38: {  	s26 =	sadd.s32 $0x3C600, s5;
	s9 =	sshll.u32 s1, $0xC;
	[sflag:s25] =	ssyncset.done $0x0  }
0x39: {  	s10 =	simm.s32 $0x2800;
	s7 =	sadd.s32 s26, s9;
	[sflag:s25] =	ssyncadd.s32 $0xFFFFD800  }
0x3a: {  	[tilespmem:s10], [sflag:$0x3] =	stream.linear.gather [hbm4b:s7+s3], $0x7D00, $0x38;
	[tilespmem:$0x12E00] =	vst v63  }
0x3b: {  	_ =	swait.ge [sflag:s25], $0x7D00  }
0x3c: {  	s28 =	sadd.s32 $0x4C600, s5;
	[sflag:s25] =	ssyncset.done $0x0  }
0x3d: {  	s29 =	simm.s32 $0xA800;
	s7 =	sadd.s32 s28, s9;
	[sflag:s25] =	ssyncadd.s32 $0xFFFF8300  }
0x3e: {  	[tilespmem:s29], [sflag:$0x3] =	stream.linear.gather [hbm4b:s7+s3], $0x7D00, $0x38;
	[tilespmem:$0x12E00] =	vst v63  }
0x3f: {  	_ =	swait.ge [sflag:s25], $0x7D00  }
0x40: {  	[sflag:s25] =	ssyncset.done $0x0  }
0x41: {  	[sflag:s25] =	ssyncadd.s32 $0xFFFF8300  }
0x42: {  	[bflag:$0x0] =	sbarrier.arrive $0xFFFF  }
0x43: {  	v56 =	vld [tilespmem:$0x2800];
	_ =	sdelay $0x5  }
0x44: {  	v1 =	vld [tilespmem:$0x2810];
	_ =	sdelay $0x1  }
0x45: {  	v0 =	vld.idx.msk [tilespmem:v56+s3+$0x0], $0xffff;
	_ =	sdelay $0x3  }
0x46: {  	v2 =	vld [tilespmem:$0x2820]  }
0x47: {  	[tilespmem:$0x12800] =	vst v0  }
0x48: {  	v0 =	vld.idx.msk [tilespmem:v1+s3+$0x0], $0xffff;
	_ =	sdelay $0x3  }
0x49: {  	v57 =	vld [tilespmem:$0x2830]  }
0x4a: {  	[tilespmem:$0x12810] =	vst v0  }
0x4b: {  	v0 =	vld.idx.msk [tilespmem:v2+s3+$0x0], $0xffff;
	_ =	sdelay $0x3  }
0x4c: {  	v58 =	vld [tilespmem:$0x2840]  }
0x4d: {  	[tilespmem:$0x12820] =	vst v0  }
0x4e: {  	v0 =	vld.idx.msk [tilespmem:v57+s3+$0x0], $0xffff;
	_ =	sdelay $0x4  }
0x4f: {  	[tilespmem:$0x12830] =	vst v0  }
0x50: {  	v0 =	vld.idx.msk [tilespmem:v58+s3+$0x0], $0xffff;
	_ =	sdelay $0x4  }
0x51: {  	s6 =	simm.s32 $0x50;
	s7 =	simm.s32 $0x12800;
	[tilespmem:$0x12840] =	vst v0  }
0x52: {  	[spmem:s2] =	stream.indirect.scatter.add.f32 [tilespmem:s7], [sflag:$0x1], $0x1, s29, s6, $0xb8;
	[tilespmem:$0x12E00] =	vst v63  }
0x53: {  	v59 =	vld [tilespmem:$0x2880];
	_ =	sdelay $0x5  }
0x54: {  	v60 =	vld [tilespmem:$0x2890];
	_ =	sdelay $0x1  }
0x55: {  	v0 =	vld.idx.msk [tilespmem:v59+s3+$0x0], $0xffff;
	_ =	sdelay $0x3  }
0x56: {  	v61 =	vld [tilespmem:$0x28A0]  }
0x57: {  	[tilespmem:$0x12880] =	vst v0  }
0x58: {  	v0 =	vld.idx.msk [tilespmem:v60+s3+$0x0], $0xffff;
	_ =	sdelay $0x3  }
0x59: {  	v62 =	vld [tilespmem:$0x28B0]  }
0x5a: {  	[tilespmem:$0x12890] =	vst v0  }
0x5b: {  	v0 =	vld.idx.msk [tilespmem:v61+s3+$0x0], $0xffff;
	_ =	sdelay $0x3  }
0x5c: {  	v63 =	vld [tilespmem:$0x28C0]  }
0x5d: {  	[tilespmem:$0x128A0] =	vst v0  }
0x5e: {  	v0 =	vld.idx.msk [tilespmem:v62+s3+$0x0], $0xffff;
	_ =	sdelay $0x4  }
0x5f: {  	[tilespmem:$0x128B0] =	vst v0  }
0x60: {  	v0 =	vld.idx.msk [tilespmem:v63+s3+$0x0], $0xffff;
	_ =	sdelay $0x2  }
0x61: {  	s31 =	simm.s32 $0xA880;
	s8 =	sshrl.u32 s8, $0x3  }
0x62: {  	s11 =	simm.s32 $0x0;
	s30 =	sadd.s32 s8, s5;
	s8 =	simm.s32 $0x12880  }
0x63: {  	s5 =	sadd.s32 $0x1000, s30;
	s9 =	simm.s32 $0x1;
	s10 =	simm.s32 $0x2;
	[tilespmem:$0x128C0] =	vst v0  }
0x64: {  	[spmem:s2] =	stream.indirect.scatter.add.f32 [tilespmem:s8], [sflag:$0x2], $0x1, s31, s6, $0xb8;
	[tilespmem:$0x12E00] =	vst v63  }
.LBB2_2:
0x65: {  	_ =	swait.ge [sflag:s9], $0x50  }
0x66: {  	[sflag:s9] =	ssyncset.done $0x0  }
0x67: {  	s12 =	sshra.s32 s11, $0x2;
	[sflag:s9] =	ssyncadd.s32 $0xFFFFFFB0  }
0x68: {  	v0 =	vld [tilespmem:s12+$0x2900];
	_ =	sdelay $0x7  }
0x69: {  	v0 =	vld.idx.msk [tilespmem:v0+s3+$0x0], $0xffff;
	_ =	sdelay $0x4  }
0x6a: {  	[tilespmem:$0x12800] =	vst v0  }
0x6b: {  	v0 =	vld [tilespmem:s12+$0x2910];
	_ =	sdelay $0x7  }
0x6c: {  	v0 =	vld.idx.msk [tilespmem:v0+s3+$0x0], $0xffff;
	_ =	sdelay $0x4  }
0x6d: {  	[tilespmem:$0x12810] =	vst v0  }
0x6e: {  	v0 =	vld [tilespmem:s12+$0x2920];
	_ =	sdelay $0x7  }
0x6f: {  	v0 =	vld.idx.msk [tilespmem:v0+s3+$0x0], $0xffff;
	_ =	sdelay $0x4  }
0x70: {  	[tilespmem:$0x12820] =	vst v0  }
0x71: {  	v0 =	vld [tilespmem:s12+$0x2930];
	_ =	sdelay $0x7  }
0x72: {  	v0 =	vld.idx.msk [tilespmem:v0+s3+$0x0], $0xffff;
	_ =	sdelay $0x4  }
0x73: {  	[tilespmem:$0x12830] =	vst v0  }
0x74: {  	v0 =	vld [tilespmem:s12+$0x2940];
	_ =	sdelay $0x7  }
0x75: {  	v0 =	vld.idx.msk [tilespmem:v0+s3+$0x0], $0xffff;
	_ =	sdelay $0x4  }
0x76: {  	s13 =	sadd.s32 $0xA900, s12;
	[tilespmem:$0x12840] =	vst v0  }
0x77: {  	[spmem:s2] =	stream.indirect.scatter.add.f32 [tilespmem:s7], [sflag:$0x1], $0x1, s13, s6, $0xb8;
	[tilespmem:$0x12E00] =	vst v63  }
0x78: {  	_ =	swait.ge [sflag:s10], $0x50  }
0x79: {  	[sflag:s10] =	ssyncset.done $0x0  }
0x7a: {  	[sflag:s10] =	ssyncadd.s32 $0xFFFFFFB0  }
0x7b: {  	v63 =	vld [tilespmem:s12+$0x2980];
	_ =	sdelay $0x7  }
0x7c: {  	v0 =	vld.idx.msk [tilespmem:v63+s3+$0x0], $0xffff;
	_ =	sdelay $0x4  }
0x7d: {  	[tilespmem:$0x12880] =	vst v0  }
0x7e: {  	v0 =	vld [tilespmem:s12+$0x2990];
	_ =	sdelay $0x7  }
0x7f: {  	v0 =	vld.idx.msk [tilespmem:v0+s3+$0x0], $0xffff;
	_ =	sdelay $0x4  }
0x80: {  	[tilespmem:$0x12890] =	vst v0  }
0x81: {  	v0 =	vld [tilespmem:s12+$0x29A0];
	_ =	sdelay $0x7  }
0x82: {  	v0 =	vld.idx.msk [tilespmem:v0+s3+$0x0], $0xffff;
	_ =	sdelay $0x4  }
0x83: {  	[tilespmem:$0x128A0] =	vst v0  }
0x84: {  	v0 =	vld [tilespmem:s12+$0x29B0];
	_ =	sdelay $0x7  }
0x85: {  	v0 =	vld.idx.msk [tilespmem:v0+s3+$0x0], $0xffff;
	_ =	sdelay $0x4  }
0x86: {  	[tilespmem:$0x128B0] =	vst v0  }
0x87: {  	v0 =	vld [tilespmem:s12+$0x29C0];
	_ =	sdelay $0x7  }
0x88: {  	v0 =	vld.idx.msk [tilespmem:v0+s3+$0x0], $0xffff  }
0x89: {  	p0 =	sne.s32 s11, $0x1EC00  }
.Ltmp1:
0x8a: {  	_ = 	snop;
	(pc) =	sbr.rel @p0 .LBB2_2-.Ltmp1, $3  }
0x8b: {  	_ =	sdelay $0x1  }
0x8c: {  	s11 =	sadd.s32 $0x400, s11;
	s12 =	sadd.s32 $0xA980, s12;
	[tilespmem:$0x128C0] =	vst v0  }
0x8d: {  	[spmem:s2] =	stream.indirect.scatter.add.f32 [tilespmem:s8], [sflag:$0x2], $0x1, s12, s6, $0xb8;
	[tilespmem:$0x12E00] =	vst v63  }
0x8e: {  	s2 =	simm.s32 $0x1  }
0x8f: {  	_ =	swait.ge [sflag:s2], $0x50  }
0x90: {  	[sflag:s2] =	ssyncset.done $0x0  }
0x91: {  	s29 =	simm.s32 $0x2;
	[sflag:s2] =	ssyncadd.s32 $0xFFFFFFB0  }
0x92: {  	_ =	swait.ge [sflag:s29], $0x50  }
0x93: {  	[sflag:s29] =	ssyncset.done $0x0  }
0x94: {  	[sflag:s29] =	ssyncadd.s32 $0xFFFFFFB0  }
0x95: {  	s30 =	simm.s32 $0x12900;
	s31 =	simm.s32 $0x3;
	[bflag:$0x0] =	sbarrier.arrive $0xFFFF  }
0x96: {  	[tilespmem:s30], [sflag:$0x3] =	stream.linear.gather [spmem:s4], $0x280, $0x38;
	[tilespmem:$0x12E00] =	vst v63  }
0x97: {  	_ =	swait.ge [sflag:s31], $0x280  }
0x98: {  	[sflag:s31] =	ssyncset.done $0x0  }
0x99: {  	s3 =	simm.s32 $0x40;
	s2 =	simm.s32 $0x0;
	[sflag:s31] =	ssyncadd.s32 $0xFFFFFD80  }
.LBB2_4:
0x9a: {  	p0 =	sne.s32 s3, $0x9C0;
	v0 =	vld [tilespmem:s2+$0x12900];
	_ =	sdelay $0x1  }
.Ltmp2:
0x9b: {  	(pc) =	sbr.rel @p0 .LBB2_4-.Ltmp2, $3  }
0x9c: {  	_ =	sdelay $0x1  }
0x9d: {  	v0 =	vmax.f32 v0, $0.0e+00  }
0x9e: {  	[tilespmem:s2+$0x12900] =	vst v0;
	s2 =	sshra.s32 s3, $0x2;
	s3 =	sadd.s32 $0x40, s3  }
0x9f: {  	v0 =	vld [tilespmem:s2+$0x12900];
	_ =	sdelay $0x4  }
0xa0: {  	v0 =	vmax.f32 v0, $0.0e+00  }
0xa1: {  	s30 =	simm.s32 $0x0;
	s3 =	simm.s32 $0x12900;
	s31 =	simm.s32 $0x3;
	[tilespmem:s2+$0x12900] =	vst v0  }
0xa2: {  	[hbm4b:s5+s30] =	stream.linear.scatter [tilespmem:s3], [sflag:$0x3], $0x280, $0x38;
	[tilespmem:$0x12E00] =	vst v63  }
0xa3: {  	_ =	swait.ge [sflag:s31], $0x280  }
0xa4: {  	[sflag:s31] =	ssyncset.done $0x0  }
0xa5: {  	[sflag:s31] =	ssyncadd.s32 $0xFFFFFD80  }
.LBB2_6:
0xa6: {  	_ =	sfence.sel $0x180000  }
0xa7: {  	[bflag:$0x0] =	sbarrier.arrive $0xFFFF  }
0xa8: {  	p0 =	sne.s32 s1, $0x0;
	_ =	strace $0x9000004A  }
0xa9: {  	s0 =	sadd.s32 @!p0 $0x100000, s0;
	[bflag:$0x2] =	sbarrier.arrive $0xFFFF  }
0xaa: {  	[sflag:s0] =	ssyncadd.tile.s32 @!p0 $0x1;
	_ =	shalt  }
.Lfunc_end2:
_tile_overlayer_lowered:
.L_overlay_start_2:
0xab: {  	(tag) =	ssettag $0x2  }
0xac: {  	s0 =	rddreg [dreg:$0x0];
	s2 =	stileid.u32  }
0xad: {  	s1 =	rddreg [dreg:$0x1];
	p0 =	sne.s32 s2, $0x0  }
0xae: {  	s3 =	rddreg [dreg:$0x2];
	[bflag:$0x3] =	sbarrier.arrive $0xFFFF;
	s2 =	simm.s32 @!p0 $0x1C03  }
0xaf: {  	[timem:s3], [sflag:s2] =	dma.local @!p0 [hbm:s0], s1  }
0xb0: {  	s0 =	simm.s32 @!p0 $0x3  }
0xb1: {  	_ =	swait.ge @!p0 [sflag:s0], s1  }
0xb2: {  	s1 =	ssub.s32 @!p0 $0x0, s1;
	[sflag:s0] =	ssyncset.done @!p0 $0x0  }
0xb3: {  	[sflag:s0] =	ssyncadd.s32 @!p0 s1  }
0xb4: {  	[bflag:$0x3] =	sbarrier.arrive $0xFFFF  }
0xb5: {  	_ =	shalt  }

</sc_bundles>
